<compile_context>
chip_gen: v7x
topology: tpu7x:2x2x1
jax: 0.10.2.dev20260603
libtpu: 0.0.44.dev20260713+nightly
codegen_flags: <defaults>
</compile_context>

<pallas_src>
import functools

import jax
import jax.numpy as jnp
from jax import lax
from jax.experimental import pallas as pl
from jax.experimental.pallas import tpu as pltpu
from jax.experimental.pallas import tpu_sc as plsc

MAXD = 512
D = 128
N_NODES = 50000
N_EDGES = 1600000

NC = 2
NS = 16
NW = NC * NS
L = 16

EPT = N_EDGES // NS
SUB_E = 92 * 128
LAST_E = 46 * 128
ROUND_E = [SUB_E] * 8 + [LAST_E]
UNROLL = 23
LASTV = (EPT - sum(ROUND_E[:-1])) // L

HIST = 50176
SLICE = HIST // NS
GRP1 = 8

NPW = 1560
KK = 120
SUBS = NPW // KK
EXTRA = N_NODES - NW * NPW

_mesh = plsc.VectorSubcoreMesh(
    core_axis_name="c", subcore_axis_name="s", num_cores=NC, num_subcores=NS
)


@functools.partial(
    pl.kernel,
    out_type=jax.ShapeDtypeStruct((NC * HIST,), jnp.int32),
    mesh=_mesh,
    compiler_params=pltpu.CompilerParams(needs_layout_passes=False),
    scratch_types=[
        pltpu.VMEM((HIST,), jnp.int32),
        pltpu.VMEM((SUB_E,), jnp.int32),
        pltpu.VMEM((SUB_E,), jnp.int32),
        pltpu.VMEM((SLICE,), jnp.int32),
        [pltpu.VMEM((SLICE,), jnp.int32)] * GRP1,
        pltpu.VMEM((L,), jnp.int32),
        pltpu.VMEM_SHARED((GRP1 * HIST,), jnp.int32),
        pltpu.SemaphoreType.DMA,
        pltpu.SemaphoreType.DMA,
        [pltpu.SemaphoreType.DMA] * GRP1,
    ],
)
def _hist_kernel(
    ei_hbm, nn_hbm, hist_hbm, ph, st0, st1, cbuf, rbufs, nn_v, parts,
    sg0, sg1, rsems,
):
    c = lax.axis_index("c")
    s = lax.axis_index("s")

    row = 1 - c
    c0 = (s * EPT) // 128
    dv = (s * EPT - c0 * 128) // L
    base = c0 * 128
    stages, gsems = [st0, st1], [sg0, sg1]
    roff = [base + sum(ROUND_E[:r]) for r in range(len(ROUND_E))]
    gdescs = [
        pltpu.async_copy(
            ei_hbm.at[row, pl.ds(roff[0], ROUND_E[0])],
            st0.at[pl.ds(0, ROUND_E[0])],
            sg0,
        ),
        None,
    ]

    zero16 = jnp.zeros((L,), jnp.int32)

    def _zero(i, _):
        for u in range(8):
            ph[pl.ds((i * 8 + u) * L, L)] = zero16
        return 0

    lax.fori_loop(0, HIST // (L * 8), _zero, 0)
    pltpu.sync_copy(nn_hbm, nn_v)

    ones16 = jnp.ones((L,), jnp.int32)
    nrounds = len(ROUND_E)
    for rnd in range(nrounds):
        p = rnd & 1
        gdescs[p].wait()
        if rnd + 1 < nrounds:
            gdescs[1 - p] = pltpu.async_copy(
                ei_hbm.at[row, pl.ds(roff[rnd + 1], ROUND_E[rnd + 1])],
                stages[1 - p].at[pl.ds(0, ROUND_E[rnd + 1])],
                gsems[1 - p],
            )
        stg = stages[p]
        edge_rnd = rnd == 0 or rnd == nrounds - 1

        def _scat(i, _, stg=stg, rnd=rnd, edge_rnd=edge_rnd):
            vs = [stg[pl.ds((i * UNROLL + u) * L, L)] for u in range(UNROLL)]
            for u, v in enumerate(vs):
                if edge_rnd:
                    vpos = i * UNROLL + u
                    if rnd == 0:
                        ok = vpos >= dv
                    else:
                        ok = vpos < LASTV + dv
                    plsc.addupdate_scatter(
                        ph, [v], ones16, mask=jnp.full((L,), ok)
                    )
                else:
                    plsc.addupdate_scatter(ph, [v], ones16)
            return 0

        lax.fori_loop(0, ROUND_E[rnd] // (L * UNROLL), _scat, 0)

    for rnd, (lo, cnt) in enumerate([(0, GRP1), (GRP1, NS - GRP1)]):

        @pl.when((s >= lo) & (s < lo + cnt))
        def _publish():
            pltpu.sync_copy(ph, parts.at[pl.ds((s - lo) * HIST, HIST)])

        plsc.subcore_barrier()

        rdescs = [
            pltpu.async_copy(
                parts.at[pl.ds(t * HIST + s * SLICE, SLICE)], rbufs[t], rsems[t]
            )
            for t in range(cnt)
        ]
        for d in rdescs:
            d.wait()

        def _acc(k, _, rnd=rnd, cnt=cnt):
            for u in range(2):
                o = (k * 2 + u) * L
                v = rbufs[0][pl.ds(o, L)]
                for t in range(1, cnt):
                    v = v + rbufs[t][pl.ds(o, L)]
                if rnd == 1:
                    v = v + cbuf[pl.ds(o, L)]
                cbuf[pl.ds(o, L)] = v
            return 0

        lax.fori_loop(0, SLICE // (L * 2), _acc, 0)

        plsc.subcore_barrier()

    nn = nn_v[...]

    def _clip(k, _):
        for u in range(4):
            o = (k * 4 + u) * L
            v = cbuf[pl.ds(o, L)]
            pos = s * SLICE + o + lax.iota(jnp.int32, L)
            cbuf[pl.ds(o, L)] = jnp.where(pos < nn, jnp.minimum(v, MAXD), 0)
        return 0

    lax.fori_loop(0, SLICE // (L * 4), _clip, 0)
    pltpu.sync_copy(cbuf, hist_hbm.at[pl.ds(c * HIST + s * SLICE, SLICE)])


@functools.partial(
    pl.kernel,
    out_type=jax.ShapeDtypeStruct((N_NODES, D), jnp.float32),
    mesh=_mesh,
    scratch_types=[
        pltpu.VMEM_SHARED((MAXD + 1, D), jnp.float32),
        pltpu.VMEM_SHARED((MAXD + 1, D), jnp.float32),
        pltpu.VMEM((NPW + EXTRA,), jnp.int32),
        pltpu.VMEM((NPW + EXTRA,), jnp.int32),
        pltpu.VMEM((KK, D), jnp.float32),
        pltpu.VMEM((KK, D), jnp.float32),
        pltpu.VMEM((D,), jnp.float32),
        pltpu.SemaphoreType.DMA,
        pltpu.SemaphoreType.DMA,
        pltpu.SemaphoreType.DMA,
        pltpu.SemaphoreType.DMA,
        pltpu.SemaphoreType.DMA,
    ],
)
def _embed_kernel(
    hist_hbm, e1_hbm, e2_hbm, out_hbm, t1, t2, idx1, idx2, acc0, acc1, zrow,
    sem1, sem2, sem3, semi1, semi2,
):
    c = lax.axis_index("c")
    s = lax.axis_index("s")
    w = s * NC + c

    nload = NPW + EXTRA
    di1 = pltpu.async_copy(hist_hbm.at[pl.ds(w * NPW, nload)], idx1, semi1)
    di2 = pltpu.async_copy(
        hist_hbm.at[pl.ds(HIST + w * NPW, nload)], idx2, semi2
    )

    @pl.when(s == 0)
    def _stage_tables():
        pltpu.sync_copy(e1_hbm, t1)
        pltpu.sync_copy(e2_hbm, t2)
        for i in range(D // L):
            zrow[pl.ds(i * L, L)] = jnp.zeros((L,), jnp.float32)
        pltpu.sync_copy(zrow, t1.at[0])
        pltpu.sync_copy(zrow, t2.at[0])

    plsc.subcore_barrier()
    di1.wait()
    di2.wait()

    accs = [acc0, acc1]
    d1 = [
        pltpu.async_copy(t1.at[idx1.at[pl.ds(0, KK)]], acc0, sem1),
        None,
    ]
    dst = [None, None]
    for sub in range(SUBS):
        p = sub & 1
        d1[p].wait()
        d2 = pltpu.async_copy(
            t2.at[idx2.at[pl.ds(sub * KK, KK)]], accs[p], sem2, add=True
        )
        if sub + 1 < SUBS:
            if sub >= 1:
                dst[1 - p].wait()
            d1[1 - p] = pltpu.async_copy(
                t1.at[idx1.at[pl.ds((sub + 1) * KK, KK)]], accs[1 - p], sem1
            )
        d2.wait()
        dst[p] = pltpu.async_copy(
            accs[p], out_hbm.at[pl.ds(w * NPW + sub * KK, KK)], sem3
        )
    dst[0].wait()
    dst[1].wait()

    @pl.when(w == NW - 1)
    def _tail():
        pltpu.sync_copy(
            t1.at[idx1.at[pl.ds(SUBS * KK, EXTRA)]], acc0.at[pl.ds(0, EXTRA)]
        )
        pltpu.sync_copy(
            t2.at[idx2.at[pl.ds(SUBS * KK, EXTRA)]],
            acc0.at[pl.ds(0, EXTRA)],
            add=True,
        )
        pltpu.sync_copy(
            acc0.at[pl.ds(0, EXTRA)],
            out_hbm.at[pl.ds((NW - 1) * NPW + SUBS * KK, EXTRA)],
        )


def kernel(edge_index, num_nodes, enc1, enc2):
    nn = jnp.full((L,), num_nodes, jnp.int32)
    hist = _hist_kernel(edge_index, nn)
    return _embed_kernel(hist, enc1, enc2)

# --- scband reference (transcript-rebuilt; emitter-appended) ---
"""Pipeline reference for scband-degree-encoder-45629732552978 (READ-ONLY COPY).

The authoritative reference and input builder live on the scoring server;
editing this copy changes nothing except your own understanding.
"""

import jax, jax.numpy as jnp
import numpy as np

MAX_DEGREE = 512
EMBED_DIM = 128
NUM_NODES = 50000
NUM_EDGES = 1600000


def setup_inputs(seed: int = 0) -> dict:
    key = jax.random.key(seed)
    k1, k2, k3 = jax.random.split(key, 3)
    # edge_index[0] = src nodes, edge_index[1] = dst nodes
    edge_index = jax.random.randint(k1, (2, NUM_EDGES), 0, NUM_NODES, dtype=jnp.int32)
    # learned embedding tables (max_degree + 1 rows); padding_idx=0 handled in reference
    enc1 = jax.random.normal(k2, (MAX_DEGREE + 1, EMBED_DIM), dtype=jnp.float32)
    enc2 = jax.random.normal(k3, (MAX_DEGREE + 1, EMBED_DIM), dtype=jnp.float32)
    return {"edge_index": edge_index, "num_nodes": NUM_NODES, "enc1": enc1, "enc2": enc2}


def reference(edge_index, num_nodes, enc1, enc2):
    # in_degrees / out_degrees via bincount (scatter-add of ones)
    valid_row = jnp.arange(NUM_NODES) < num_nodes
    in_deg = jnp.where(valid_row, jnp.bincount(edge_index[1], length=NUM_NODES), 0)
    out_deg = jnp.where(valid_row, jnp.bincount(edge_index[0], length=NUM_NODES), 0)
    in_deg = jnp.clip(in_deg, 0, MAX_DEGREE)
    out_deg = jnp.clip(out_deg, 0, MAX_DEGREE)
    # padding_idx=0: row 0 of each table acts as zeros
    t1 = enc1.at[0].set(0.0)
    t2 = enc2.at[0].set(0.0)
    # direction == 'both': sum of in-degree and out-degree embeddings
    degree_embedding = jnp.take(t1, in_deg, axis=0) + jnp.take(t2, out_deg, axis=0)
    return degree_embedding

if __name__ == "__main__":
    import jax
    _d = setup_inputs()
    print(jax.jit(kernel)(*tuple(_d.values())))

</pallas_src>

<mosaic_0001>
#map = affine_map<(d0, d1) -> (0, 0)>
#map1 = affine_map<(d0, d1) -> (0)>
module attributes {stable_mosaic.version = 14 : i64} {
  func.func @_hist_kernel(%arg0: i32, %arg1: i32, %arg2: memref<2x1600000xi32, #tpu.memory_space<hbm>>, %arg3: memref<16xi32, #tpu.memory_space<hbm>>, %arg4: memref<100352xi32, #tpu.memory_space<hbm>>, %arg5: memref<50176xi32, #tpu.memory_space<vmem>>, %arg6: memref<11776xi32, #tpu.memory_space<vmem>>, %arg7: memref<11776xi32, #tpu.memory_space<vmem>>, %arg8: memref<3136xi32, #tpu.memory_space<vmem>>, %arg9: memref<3136xi32, #tpu.memory_space<vmem>>, %arg10: memref<3136xi32, #tpu.memory_space<vmem>>, %arg11: memref<3136xi32, #tpu.memory_space<vmem>>, %arg12: memref<3136xi32, #tpu.memory_space<vmem>>, %arg13: memref<3136xi32, #tpu.memory_space<vmem>>, %arg14: memref<3136xi32, #tpu.memory_space<vmem>>, %arg15: memref<3136xi32, #tpu.memory_space<vmem>>, %arg16: memref<3136xi32, #tpu.memory_space<vmem>>, %arg17: memref<16xi32, #tpu.memory_space<vmem>>, %arg18: memref<401408xi32, #tpu.memory_space<vmem_shared>>, %arg19: memref<!tpu.dma_semaphore, #tpu.memory_space<semaphore_mem>>, %arg20: memref<!tpu.dma_semaphore, #tpu.memory_space<semaphore_mem>>, %arg21: memref<!tpu.dma_semaphore, #tpu.memory_space<semaphore_mem>>, %arg22: memref<!tpu.dma_semaphore, #tpu.memory_space<semaphore_mem>>, %arg23: memref<!tpu.dma_semaphore, #tpu.memory_space<semaphore_mem>>, %arg24: memref<!tpu.dma_semaphore, #tpu.memory_space<semaphore_mem>>, %arg25: memref<!tpu.dma_semaphore, #tpu.memory_space<semaphore_mem>>, %arg26: memref<!tpu.dma_semaphore, #tpu.memory_space<semaphore_mem>>, %arg27: memref<!tpu.dma_semaphore, #tpu.memory_space<semaphore_mem>>, %arg28: memref<!tpu.dma_semaphore, #tpu.memory_space<semaphore_mem>>) attributes {dimension_semantics = [#tpu.dimension_semantics<core_parallel>, #tpu.dimension_semantics<subcore_parallel>], iteration_bounds = array<i64: 2, 16>, scalar_prefetch = 0 : i64, scratch_operands = 24 : i64, tpu.core_type = #tpu.core_type<sc_vector_subcore>, window_params = [{transform_indices = #map}, {transform_indices = #map1}, {transform_indices = #map1}]} {
    %sub3A = arith.constant 1 : i32
    %sub3A_0 = arith.subi %sub3A, %arg0 : i32
    %mul3A = arith.constant 100000 : i32
    %mul3A_1 = arith.muli %arg1, %mul3A : i32
    %jit3A = arith.constant 128 : i32
    %div3A = arith.divsi %mul3A_1, %jit3A : i32
    %sign3A = arith.constant 0 : i32
    %sign3A_2 = arith.cmpi sgt, %mul3A_1, %sign3A : i32
    %sign3A_3 = arith.extui %sign3A_2 : i1 to i32
    %sign3A_4 = arith.constant 0 : i32
    %sign3A_5 = arith.cmpi slt, %mul3A_1, %sign3A_4 : i32
    %sign3A_6 = arith.extui %sign3A_5 : i1 to i32
    %sign3A_7 = arith.subi %sign3A_3, %sign3A_6 : i32
    %sign3A_8 = arith.constant 0 : i32
    %sign3A_9 = arith.cmpi sgt, %jit3A, %sign3A_8 : i32
    %sign3A_10 = arith.extui %sign3A_9 : i1 to i32
    %sign3A_11 = arith.constant 0 : i32
    %sign3A_12 = arith.cmpi slt, %jit3A, %sign3A_11 : i32
    %sign3A_13 = arith.extui %sign3A_12 : i1 to i32
    %sign3A_14 = arith.subi %sign3A_10, %sign3A_13 : i32
    %ne3A = arith.cmpi ne, %sign3A_7, %sign3A_14 : i32
    %rem3A = arith.remsi %mul3A_1, %jit3A : i32
    %ne3A_15 = arith.constant 0 : i32
    %ne3A_16 = arith.cmpi ne, %rem3A, %ne3A_15 : i32
    %and3A = arith.andi %ne3A, %ne3A_16 : i1
    %sub3A_17 = arith.constant 1 : i32
    %sub3A_18 = arith.subi %div3A, %sub3A_17 : i32
    %select_n3A = arith.select %and3A, %sub3A_18, %div3A : i32
    %mul3A_19 = arith.constant 100000 : i32
    %mul3A_20 = arith.muli %arg1, %mul3A_19 : i32
    %mul3A_21 = arith.constant 128 : i32
    %mul3A_22 = arith.muli %select_n3A, %mul3A_21 : i32
    %sub3A_23 = arith.subi %mul3A_20, %mul3A_22 : i32
    %jit3A_24 = arith.constant 16 : i32
    %div3A_25 = arith.divsi %sub3A_23, %jit3A_24 : i32
    %sign3A_26 = arith.constant 0 : i32
    %sign3A_27 = arith.cmpi sgt, %sub3A_23, %sign3A_26 : i32
    %sign3A_28 = arith.extui %sign3A_27 : i1 to i32
    %sign3A_29 = arith.constant 0 : i32
    %sign3A_30 = arith.cmpi slt, %sub3A_23, %sign3A_29 : i32
    %sign3A_31 = arith.extui %sign3A_30 : i1 to i32
    %sign3A_32 = arith.subi %sign3A_28, %sign3A_31 : i32
    %sign3A_33 = arith.constant 0 : i32
    %sign3A_34 = arith.cmpi sgt, %jit3A_24, %sign3A_33 : i32
    %sign3A_35 = arith.extui %sign3A_34 : i1 to i32
    %sign3A_36 = arith.constant 0 : i32
    %sign3A_37 = arith.cmpi slt, %jit3A_24, %sign3A_36 : i32
    %sign3A_38 = arith.extui %sign3A_37 : i1 to i32
    %sign3A_39 = arith.subi %sign3A_35, %sign3A_38 : i32
    %ne3A_40 = arith.cmpi ne, %sign3A_32, %sign3A_39 : i32
    %rem3A_41 = arith.remsi %sub3A_23, %jit3A_24 : i32
    %ne3A_42 = arith.constant 0 : i32
    %ne3A_43 = arith.cmpi ne, %rem3A_41, %ne3A_42 : i32
    %and3A_44 = arith.andi %ne3A_40, %ne3A_43 : i1
    %sub3A_45 = arith.constant 1 : i32
    %sub3A_46 = arith.subi %div3A_25, %sub3A_45 : i32
    %select_n3A_47 = arith.select %and3A_44, %sub3A_46, %div3A_25 : i32
    %mul3A_48 = arith.constant 128 : i32
    %mul3A_49 = arith.muli %select_n3A, %mul3A_48 : i32
    %add3A = arith.constant 0 : i32
    %add3A_50 = arith.addi %mul3A_49, %add3A : i32
    %add3A_51 = arith.constant 11776 : i32
    %add3A_52 = arith.addi %mul3A_49, %add3A_51 : i32
    %add3A_53 = arith.constant 23552 : i32
    %add3A_54 = arith.addi %mul3A_49, %add3A_53 : i32
    %add3A_55 = arith.constant 35328 : i32
    %add3A_56 = arith.addi %mul3A_49, %add3A_55 : i32
    %add3A_57 = arith.constant 47104 : i32
    %add3A_58 = arith.addi %mul3A_49, %add3A_57 : i32
    %add3A_59 = arith.constant 58880 : i32
    %add3A_60 = arith.addi %mul3A_49, %add3A_59 : i32
    %add3A_61 = arith.constant 70656 : i32
    %add3A_62 = arith.addi %mul3A_49, %add3A_61 : i32
    %add3A_63 = arith.constant 82432 : i32
    %add3A_64 = arith.addi %mul3A_49, %add3A_63 : i32
    %add3A_65 = arith.constant 94208 : i32
    %add3A_66 = arith.addi %mul3A_49, %add3A_65 : i32
    %dma_start3A = arith.constant 0 : i32
    %dma_start3A_67 = tpu.memref_slice %arg6[%dma_start3A] : memref<11776xi32, #tpu.memory_space<vmem>> -> memref<11776xi32, #tpu.memory_space<vmem>>
    %dma_start3A_68 = tpu.memref_slice %arg2[%sub3A_0, %add3A_50] : memref<2x1600000xi32, #tpu.memory_space<hbm>> -> memref<1x11776xi32, #tpu.memory_space<hbm>>
    %dma_start3A_69 = tpu.memref_squeeze %dma_start3A_68 : memref<1x11776xi32, #tpu.memory_space<hbm>> -> memref<11776xi32, #tpu.memory_space<hbm>>
    %dma_start3A_70 = arith.constant 0 : i32
    %dma_start3A_71 = tpu.memref_slice %arg6[%dma_start3A_70] : memref<11776xi32, #tpu.memory_space<vmem>> -> memref<11776xi32, #tpu.memory_space<vmem>>
    %dma_start3A_72 = tpu.memref_slice %arg2[%sub3A_0, %add3A_50] : memref<2x1600000xi32, #tpu.memory_space<hbm>> -> memref<1x11776xi32, #tpu.memory_space<hbm>>
    %dma_start3A_73 = tpu.memref_squeeze %dma_start3A_72 : memref<1x11776xi32, #tpu.memory_space<hbm>> -> memref<11776xi32, #tpu.memory_space<hbm>>
    tpu.enqueue_dma source(%dma_start3A_73 : memref<11776xi32, #tpu.memory_space<hbm>>) target(%dma_start3A_71 : memref<11776xi32, #tpu.memory_space<vmem>>) target_semaphore(%arg19 : memref<!tpu.dma_semaphore, #tpu.memory_space<semaphore_mem>>)
    %broadcast_in_dim3A = arith.constant 0 : i32
    %broadcast_in_dim3A_74 = vector.broadcast %broadcast_in_dim3A : i32 to vector<16xi32>
    %scan3A = arith.constant 0 : i32
    %scan3A_75 = arith.constant 0 : i32
    %scan3A_76 = arith.constant 392 : i32
    %scan3A_77 = arith.addi %scan3A_75, %scan3A_76 : i32
    %scan3A_78 = arith.constant 1 : i32
    %scan3A_79 = scf.for %scan3A_451 = %scan3A_75 to %scan3A_77 step %scan3A_78 iter_args(%scan3A_452 = %scan3A) -> (i32)  : i32 {
      %mul3A_453 = arith.constant 8 : i32
      %mul3A_454 = arith.muli %scan3A_451, %mul3A_453 : i32
      %add3A_455 = arith.constant 0 : i32
      %add3A_456 = arith.addi %mul3A_454, %add3A_455 : i32
      %mul3A_457 = arith.constant 16 : i32
      %mul3A_458 = arith.muli %add3A_456, %mul3A_457 : i32
      %swap3A = arith.index_cast %mul3A_458 : i32 to index
      %swap3A_459 = tpu.vector_load %arg5[%swap3A] {strides = array<i32>} : memref<50176xi32, #tpu.memory_space<vmem>>, vector<16xi32>,
      tpu.vector_store %arg5[%swap3A], %broadcast_in_dim3A_74 {strides = array<i32>} : memref<50176xi32, #tpu.memory_space<vmem>>, vector<16xi32>,
      %mul3A_460 = arith.constant 8 : i32
      %mul3A_461 = arith.muli %scan3A_451, %mul3A_460 : i32
      %add3A_462 = arith.constant 1 : i32
      %add3A_463 = arith.addi %mul3A_461, %add3A_462 : i32
      %mul3A_464 = arith.constant 16 : i32
      %mul3A_465 = arith.muli %add3A_463, %mul3A_464 : i32
      %swap3A_466 = arith.index_cast %mul3A_465 : i32 to index
      %swap3A_467 = tpu.vector_load %arg5[%swap3A_466] {strides = array<i32>} : memref<50176xi32, #tpu.memory_space<vmem>>, vector<16xi32>,
      tpu.vector_store %arg5[%swap3A_466], %broadcast_in_dim3A_74 {strides = array<i32>} : memref<50176xi32, #tpu.memory_space<vmem>>, vector<16xi32>,
      %mul3A_468 = arith.constant 8 : i32
      %mul3A_469 = arith.muli %scan3A_451, %mul3A_468 : i32
      %add3A_470 = arith.constant 2 : i32
      %add3A_471 = arith.addi %mul3A_469, %add3A_470 : i32
      %mul3A_472 = arith.constant 16 : i32
      %mul3A_473 = arith.muli %add3A_471, %mul3A_472 : i32
      %swap3A_474 = arith.index_cast %mul3A_473 : i32 to index
      %swap3A_475 = tpu.vector_load %arg5[%swap3A_474] {strides = array<i32>} : memref<50176xi32, #tpu.memory_space<vmem>>, vector<16xi32>,
      tpu.vector_store %arg5[%swap3A_474], %broadcast_in_dim3A_74 {strides = array<i32>} : memref<50176xi32, #tpu.memory_space<vmem>>, vector<16xi32>,
      %mul3A_476 = arith.constant 8 : i32
      %mul3A_477 = arith.muli %scan3A_451, %mul3A_476 : i32
      %add3A_478 = arith.constant 3 : i32
      %add3A_479 = arith.addi %mul3A_477, %add3A_478 : i32
      %mul3A_480 = arith.constant 16 : i32
      %mul3A_481 = arith.muli %add3A_479, %mul3A_480 : i32
      %swap3A_482 = arith.index_cast %mul3A_481 : i32 to index
      %swap3A_483 = tpu.vector_load %arg5[%swap3A_482] {strides = array<i32>} : memref<50176xi32, #tpu.memory_space<vmem>>, vector<16xi32>,
      tpu.vector_store %arg5[%swap3A_482], %broadcast_in_dim3A_74 {strides = array<i32>} : memref<50176xi32, #tpu.memory_space<vmem>>, vector<16xi32>,
      %mul3A_484 = arith.constant 8 : i32
      %mul3A_485 = arith.muli %scan3A_451, %mul3A_484 : i32
      %add3A_486 = arith.constant 4 : i32
      %add3A_487 = arith.addi %mul3A_485, %add3A_486 : i32
      %mul3A_488 = arith.constant 16 : i32
      %mul3A_489 = arith.muli %add3A_487, %mul3A_488 : i32
      %swap3A_490 = arith.index_cast %mul3A_489 : i32 to index
      %swap3A_491 = tpu.vector_load %arg5[%swap3A_490] {strides = array<i32>} : memref<50176xi32, #tpu.memory_space<vmem>>, vector<16xi32>,
      tpu.vector_store %arg5[%swap3A_490], %broadcast_in_dim3A_74 {strides = array<i32>} : memref<50176xi32, #tpu.memory_space<vmem>>, vector<16xi32>,
      %mul3A_492 = arith.constant 8 : i32
      %mul3A_493 = arith.muli %scan3A_451, %mul3A_492 : i32
      %add3A_494 = arith.constant 5 : i32
      %add3A_495 = arith.addi %mul3A_493, %add3A_494 : i32
      %mul3A_496 = arith.constant 16 : i32
      %mul3A_497 = arith.muli %add3A_495, %mul3A_496 : i32
      %swap3A_498 = arith.index_cast %mul3A_497 : i32 to index
      %swap3A_499 = tpu.vector_load %arg5[%swap3A_498] {strides = array<i32>} : memref<50176xi32, #tpu.memory_space<vmem>>, vector<16xi32>,
      tpu.vector_store %arg5[%swap3A_498], %broadcast_in_dim3A_74 {strides = array<i32>} : memref<50176xi32, #tpu.memory_space<vmem>>, vector<16xi32>,
      %mul3A_500 = arith.constant 8 : i32
      %mul3A_501 = arith.muli %scan3A_451, %mul3A_500 : i32
      %add3A_502 = arith.constant 6 : i32
      %add3A_503 = arith.addi %mul3A_501, %add3A_502 : i32
      %mul3A_504 = arith.constant 16 : i32
      %mul3A_505 = arith.muli %add3A_503, %mul3A_504 : i32
      %swap3A_506 = arith.index_cast %mul3A_505 : i32 to index
      %swap3A_507 = tpu.vector_load %arg5[%swap3A_506] {strides = array<i32>} : memref<50176xi32, #tpu.memory_space<vmem>>, vector<16xi32>,
      tpu.vector_store %arg5[%swap3A_506], %broadcast_in_dim3A_74 {strides = array<i32>} : memref<50176xi32, #tpu.memory_space<vmem>>, vector<16xi32>,
      %mul3A_508 = arith.constant 8 : i32
      %mul3A_509 = arith.muli %scan3A_451, %mul3A_508 : i32
      %add3A_510 = arith.constant 7 : i32
      %add3A_511 = arith.addi %mul3A_509, %add3A_510 : i32
      %mul3A_512 = arith.constant 16 : i32
      %mul3A_513 = arith.muli %add3A_511, %mul3A_512 : i32
      %swap3A_514 = arith.index_cast %mul3A_513 : i32 to index
      %swap3A_515 = tpu.vector_load %arg5[%swap3A_514] {strides = array<i32>} : memref<50176xi32, #tpu.memory_space<vmem>>, vector<16xi32>,
      tpu.vector_store %arg5[%swap3A_514], %broadcast_in_dim3A_74 {strides = array<i32>} : memref<50176xi32, #tpu.memory_space<vmem>>, vector<16xi32>,
      %scan3A_516 = arith.constant 0 : i32
      scf.yield %scan3A_516 : i32
    }
    %scan3A_80 = arith.constant 392 : i32
    "tpu.region"() ({
      %run_scoped3A = tpu.sem_alloc : memref<!tpu.dma_semaphore, #tpu.memory_space<semaphore_mem>>
      tpu.enqueue_dma source(%arg3 : memref<16xi32, #tpu.memory_space<hbm>>) target(%arg17 : memref<16xi32, #tpu.memory_space<vmem>>) target_semaphore(%run_scoped3A : memref<!tpu.dma_semaphore, #tpu.memory_space<semaphore_mem>>)
      tpu.wait_dma2 semaphore(%run_scoped3A : memref<!tpu.dma_semaphore, #tpu.memory_space<semaphore_mem>>) src(%arg3 : memref<16xi32, #tpu.memory_space<hbm>>) dst(%arg17 : memref<16xi32, #tpu.memory_space<vmem>>)
      tpu.yield
    }) : () -> ()
    %broadcast_in_dim3A_81 = arith.constant 1 : i32
    %broadcast_in_dim3A_82 = vector.broadcast %broadcast_in_dim3A_81 : i32 to vector<16xi32>
    %dma_wait3A = arith.constant 0 : i32
    %dma_wait3A_83 = tpu.memref_slice %arg6[%dma_wait3A] : memref<11776xi32, #tpu.memory_space<vmem>> -> memref<11776xi32, #tpu.memory_space<vmem>>
    %dma_wait3A_84 = tpu.memref_slice %arg2[%sub3A_0, %add3A_50] : memref<2x1600000xi32, #tpu.memory_space<hbm>> -> memref<1x11776xi32, #tpu.memory_space<hbm>>
    %dma_wait3A_85 = tpu.memref_squeeze %dma_wait3A_84 : memref<1x11776xi32, #tpu.memory_space<hbm>> -> memref<11776xi32, #tpu.memory_space<hbm>>
    %dma_wait3A_86 = arith.constant 0 : i32
    %dma_wait3A_87 = tpu.memref_slice %arg6[%dma_wait3A_86] : memref<11776xi32, #tpu.memory_space<vmem>> -> memref<11776xi32, #tpu.memory_space<vmem>>
    %dma_wait3A_88 = tpu.memref_slice %arg2[%sub3A_0, %add3A_50] : memref<2x1600000xi32, #tpu.memory_space<hbm>> -> memref<1x11776xi32, #tpu.memory_space<hbm>>
    %dma_wait3A_89 = tpu.memref_squeeze %dma_wait3A_88 : memref<1x11776xi32, #tpu.memory_space<hbm>> -> memref<11776xi32, #tpu.memory_space<hbm>>
    tpu.wait_dma2 semaphore(%arg19 : memref<!tpu.dma_semaphore, #tpu.memory_space<semaphore_mem>>) src(%dma_wait3A_89 : memref<11776xi32, #tpu.memory_space<hbm>>) dst(%dma_wait3A_87 : memref<11776xi32, #tpu.memory_space<vmem>>)
    %dma_start3A_90 = arith.constant 0 : i32
    %dma_start3A_91 = tpu.memref_slice %arg7[%dma_start3A_90] : memref<11776xi32, #tpu.memory_space<vmem>> -> memref<11776xi32, #tpu.memory_space<vmem>>
    %dma_start3A_92 = tpu.memref_slice %arg2[%sub3A_0, %add3A_52] : memref<2x1600000xi32, #tpu.memory_space<hbm>> -> memref<1x11776xi32, #tpu.memory_space<hbm>>
    %dma_start3A_93 = tpu.memref_squeeze %dma_start3A_92 : memref<1x11776xi32, #tpu.memory_space<hbm>> -> memref<11776xi32, #tpu.memory_space<hbm>>
    %dma_start3A_94 = arith.constant 0 : i32
    %dma_start3A_95 = tpu.memref_slice %arg7[%dma_start3A_94] : memref<11776xi32, #tpu.memory_space<vmem>> -> memref<11776xi32, #tpu.memory_space<vmem>>
    %dma_start3A_96 = tpu.memref_slice %arg2[%sub3A_0, %add3A_52] : memref<2x1600000xi32, #tpu.memory_space<hbm>> -> memref<1x11776xi32, #tpu.memory_space<hbm>>
    %dma_start3A_97 = tpu.memref_squeeze %dma_start3A_96 : memref<1x11776xi32, #tpu.memory_space<hbm>> -> memref<11776xi32, #tpu.memory_space<hbm>>
    tpu.enqueue_dma source(%dma_start3A_97 : memref<11776xi32, #tpu.memory_space<hbm>>) target(%dma_start3A_95 : memref<11776xi32, #tpu.memory_space<vmem>>) target_semaphore(%arg20 : memref<!tpu.dma_semaphore, #tpu.memory_space<semaphore_mem>>)
    %scan3A_98 = arith.constant 0 : i32
    %scan3A_99 = arith.constant 0 : i32
    %scan3A_100 = arith.constant 32 : i32
    %scan3A_101 = arith.addi %scan3A_99, %scan3A_100 : i32
    %scan3A_102 = arith.constant 1 : i32
    %scan3A_103 = scf.for %scan3A_451 = %scan3A_99 to %scan3A_101 step %scan3A_102 iter_args(%scan3A_452 = %scan3A_98) -> (i32)  : i32 {
      %mul3A_453 = arith.constant 23 : i32
      %mul3A_454 = arith.muli %scan3A_451, %mul3A_453 : i32
      %add3A_455 = arith.constant 0 : i32
      %add3A_456 = arith.addi %mul3A_454, %add3A_455 : i32
      %mul3A_457 = arith.constant 16 : i32
      %mul3A_458 = arith.muli %add3A_456, %mul3A_457 : i32
      %get3A_459 = arith.index_cast %mul3A_458 : i32 to index
      %get3A_460 = tpu.vector_load %arg6[%get3A_459] {strides = array<i32>} : memref<11776xi32, #tpu.memory_space<vmem>>, vector<16xi32>,
      %mul3A_461 = arith.constant 23 : i32
      %mul3A_462 = arith.muli %scan3A_451, %mul3A_461 : i32
      %add3A_463 = arith.constant 1 : i32
      %add3A_464 = arith.addi %mul3A_462, %add3A_463 : i32
      %mul3A_465 = arith.constant 16 : i32
      %mul3A_466 = arith.muli %add3A_464, %mul3A_465 : i32
      %get3A_467 = arith.index_cast %mul3A_466 : i32 to index
      %get3A_468 = tpu.vector_load %arg6[%get3A_467] {strides = array<i32>} : memref<11776xi32, #tpu.memory_space<vmem>>, vector<16xi32>,
      %mul3A_469 = arith.constant 23 : i32
      %mul3A_470 = arith.muli %scan3A_451, %mul3A_469 : i32
      %add3A_471 = arith.constant 2 : i32
      %add3A_472 = arith.addi %mul3A_470, %add3A_471 : i32
      %mul3A_473 = arith.constant 16 : i32
      %mul3A_474 = arith.muli %add3A_472, %mul3A_473 : i32
      %get3A_475 = arith.index_cast %mul3A_474 : i32 to index
      %get3A_476 = tpu.vector_load %arg6[%get3A_475] {strides = array<i32>} : memref<11776xi32, #tpu.memory_space<vmem>>, vector<16xi32>,
      %mul3A_477 = arith.constant 23 : i32
      %mul3A_478 = arith.muli %scan3A_451, %mul3A_477 : i32
      %add3A_479 = arith.constant 3 : i32
      %add3A_480 = arith.addi %mul3A_478, %add3A_479 : i32
      %mul3A_481 = arith.constant 16 : i32
      %mul3A_482 = arith.muli %add3A_480, %mul3A_481 : i32
      %get3A_483 = arith.index_cast %mul3A_482 : i32 to index
      %get3A_484 = tpu.vector_load %arg6[%get3A_483] {strides = array<i32>} : memref<11776xi32, #tpu.memory_space<vmem>>, vector<16xi32>,
      %mul3A_485 = arith.constant 23 : i32
      %mul3A_486 = arith.muli %scan3A_451, %mul3A_485 : i32
      %add3A_487 = arith.constant 4 : i32
      %add3A_488 = arith.addi %mul3A_486, %add3A_487 : i32
      %mul3A_489 = arith.constant 16 : i32
      %mul3A_490 = arith.muli %add3A_488, %mul3A_489 : i32
      %get3A_491 = arith.index_cast %mul3A_490 : i32 to index
      %get3A_492 = tpu.vector_load %arg6[%get3A_491] {strides = array<i32>} : memref<11776xi32, #tpu.memory_space<vmem>>, vector<16xi32>,
      %mul3A_493 = arith.constant 23 : i32
      %mul3A_494 = arith.muli %scan3A_451, %mul3A_493 : i32
      %add3A_495 = arith.constant 5 : i32
      %add3A_496 = arith.addi %mul3A_494, %add3A_495 : i32
      %mul3A_497 = arith.constant 16 : i32
      %mul3A_498 = arith.muli %add3A_496, %mul3A_497 : i32
      %get3A_499 = arith.index_cast %mul3A_498 : i32 to index
      %get3A_500 = tpu.vector_load %arg6[%get3A_499] {strides = array<i32>} : memref<11776xi32, #tpu.memory_space<vmem>>, vector<16xi32>,
      %mul3A_501 = arith.constant 23 : i32
      %mul3A_502 = arith.muli %scan3A_451, %mul3A_501 : i32
      %add3A_503 = arith.constant 6 : i32
      %add3A_504 = arith.addi %mul3A_502, %add3A_503 : i32
      %mul3A_505 = arith.constant 16 : i32
      %mul3A_506 = arith.muli %add3A_504, %mul3A_505 : i32
      %get3A_507 = arith.index_cast %mul3A_506 : i32 to index
      %get3A_508 = tpu.vector_load %arg6[%get3A_507] {strides = array<i32>} : memref<11776xi32, #tpu.memory_space<vmem>>, vector<16xi32>,
      %mul3A_509 = arith.constant 23 : i32
      %mul3A_510 = arith.muli %scan3A_451, %mul3A_509 : i32
      %add3A_511 = arith.constant 7 : i32
      %add3A_512 = arith.addi %mul3A_510, %add3A_511 : i32
      %mul3A_513 = arith.constant 16 : i32
      %mul3A_514 = arith.muli %add3A_512, %mul3A_513 : i32
      %get3A_515 = arith.index_cast %mul3A_514 : i32 to index
      %get3A_516 = tpu.vector_load %arg6[%get3A_515] {strides = array<i32>} : memref<11776xi32, #tpu.memory_space<vmem>>, vector<16xi32>,
      %mul3A_517 = arith.constant 23 : i32
      %mul3A_518 = arith.muli %scan3A_451, %mul3A_517 : i32
      %add3A_519 = arith.constant 8 : i32
      %add3A_520 = arith.addi %mul3A_518, %add3A_519 : i32
      %mul3A_521 = arith.constant 16 : i32
      %mul3A_522 = arith.muli %add3A_520, %mul3A_521 : i32
      %get3A_523 = arith.index_cast %mul3A_522 : i32 to index
      %get3A_524 = tpu.vector_load %arg6[%get3A_523] {strides = array<i32>} : memref<11776xi32, #tpu.memory_space<vmem>>, vector<16xi32>,
      %mul3A_525 = arith.constant 23 : i32
      %mul3A_526 = arith.muli %scan3A_451, %mul3A_525 : i32
      %add3A_527 = arith.constant 9 : i32
      %add3A_528 = arith.addi %mul3A_526, %add3A_527 : i32
      %mul3A_529 = arith.constant 16 : i32
      %mul3A_530 = arith.muli %add3A_528, %mul3A_529 : i32
      %get3A_531 = arith.index_cast %mul3A_530 : i32 to index
      %get3A_532 = tpu.vector_load %arg6[%get3A_531] {strides = array<i32>} : memref<11776xi32, #tpu.memory_space<vmem>>, vector<16xi32>,
      %mul3A_533 = arith.constant 23 : i32
      %mul3A_534 = arith.muli %scan3A_451, %mul3A_533 : i32
      %add3A_535 = arith.constant 10 : i32
      %add3A_536 = arith.addi %mul3A_534, %add3A_535 : i32
      %mul3A_537 = arith.constant 16 : i32
      %mul3A_538 = arith.muli %add3A_536, %mul3A_537 : i32
      %get3A_539 = arith.index_cast %mul3A_538 : i32 to index
      %get3A_540 = tpu.vector_load %arg6[%get3A_539] {strides = array<i32>} : memref<11776xi32, #tpu.memory_space<vmem>>, vector<16xi32>,
      %mul3A_541 = arith.constant 23 : i32
      %mul3A_542 = arith.muli %scan3A_451, %mul3A_541 : i32
      %add3A_543 = arith.constant 11 : i32
      %add3A_544 = arith.addi %mul3A_542, %add3A_543 : i32
      %mul3A_545 = arith.constant 16 : i32
      %mul3A_546 = arith.muli %add3A_544, %mul3A_545 : i32
      %get3A_547 = arith.index_cast %mul3A_546 : i32 to index
      %get3A_548 = tpu.vector_load %arg6[%get3A_547] {strides = array<i32>} : memref<11776xi32, #tpu.memory_space<vmem>>, vector<16xi32>,
      %mul3A_549 = arith.constant 23 : i32
      %mul3A_550 = arith.muli %scan3A_451, %mul3A_549 : i32
      %add3A_551 = arith.constant 12 : i32
      %add3A_552 = arith.addi %mul3A_550, %add3A_551 : i32
      %mul3A_553 = arith.constant 16 : i32
      %mul3A_554 = arith.muli %add3A_552, %mul3A_553 : i32
      %get3A_555 = arith.index_cast %mul3A_554 : i32 to index
      %get3A_556 = tpu.vector_load %arg6[%get3A_555] {strides = array<i32>} : memref<11776xi32, #tpu.memory_space<vmem>>, vector<16xi32>,
      %mul3A_557 = arith.constant 23 : i32
      %mul3A_558 = arith.muli %scan3A_451, %mul3A_557 : i32
      %add3A_559 = arith.constant 13 : i32
      %add3A_560 = arith.addi %mul3A_558, %add3A_559 : i32
      %mul3A_561 = arith.constant 16 : i32
      %mul3A_562 = arith.muli %add3A_560, %mul3A_561 : i32
      %get3A_563 = arith.index_cast %mul3A_562 : i32 to index
      %get3A_564 = tpu.vector_load %arg6[%get3A_563] {strides = array<i32>} : memref<11776xi32, #tpu.memory_space<vmem>>, vector<16xi32>,
      %mul3A_565 = arith.constant 23 : i32
      %mul3A_566 = arith.muli %scan3A_451, %mul3A_565 : i32
      %add3A_567 = arith.constant 14 : i32
      %add3A_568 = arith.addi %mul3A_566, %add3A_567 : i32
      %mul3A_569 = arith.constant 16 : i32
      %mul3A_570 = arith.muli %add3A_568, %mul3A_569 : i32
      %get3A_571 = arith.index_cast %mul3A_570 : i32 to index
      %get3A_572 = tpu.vector_load %arg6[%get3A_571] {strides = array<i32>} : memref<11776xi32, #tpu.memory_space<vmem>>, vector<16xi32>,
      %mul3A_573 = arith.constant 23 : i32
      %mul3A_574 = arith.muli %scan3A_451, %mul3A_573 : i32
      %add3A_575 = arith.constant 15 : i32
      %add3A_576 = arith.addi %mul3A_574, %add3A_575 : i32
      %mul3A_577 = arith.constant 16 : i32
      %mul3A_578 = arith.muli %add3A_576, %mul3A_577 : i32
      %get3A_579 = arith.index_cast %mul3A_578 : i32 to index
      %get3A_580 = tpu.vector_load %arg6[%get3A_579] {strides = array<i32>} : memref<11776xi32, #tpu.memory_space<vmem>>, vector<16xi32>,
      %mul3A_581 = arith.constant 23 : i32
      %mul3A_582 = arith.muli %scan3A_451, %mul3A_581 : i32
      %add3A_583 = arith.constant 16 : i32
      %add3A_584 = arith.addi %mul3A_582, %add3A_583 : i32
      %mul3A_585 = arith.constant 16 : i32
      %mul3A_586 = arith.muli %add3A_584, %mul3A_585 : i32
      %get3A_587 = arith.index_cast %mul3A_586 : i32 to index
      %get3A_588 = tpu.vector_load %arg6[%get3A_587] {strides = array<i32>} : memref<11776xi32, #tpu.memory_space<vmem>>, vector<16xi32>,
      %mul3A_589 = arith.constant 23 : i32
      %mul3A_590 = arith.muli %scan3A_451, %mul3A_589 : i32
      %add3A_591 = arith.constant 17 : i32
      %add3A_592 = arith.addi %mul3A_590, %add3A_591 : i32
      %mul3A_593 = arith.constant 16 : i32
      %mul3A_594 = arith.muli %add3A_592, %mul3A_593 : i32
      %get3A_595 = arith.index_cast %mul3A_594 : i32 to index
      %get3A_596 = tpu.vector_load %arg6[%get3A_595] {strides = array<i32>} : memref<11776xi32, #tpu.memory_space<vmem>>, vector<16xi32>,
      %mul3A_597 = arith.constant 23 : i32
      %mul3A_598 = arith.muli %scan3A_451, %mul3A_597 : i32
      %add3A_599 = arith.constant 18 : i32
      %add3A_600 = arith.addi %mul3A_598, %add3A_599 : i32
      %mul3A_601 = arith.constant 16 : i32
      %mul3A_602 = arith.muli %add3A_600, %mul3A_601 : i32
      %get3A_603 = arith.index_cast %mul3A_602 : i32 to index
      %get3A_604 = tpu.vector_load %arg6[%get3A_603] {strides = array<i32>} : memref<11776xi32, #tpu.memory_space<vmem>>, vector<16xi32>,
      %mul3A_605 = arith.constant 23 : i32
      %mul3A_606 = arith.muli %scan3A_451, %mul3A_605 : i32
      %add3A_607 = arith.constant 19 : i32
      %add3A_608 = arith.addi %mul3A_606, %add3A_607 : i32
      %mul3A_609 = arith.constant 16 : i32
      %mul3A_610 = arith.muli %add3A_608, %mul3A_609 : i32
      %get3A_611 = arith.index_cast %mul3A_610 : i32 to index
      %get3A_612 = tpu.vector_load %arg6[%get3A_611] {strides = array<i32>} : memref<11776xi32, #tpu.memory_space<vmem>>, vector<16xi32>,
      %mul3A_613 = arith.constant 23 : i32
      %mul3A_614 = arith.muli %scan3A_451, %mul3A_613 : i32
      %add3A_615 = arith.constant 20 : i32
      %add3A_616 = arith.addi %mul3A_614, %add3A_615 : i32
      %mul3A_617 = arith.constant 16 : i32
      %mul3A_618 = arith.muli %add3A_616, %mul3A_617 : i32
      %get3A_619 = arith.index_cast %mul3A_618 : i32 to index
      %get3A_620 = tpu.vector_load %arg6[%get3A_619] {strides = array<i32>} : memref<11776xi32, #tpu.memory_space<vmem>>, vector<16xi32>,
      %mul3A_621 = arith.constant 23 : i32
      %mul3A_622 = arith.muli %scan3A_451, %mul3A_621 : i32
      %add3A_623 = arith.constant 21 : i32
      %add3A_624 = arith.addi %mul3A_622, %add3A_623 : i32
      %mul3A_625 = arith.constant 16 : i32
      %mul3A_626 = arith.muli %add3A_624, %mul3A_625 : i32
      %get3A_627 = arith.index_cast %mul3A_626 : i32 to index
      %get3A_628 = tpu.vector_load %arg6[%get3A_627] {strides = array<i32>} : memref<11776xi32, #tpu.memory_space<vmem>>, vector<16xi32>,
      %mul3A_629 = arith.constant 23 : i32
      %mul3A_630 = arith.muli %scan3A_451, %mul3A_629 : i32
      %add3A_631 = arith.constant 22 : i32
      %add3A_632 = arith.addi %mul3A_630, %add3A_631 : i32
      %mul3A_633 = arith.constant 16 : i32
      %mul3A_634 = arith.muli %add3A_632, %mul3A_633 : i32
      %get3A_635 = arith.index_cast %mul3A_634 : i32 to index
      %get3A_636 = tpu.vector_load %arg6[%get3A_635] {strides = array<i32>} : memref<11776xi32, #tpu.memory_space<vmem>>, vector<16xi32>,
      %mul3A_637 = arith.constant 23 : i32
      %mul3A_638 = arith.muli %scan3A_451, %mul3A_637 : i32
      %add3A_639 = arith.constant 0 : i32
      %add3A_640 = arith.addi %mul3A_638, %add3A_639 : i32
      %ge3A_641 = arith.cmpi sge, %add3A_640, %select_n3A_47 : i32
      %broadcast_in_dim3A_642 = vector.broadcast %ge3A_641 : i1 to vector<16xi1>
      tpu.vector_store_idx %arg5[%get3A_460], %broadcast_in_dim3A_82 masked %broadcast_in_dim3A_642 {add = true} : memref<50176xi32, #tpu.memory_space<vmem>>[vector<16xi32>], vector<16xi32>, vector<16xi1>
      %mul3A_643 = arith.constant 23 : i32
      %mul3A_644 = arith.muli %scan3A_451, %mul3A_643 : i32
      %add3A_645 = arith.constant 1 : i32
      %add3A_646 = arith.addi %mul3A_644, %add3A_645 : i32
      %ge3A_647 = arith.cmpi sge, %add3A_646, %select_n3A_47 : i32
      %broadcast_in_dim3A_648 = vector.broadcast %ge3A_647 : i1 to vector<16xi1>
      tpu.vector_store_idx %arg5[%get3A_468], %broadcast_in_dim3A_82 masked %broadcast_in_dim3A_648 {add = true} : memref<50176xi32, #tpu.memory_space<vmem>>[vector<16xi32>], vector<16xi32>, vector<16xi1>
      %mul3A_649 = arith.constant 23 : i32
      %mul3A_650 = arith.muli %scan3A_451, %mul3A_649 : i32
      %add3A_651 = arith.constant 2 : i32
      %add3A_652 = arith.addi %mul3A_650, %add3A_651 : i32
      %ge3A_653 = arith.cmpi sge, %add3A_652, %select_n3A_47 : i32
      %broadcast_in_dim3A_654 = vector.broadcast %ge3A_653 : i1 to vector<16xi1>
      tpu.vector_store_idx %arg5[%get3A_476], %broadcast_in_dim3A_82 masked %broadcast_in_dim3A_654 {add = true} : memref<50176xi32, #tpu.memory_space<vmem>>[vector<16xi32>], vector<16xi32>, vector<16xi1>
      %mul3A_655 = arith.constant 23 : i32
      %mul3A_656 = arith.muli %scan3A_451, %mul3A_655 : i32
      %add3A_657 = arith.constant 3 : i32
      %add3A_658 = arith.addi %mul3A_656, %add3A_657 : i32
      %ge3A_659 = arith.cmpi sge, %add3A_658, %select_n3A_47 : i32
      %broadcast_in_dim3A_660 = vector.broadcast %ge3A_659 : i1 to vector<16xi1>
      tpu.vector_store_idx %arg5[%get3A_484], %broadcast_in_dim3A_82 masked %broadcast_in_dim3A_660 {add = true} : memref<50176xi32, #tpu.memory_space<vmem>>[vector<16xi32>], vector<16xi32>, vector<16xi1>
      %mul3A_661 = arith.constant 23 : i32
      %mul3A_662 = arith.muli %scan3A_451, %mul3A_661 : i32
      %add3A_663 = arith.constant 4 : i32
      %add3A_664 = arith.addi %mul3A_662, %add3A_663 : i32
      %ge3A_665 = arith.cmpi sge, %add3A_664, %select_n3A_47 : i32
      %broadcast_in_dim3A_666 = vector.broadcast %ge3A_665 : i1 to vector<16xi1>
      tpu.vector_store_idx %arg5[%get3A_492], %broadcast_in_dim3A_82 masked %broadcast_in_dim3A_666 {add = true} : memref<50176xi32, #tpu.memory_space<vmem>>[vector<16xi32>], vector<16xi32>, vector<16xi1>
      %mul3A_667 = arith.constant 23 : i32
      %mul3A_668 = arith.muli %scan3A_451, %mul3A_667 : i32
      %add3A_669 = arith.constant 5 : i32
      %add3A_670 = arith.addi %mul3A_668, %add3A_669 : i32
      %ge3A_671 = arith.cmpi sge, %add3A_670, %select_n3A_47 : i32
      %broadcast_in_dim3A_672 = vector.broadcast %ge3A_671 : i1 to vector<16xi1>
      tpu.vector_store_idx %arg5[%get3A_500], %broadcast_in_dim3A_82 masked %broadcast_in_dim3A_672 {add = true} : memref<50176xi32, #tpu.memory_space<vmem>>[vector<16xi32>], vector<16xi32>, vector<16xi1>
      %mul3A_673 = arith.constant 23 : i32
      %mul3A_674 = arith.muli %scan3A_451, %mul3A_673 : i32
      %add3A_675 = arith.constant 6 : i32
      %add3A_676 = arith.addi %mul3A_674, %add3A_675 : i32
      %ge3A_677 = arith.cmpi sge, %add3A_676, %select_n3A_47 : i32
      %broadcast_in_dim3A_678 = vector.broadcast %ge3A_677 : i1 to vector<16xi1>
      tpu.vector_store_idx %arg5[%get3A_508], %broadcast_in_dim3A_82 masked %broadcast_in_dim3A_678 {add = true} : memref<50176xi32, #tpu.memory_space<vmem>>[vector<16xi32>], vector<16xi32>, vector<16xi1>
      %mul3A_679 = arith.constant 23 : i32
      %mul3A_680 = arith.muli %scan3A_451, %mul3A_679 : i32
      %add3A_681 = arith.constant 7 : i32
      %add3A_682 = arith.addi %mul3A_680, %add3A_681 : i32
      %ge3A_683 = arith.cmpi sge, %add3A_682, %select_n3A_47 : i32
      %broadcast_in_dim3A_684 = vector.broadcast %ge3A_683 : i1 to vector<16xi1>
      tpu.vector_store_idx %arg5[%get3A_516], %broadcast_in_dim3A_82 masked %broadcast_in_dim3A_684 {add = true} : memref<50176xi32, #tpu.memory_space<vmem>>[vector<16xi32>], vector<16xi32>, vector<16xi1>
      %mul3A_685 = arith.constant 23 : i32
      %mul3A_686 = arith.muli %scan3A_451, %mul3A_685 : i32
      %add3A_687 = arith.constant 8 : i32
      %add3A_688 = arith.addi %mul3A_686, %add3A_687 : i32
      %ge3A_689 = arith.cmpi sge, %add3A_688, %select_n3A_47 : i32
      %broadcast_in_dim3A_690 = vector.broadcast %ge3A_689 : i1 to vector<16xi1>
      tpu.vector_store_idx %arg5[%get3A_524], %broadcast_in_dim3A_82 masked %broadcast_in_dim3A_690 {add = true} : memref<50176xi32, #tpu.memory_space<vmem>>[vector<16xi32>], vector<16xi32>, vector<16xi1>
      %mul3A_691 = arith.constant 23 : i32
      %mul3A_692 = arith.muli %scan3A_451, %mul3A_691 : i32
      %add3A_693 = arith.constant 9 : i32
      %add3A_694 = arith.addi %mul3A_692, %add3A_693 : i32
      %ge3A_695 = arith.cmpi sge, %add3A_694, %select_n3A_47 : i32
      %broadcast_in_dim3A_696 = vector.broadcast %ge3A_695 : i1 to vector<16xi1>
      tpu.vector_store_idx %arg5[%get3A_532], %broadcast_in_dim3A_82 masked %broadcast_in_dim3A_696 {add = true} : memref<50176xi32, #tpu.memory_space<vmem>>[vector<16xi32>], vector<16xi32>, vector<16xi1>
      %mul3A_697 = arith.constant 23 : i32
      %mul3A_698 = arith.muli %scan3A_451, %mul3A_697 : i32
      %add3A_699 = arith.constant 10 : i32
      %add3A_700 = arith.addi %mul3A_698, %add3A_699 : i32
      %ge3A_701 = arith.cmpi sge, %add3A_700, %select_n3A_47 : i32
      %broadcast_in_dim3A_702 = vector.broadcast %ge3A_701 : i1 to vector<16xi1>
      tpu.vector_store_idx %arg5[%get3A_540], %broadcast_in_dim3A_82 masked %broadcast_in_dim3A_702 {add = true} : memref<50176xi32, #tpu.memory_space<vmem>>[vector<16xi32>], vector<16xi32>, vector<16xi1>
      %mul3A_703 = arith.constant 23 : i32
      %mul3A_704 = arith.muli %scan3A_451, %mul3A_703 : i32
      %add3A_705 = arith.constant 11 : i32
      %add3A_706 = arith.addi %mul3A_704, %add3A_705 : i32
      %ge3A_707 = arith.cmpi sge, %add3A_706, %select_n3A_47 : i32
      %broadcast_in_dim3A_708 = vector.broadcast %ge3A_707 : i1 to vector<16xi1>
      tpu.vector_store_idx %arg5[%get3A_548], %broadcast_in_dim3A_82 masked %broadcast_in_dim3A_708 {add = true} : memref<50176xi32, #tpu.memory_space<vmem>>[vector<16xi32>], vector<16xi32>, vector<16xi1>
      %mul3A_709 = arith.constant 23 : i32
      %mul3A_710 = arith.muli %scan3A_451, %mul3A_709 : i32
      %add3A_711 = arith.constant 12 : i32
      %add3A_712 = arith.addi %mul3A_710, %add3A_711 : i32
      %ge3A_713 = arith.cmpi sge, %add3A_712, %select_n3A_47 : i32
      %broadcast_in_dim3A_714 = vector.broadcast %ge3A_713 : i1 to vector<16xi1>
      tpu.vector_store_idx %arg5[%get3A_556], %broadcast_in_dim3A_82 masked %broadcast_in_dim3A_714 {add = true} : memref<50176xi32, #tpu.memory_space<vmem>>[vector<16xi32>], vector<16xi32>, vector<16xi1>
      %mul3A_715 = arith.constant 23 : i32
      %mul3A_716 = arith.muli %scan3A_451, %mul3A_715 : i32
      %add3A_717 = arith.constant 13 : i32
      %add3A_718 = arith.addi %mul3A_716, %add3A_717 : i32
      %ge3A_719 = arith.cmpi sge, %add3A_718, %select_n3A_47 : i32
      %broadcast_in_dim3A_720 = vector.broadcast %ge3A_719 : i1 to vector<16xi1>
      tpu.vector_store_idx %arg5[%get3A_564], %broadcast_in_dim3A_82 masked %broadcast_in_dim3A_720 {add = true} : memref<50176xi32, #tpu.memory_space<vmem>>[vector<16xi32>], vector<16xi32>, vector<16xi1>
      %mul3A_721 = arith.constant 23 : i32
      %mul3A_722 = arith.muli %scan3A_451, %mul3A_721 : i32
      %add3A_723 = arith.constant 14 : i32
      %add3A_724 = arith.addi %mul3A_722, %add3A_723 : i32
      %ge3A_725 = arith.cmpi sge, %add3A_724, %select_n3A_47 : i32
      %broadcast_in_dim3A_726 = vector.broadcast %ge3A_725 : i1 to vector<16xi1>
      tpu.vector_store_idx %arg5[%get3A_572], %broadcast_in_dim3A_82 masked %broadcast_in_dim3A_726 {add = true} : memref<50176xi32, #tpu.memory_space<vmem>>[vector<16xi32>], vector<16xi32>, vector<16xi1>
      %mul3A_727 = arith.constant 23 : i32
      %mul3A_728 = arith.muli %scan3A_451, %mul3A_727 : i32
      %add3A_729 = arith.constant 15 : i32
      %add3A_730 = arith.addi %mul3A_728, %add3A_729 : i32
      %ge3A_731 = arith.cmpi sge, %add3A_730, %select_n3A_47 : i32
      %broadcast_in_dim3A_732 = vector.broadcast %ge3A_731 : i1 to vector<16xi1>
      tpu.vector_store_idx %arg5[%get3A_580], %broadcast_in_dim3A_82 masked %broadcast_in_dim3A_732 {add = true} : memref<50176xi32, #tpu.memory_space<vmem>>[vector<16xi32>], vector<16xi32>, vector<16xi1>
      %mul3A_733 = arith.constant 23 : i32
      %mul3A_734 = arith.muli %scan3A_451, %mul3A_733 : i32
      %add3A_735 = arith.constant 16 : i32
      %add3A_736 = arith.addi %mul3A_734, %add3A_735 : i32
      %ge3A_737 = arith.cmpi sge, %add3A_736, %select_n3A_47 : i32
      %broadcast_in_dim3A_738 = vector.broadcast %ge3A_737 : i1 to vector<16xi1>
      tpu.vector_store_idx %arg5[%get3A_588], %broadcast_in_dim3A_82 masked %broadcast_in_dim3A_738 {add = true} : memref<50176xi32, #tpu.memory_space<vmem>>[vector<16xi32>], vector<16xi32>, vector<16xi1>
      %mul3A_739 = arith.constant 23 : i32
      %mul3A_740 = arith.muli %scan3A_451, %mul3A_739 : i32
      %add3A_741 = arith.constant 17 : i32
      %add3A_742 = arith.addi %mul3A_740, %add3A_741 : i32
      %ge3A_743 = arith.cmpi sge, %add3A_742, %select_n3A_47 : i32
      %broadcast_in_dim3A_744 = vector.broadcast %ge3A_743 : i1 to vector<16xi1>
      tpu.vector_store_idx %arg5[%get3A_596], %broadcast_in_dim3A_82 masked %broadcast_in_dim3A_744 {add = true} : memref<50176xi32, #tpu.memory_space<vmem>>[vector<16xi32>], vector<16xi32>, vector<16xi1>
      %mul3A_745 = arith.constant 23 : i32
      %mul3A_746 = arith.muli %scan3A_451, %mul3A_745 : i32
      %add3A_747 = arith.constant 18 : i32
      %add3A_748 = arith.addi %mul3A_746, %add3A_747 : i32
      %ge3A_749 = arith.cmpi sge, %add3A_748, %select_n3A_47 : i32
      %broadcast_in_dim3A_750 = vector.broadcast %ge3A_749 : i1 to vector<16xi1>
      tpu.vector_store_idx %arg5[%get3A_604], %broadcast_in_dim3A_82 masked %broadcast_in_dim3A_750 {add = true} : memref<50176xi32, #tpu.memory_space<vmem>>[vector<16xi32>], vector<16xi32>, vector<16xi1>
      %mul3A_751 = arith.constant 23 : i32
      %mul3A_752 = arith.muli %scan3A_451, %mul3A_751 : i32
      %add3A_753 = arith.constant 19 : i32
      %add3A_754 = arith.addi %mul3A_752, %add3A_753 : i32
      %ge3A_755 = arith.cmpi sge, %add3A_754, %select_n3A_47 : i32
      %broadcast_in_dim3A_756 = vector.broadcast %ge3A_755 : i1 to vector<16xi1>
      tpu.vector_store_idx %arg5[%get3A_612], %broadcast_in_dim3A_82 masked %broadcast_in_dim3A_756 {add = true} : memref<50176xi32, #tpu.memory_space<vmem>>[vector<16xi32>], vector<16xi32>, vector<16xi1>
      %mul3A_757 = arith.constant 23 : i32
      %mul3A_758 = arith.muli %scan3A_451, %mul3A_757 : i32
      %add3A_759 = arith.constant 20 : i32
      %add3A_760 = arith.addi %mul3A_758, %add3A_759 : i32
      %ge3A_761 = arith.cmpi sge, %add3A_760, %select_n3A_47 : i32
      %broadcast_in_dim3A_762 = vector.broadcast %ge3A_761 : i1 to vector<16xi1>
      tpu.vector_store_idx %arg5[%get3A_620], %broadcast_in_dim3A_82 masked %broadcast_in_dim3A_762 {add = true} : memref<50176xi32, #tpu.memory_space<vmem>>[vector<16xi32>], vector<16xi32>, vector<16xi1>
      %mul3A_763 = arith.constant 23 : i32
      %mul3A_764 = arith.muli %scan3A_451, %mul3A_763 : i32
      %add3A_765 = arith.constant 21 : i32
      %add3A_766 = arith.addi %mul3A_764, %add3A_765 : i32
      %ge3A_767 = arith.cmpi sge, %add3A_766, %select_n3A_47 : i32
      %broadcast_in_dim3A_768 = vector.broadcast %ge3A_767 : i1 to vector<16xi1>
      tpu.vector_store_idx %arg5[%get3A_628], %broadcast_in_dim3A_82 masked %broadcast_in_dim3A_768 {add = true} : memref<50176xi32, #tpu.memory_space<vmem>>[vector<16xi32>], vector<16xi32>, vector<16xi1>
      %mul3A_769 = arith.constant 23 : i32
      %mul3A_770 = arith.muli %scan3A_451, %mul3A_769 : i32
      %add3A_771 = arith.constant 22 : i32
      %add3A_772 = arith.addi %mul3A_770, %add3A_771 : i32
      %ge3A_773 = arith.cmpi sge, %add3A_772, %select_n3A_47 : i32
      %broadcast_in_dim3A_774 = vector.broadcast %ge3A_773 : i1 to vector<16xi1>
      tpu.vector_store_idx %arg5[%get3A_636], %broadcast_in_dim3A_82 masked %broadcast_in_dim3A_774 {add = true} : memref<50176xi32, #tpu.memory_space<vmem>>[vector<16xi32>], vector<16xi32>, vector<16xi1>
      %scan3A_775 = arith.constant 0 : i32
      scf.yield %scan3A_775 : i32
    }
    %scan3A_104 = arith.constant 32 : i32
    %dma_wait3A_105 = arith.constant 0 : i32
    %dma_wait3A_106 = tpu.memref_slice %arg7[%dma_wait3A_105] : memref<11776xi32, #tpu.memory_space<vmem>> -> memref<11776xi32, #tpu.memory_space<vmem>>
    %dma_wait3A_107 = tpu.memref_slice %arg2[%sub3A_0, %add3A_52] : memref<2x1600000xi32, #tpu.memory_space<hbm>> -> memref<1x11776xi32, #tpu.memory_space<hbm>>
    %dma_wait3A_108 = tpu.memref_squeeze %dma_wait3A_107 : memref<1x11776xi32, #tpu.memory_space<hbm>> -> memref<11776xi32, #tpu.memory_space<hbm>>
    %dma_wait3A_109 = arith.constant 0 : i32
    %dma_wait3A_110 = tpu.memref_slice %arg7[%dma_wait3A_109] : memref<11776xi32, #tpu.memory_space<vmem>> -> memref<11776xi32, #tpu.memory_space<vmem>>
    %dma_wait3A_111 = tpu.memref_slice %arg2[%sub3A_0, %add3A_52] : memref<2x1600000xi32, #tpu.memory_space<hbm>> -> memref<1x11776xi32, #tpu.memory_space<hbm>>
    %dma_wait3A_112 = tpu.memref_squeeze %dma_wait3A_111 : memref<1x11776xi32, #tpu.memory_space<hbm>> -> memref<11776xi32, #tpu.memory_space<hbm>>
    tpu.wait_dma2 semaphore(%arg20 : memref<!tpu.dma_semaphore, #tpu.memory_space<semaphore_mem>>) src(%dma_wait3A_112 : memref<11776xi32, #tpu.memory_space<hbm>>) dst(%dma_wait3A_110 : memref<11776xi32, #tpu.memory_space<vmem>>)
    %dma_start3A_113 = arith.constant 0 : i32
    %dma_start3A_114 = tpu.memref_slice %arg6[%dma_start3A_113] : memref<11776xi32, #tpu.memory_space<vmem>> -> memref<11776xi32, #tpu.memory_space<vmem>>
    %dma_start3A_115 = tpu.memref_slice %arg2[%sub3A_0, %add3A_54] : memref<2x1600000xi32, #tpu.memory_space<hbm>> -> memref<1x11776xi32, #tpu.memory_space<hbm>>
    %dma_start3A_116 = tpu.memref_squeeze %dma_start3A_115 : memref<1x11776xi32, #tpu.memory_space<hbm>> -> memref<11776xi32, #tpu.memory_space<hbm>>
    %dma_start3A_117 = arith.constant 0 : i32
    %dma_start3A_118 = tpu.memref_slice %arg6[%dma_start3A_117] : memref<11776xi32, #tpu.memory_space<vmem>> -> memref<11776xi32, #tpu.memory_space<vmem>>
    %dma_start3A_119 = tpu.memref_slice %arg2[%sub3A_0, %add3A_54] : memref<2x1600000xi32, #tpu.memory_space<hbm>> -> memref<1x11776xi32, #tpu.memory_space<hbm>>
    %dma_start3A_120 = tpu.memref_squeeze %dma_start3A_119 : memref<1x11776xi32, #tpu.memory_space<hbm>> -> memref<11776xi32, #tpu.memory_space<hbm>>
    tpu.enqueue_dma source(%dma_start3A_120 : memref<11776xi32, #tpu.memory_space<hbm>>) target(%dma_start3A_118 : memref<11776xi32, #tpu.memory_space<vmem>>) target_semaphore(%arg19 : memref<!tpu.dma_semaphore, #tpu.memory_space<semaphore_mem>>)
    %scan3A_121 = arith.constant 0 : i32
    %scan3A_122 = arith.constant 0 : i32
    %scan3A_123 = arith.constant 32 : i32
    %scan3A_124 = arith.addi %scan3A_122, %scan3A_123 : i32
    %scan3A_125 = arith.constant 1 : i32
    %scan3A_126 = scf.for %scan3A_451 = %scan3A_122 to %scan3A_124 step %scan3A_125 iter_args(%scan3A_452 = %scan3A_121) -> (i32)  : i32 {
      %mul3A_453 = arith.constant 23 : i32
      %mul3A_454 = arith.muli %scan3A_451, %mul3A_453 : i32
      %add3A_455 = arith.constant 0 : i32
      %add3A_456 = arith.addi %mul3A_454, %add3A_455 : i32
      %mul3A_457 = arith.constant 16 : i32
      %mul3A_458 = arith.muli %add3A_456, %mul3A_457 : i32
      %get3A_459 = arith.index_cast %mul3A_458 : i32 to index
      %get3A_460 = tpu.vector_load %arg7[%get3A_459] {strides = array<i32>} : memref<11776xi32, #tpu.memory_space<vmem>>, vector<16xi32>,
      %mul3A_461 = arith.constant 23 : i32
      %mul3A_462 = arith.muli %scan3A_451, %mul3A_461 : i32
      %add3A_463 = arith.constant 1 : i32
      %add3A_464 = arith.addi %mul3A_462, %add3A_463 : i32
      %mul3A_465 = arith.constant 16 : i32
      %mul3A_466 = arith.muli %add3A_464, %mul3A_465 : i32
      %get3A_467 = arith.index_cast %mul3A_466 : i32 to index
      %get3A_468 = tpu.vector_load %arg7[%get3A_467] {strides = array<i32>} : memref<11776xi32, #tpu.memory_space<vmem>>, vector<16xi32>,
      %mul3A_469 = arith.constant 23 : i32
      %mul3A_470 = arith.muli %scan3A_451, %mul3A_469 : i32
      %add3A_471 = arith.constant 2 : i32
      %add3A_472 = arith.addi %mul3A_470, %add3A_471 : i32
      %mul3A_473 = arith.constant 16 : i32
      %mul3A_474 = arith.muli %add3A_472, %mul3A_473 : i32
      %get3A_475 = arith.index_cast %mul3A_474 : i32 to index
      %get3A_476 = tpu.vector_load %arg7[%get3A_475] {strides = array<i32>} : memref<11776xi32, #tpu.memory_space<vmem>>, vector<16xi32>,
      %mul3A_477 = arith.constant 23 : i32
      %mul3A_478 = arith.muli %scan3A_451, %mul3A_477 : i32
      %add3A_479 = arith.constant 3 : i32
      %add3A_480 = arith.addi %mul3A_478, %add3A_479 : i32
      %mul3A_481 = arith.constant 16 : i32
      %mul3A_482 = arith.muli %add3A_480, %mul3A_481 : i32
      %get3A_483 = arith.index_cast %mul3A_482 : i32 to index
      %get3A_484 = tpu.vector_load %arg7[%get3A_483] {strides = array<i32>} : memref<11776xi32, #tpu.memory_space<vmem>>, vector<16xi32>,
      %mul3A_485 = arith.constant 23 : i32
      %mul3A_486 = arith.muli %scan3A_451, %mul3A_485 : i32
      %add3A_487 = arith.constant 4 : i32
      %add3A_488 = arith.addi %mul3A_486, %add3A_487 : i32
      %mul3A_489 = arith.constant 16 : i32
      %mul3A_490 = arith.muli %add3A_488, %mul3A_489 : i32
      %get3A_491 = arith.index_cast %mul3A_490 : i32 to index
      %get3A_492 = tpu.vector_load %arg7[%get3A_491] {strides = array<i32>} : memref<11776xi32, #tpu.memory_space<vmem>>, vector<16xi32>,
      %mul3A_493 = arith.constant 23 : i32
      %mul3A_494 = arith.muli %scan3A_451, %mul3A_493 : i32
      %add3A_495 = arith.constant 5 : i32
      %add3A_496 = arith.addi %mul3A_494, %add3A_495 : i32
      %mul3A_497 = arith.constant 16 : i32
      %mul3A_498 = arith.muli %add3A_496, %mul3A_497 : i32
      %get3A_499 = arith.index_cast %mul3A_498 : i32 to index
      %get3A_500 = tpu.vector_load %arg7[%get3A_499] {strides = array<i32>} : memref<11776xi32, #tpu.memory_space<vmem>>, vector<16xi32>,
      %mul3A_501 = arith.constant 23 : i32
      %mul3A_502 = arith.muli %scan3A_451, %mul3A_501 : i32
      %add3A_503 = arith.constant 6 : i32
      %add3A_504 = arith.addi %mul3A_502, %add3A_503 : i32
      %mul3A_505 = arith.constant 16 : i32
      %mul3A_506 = arith.muli %add3A_504, %mul3A_505 : i32
      %get3A_507 = arith.index_cast %mul3A_506 : i32 to index
      %get3A_508 = tpu.vector_load %arg7[%get3A_507] {strides = array<i32>} : memref<11776xi32, #tpu.memory_space<vmem>>, vector<16xi32>,
      %mul3A_509 = arith.constant 23 : i32
      %mul3A_510 = arith.muli %scan3A_451, %mul3A_509 : i32
      %add3A_511 = arith.constant 7 : i32
      %add3A_512 = arith.addi %mul3A_510, %add3A_511 : i32
      %mul3A_513 = arith.constant 16 : i32
      %mul3A_514 = arith.muli %add3A_512, %mul3A_513 : i32
      %get3A_515 = arith.index_cast %mul3A_514 : i32 to index
      %get3A_516 = tpu.vector_load %arg7[%get3A_515] {strides = array<i32>} : memref<11776xi32, #tpu.memory_space<vmem>>, vector<16xi32>,
      %mul3A_517 = arith.constant 23 : i32
      %mul3A_518 = arith.muli %scan3A_451, %mul3A_517 : i32
      %add3A_519 = arith.constant 8 : i32
      %add3A_520 = arith.addi %mul3A_518, %add3A_519 : i32
      %mul3A_521 = arith.constant 16 : i32
      %mul3A_522 = arith.muli %add3A_520, %mul3A_521 : i32
      %get3A_523 = arith.index_cast %mul3A_522 : i32 to index
      %get3A_524 = tpu.vector_load %arg7[%get3A_523] {strides = array<i32>} : memref<11776xi32, #tpu.memory_space<vmem>>, vector<16xi32>,
      %mul3A_525 = arith.constant 23 : i32
      %mul3A_526 = arith.muli %scan3A_451, %mul3A_525 : i32
      %add3A_527 = arith.constant 9 : i32
      %add3A_528 = arith.addi %mul3A_526, %add3A_527 : i32
      %mul3A_529 = arith.constant 16 : i32
      %mul3A_530 = arith.muli %add3A_528, %mul3A_529 : i32
      %get3A_531 = arith.index_cast %mul3A_530 : i32 to index
      %get3A_532 = tpu.vector_load %arg7[%get3A_531] {strides = array<i32>} : memref<11776xi32, #tpu.memory_space<vmem>>, vector<16xi32>,
      %mul3A_533 = arith.constant 23 : i32
      %mul3A_534 = arith.muli %scan3A_451, %mul3A_533 : i32
      %add3A_535 = arith.constant 10 : i32
      %add3A_536 = arith.addi %mul3A_534, %add3A_535 : i32
      %mul3A_537 = arith.constant 16 : i32
      %mul3A_538 = arith.muli %add3A_536, %mul3A_537 : i32
      %get3A_539 = arith.index_cast %mul3A_538 : i32 to index
      %get3A_540 = tpu.vector_load %arg7[%get3A_539] {strides = array<i32>} : memref<11776xi32, #tpu.memory_space<vmem>>, vector<16xi32>,
      %mul3A_541 = arith.constant 23 : i32
      %mul3A_542 = arith.muli %scan3A_451, %mul3A_541 : i32
      %add3A_543 = arith.constant 11 : i32
      %add3A_544 = arith.addi %mul3A_542, %add3A_543 : i32
      %mul3A_545 = arith.constant 16 : i32
      %mul3A_546 = arith.muli %add3A_544, %mul3A_545 : i32
      %get3A_547 = arith.index_cast %mul3A_546 : i32 to index
      %get3A_548 = tpu.vector_load %arg7[%get3A_547] {strides = array<i32>} : memref<11776xi32, #tpu.memory_space<vmem>>, vector<16xi32>,
      %mul3A_549 = arith.constant 23 : i32
      %mul3A_550 = arith.muli %scan3A_451, %mul3A_549 : i32
      %add3A_551 = arith.constant 12 : i32
      %add3A_552 = arith.addi %mul3A_550, %add3A_551 : i32
      %mul3A_553 = arith.constant 16 : i32
      %mul3A_554 = arith.muli %add3A_552, %mul3A_553 : i32
      %get3A_555 = arith.index_cast %mul3A_554 : i32 to index
      %get3A_556 = tpu.vector_load %arg7[%get3A_555] {strides = array<i32>} : memref<11776xi32, #tpu.memory_space<vmem>>, vector<16xi32>,
      %mul3A_557 = arith.constant 23 : i32
      %mul3A_558 = arith.muli %scan3A_451, %mul3A_557 : i32
      %add3A_559 = arith.constant 13 : i32
      %add3A_560 = arith.addi %mul3A_558, %add3A_559 : i32
      %mul3A_561 = arith.constant 16 : i32
      %mul3A_562 = arith.muli %add3A_560, %mul3A_561 : i32
      %get3A_563 = arith.index_cast %mul3A_562 : i32 to index
      %get3A_564 = tpu.vector_load %arg7[%get3A_563] {strides = array<i32>} : memref<11776xi32, #tpu.memory_space<vmem>>, vector<16xi32>,
      %mul3A_565 = arith.constant 23 : i32
      %mul3A_566 = arith.muli %scan3A_451, %mul3A_565 : i32
      %add3A_567 = arith.constant 14 : i32
      %add3A_568 = arith.addi %mul3A_566, %add3A_567 : i32
      %mul3A_569 = arith.constant 16 : i32
      %mul3A_570 = arith.muli %add3A_568, %mul3A_569 : i32
      %get3A_571 = arith.index_cast %mul3A_570 : i32 to index
      %get3A_572 = tpu.vector_load %arg7[%get3A_571] {strides = array<i32>} : memref<11776xi32, #tpu.memory_space<vmem>>, vector<16xi32>,
      %mul3A_573 = arith.constant 23 : i32
      %mul3A_574 = arith.muli %scan3A_451, %mul3A_573 : i32
      %add3A_575 = arith.constant 15 : i32
      %add3A_576 = arith.addi %mul3A_574, %add3A_575 : i32
      %mul3A_577 = arith.constant 16 : i32
      %mul3A_578 = arith.muli %add3A_576, %mul3A_577 : i32
      %get3A_579 = arith.index_cast %mul3A_578 : i32 to index
      %get3A_580 = tpu.vector_load %arg7[%get3A_579] {strides = array<i32>} : memref<11776xi32, #tpu.memory_space<vmem>>, vector<16xi32>,
      %mul3A_581 = arith.constant 23 : i32
      %mul3A_582 = arith.muli %scan3A_451, %mul3A_581 : i32
      %add3A_583 = arith.constant 16 : i32
      %add3A_584 = arith.addi %mul3A_582, %add3A_583 : i32
      %mul3A_585 = arith.constant 16 : i32
      %mul3A_586 = arith.muli %add3A_584, %mul3A_585 : i32
      %get3A_587 = arith.index_cast %mul3A_586 : i32 to index
      %get3A_588 = tpu.vector_load %arg7[%get3A_587] {strides = array<i32>} : memref<11776xi32, #tpu.memory_space<vmem>>, vector<16xi32>,
      %mul3A_589 = arith.constant 23 : i32
      %mul3A_590 = arith.muli %scan3A_451, %mul3A_589 : i32
      %add3A_591 = arith.constant 17 : i32
      %add3A_592 = arith.addi %mul3A_590, %add3A_591 : i32
      %mul3A_593 = arith.constant 16 : i32
      %mul3A_594 = arith.muli %add3A_592, %mul3A_593 : i32
      %get3A_595 = arith.index_cast %mul3A_594 : i32 to index
      %get3A_596 = tpu.vector_load %arg7[%get3A_595] {strides = array<i32>} : memref<11776xi32, #tpu.memory_space<vmem>>, vector<16xi32>,
      %mul3A_597 = arith.constant 23 : i32
      %mul3A_598 = arith.muli %scan3A_451, %mul3A_597 : i32
      %add3A_599 = arith.constant 18 : i32
      %add3A_600 = arith.addi %mul3A_598, %add3A_599 : i32
      %mul3A_601 = arith.constant 16 : i32
      %mul3A_602 = arith.muli %add3A_600, %mul3A_601 : i32
      %get3A_603 = arith.index_cast %mul3A_602 : i32 to index
      %get3A_604 = tpu.vector_load %arg7[%get3A_603] {strides = array<i32>} : memref<11776xi32, #tpu.memory_space<vmem>>, vector<16xi32>,
      %mul3A_605 = arith.constant 23 : i32
      %mul3A_606 = arith.muli %scan3A_451, %mul3A_605 : i32
      %add3A_607 = arith.constant 19 : i32
      %add3A_608 = arith.addi %mul3A_606, %add3A_607 : i32
      %mul3A_609 = arith.constant 16 : i32
      %mul3A_610 = arith.muli %add3A_608, %mul3A_609 : i32
      %get3A_611 = arith.index_cast %mul3A_610 : i32 to index
      %get3A_612 = tpu.vector_load %arg7[%get3A_611] {strides = array<i32>} : memref<11776xi32, #tpu.memory_space<vmem>>, vector<16xi32>,
      %mul3A_613 = arith.constant 23 : i32
      %mul3A_614 = arith.muli %scan3A_451, %mul3A_613 : i32
      %add3A_615 = arith.constant 20 : i32
      %add3A_616 = arith.addi %mul3A_614, %add3A_615 : i32
      %mul3A_617 = arith.constant 16 : i32
      %mul3A_618 = arith.muli %add3A_616, %mul3A_617 : i32
      %get3A_619 = arith.index_cast %mul3A_618 : i32 to index
      %get3A_620 = tpu.vector_load %arg7[%get3A_619] {strides = array<i32>} : memref<11776xi32, #tpu.memory_space<vmem>>, vector<16xi32>,
      %mul3A_621 = arith.constant 23 : i32
      %mul3A_622 = arith.muli %scan3A_451, %mul3A_621 : i32
      %add3A_623 = arith.constant 21 : i32
      %add3A_624 = arith.addi %mul3A_622, %add3A_623 : i32
      %mul3A_625 = arith.constant 16 : i32
      %mul3A_626 = arith.muli %add3A_624, %mul3A_625 : i32
      %get3A_627 = arith.index_cast %mul3A_626 : i32 to index
      %get3A_628 = tpu.vector_load %arg7[%get3A_627] {strides = array<i32>} : memref<11776xi32, #tpu.memory_space<vmem>>, vector<16xi32>,
      %mul3A_629 = arith.constant 23 : i32
      %mul3A_630 = arith.muli %scan3A_451, %mul3A_629 : i32
      %add3A_631 = arith.constant 22 : i32
      %add3A_632 = arith.addi %mul3A_630, %add3A_631 : i32
      %mul3A_633 = arith.constant 16 : i32
      %mul3A_634 = arith.muli %add3A_632, %mul3A_633 : i32
      %get3A_635 = arith.index_cast %mul3A_634 : i32 to index
      %get3A_636 = tpu.vector_load %arg7[%get3A_635] {strides = array<i32>} : memref<11776xi32, #tpu.memory_space<vmem>>, vector<16xi32>,
      tpu.vector_store_idx %arg5[%get3A_460], %broadcast_in_dim3A_82 {add = true} : memref<50176xi32, #tpu.memory_space<vmem>>[vector<16xi32>], vector<16xi32>,
      tpu.vector_store_idx %arg5[%get3A_468], %broadcast_in_dim3A_82 {add = true} : memref<50176xi32, #tpu.memory_space<vmem>>[vector<16xi32>], vector<16xi32>,
      tpu.vector_store_idx %arg5[%get3A_476], %broadcast_in_dim3A_82 {add = true} : memref<50176xi32, #tpu.memory_space<vmem>>[vector<16xi32>], vector<16xi32>,
      tpu.vector_store_idx %arg5[%get3A_484], %broadcast_in_dim3A_82 {add = true} : memref<50176xi32, #tpu.memory_space<vmem>>[vector<16xi32>], vector<16xi32>,
      tpu.vector_store_idx %arg5[%get3A_492], %broadcast_in_dim3A_82 {add = true} : memref<50176xi32, #tpu.memory_space<vmem>>[vector<16xi32>], vector<16xi32>,
      tpu.vector_store_idx %arg5[%get3A_500], %broadcast_in_dim3A_82 {add = true} : memref<50176xi32, #tpu.memory_space<vmem>>[vector<16xi32>], vector<16xi32>,
      tpu.vector_store_idx %arg5[%get3A_508], %broadcast_in_dim3A_82 {add = true} : memref<50176xi32, #tpu.memory_space<vmem>>[vector<16xi32>], vector<16xi32>,
      tpu.vector_store_idx %arg5[%get3A_516], %broadcast_in_dim3A_82 {add = true} : memref<50176xi32, #tpu.memory_space<vmem>>[vector<16xi32>], vector<16xi32>,
      tpu.vector_store_idx %arg5[%get3A_524], %broadcast_in_dim3A_82 {add = true} : memref<50176xi32, #tpu.memory_space<vmem>>[vector<16xi32>], vector<16xi32>,
      tpu.vector_store_idx %arg5[%get3A_532], %broadcast_in_dim3A_82 {add = true} : memref<50176xi32, #tpu.memory_space<vmem>>[vector<16xi32>], vector<16xi32>,
      tpu.vector_store_idx %arg5[%get3A_540], %broadcast_in_dim3A_82 {add = true} : memref<50176xi32, #tpu.memory_space<vmem>>[vector<16xi32>], vector<16xi32>,
      tpu.vector_store_idx %arg5[%get3A_548], %broadcast_in_dim3A_82 {add = true} : memref<50176xi32, #tpu.memory_space<vmem>>[vector<16xi32>], vector<16xi32>,
      tpu.vector_store_idx %arg5[%get3A_556], %broadcast_in_dim3A_82 {add = true} : memref<50176xi32, #tpu.memory_space<vmem>>[vector<16xi32>], vector<16xi32>,
      tpu.vector_store_idx %arg5[%get3A_564], %broadcast_in_dim3A_82 {add = true} : memref<50176xi32, #tpu.memory_space<vmem>>[vector<16xi32>], vector<16xi32>,
      tpu.vector_store_idx %arg5[%get3A_572], %broadcast_in_dim3A_82 {add = true} : memref<50176xi32, #tpu.memory_space<vmem>>[vector<16xi32>], vector<16xi32>,
      tpu.vector_store_idx %arg5[%get3A_580], %broadcast_in_dim3A_82 {add = true} : memref<50176xi32, #tpu.memory_space<vmem>>[vector<16xi32>], vector<16xi32>,
      tpu.vector_store_idx %arg5[%get3A_588], %broadcast_in_dim3A_82 {add = true} : memref<50176xi32, #tpu.memory_space<vmem>>[vector<16xi32>], vector<16xi32>,
      tpu.vector_store_idx %arg5[%get3A_596], %broadcast_in_dim3A_82 {add = true} : memref<50176xi32, #tpu.memory_space<vmem>>[vector<16xi32>], vector<16xi32>,
      tpu.vector_store_idx %arg5[%get3A_604], %broadcast_in_dim3A_82 {add = true} : memref<50176xi32, #tpu.memory_space<vmem>>[vector<16xi32>], vector<16xi32>,
      tpu.vector_store_idx %arg5[%get3A_612], %broadcast_in_dim3A_82 {add = true} : memref<50176xi32, #tpu.memory_space<vmem>>[vector<16xi32>], vector<16xi32>,
      tpu.vector_store_idx %arg5[%get3A_620], %broadcast_in_dim3A_82 {add = true} : memref<50176xi32, #tpu.memory_space<vmem>>[vector<16xi32>], vector<16xi32>,
      tpu.vector_store_idx %arg5[%get3A_628], %broadcast_in_dim3A_82 {add = true} : memref<50176xi32, #tpu.memory_space<vmem>>[vector<16xi32>], vector<16xi32>,
      tpu.vector_store_idx %arg5[%get3A_636], %broadcast_in_dim3A_82 {add = true} : memref<50176xi32, #tpu.memory_space<vmem>>[vector<16xi32>], vector<16xi32>,
      %scan3A_637 = arith.constant 0 : i32
      scf.yield %scan3A_637 : i32
    }
    %scan3A_127 = arith.constant 32 : i32
    %dma_wait3A_128 = arith.constant 0 : i32
    %dma_wait3A_129 = tpu.memref_slice %arg6[%dma_wait3A_128] : memref<11776xi32, #tpu.memory_space<vmem>> -> memref<11776xi32, #tpu.memory_space<vmem>>
    %dma_wait3A_130 = tpu.memref_slice %arg2[%sub3A_0, %add3A_54] : memref<2x1600000xi32, #tpu.memory_space<hbm>> -> memref<1x11776xi32, #tpu.memory_space<hbm>>
    %dma_wait3A_131 = tpu.memref_squeeze %dma_wait3A_130 : memref<1x11776xi32, #tpu.memory_space<hbm>> -> memref<11776xi32, #tpu.memory_space<hbm>>
    %dma_wait3A_132 = arith.constant 0 : i32
    %dma_wait3A_133 = tpu.memref_slice %arg6[%dma_wait3A_132] : memref<11776xi32, #tpu.memory_space<vmem>> -> memref<11776xi32, #tpu.memory_space<vmem>>
    %dma_wait3A_134 = tpu.memref_slice %arg2[%sub3A_0, %add3A_54] : memref<2x1600000xi32, #tpu.memory_space<hbm>> -> memref<1x11776xi32, #tpu.memory_space<hbm>>
    %dma_wait3A_135 = tpu.memref_squeeze %dma_wait3A_134 : memref<1x11776xi32, #tpu.memory_space<hbm>> -> memref<11776xi32, #tpu.memory_space<hbm>>
    tpu.wait_dma2 semaphore(%arg19 : memref<!tpu.dma_semaphore, #tpu.memory_space<semaphore_mem>>) src(%dma_wait3A_135 : memref<11776xi32, #tpu.memory_space<hbm>>) dst(%dma_wait3A_133 : memref<11776xi32, #tpu.memory_space<vmem>>)
    %dma_start3A_136 = arith.constant 0 : i32
    %dma_start3A_137 = tpu.memref_slice %arg7[%dma_start3A_136] : memref<11776xi32, #tpu.memory_space<vmem>> -> memref<11776xi32, #tpu.memory_space<vmem>>
    %dma_start3A_138 = tpu.memref_slice %arg2[%sub3A_0, %add3A_56] : memref<2x1600000xi32, #tpu.memory_space<hbm>> -> memref<1x11776xi32, #tpu.memory_space<hbm>>
    %dma_start3A_139 = tpu.memref_squeeze %dma_start3A_138 : memref<1x11776xi32, #tpu.memory_space<hbm>> -> memref<11776xi32, #tpu.memory_space<hbm>>
    %dma_start3A_140 = arith.constant 0 : i32
    %dma_start3A_141 = tpu.memref_slice %arg7[%dma_start3A_140] : memref<11776xi32, #tpu.memory_space<vmem>> -> memref<11776xi32, #tpu.memory_space<vmem>>
    %dma_start3A_142 = tpu.memref_slice %arg2[%sub3A_0, %add3A_56] : memref<2x1600000xi32, #tpu.memory_space<hbm>> -> memref<1x11776xi32, #tpu.memory_space<hbm>>
    %dma_start3A_143 = tpu.memref_squeeze %dma_start3A_142 : memref<1x11776xi32, #tpu.memory_space<hbm>> -> memref<11776xi32, #tpu.memory_space<hbm>>
    tpu.enqueue_dma source(%dma_start3A_143 : memref<11776xi32, #tpu.memory_space<hbm>>) target(%dma_start3A_141 : memref<11776xi32, #tpu.memory_space<vmem>>) target_semaphore(%arg20 : memref<!tpu.dma_semaphore, #tpu.memory_space<semaphore_mem>>)
    %scan3A_144 = arith.constant 0 : i32
    %scan3A_145 = arith.constant 0 : i32
    %scan3A_146 = arith.constant 32 : i32
    %scan3A_147 = arith.addi %scan3A_145, %scan3A_146 : i32
    %scan3A_148 = arith.constant 1 : i32
    %scan3A_149 = scf.for %scan3A_451 = %scan3A_145 to %scan3A_147 step %scan3A_148 iter_args(%scan3A_452 = %scan3A_144) -> (i32)  : i32 {
      %mul3A_453 = arith.constant 23 : i32
      %mul3A_454 = arith.muli %scan3A_451, %mul3A_453 : i32
      %add3A_455 = arith.constant 0 : i32
      %add3A_456 = arith.addi %mul3A_454, %add3A_455 : i32
      %mul3A_457 = arith.constant 16 : i32
      %mul3A_458 = arith.muli %add3A_456, %mul3A_457 : i32
      %get3A_459 = arith.index_cast %mul3A_458 : i32 to index
      %get3A_460 = tpu.vector_load %arg6[%get3A_459] {strides = array<i32>} : memref<11776xi32, #tpu.memory_space<vmem>>, vector<16xi32>,
      %mul3A_461 = arith.constant 23 : i32
      %mul3A_462 = arith.muli %scan3A_451, %mul3A_461 : i32
      %add3A_463 = arith.constant 1 : i32
      %add3A_464 = arith.addi %mul3A_462, %add3A_463 : i32
      %mul3A_465 = arith.constant 16 : i32
      %mul3A_466 = arith.muli %add3A_464, %mul3A_465 : i32
      %get3A_467 = arith.index_cast %mul3A_466 : i32 to index
      %get3A_468 = tpu.vector_load %arg6[%get3A_467] {strides = array<i32>} : memref<11776xi32, #tpu.memory_space<vmem>>, vector<16xi32>,
      %mul3A_469 = arith.constant 23 : i32
      %mul3A_470 = arith.muli %scan3A_451, %mul3A_469 : i32
      %add3A_471 = arith.constant 2 : i32
      %add3A_472 = arith.addi %mul3A_470, %add3A_471 : i32
      %mul3A_473 = arith.constant 16 : i32
      %mul3A_474 = arith.muli %add3A_472, %mul3A_473 : i32
      %get3A_475 = arith.index_cast %mul3A_474 : i32 to index
      %get3A_476 = tpu.vector_load %arg6[%get3A_475] {strides = array<i32>} : memref<11776xi32, #tpu.memory_space<vmem>>, vector<16xi32>,
      %mul3A_477 = arith.constant 23 : i32
      %mul3A_478 = arith.muli %scan3A_451, %mul3A_477 : i32
      %add3A_479 = arith.constant 3 : i32
      %add3A_480 = arith.addi %mul3A_478, %add3A_479 : i32
      %mul3A_481 = arith.constant 16 : i32
      %mul3A_482 = arith.muli %add3A_480, %mul3A_481 : i32
      %get3A_483 = arith.index_cast %mul3A_482 : i32 to index
      %get3A_484 = tpu.vector_load %arg6[%get3A_483] {strides = array<i32>} : memref<11776xi32, #tpu.memory_space<vmem>>, vector<16xi32>,
      %mul3A_485 = arith.constant 23 : i32
      %mul3A_486 = arith.muli %scan3A_451, %mul3A_485 : i32
      %add3A_487 = arith.constant 4 : i32
      %add3A_488 = arith.addi %mul3A_486, %add3A_487 : i32
      %mul3A_489 = arith.constant 16 : i32
      %mul3A_490 = arith.muli %add3A_488, %mul3A_489 : i32
      %get3A_491 = arith.index_cast %mul3A_490 : i32 to index
      %get3A_492 = tpu.vector_load %arg6[%get3A_491] {strides = array<i32>} : memref<11776xi32, #tpu.memory_space<vmem>>, vector<16xi32>,
      %mul3A_493 = arith.constant 23 : i32
      %mul3A_494 = arith.muli %scan3A_451, %mul3A_493 : i32
      %add3A_495 = arith.constant 5 : i32
      %add3A_496 = arith.addi %mul3A_494, %add3A_495 : i32
      %mul3A_497 = arith.constant 16 : i32
      %mul3A_498 = arith.muli %add3A_496, %mul3A_497 : i32
      %get3A_499 = arith.index_cast %mul3A_498 : i32 to index
      %get3A_500 = tpu.vector_load %arg6[%get3A_499] {strides = array<i32>} : memref<11776xi32, #tpu.memory_space<vmem>>, vector<16xi32>,
      %mul3A_501 = arith.constant 23 : i32
      %mul3A_502 = arith.muli %scan3A_451, %mul3A_501 : i32
      %add3A_503 = arith.constant 6 : i32
      %add3A_504 = arith.addi %mul3A_502, %add3A_503 : i32
      %mul3A_505 = arith.constant 16 : i32
      %mul3A_506 = arith.muli %add3A_504, %mul3A_505 : i32
      %get3A_507 = arith.index_cast %mul3A_506 : i32 to index
      %get3A_508 = tpu.vector_load %arg6[%get3A_507] {strides = array<i32>} : memref<11776xi32, #tpu.memory_space<vmem>>, vector<16xi32>,
      %mul3A_509 = arith.constant 23 : i32
      %mul3A_510 = arith.muli %scan3A_451, %mul3A_509 : i32
      %add3A_511 = arith.constant 7 : i32
      %add3A_512 = arith.addi %mul3A_510, %add3A_511 : i32
      %mul3A_513 = arith.constant 16 : i32
      %mul3A_514 = arith.muli %add3A_512, %mul3A_513 : i32
      %get3A_515 = arith.index_cast %mul3A_514 : i32 to index
      %get3A_516 = tpu.vector_load %arg6[%get3A_515] {strides = array<i32>} : memref<11776xi32, #tpu.memory_space<vmem>>, vector<16xi32>,
      %mul3A_517 = arith.constant 23 : i32
      %mul3A_518 = arith.muli %scan3A_451, %mul3A_517 : i32
      %add3A_519 = arith.constant 8 : i32
      %add3A_520 = arith.addi %mul3A_518, %add3A_519 : i32
      %mul3A_521 = arith.constant 16 : i32
      %mul3A_522 = arith.muli %add3A_520, %mul3A_521 : i32
      %get3A_523 = arith.index_cast %mul3A_522 : i32 to index
      %get3A_524 = tpu.vector_load %arg6[%get3A_523] {strides = array<i32>} : memref<11776xi32, #tpu.memory_space<vmem>>, vector<16xi32>,
      %mul3A_525 = arith.constant 23 : i32
      %mul3A_526 = arith.muli %scan3A_451, %mul3A_525 : i32
      %add3A_527 = arith.constant 9 : i32
      %add3A_528 = arith.addi %mul3A_526, %add3A_527 : i32
      %mul3A_529 = arith.constant 16 : i32
      %mul3A_530 = arith.muli %add3A_528, %mul3A_529 : i32
      %get3A_531 = arith.index_cast %mul3A_530 : i32 to index
      %get3A_532 = tpu.vector_load %arg6[%get3A_531] {strides = array<i32>} : memref<11776xi32, #tpu.memory_space<vmem>>, vector<16xi32>,
      %mul3A_533 = arith.constant 23 : i32
      %mul3A_534 = arith.muli %scan3A_451, %mul3A_533 : i32
      %add3A_535 = arith.constant 10 : i32
      %add3A_536 = arith.addi %mul3A_534, %add3A_535 : i32
      %mul3A_537 = arith.constant 16 : i32
      %mul3A_538 = arith.muli %add3A_536, %mul3A_537 : i32
      %get3A_539 = arith.index_cast %mul3A_538 : i32 to index
      %get3A_540 = tpu.vector_load %arg6[%get3A_539] {strides = array<i32>} : memref<11776xi32, #tpu.memory_space<vmem>>, vector<16xi32>,
      %mul3A_541 = arith.constant 23 : i32
      %mul3A_542 = arith.muli %scan3A_451, %mul3A_541 : i32
      %add3A_543 = arith.constant 11 : i32
      %add3A_544 = arith.addi %mul3A_542, %add3A_543 : i32
      %mul3A_545 = arith.constant 16 : i32
      %mul3A_546 = arith.muli %add3A_544, %mul3A_545 : i32
      %get3A_547 = arith.index_cast %mul3A_546 : i32 to index
      %get3A_548 = tpu.vector_load %arg6[%get3A_547] {strides = array<i32>} : memref<11776xi32, #tpu.memory_space<vmem>>, vector<16xi32>,
      %mul3A_549 = arith.constant 23 : i32
      %mul3A_550 = arith.muli %scan3A_451, %mul3A_549 : i32
      %add3A_551 = arith.constant 12 : i32
      %add3A_552 = arith.addi %mul3A_550, %add3A_551 : i32
      %mul3A_553 = arith.constant 16 : i32
      %mul3A_554 = arith.muli %add3A_552, %mul3A_553 : i32
      %get3A_555 = arith.index_cast %mul3A_554 : i32 to index
      %get3A_556 = tpu.vector_load %arg6[%get3A_555] {strides = array<i32>} : memref<11776xi32, #tpu.memory_space<vmem>>, vector<16xi32>,
      %mul3A_557 = arith.constant 23 : i32
      %mul3A_558 = arith.muli %scan3A_451, %mul3A_557 : i32
      %add3A_559 = arith.constant 13 : i32
      %add3A_560 = arith.addi %mul3A_558, %add3A_559 : i32
      %mul3A_561 = arith.constant 16 : i32
      %mul3A_562 = arith.muli %add3A_560, %mul3A_561 : i32
      %get3A_563 = arith.index_cast %mul3A_562 : i32 to index
      %get3A_564 = tpu.vector_load %arg6[%get3A_563] {strides = array<i32>} : memref<11776xi32, #tpu.memory_space<vmem>>, vector<16xi32>,
      %mul3A_565 = arith.constant 23 : i32
      %mul3A_566 = arith.muli %scan3A_451, %mul3A_565 : i32
      %add3A_567 = arith.constant 14 : i32
      %add3A_568 = arith.addi %mul3A_566, %add3A_567 : i32
      %mul3A_569 = arith.constant 16 : i32
      %mul3A_570 = arith.muli %add3A_568, %mul3A_569 : i32
      %get3A_571 = arith.index_cast %mul3A_570 : i32 to index
      %get3A_572 = tpu.vector_load %arg6[%get3A_571] {strides = array<i32>} : memref<11776xi32, #tpu.memory_space<vmem>>, vector<16xi32>,
      %mul3A_573 = arith.constant 23 : i32
      %mul3A_574 = arith.muli %scan3A_451, %mul3A_573 : i32
      %add3A_575 = arith.constant 15 : i32
      %add3A_576 = arith.addi %mul3A_574, %add3A_575 : i32
      %mul3A_577 = arith.constant 16 : i32
      %mul3A_578 = arith.muli %add3A_576, %mul3A_577 : i32
      %get3A_579 = arith.index_cast %mul3A_578 : i32 to index
      %get3A_580 = tpu.vector_load %arg6[%get3A_579] {strides = array<i32>} : memref<11776xi32, #tpu.memory_space<vmem>>, vector<16xi32>,
      %mul3A_581 = arith.constant 23 : i32
      %mul3A_582 = arith.muli %scan3A_451, %mul3A_581 : i32
      %add3A_583 = arith.constant 16 : i32
      %add3A_584 = arith.addi %mul3A_582, %add3A_583 : i32
      %mul3A_585 = arith.constant 16 : i32
      %mul3A_586 = arith.muli %add3A_584, %mul3A_585 : i32
      %get3A_587 = arith.index_cast %mul3A_586 : i32 to index
      %get3A_588 = tpu.vector_load %arg6[%get3A_587] {strides = array<i32>} : memref<11776xi32, #tpu.memory_space<vmem>>, vector<16xi32>,
      %mul3A_589 = arith.constant 23 : i32
      %mul3A_590 = arith.muli %scan3A_451, %mul3A_589 : i32
      %add3A_591 = arith.constant 17 : i32
      %add3A_592 = arith.addi %mul3A_590, %add3A_591 : i32
      %mul3A_593 = arith.constant 16 : i32
      %mul3A_594 = arith.muli %add3A_592, %mul3A_593 : i32
      %get3A_595 = arith.index_cast %mul3A_594 : i32 to index
      %get3A_596 = tpu.vector_load %arg6[%get3A_595] {strides = array<i32>} : memref<11776xi32, #tpu.memory_space<vmem>>, vector<16xi32>,
      %mul3A_597 = arith.constant 23 : i32
      %mul3A_598 = arith.muli %scan3A_451, %mul3A_597 : i32
      %add3A_599 = arith.constant 18 : i32
      %add3A_600 = arith.addi %mul3A_598, %add3A_599 : i32
      %mul3A_601 = arith.constant 16 : i32
      %mul3A_602 = arith.muli %add3A_600, %mul3A_601 : i32
      %get3A_603 = arith.index_cast %mul3A_602 : i32 to index
      %get3A_604 = tpu.vector_load %arg6[%get3A_603] {strides = array<i32>} : memref<11776xi32, #tpu.memory_space<vmem>>, vector<16xi32>,
      %mul3A_605 = arith.constant 23 : i32
      %mul3A_606 = arith.muli %scan3A_451, %mul3A_605 : i32
      %add3A_607 = arith.constant 19 : i32
      %add3A_608 = arith.addi %mul3A_606, %add3A_607 : i32
      %mul3A_609 = arith.constant 16 : i32
      %mul3A_610 = arith.muli %add3A_608, %mul3A_609 : i32
      %get3A_611 = arith.index_cast %mul3A_610 : i32 to index
      %get3A_612 = tpu.vector_load %arg6[%get3A_611] {strides = array<i32>} : memref<11776xi32, #tpu.memory_space<vmem>>, vector<16xi32>,
      %mul3A_613 = arith.constant 23 : i32
      %mul3A_614 = arith.muli %scan3A_451, %mul3A_613 : i32
      %add3A_615 = arith.constant 20 : i32
      %add3A_616 = arith.addi %mul3A_614, %add3A_615 : i32
      %mul3A_617 = arith.constant 16 : i32
      %mul3A_618 = arith.muli %add3A_616, %mul3A_617 : i32
      %get3A_619 = arith.index_cast %mul3A_618 : i32 to index
      %get3A_620 = tpu.vector_load %arg6[%get3A_619] {strides = array<i32>} : memref<11776xi32, #tpu.memory_space<vmem>>, vector<16xi32>,
      %mul3A_621 = arith.constant 23 : i32
      %mul3A_622 = arith.muli %scan3A_451, %mul3A_621 : i32
      %add3A_623 = arith.constant 21 : i32
      %add3A_624 = arith.addi %mul3A_622, %add3A_623 : i32
      %mul3A_625 = arith.constant 16 : i32
      %mul3A_626 = arith.muli %add3A_624, %mul3A_625 : i32
      %get3A_627 = arith.index_cast %mul3A_626 : i32 to index
      %get3A_628 = tpu.vector_load %arg6[%get3A_627] {strides = array<i32>} : memref<11776xi32, #tpu.memory_space<vmem>>, vector<16xi32>,
      %mul3A_629 = arith.constant 23 : i32
      %mul3A_630 = arith.muli %scan3A_451, %mul3A_629 : i32
      %add3A_631 = arith.constant 22 : i32
      %add3A_632 = arith.addi %mul3A_630, %add3A_631 : i32
      %mul3A_633 = arith.constant 16 : i32
      %mul3A_634 = arith.muli %add3A_632, %mul3A_633 : i32
      %get3A_635 = arith.index_cast %mul3A_634 : i32 to index
      %get3A_636 = tpu.vector_load %arg6[%get3A_635] {strides = array<i32>} : memref<11776xi32, #tpu.memory_space<vmem>>, vector<16xi32>,
      tpu.vector_store_idx %arg5[%get3A_460], %broadcast_in_dim3A_82 {add = true} : memref<50176xi32, #tpu.memory_space<vmem>>[vector<16xi32>], vector<16xi32>,
      tpu.vector_store_idx %arg5[%get3A_468], %broadcast_in_dim3A_82 {add = true} : memref<50176xi32, #tpu.memory_space<vmem>>[vector<16xi32>], vector<16xi32>,
      tpu.vector_store_idx %arg5[%get3A_476], %broadcast_in_dim3A_82 {add = true} : memref<50176xi32, #tpu.memory_space<vmem>>[vector<16xi32>], vector<16xi32>,
      tpu.vector_store_idx %arg5[%get3A_484], %broadcast_in_dim3A_82 {add = true} : memref<50176xi32, #tpu.memory_space<vmem>>[vector<16xi32>], vector<16xi32>,
      tpu.vector_store_idx %arg5[%get3A_492], %broadcast_in_dim3A_82 {add = true} : memref<50176xi32, #tpu.memory_space<vmem>>[vector<16xi32>], vector<16xi32>,
      tpu.vector_store_idx %arg5[%get3A_500], %broadcast_in_dim3A_82 {add = true} : memref<50176xi32, #tpu.memory_space<vmem>>[vector<16xi32>], vector<16xi32>,
      tpu.vector_store_idx %arg5[%get3A_508], %broadcast_in_dim3A_82 {add = true} : memref<50176xi32, #tpu.memory_space<vmem>>[vector<16xi32>], vector<16xi32>,
      tpu.vector_store_idx %arg5[%get3A_516], %broadcast_in_dim3A_82 {add = true} : memref<50176xi32, #tpu.memory_space<vmem>>[vector<16xi32>], vector<16xi32>,
      tpu.vector_store_idx %arg5[%get3A_524], %broadcast_in_dim3A_82 {add = true} : memref<50176xi32, #tpu.memory_space<vmem>>[vector<16xi32>], vector<16xi32>,
      tpu.vector_store_idx %arg5[%get3A_532], %broadcast_in_dim3A_82 {add = true} : memref<50176xi32, #tpu.memory_space<vmem>>[vector<16xi32>], vector<16xi32>,
      tpu.vector_store_idx %arg5[%get3A_540], %broadcast_in_dim3A_82 {add = true} : memref<50176xi32, #tpu.memory_space<vmem>>[vector<16xi32>], vector<16xi32>,
      tpu.vector_store_idx %arg5[%get3A_548], %broadcast_in_dim3A_82 {add = true} : memref<50176xi32, #tpu.memory_space<vmem>>[vector<16xi32>], vector<16xi32>,
      tpu.vector_store_idx %arg5[%get3A_556], %broadcast_in_dim3A_82 {add = true} : memref<50176xi32, #tpu.memory_space<vmem>>[vector<16xi32>], vector<16xi32>,
      tpu.vector_store_idx %arg5[%get3A_564], %broadcast_in_dim3A_82 {add = true} : memref<50176xi32, #tpu.memory_space<vmem>>[vector<16xi32>], vector<16xi32>,
      tpu.vector_store_idx %arg5[%get3A_572], %broadcast_in_dim3A_82 {add = true} : memref<50176xi32, #tpu.memory_space<vmem>>[vector<16xi32>], vector<16xi32>,
      tpu.vector_store_idx %arg5[%get3A_580], %broadcast_in_dim3A_82 {add = true} : memref<50176xi32, #tpu.memory_space<vmem>>[vector<16xi32>], vector<16xi32>,
      tpu.vector_store_idx %arg5[%get3A_588], %broadcast_in_dim3A_82 {add = true} : memref<50176xi32, #tpu.memory_space<vmem>>[vector<16xi32>], vector<16xi32>,
      tpu.vector_store_idx %arg5[%get3A_596], %broadcast_in_dim3A_82 {add = true} : memref<50176xi32, #tpu.memory_space<vmem>>[vector<16xi32>], vector<16xi32>,
      tpu.vector_store_idx %arg5[%get3A_604], %broadcast_in_dim3A_82 {add = true} : memref<50176xi32, #tpu.memory_space<vmem>>[vector<16xi32>], vector<16xi32>,
      tpu.vector_store_idx %arg5[%get3A_612], %broadcast_in_dim3A_82 {add = true} : memref<50176xi32, #tpu.memory_space<vmem>>[vector<16xi32>], vector<16xi32>,
      tpu.vector_store_idx %arg5[%get3A_620], %broadcast_in_dim3A_82 {add = true} : memref<50176xi32, #tpu.memory_space<vmem>>[vector<16xi32>], vector<16xi32>,
      tpu.vector_store_idx %arg5[%get3A_628], %broadcast_in_dim3A_82 {add = true} : memref<50176xi32, #tpu.memory_space<vmem>>[vector<16xi32>], vector<16xi32>,
      tpu.vector_store_idx %arg5[%get3A_636], %broadcast_in_dim3A_82 {add = true} : memref<50176xi32, #tpu.memory_space<vmem>>[vector<16xi32>], vector<16xi32>,
      %scan3A_637 = arith.constant 0 : i32
      scf.yield %scan3A_637 : i32
    }
    %scan3A_150 = arith.constant 32 : i32
    %dma_wait3A_151 = arith.constant 0 : i32
    %dma_wait3A_152 = tpu.memref_slice %arg7[%dma_wait3A_151] : memref<11776xi32, #tpu.memory_space<vmem>> -> memref<11776xi32, #tpu.memory_space<vmem>>
    %dma_wait3A_153 = tpu.memref_slice %arg2[%sub3A_0, %add3A_56] : memref<2x1600000xi32, #tpu.memory_space<hbm>> -> memref<1x11776xi32, #tpu.memory_space<hbm>>
    %dma_wait3A_154 = tpu.memref_squeeze %dma_wait3A_153 : memref<1x11776xi32, #tpu.memory_space<hbm>> -> memref<11776xi32, #tpu.memory_space<hbm>>
    %dma_wait3A_155 = arith.constant 0 : i32
    %dma_wait3A_156 = tpu.memref_slice %arg7[%dma_wait3A_155] : memref<11776xi32, #tpu.memory_space<vmem>> -> memref<11776xi32, #tpu.memory_space<vmem>>
    %dma_wait3A_157 = tpu.memref_slice %arg2[%sub3A_0, %add3A_56] : memref<2x1600000xi32, #tpu.memory_space<hbm>> -> memref<1x11776xi32, #tpu.memory_space<hbm>>
    %dma_wait3A_158 = tpu.memref_squeeze %dma_wait3A_157 : memref<1x11776xi32, #tpu.memory_space<hbm>> -> memref<11776xi32, #tpu.memory_space<hbm>>
    tpu.wait_dma2 semaphore(%arg20 : memref<!tpu.dma_semaphore, #tpu.memory_space<semaphore_mem>>) src(%dma_wait3A_158 : memref<11776xi32, #tpu.memory_space<hbm>>) dst(%dma_wait3A_156 : memref<11776xi32, #tpu.memory_space<vmem>>)
    %dma_start3A_159 = arith.constant 0 : i32
    %dma_start3A_160 = tpu.memref_slice %arg6[%dma_start3A_159] : memref<11776xi32, #tpu.memory_space<vmem>> -> memref<11776xi32, #tpu.memory_space<vmem>>
    %dma_start3A_161 = tpu.memref_slice %arg2[%sub3A_0, %add3A_58] : memref<2x1600000xi32, #tpu.memory_space<hbm>> -> memref<1x11776xi32, #tpu.memory_space<hbm>>
    %dma_start3A_162 = tpu.memref_squeeze %dma_start3A_161 : memref<1x11776xi32, #tpu.memory_space<hbm>> -> memref<11776xi32, #tpu.memory_space<hbm>>
    %dma_start3A_163 = arith.constant 0 : i32
    %dma_start3A_164 = tpu.memref_slice %arg6[%dma_start3A_163] : memref<11776xi32, #tpu.memory_space<vmem>> -> memref<11776xi32, #tpu.memory_space<vmem>>
    %dma_start3A_165 = tpu.memref_slice %arg2[%sub3A_0, %add3A_58] : memref<2x1600000xi32, #tpu.memory_space<hbm>> -> memref<1x11776xi32, #tpu.memory_space<hbm>>
    %dma_start3A_166 = tpu.memref_squeeze %dma_start3A_165 : memref<1x11776xi32, #tpu.memory_space<hbm>> -> memref<11776xi32, #tpu.memory_space<hbm>>
    tpu.enqueue_dma source(%dma_start3A_166 : memref<11776xi32, #tpu.memory_space<hbm>>) target(%dma_start3A_164 : memref<11776xi32, #tpu.memory_space<vmem>>) target_semaphore(%arg19 : memref<!tpu.dma_semaphore, #tpu.memory_space<semaphore_mem>>)
    %scan3A_167 = arith.constant 0 : i32
    %scan3A_168 = arith.constant 0 : i32
    %scan3A_169 = arith.constant 32 : i32
    %scan3A_170 = arith.addi %scan3A_168, %scan3A_169 : i32
    %scan3A_171 = arith.constant 1 : i32
    %scan3A_172 = scf.for %scan3A_451 = %scan3A_168 to %scan3A_170 step %scan3A_171 iter_args(%scan3A_452 = %scan3A_167) -> (i32)  : i32 {
      %mul3A_453 = arith.constant 23 : i32
      %mul3A_454 = arith.muli %scan3A_451, %mul3A_453 : i32
      %add3A_455 = arith.constant 0 : i32
      %add3A_456 = arith.addi %mul3A_454, %add3A_455 : i32
      %mul3A_457 = arith.constant 16 : i32
      %mul3A_458 = arith.muli %add3A_456, %mul3A_457 : i32
      %get3A_459 = arith.index_cast %mul3A_458 : i32 to index
      %get3A_460 = tpu.vector_load %arg7[%get3A_459] {strides = array<i32>} : memref<11776xi32, #tpu.memory_space<vmem>>, vector<16xi32>,
      %mul3A_461 = arith.constant 23 : i32
      %mul3A_462 = arith.muli %scan3A_451, %mul3A_461 : i32
      %add3A_463 = arith.constant 1 : i32
      %add3A_464 = arith.addi %mul3A_462, %add3A_463 : i32
      %mul3A_465 = arith.constant 16 : i32
      %mul3A_466 = arith.muli %add3A_464, %mul3A_465 : i32
      %get3A_467 = arith.index_cast %mul3A_466 : i32 to index
      %get3A_468 = tpu.vector_load %arg7[%get3A_467] {strides = array<i32>} : memref<11776xi32, #tpu.memory_space<vmem>>, vector<16xi32>,
      %mul3A_469 = arith.constant 23 : i32
      %mul3A_470 = arith.muli %scan3A_451, %mul3A_469 : i32
      %add3A_471 = arith.constant 2 : i32
      %add3A_472 = arith.addi %mul3A_470, %add3A_471 : i32
      %mul3A_473 = arith.constant 16 : i32
      %mul3A_474 = arith.muli %add3A_472, %mul3A_473 : i32
      %get3A_475 = arith.index_cast %mul3A_474 : i32 to index
      %get3A_476 = tpu.vector_load %arg7[%get3A_475] {strides = array<i32>} : memref<11776xi32, #tpu.memory_space<vmem>>, vector<16xi32>,
      %mul3A_477 = arith.constant 23 : i32
      %mul3A_478 = arith.muli %scan3A_451, %mul3A_477 : i32
      %add3A_479 = arith.constant 3 : i32
      %add3A_480 = arith.addi %mul3A_478, %add3A_479 : i32
      %mul3A_481 = arith.constant 16 : i32
      %mul3A_482 = arith.muli %add3A_480, %mul3A_481 : i32
      %get3A_483 = arith.index_cast %mul3A_482 : i32 to index
      %get3A_484 = tpu.vector_load %arg7[%get3A_483] {strides = array<i32>} : memref<11776xi32, #tpu.memory_space<vmem>>, vector<16xi32>,
      %mul3A_485 = arith.constant 23 : i32
      %mul3A_486 = arith.muli %scan3A_451, %mul3A_485 : i32
      %add3A_487 = arith.constant 4 : i32
      %add3A_488 = arith.addi %mul3A_486, %add3A_487 : i32
      %mul3A_489 = arith.constant 16 : i32
      %mul3A_490 = arith.muli %add3A_488, %mul3A_489 : i32
      %get3A_491 = arith.index_cast %mul3A_490 : i32 to index
      %get3A_492 = tpu.vector_load %arg7[%get3A_491] {strides = array<i32>} : memref<11776xi32, #tpu.memory_space<vmem>>, vector<16xi32>,
      %mul3A_493 = arith.constant 23 : i32
      %mul3A_494 = arith.muli %scan3A_451, %mul3A_493 : i32
      %add3A_495 = arith.constant 5 : i32
      %add3A_496 = arith.addi %mul3A_494, %add3A_495 : i32
      %mul3A_497 = arith.constant 16 : i32
      %mul3A_498 = arith.muli %add3A_496, %mul3A_497 : i32
      %get3A_499 = arith.index_cast %mul3A_498 : i32 to index
      %get3A_500 = tpu.vector_load %arg7[%get3A_499] {strides = array<i32>} : memref<11776xi32, #tpu.memory_space<vmem>>, vector<16xi32>,
      %mul3A_501 = arith.constant 23 : i32
      %mul3A_502 = arith.muli %scan3A_451, %mul3A_501 : i32
      %add3A_503 = arith.constant 6 : i32
      %add3A_504 = arith.addi %mul3A_502, %add3A_503 : i32
      %mul3A_505 = arith.constant 16 : i32
      %mul3A_506 = arith.muli %add3A_504, %mul3A_505 : i32
      %get3A_507 = arith.index_cast %mul3A_506 : i32 to index
      %get3A_508 = tpu.vector_load %arg7[%get3A_507] {strides = array<i32>} : memref<11776xi32, #tpu.memory_space<vmem>>, vector<16xi32>,
      %mul3A_509 = arith.constant 23 : i32
      %mul3A_510 = arith.muli %scan3A_451, %mul3A_509 : i32
      %add3A_511 = arith.constant 7 : i32
      %add3A_512 = arith.addi %mul3A_510, %add3A_511 : i32
      %mul3A_513 = arith.constant 16 : i32
      %mul3A_514 = arith.muli %add3A_512, %mul3A_513 : i32
      %get3A_515 = arith.index_cast %mul3A_514 : i32 to index
      %get3A_516 = tpu.vector_load %arg7[%get3A_515] {strides = array<i32>} : memref<11776xi32, #tpu.memory_space<vmem>>, vector<16xi32>,
      %mul3A_517 = arith.constant 23 : i32
      %mul3A_518 = arith.muli %scan3A_451, %mul3A_517 : i32
      %add3A_519 = arith.constant 8 : i32
      %add3A_520 = arith.addi %mul3A_518, %add3A_519 : i32
      %mul3A_521 = arith.constant 16 : i32
      %mul3A_522 = arith.muli %add3A_520, %mul3A_521 : i32
      %get3A_523 = arith.index_cast %mul3A_522 : i32 to index
      %get3A_524 = tpu.vector_load %arg7[%get3A_523] {strides = array<i32>} : memref<11776xi32, #tpu.memory_space<vmem>>, vector<16xi32>,
      %mul3A_525 = arith.constant 23 : i32
      %mul3A_526 = arith.muli %scan3A_451, %mul3A_525 : i32
      %add3A_527 = arith.constant 9 : i32
      %add3A_528 = arith.addi %mul3A_526, %add3A_527 : i32
      %mul3A_529 = arith.constant 16 : i32
      %mul3A_530 = arith.muli %add3A_528, %mul3A_529 : i32
      %get3A_531 = arith.index_cast %mul3A_530 : i32 to index
      %get3A_532 = tpu.vector_load %arg7[%get3A_531] {strides = array<i32>} : memref<11776xi32, #tpu.memory_space<vmem>>, vector<16xi32>,
      %mul3A_533 = arith.constant 23 : i32
      %mul3A_534 = arith.muli %scan3A_451, %mul3A_533 : i32
      %add3A_535 = arith.constant 10 : i32
      %add3A_536 = arith.addi %mul3A_534, %add3A_535 : i32
      %mul3A_537 = arith.constant 16 : i32
      %mul3A_538 = arith.muli %add3A_536, %mul3A_537 : i32
      %get3A_539 = arith.index_cast %mul3A_538 : i32 to index
      %get3A_540 = tpu.vector_load %arg7[%get3A_539] {strides = array<i32>} : memref<11776xi32, #tpu.memory_space<vmem>>, vector<16xi32>,
      %mul3A_541 = arith.constant 23 : i32
      %mul3A_542 = arith.muli %scan3A_451, %mul3A_541 : i32
      %add3A_543 = arith.constant 11 : i32
      %add3A_544 = arith.addi %mul3A_542, %add3A_543 : i32
      %mul3A_545 = arith.constant 16 : i32
      %mul3A_546 = arith.muli %add3A_544, %mul3A_545 : i32
      %get3A_547 = arith.index_cast %mul3A_546 : i32 to index
      %get3A_548 = tpu.vector_load %arg7[%get3A_547] {strides = array<i32>} : memref<11776xi32, #tpu.memory_space<vmem>>, vector<16xi32>,
      %mul3A_549 = arith.constant 23 : i32
      %mul3A_550 = arith.muli %scan3A_451, %mul3A_549 : i32
      %add3A_551 = arith.constant 12 : i32
      %add3A_552 = arith.addi %mul3A_550, %add3A_551 : i32
      %mul3A_553 = arith.constant 16 : i32
      %mul3A_554 = arith.muli %add3A_552, %mul3A_553 : i32
      %get3A_555 = arith.index_cast %mul3A_554 : i32 to index
      %get3A_556 = tpu.vector_load %arg7[%get3A_555] {strides = array<i32>} : memref<11776xi32, #tpu.memory_space<vmem>>, vector<16xi32>,
      %mul3A_557 = arith.constant 23 : i32
      %mul3A_558 = arith.muli %scan3A_451, %mul3A_557 : i32
      %add3A_559 = arith.constant 13 : i32
      %add3A_560 = arith.addi %mul3A_558, %add3A_559 : i32
      %mul3A_561 = arith.constant 16 : i32
      %mul3A_562 = arith.muli %add3A_560, %mul3A_561 : i32
      %get3A_563 = arith.index_cast %mul3A_562 : i32 to index
      %get3A_564 = tpu.vector_load %arg7[%get3A_563] {strides = array<i32>} : memref<11776xi32, #tpu.memory_space<vmem>>, vector<16xi32>,
      %mul3A_565 = arith.constant 23 : i32
      %mul3A_566 = arith.muli %scan3A_451, %mul3A_565 : i32
      %add3A_567 = arith.constant 14 : i32
      %add3A_568 = arith.addi %mul3A_566, %add3A_567 : i32
      %mul3A_569 = arith.constant 16 : i32
      %mul3A_570 = arith.muli %add3A_568, %mul3A_569 : i32
      %get3A_571 = arith.index_cast %mul3A_570 : i32 to index
      %get3A_572 = tpu.vector_load %arg7[%get3A_571] {strides = array<i32>} : memref<11776xi32, #tpu.memory_space<vmem>>, vector<16xi32>,
      %mul3A_573 = arith.constant 23 : i32
      %mul3A_574 = arith.muli %scan3A_451, %mul3A_573 : i32
      %add3A_575 = arith.constant 15 : i32
      %add3A_576 = arith.addi %mul3A_574, %add3A_575 : i32
      %mul3A_577 = arith.constant 16 : i32
      %mul3A_578 = arith.muli %add3A_576, %mul3A_577 : i32
      %get3A_579 = arith.index_cast %mul3A_578 : i32 to index
      %get3A_580 = tpu.vector_load %arg7[%get3A_579] {strides = array<i32>} : memref<11776xi32, #tpu.memory_space<vmem>>, vector<16xi32>,
      %mul3A_581 = arith.constant 23 : i32
      %mul3A_582 = arith.muli %scan3A_451, %mul3A_581 : i32
      %add3A_583 = arith.constant 16 : i32
      %add3A_584 = arith.addi %mul3A_582, %add3A_583 : i32
      %mul3A_585 = arith.constant 16 : i32
      %mul3A_586 = arith.muli %add3A_584, %mul3A_585 : i32
      %get3A_587 = arith.index_cast %mul3A_586 : i32 to index
      %get3A_588 = tpu.vector_load %arg7[%get3A_587] {strides = array<i32>} : memref<11776xi32, #tpu.memory_space<vmem>>, vector<16xi32>,
      %mul3A_589 = arith.constant 23 : i32
      %mul3A_590 = arith.muli %scan3A_451, %mul3A_589 : i32
      %add3A_591 = arith.constant 17 : i32
      %add3A_592 = arith.addi %mul3A_590, %add3A_591 : i32
      %mul3A_593 = arith.constant 16 : i32
      %mul3A_594 = arith.muli %add3A_592, %mul3A_593 : i32
      %get3A_595 = arith.index_cast %mul3A_594 : i32 to index
      %get3A_596 = tpu.vector_load %arg7[%get3A_595] {strides = array<i32>} : memref<11776xi32, #tpu.memory_space<vmem>>, vector<16xi32>,
      %mul3A_597 = arith.constant 23 : i32
      %mul3A_598 = arith.muli %scan3A_451, %mul3A_597 : i32
      %add3A_599 = arith.constant 18 : i32
      %add3A_600 = arith.addi %mul3A_598, %add3A_599 : i32
      %mul3A_601 = arith.constant 16 : i32
      %mul3A_602 = arith.muli %add3A_600, %mul3A_601 : i32
      %get3A_603 = arith.index_cast %mul3A_602 : i32 to index
      %get3A_604 = tpu.vector_load %arg7[%get3A_603] {strides = array<i32>} : memref<11776xi32, #tpu.memory_space<vmem>>, vector<16xi32>,
      %mul3A_605 = arith.constant 23 : i32
      %mul3A_606 = arith.muli %scan3A_451, %mul3A_605 : i32
      %add3A_607 = arith.constant 19 : i32
      %add3A_608 = arith.addi %mul3A_606, %add3A_607 : i32
      %mul3A_609 = arith.constant 16 : i32
      %mul3A_610 = arith.muli %add3A_608, %mul3A_609 : i32
      %get3A_611 = arith.index_cast %mul3A_610 : i32 to index
      %get3A_612 = tpu.vector_load %arg7[%get3A_611] {strides = array<i32>} : memref<11776xi32, #tpu.memory_space<vmem>>, vector<16xi32>,
      %mul3A_613 = arith.constant 23 : i32
      %mul3A_614 = arith.muli %scan3A_451, %mul3A_613 : i32
      %add3A_615 = arith.constant 20 : i32
      %add3A_616 = arith.addi %mul3A_614, %add3A_615 : i32
      %mul3A_617 = arith.constant 16 : i32
      %mul3A_618 = arith.muli %add3A_616, %mul3A_617 : i32
      %get3A_619 = arith.index_cast %mul3A_618 : i32 to index
      %get3A_620 = tpu.vector_load %arg7[%get3A_619] {strides = array<i32>} : memref<11776xi32, #tpu.memory_space<vmem>>, vector<16xi32>,
      %mul3A_621 = arith.constant 23 : i32
      %mul3A_622 = arith.muli %scan3A_451, %mul3A_621 : i32
      %add3A_623 = arith.constant 21 : i32
      %add3A_624 = arith.addi %mul3A_622, %add3A_623 : i32
      %mul3A_625 = arith.constant 16 : i32
      %mul3A_626 = arith.muli %add3A_624, %mul3A_625 : i32
      %get3A_627 = arith.index_cast %mul3A_626 : i32 to index
      %get3A_628 = tpu.vector_load %arg7[%get3A_627] {strides = array<i32>} : memref<11776xi32, #tpu.memory_space<vmem>>, vector<16xi32>,
      %mul3A_629 = arith.constant 23 : i32
      %mul3A_630 = arith.muli %scan3A_451, %mul3A_629 : i32
      %add3A_631 = arith.constant 22 : i32
      %add3A_632 = arith.addi %mul3A_630, %add3A_631 : i32
      %mul3A_633 = arith.constant 16 : i32
      %mul3A_634 = arith.muli %add3A_632, %mul3A_633 : i32
      %get3A_635 = arith.index_cast %mul3A_634 : i32 to index
      %get3A_636 = tpu.vector_load %arg7[%get3A_635] {strides = array<i32>} : memref<11776xi32, #tpu.memory_space<vmem>>, vector<16xi32>,
      tpu.vector_store_idx %arg5[%get3A_460], %broadcast_in_dim3A_82 {add = true} : memref<50176xi32, #tpu.memory_space<vmem>>[vector<16xi32>], vector<16xi32>,
      tpu.vector_store_idx %arg5[%get3A_468], %broadcast_in_dim3A_82 {add = true} : memref<50176xi32, #tpu.memory_space<vmem>>[vector<16xi32>], vector<16xi32>,
      tpu.vector_store_idx %arg5[%get3A_476], %broadcast_in_dim3A_82 {add = true} : memref<50176xi32, #tpu.memory_space<vmem>>[vector<16xi32>], vector<16xi32>,
      tpu.vector_store_idx %arg5[%get3A_484], %broadcast_in_dim3A_82 {add = true} : memref<50176xi32, #tpu.memory_space<vmem>>[vector<16xi32>], vector<16xi32>,
      tpu.vector_store_idx %arg5[%get3A_492], %broadcast_in_dim3A_82 {add = true} : memref<50176xi32, #tpu.memory_space<vmem>>[vector<16xi32>], vector<16xi32>,
      tpu.vector_store_idx %arg5[%get3A_500], %broadcast_in_dim3A_82 {add = true} : memref<50176xi32, #tpu.memory_space<vmem>>[vector<16xi32>], vector<16xi32>,
      tpu.vector_store_idx %arg5[%get3A_508], %broadcast_in_dim3A_82 {add = true} : memref<50176xi32, #tpu.memory_space<vmem>>[vector<16xi32>], vector<16xi32>,
      tpu.vector_store_idx %arg5[%get3A_516], %broadcast_in_dim3A_82 {add = true} : memref<50176xi32, #tpu.memory_space<vmem>>[vector<16xi32>], vector<16xi32>,
      tpu.vector_store_idx %arg5[%get3A_524], %broadcast_in_dim3A_82 {add = true} : memref<50176xi32, #tpu.memory_space<vmem>>[vector<16xi32>], vector<16xi32>,
      tpu.vector_store_idx %arg5[%get3A_532], %broadcast_in_dim3A_82 {add = true} : memref<50176xi32, #tpu.memory_space<vmem>>[vector<16xi32>], vector<16xi32>,
      tpu.vector_store_idx %arg5[%get3A_540], %broadcast_in_dim3A_82 {add = true} : memref<50176xi32, #tpu.memory_space<vmem>>[vector<16xi32>], vector<16xi32>,
      tpu.vector_store_idx %arg5[%get3A_548], %broadcast_in_dim3A_82 {add = true} : memref<50176xi32, #tpu.memory_space<vmem>>[vector<16xi32>], vector<16xi32>,
      tpu.vector_store_idx %arg5[%get3A_556], %broadcast_in_dim3A_82 {add = true} : memref<50176xi32, #tpu.memory_space<vmem>>[vector<16xi32>], vector<16xi32>,
      tpu.vector_store_idx %arg5[%get3A_564], %broadcast_in_dim3A_82 {add = true} : memref<50176xi32, #tpu.memory_space<vmem>>[vector<16xi32>], vector<16xi32>,
      tpu.vector_store_idx %arg5[%get3A_572], %broadcast_in_dim3A_82 {add = true} : memref<50176xi32, #tpu.memory_space<vmem>>[vector<16xi32>], vector<16xi32>,
      tpu.vector_store_idx %arg5[%get3A_580], %broadcast_in_dim3A_82 {add = true} : memref<50176xi32, #tpu.memory_space<vmem>>[vector<16xi32>], vector<16xi32>,
      tpu.vector_store_idx %arg5[%get3A_588], %broadcast_in_dim3A_82 {add = true} : memref<50176xi32, #tpu.memory_space<vmem>>[vector<16xi32>], vector<16xi32>,
      tpu.vector_store_idx %arg5[%get3A_596], %broadcast_in_dim3A_82 {add = true} : memref<50176xi32, #tpu.memory_space<vmem>>[vector<16xi32>], vector<16xi32>,
      tpu.vector_store_idx %arg5[%get3A_604], %broadcast_in_dim3A_82 {add = true} : memref<50176xi32, #tpu.memory_space<vmem>>[vector<16xi32>], vector<16xi32>,
      tpu.vector_store_idx %arg5[%get3A_612], %broadcast_in_dim3A_82 {add = true} : memref<50176xi32, #tpu.memory_space<vmem>>[vector<16xi32>], vector<16xi32>,
      tpu.vector_store_idx %arg5[%get3A_620], %broadcast_in_dim3A_82 {add = true} : memref<50176xi32, #tpu.memory_space<vmem>>[vector<16xi32>], vector<16xi32>,
      tpu.vector_store_idx %arg5[%get3A_628], %broadcast_in_dim3A_82 {add = true} : memref<50176xi32, #tpu.memory_space<vmem>>[vector<16xi32>], vector<16xi32>,
      tpu.vector_store_idx %arg5[%get3A_636], %broadcast_in_dim3A_82 {add = true} : memref<50176xi32, #tpu.memory_space<vmem>>[vector<16xi32>], vector<16xi32>,
      %scan3A_637 = arith.constant 0 : i32
      scf.yield %scan3A_637 : i32
    }
    %scan3A_173 = arith.constant 32 : i32
    %dma_wait3A_174 = arith.constant 0 : i32
    %dma_wait3A_175 = tpu.memref_slice %arg6[%dma_wait3A_174] : memref<11776xi32, #tpu.memory_space<vmem>> -> memref<11776xi32, #tpu.memory_space<vmem>>
    %dma_wait3A_176 = tpu.memref_slice %arg2[%sub3A_0, %add3A_58] : memref<2x1600000xi32, #tpu.memory_space<hbm>> -> memref<1x11776xi32, #tpu.memory_space<hbm>>
    %dma_wait3A_177 = tpu.memref_squeeze %dma_wait3A_176 : memref<1x11776xi32, #tpu.memory_space<hbm>> -> memref<11776xi32, #tpu.memory_space<hbm>>
    %dma_wait3A_178 = arith.constant 0 : i32
    %dma_wait3A_179 = tpu.memref_slice %arg6[%dma_wait3A_178] : memref<11776xi32, #tpu.memory_space<vmem>> -> memref<11776xi32, #tpu.memory_space<vmem>>
    %dma_wait3A_180 = tpu.memref_slice %arg2[%sub3A_0, %add3A_58] : memref<2x1600000xi32, #tpu.memory_space<hbm>> -> memref<1x11776xi32, #tpu.memory_space<hbm>>
    %dma_wait3A_181 = tpu.memref_squeeze %dma_wait3A_180 : memref<1x11776xi32, #tpu.memory_space<hbm>> -> memref<11776xi32, #tpu.memory_space<hbm>>
    tpu.wait_dma2 semaphore(%arg19 : memref<!tpu.dma_semaphore, #tpu.memory_space<semaphore_mem>>) src(%dma_wait3A_181 : memref<11776xi32, #tpu.memory_space<hbm>>) dst(%dma_wait3A_179 : memref<11776xi32, #tpu.memory_space<vmem>>)
    %dma_start3A_182 = arith.constant 0 : i32
    %dma_start3A_183 = tpu.memref_slice %arg7[%dma_start3A_182] : memref<11776xi32, #tpu.memory_space<vmem>> -> memref<11776xi32, #tpu.memory_space<vmem>>
    %dma_start3A_184 = tpu.memref_slice %arg2[%sub3A_0, %add3A_60] : memref<2x1600000xi32, #tpu.memory_space<hbm>> -> memref<1x11776xi32, #tpu.memory_space<hbm>>
    %dma_start3A_185 = tpu.memref_squeeze %dma_start3A_184 : memref<1x11776xi32, #tpu.memory_space<hbm>> -> memref<11776xi32, #tpu.memory_space<hbm>>
    %dma_start3A_186 = arith.constant 0 : i32
    %dma_start3A_187 = tpu.memref_slice %arg7[%dma_start3A_186] : memref<11776xi32, #tpu.memory_space<vmem>> -> memref<11776xi32, #tpu.memory_space<vmem>>
    %dma_start3A_188 = tpu.memref_slice %arg2[%sub3A_0, %add3A_60] : memref<2x1600000xi32, #tpu.memory_space<hbm>> -> memref<1x11776xi32, #tpu.memory_space<hbm>>
    %dma_start3A_189 = tpu.memref_squeeze %dma_start3A_188 : memref<1x11776xi32, #tpu.memory_space<hbm>> -> memref<11776xi32, #tpu.memory_space<hbm>>
    tpu.enqueue_dma source(%dma_start3A_189 : memref<11776xi32, #tpu.memory_space<hbm>>) target(%dma_start3A_187 : memref<11776xi32, #tpu.memory_space<vmem>>) target_semaphore(%arg20 : memref<!tpu.dma_semaphore, #tpu.memory_space<semaphore_mem>>)
    %scan3A_190 = arith.constant 0 : i32
    %scan3A_191 = arith.constant 0 : i32
    %scan3A_192 = arith.constant 32 : i32
    %scan3A_193 = arith.addi %scan3A_191, %scan3A_192 : i32
    %scan3A_194 = arith.constant 1 : i32
    %scan3A_195 = scf.for %scan3A_451 = %scan3A_191 to %scan3A_193 step %scan3A_194 iter_args(%scan3A_452 = %scan3A_190) -> (i32)  : i32 {
      %mul3A_453 = arith.constant 23 : i32
      %mul3A_454 = arith.muli %scan3A_451, %mul3A_453 : i32
      %add3A_455 = arith.constant 0 : i32
      %add3A_456 = arith.addi %mul3A_454, %add3A_455 : i32
      %mul3A_457 = arith.constant 16 : i32
      %mul3A_458 = arith.muli %add3A_456, %mul3A_457 : i32
      %get3A_459 = arith.index_cast %mul3A_458 : i32 to index
      %get3A_460 = tpu.vector_load %arg6[%get3A_459] {strides = array<i32>} : memref<11776xi32, #tpu.memory_space<vmem>>, vector<16xi32>,
      %mul3A_461 = arith.constant 23 : i32
      %mul3A_462 = arith.muli %scan3A_451, %mul3A_461 : i32
      %add3A_463 = arith.constant 1 : i32
      %add3A_464 = arith.addi %mul3A_462, %add3A_463 : i32
      %mul3A_465 = arith.constant 16 : i32
      %mul3A_466 = arith.muli %add3A_464, %mul3A_465 : i32
      %get3A_467 = arith.index_cast %mul3A_466 : i32 to index
      %get3A_468 = tpu.vector_load %arg6[%get3A_467] {strides = array<i32>} : memref<11776xi32, #tpu.memory_space<vmem>>, vector<16xi32>,
      %mul3A_469 = arith.constant 23 : i32
      %mul3A_470 = arith.muli %scan3A_451, %mul3A_469 : i32
      %add3A_471 = arith.constant 2 : i32
      %add3A_472 = arith.addi %mul3A_470, %add3A_471 : i32
      %mul3A_473 = arith.constant 16 : i32
      %mul3A_474 = arith.muli %add3A_472, %mul3A_473 : i32
      %get3A_475 = arith.index_cast %mul3A_474 : i32 to index
      %get3A_476 = tpu.vector_load %arg6[%get3A_475] {strides = array<i32>} : memref<11776xi32, #tpu.memory_space<vmem>>, vector<16xi32>,
      %mul3A_477 = arith.constant 23 : i32
      %mul3A_478 = arith.muli %scan3A_451, %mul3A_477 : i32
      %add3A_479 = arith.constant 3 : i32
      %add3A_480 = arith.addi %mul3A_478, %add3A_479 : i32
      %mul3A_481 = arith.constant 16 : i32
      %mul3A_482 = arith.muli %add3A_480, %mul3A_481 : i32
      %get3A_483 = arith.index_cast %mul3A_482 : i32 to index
      %get3A_484 = tpu.vector_load %arg6[%get3A_483] {strides = array<i32>} : memref<11776xi32, #tpu.memory_space<vmem>>, vector<16xi32>,
      %mul3A_485 = arith.constant 23 : i32
      %mul3A_486 = arith.muli %scan3A_451, %mul3A_485 : i32
      %add3A_487 = arith.constant 4 : i32
      %add3A_488 = arith.addi %mul3A_486, %add3A_487 : i32
      %mul3A_489 = arith.constant 16 : i32
      %mul3A_490 = arith.muli %add3A_488, %mul3A_489 : i32
      %get3A_491 = arith.index_cast %mul3A_490 : i32 to index
      %get3A_492 = tpu.vector_load %arg6[%get3A_491] {strides = array<i32>} : memref<11776xi32, #tpu.memory_space<vmem>>, vector<16xi32>,
      %mul3A_493 = arith.constant 23 : i32
      %mul3A_494 = arith.muli %scan3A_451, %mul3A_493 : i32
      %add3A_495 = arith.constant 5 : i32
      %add3A_496 = arith.addi %mul3A_494, %add3A_495 : i32
      %mul3A_497 = arith.constant 16 : i32
      %mul3A_498 = arith.muli %add3A_496, %mul3A_497 : i32
      %get3A_499 = arith.index_cast %mul3A_498 : i32 to index
      %get3A_500 = tpu.vector_load %arg6[%get3A_499] {strides = array<i32>} : memref<11776xi32, #tpu.memory_space<vmem>>, vector<16xi32>,
      %mul3A_501 = arith.constant 23 : i32
      %mul3A_502 = arith.muli %scan3A_451, %mul3A_501 : i32
      %add3A_503 = arith.constant 6 : i32
      %add3A_504 = arith.addi %mul3A_502, %add3A_503 : i32
      %mul3A_505 = arith.constant 16 : i32
      %mul3A_506 = arith.muli %add3A_504, %mul3A_505 : i32
      %get3A_507 = arith.index_cast %mul3A_506 : i32 to index
      %get3A_508 = tpu.vector_load %arg6[%get3A_507] {strides = array<i32>} : memref<11776xi32, #tpu.memory_space<vmem>>, vector<16xi32>,
      %mul3A_509 = arith.constant 23 : i32
      %mul3A_510 = arith.muli %scan3A_451, %mul3A_509 : i32
      %add3A_511 = arith.constant 7 : i32
      %add3A_512 = arith.addi %mul3A_510, %add3A_511 : i32
      %mul3A_513 = arith.constant 16 : i32
      %mul3A_514 = arith.muli %add3A_512, %mul3A_513 : i32
      %get3A_515 = arith.index_cast %mul3A_514 : i32 to index
      %get3A_516 = tpu.vector_load %arg6[%get3A_515] {strides = array<i32>} : memref<11776xi32, #tpu.memory_space<vmem>>, vector<16xi32>,
      %mul3A_517 = arith.constant 23 : i32
      %mul3A_518 = arith.muli %scan3A_451, %mul3A_517 : i32
      %add3A_519 = arith.constant 8 : i32
      %add3A_520 = arith.addi %mul3A_518, %add3A_519 : i32
      %mul3A_521 = arith.constant 16 : i32
      %mul3A_522 = arith.muli %add3A_520, %mul3A_521 : i32
      %get3A_523 = arith.index_cast %mul3A_522 : i32 to index
      %get3A_524 = tpu.vector_load %arg6[%get3A_523] {strides = array<i32>} : memref<11776xi32, #tpu.memory_space<vmem>>, vector<16xi32>,
      %mul3A_525 = arith.constant 23 : i32
      %mul3A_526 = arith.muli %scan3A_451, %mul3A_525 : i32
      %add3A_527 = arith.constant 9 : i32
      %add3A_528 = arith.addi %mul3A_526, %add3A_527 : i32
      %mul3A_529 = arith.constant 16 : i32
      %mul3A_530 = arith.muli %add3A_528, %mul3A_529 : i32
      %get3A_531 = arith.index_cast %mul3A_530 : i32 to index
      %get3A_532 = tpu.vector_load %arg6[%get3A_531] {strides = array<i32>} : memref<11776xi32, #tpu.memory_space<vmem>>, vector<16xi32>,
      %mul3A_533 = arith.constant 23 : i32
      %mul3A_534 = arith.muli %scan3A_451, %mul3A_533 : i32
      %add3A_535 = arith.constant 10 : i32
      %add3A_536 = arith.addi %mul3A_534, %add3A_535 : i32
      %mul3A_537 = arith.constant 16 : i32
      %mul3A_538 = arith.muli %add3A_536, %mul3A_537 : i32
      %get3A_539 = arith.index_cast %mul3A_538 : i32 to index
      %get3A_540 = tpu.vector_load %arg6[%get3A_539] {strides = array<i32>} : memref<11776xi32, #tpu.memory_space<vmem>>, vector<16xi32>,
      %mul3A_541 = arith.constant 23 : i32
      %mul3A_542 = arith.muli %scan3A_451, %mul3A_541 : i32
      %add3A_543 = arith.constant 11 : i32
      %add3A_544 = arith.addi %mul3A_542, %add3A_543 : i32
      %mul3A_545 = arith.constant 16 : i32
      %mul3A_546 = arith.muli %add3A_544, %mul3A_545 : i32
      %get3A_547 = arith.index_cast %mul3A_546 : i32 to index
      %get3A_548 = tpu.vector_load %arg6[%get3A_547] {strides = array<i32>} : memref<11776xi32, #tpu.memory_space<vmem>>, vector<16xi32>,
      %mul3A_549 = arith.constant 23 : i32
      %mul3A_550 = arith.muli %scan3A_451, %mul3A_549 : i32
      %add3A_551 = arith.constant 12 : i32
      %add3A_552 = arith.addi %mul3A_550, %add3A_551 : i32
      %mul3A_553 = arith.constant 16 : i32
      %mul3A_554 = arith.muli %add3A_552, %mul3A_553 : i32
      %get3A_555 = arith.index_cast %mul3A_554 : i32 to index
      %get3A_556 = tpu.vector_load %arg6[%get3A_555] {strides = array<i32>} : memref<11776xi32, #tpu.memory_space<vmem>>, vector<16xi32>,
      %mul3A_557 = arith.constant 23 : i32
      %mul3A_558 = arith.muli %scan3A_451, %mul3A_557 : i32
      %add3A_559 = arith.constant 13 : i32
      %add3A_560 = arith.addi %mul3A_558, %add3A_559 : i32
      %mul3A_561 = arith.constant 16 : i32
      %mul3A_562 = arith.muli %add3A_560, %mul3A_561 : i32
      %get3A_563 = arith.index_cast %mul3A_562 : i32 to index
      %get3A_564 = tpu.vector_load %arg6[%get3A_563] {strides = array<i32>} : memref<11776xi32, #tpu.memory_space<vmem>>, vector<16xi32>,
      %mul3A_565 = arith.constant 23 : i32
      %mul3A_566 = arith.muli %scan3A_451, %mul3A_565 : i32
      %add3A_567 = arith.constant 14 : i32
      %add3A_568 = arith.addi %mul3A_566, %add3A_567 : i32
      %mul3A_569 = arith.constant 16 : i32
      %mul3A_570 = arith.muli %add3A_568, %mul3A_569 : i32
      %get3A_571 = arith.index_cast %mul3A_570 : i32 to index
      %get3A_572 = tpu.vector_load %arg6[%get3A_571] {strides = array<i32>} : memref<11776xi32, #tpu.memory_space<vmem>>, vector<16xi32>,
      %mul3A_573 = arith.constant 23 : i32
      %mul3A_574 = arith.muli %scan3A_451, %mul3A_573 : i32
      %add3A_575 = arith.constant 15 : i32
      %add3A_576 = arith.addi %mul3A_574, %add3A_575 : i32
      %mul3A_577 = arith.constant 16 : i32
      %mul3A_578 = arith.muli %add3A_576, %mul3A_577 : i32
      %get3A_579 = arith.index_cast %mul3A_578 : i32 to index
      %get3A_580 = tpu.vector_load %arg6[%get3A_579] {strides = array<i32>} : memref<11776xi32, #tpu.memory_space<vmem>>, vector<16xi32>,
      %mul3A_581 = arith.constant 23 : i32
      %mul3A_582 = arith.muli %scan3A_451, %mul3A_581 : i32
      %add3A_583 = arith.constant 16 : i32
      %add3A_584 = arith.addi %mul3A_582, %add3A_583 : i32
      %mul3A_585 = arith.constant 16 : i32
      %mul3A_586 = arith.muli %add3A_584, %mul3A_585 : i32
      %get3A_587 = arith.index_cast %mul3A_586 : i32 to index
      %get3A_588 = tpu.vector_load %arg6[%get3A_587] {strides = array<i32>} : memref<11776xi32, #tpu.memory_space<vmem>>, vector<16xi32>,
      %mul3A_589 = arith.constant 23 : i32
      %mul3A_590 = arith.muli %scan3A_451, %mul3A_589 : i32
      %add3A_591 = arith.constant 17 : i32
      %add3A_592 = arith.addi %mul3A_590, %add3A_591 : i32
      %mul3A_593 = arith.constant 16 : i32
      %mul3A_594 = arith.muli %add3A_592, %mul3A_593 : i32
      %get3A_595 = arith.index_cast %mul3A_594 : i32 to index
      %get3A_596 = tpu.vector_load %arg6[%get3A_595] {strides = array<i32>} : memref<11776xi32, #tpu.memory_space<vmem>>, vector<16xi32>,
      %mul3A_597 = arith.constant 23 : i32
      %mul3A_598 = arith.muli %scan3A_451, %mul3A_597 : i32
      %add3A_599 = arith.constant 18 : i32
      %add3A_600 = arith.addi %mul3A_598, %add3A_599 : i32
      %mul3A_601 = arith.constant 16 : i32
      %mul3A_602 = arith.muli %add3A_600, %mul3A_601 : i32
      %get3A_603 = arith.index_cast %mul3A_602 : i32 to index
      %get3A_604 = tpu.vector_load %arg6[%get3A_603] {strides = array<i32>} : memref<11776xi32, #tpu.memory_space<vmem>>, vector<16xi32>,
      %mul3A_605 = arith.constant 23 : i32
      %mul3A_606 = arith.muli %scan3A_451, %mul3A_605 : i32
      %add3A_607 = arith.constant 19 : i32
      %add3A_608 = arith.addi %mul3A_606, %add3A_607 : i32
      %mul3A_609 = arith.constant 16 : i32
      %mul3A_610 = arith.muli %add3A_608, %mul3A_609 : i32
      %get3A_611 = arith.index_cast %mul3A_610 : i32 to index
      %get3A_612 = tpu.vector_load %arg6[%get3A_611] {strides = array<i32>} : memref<11776xi32, #tpu.memory_space<vmem>>, vector<16xi32>,
      %mul3A_613 = arith.constant 23 : i32
      %mul3A_614 = arith.muli %scan3A_451, %mul3A_613 : i32
      %add3A_615 = arith.constant 20 : i32
      %add3A_616 = arith.addi %mul3A_614, %add3A_615 : i32
      %mul3A_617 = arith.constant 16 : i32
      %mul3A_618 = arith.muli %add3A_616, %mul3A_617 : i32
      %get3A_619 = arith.index_cast %mul3A_618 : i32 to index
      %get3A_620 = tpu.vector_load %arg6[%get3A_619] {strides = array<i32>} : memref<11776xi32, #tpu.memory_space<vmem>>, vector<16xi32>,
      %mul3A_621 = arith.constant 23 : i32
      %mul3A_622 = arith.muli %scan3A_451, %mul3A_621 : i32
      %add3A_623 = arith.constant 21 : i32
      %add3A_624 = arith.addi %mul3A_622, %add3A_623 : i32
      %mul3A_625 = arith.constant 16 : i32
      %mul3A_626 = arith.muli %add3A_624, %mul3A_625 : i32
      %get3A_627 = arith.index_cast %mul3A_626 : i32 to index
      %get3A_628 = tpu.vector_load %arg6[%get3A_627] {strides = array<i32>} : memref<11776xi32, #tpu.memory_space<vmem>>, vector<16xi32>,
      %mul3A_629 = arith.constant 23 : i32
      %mul3A_630 = arith.muli %scan3A_451, %mul3A_629 : i32
      %add3A_631 = arith.constant 22 : i32
      %add3A_632 = arith.addi %mul3A_630, %add3A_631 : i32
      %mul3A_633 = arith.constant 16 : i32
      %mul3A_634 = arith.muli %add3A_632, %mul3A_633 : i32
      %get3A_635 = arith.index_cast %mul3A_634 : i32 to index
      %get3A_636 = tpu.vector_load %arg6[%get3A_635] {strides = array<i32>} : memref<11776xi32, #tpu.memory_space<vmem>>, vector<16xi32>,
      tpu.vector_store_idx %arg5[%get3A_460], %broadcast_in_dim3A_82 {add = true} : memref<50176xi32, #tpu.memory_space<vmem>>[vector<16xi32>], vector<16xi32>,
      tpu.vector_store_idx %arg5[%get3A_468], %broadcast_in_dim3A_82 {add = true} : memref<50176xi32, #tpu.memory_space<vmem>>[vector<16xi32>], vector<16xi32>,
      tpu.vector_store_idx %arg5[%get3A_476], %broadcast_in_dim3A_82 {add = true} : memref<50176xi32, #tpu.memory_space<vmem>>[vector<16xi32>], vector<16xi32>,
      tpu.vector_store_idx %arg5[%get3A_484], %broadcast_in_dim3A_82 {add = true} : memref<50176xi32, #tpu.memory_space<vmem>>[vector<16xi32>], vector<16xi32>,
      tpu.vector_store_idx %arg5[%get3A_492], %broadcast_in_dim3A_82 {add = true} : memref<50176xi32, #tpu.memory_space<vmem>>[vector<16xi32>], vector<16xi32>,
      tpu.vector_store_idx %arg5[%get3A_500], %broadcast_in_dim3A_82 {add = true} : memref<50176xi32, #tpu.memory_space<vmem>>[vector<16xi32>], vector<16xi32>,
      tpu.vector_store_idx %arg5[%get3A_508], %broadcast_in_dim3A_82 {add = true} : memref<50176xi32, #tpu.memory_space<vmem>>[vector<16xi32>], vector<16xi32>,
      tpu.vector_store_idx %arg5[%get3A_516], %broadcast_in_dim3A_82 {add = true} : memref<50176xi32, #tpu.memory_space<vmem>>[vector<16xi32>], vector<16xi32>,
      tpu.vector_store_idx %arg5[%get3A_524], %broadcast_in_dim3A_82 {add = true} : memref<50176xi32, #tpu.memory_space<vmem>>[vector<16xi32>], vector<16xi32>,
      tpu.vector_store_idx %arg5[%get3A_532], %broadcast_in_dim3A_82 {add = true} : memref<50176xi32, #tpu.memory_space<vmem>>[vector<16xi32>], vector<16xi32>,
      tpu.vector_store_idx %arg5[%get3A_540], %broadcast_in_dim3A_82 {add = true} : memref<50176xi32, #tpu.memory_space<vmem>>[vector<16xi32>], vector<16xi32>,
      tpu.vector_store_idx %arg5[%get3A_548], %broadcast_in_dim3A_82 {add = true} : memref<50176xi32, #tpu.memory_space<vmem>>[vector<16xi32>], vector<16xi32>,
      tpu.vector_store_idx %arg5[%get3A_556], %broadcast_in_dim3A_82 {add = true} : memref<50176xi32, #tpu.memory_space<vmem>>[vector<16xi32>], vector<16xi32>,
      tpu.vector_store_idx %arg5[%get3A_564], %broadcast_in_dim3A_82 {add = true} : memref<50176xi32, #tpu.memory_space<vmem>>[vector<16xi32>], vector<16xi32>,
      tpu.vector_store_idx %arg5[%get3A_572], %broadcast_in_dim3A_82 {add = true} : memref<50176xi32, #tpu.memory_space<vmem>>[vector<16xi32>], vector<16xi32>,
      tpu.vector_store_idx %arg5[%get3A_580], %broadcast_in_dim3A_82 {add = true} : memref<50176xi32, #tpu.memory_space<vmem>>[vector<16xi32>], vector<16xi32>,
      tpu.vector_store_idx %arg5[%get3A_588], %broadcast_in_dim3A_82 {add = true} : memref<50176xi32, #tpu.memory_space<vmem>>[vector<16xi32>], vector<16xi32>,
      tpu.vector_store_idx %arg5[%get3A_596], %broadcast_in_dim3A_82 {add = true} : memref<50176xi32, #tpu.memory_space<vmem>>[vector<16xi32>], vector<16xi32>,
      tpu.vector_store_idx %arg5[%get3A_604], %broadcast_in_dim3A_82 {add = true} : memref<50176xi32, #tpu.memory_space<vmem>>[vector<16xi32>], vector<16xi32>,
      tpu.vector_store_idx %arg5[%get3A_612], %broadcast_in_dim3A_82 {add = true} : memref<50176xi32, #tpu.memory_space<vmem>>[vector<16xi32>], vector<16xi32>,
      tpu.vector_store_idx %arg5[%get3A_620], %broadcast_in_dim3A_82 {add = true} : memref<50176xi32, #tpu.memory_space<vmem>>[vector<16xi32>], vector<16xi32>,
      tpu.vector_store_idx %arg5[%get3A_628], %broadcast_in_dim3A_82 {add = true} : memref<50176xi32, #tpu.memory_space<vmem>>[vector<16xi32>], vector<16xi32>,
      tpu.vector_store_idx %arg5[%get3A_636], %broadcast_in_dim3A_82 {add = true} : memref<50176xi32, #tpu.memory_space<vmem>>[vector<16xi32>], vector<16xi32>,
      %scan3A_637 = arith.constant 0 : i32
      scf.yield %scan3A_637 : i32
    }
    %scan3A_196 = arith.constant 32 : i32
    %dma_wait3A_197 = arith.constant 0 : i32
    %dma_wait3A_198 = tpu.memref_slice %arg7[%dma_wait3A_197] : memref<11776xi32, #tpu.memory_space<vmem>> -> memref<11776xi32, #tpu.memory_space<vmem>>
    %dma_wait3A_199 = tpu.memref_slice %arg2[%sub3A_0, %add3A_60] : memref<2x1600000xi32, #tpu.memory_space<hbm>> -> memref<1x11776xi32, #tpu.memory_space<hbm>>
    %dma_wait3A_200 = tpu.memref_squeeze %dma_wait3A_199 : memref<1x11776xi32, #tpu.memory_space<hbm>> -> memref<11776xi32, #tpu.memory_space<hbm>>
    %dma_wait3A_201 = arith.constant 0 : i32
    %dma_wait3A_202 = tpu.memref_slice %arg7[%dma_wait3A_201] : memref<11776xi32, #tpu.memory_space<vmem>> -> memref<11776xi32, #tpu.memory_space<vmem>>
    %dma_wait3A_203 = tpu.memref_slice %arg2[%sub3A_0, %add3A_60] : memref<2x1600000xi32, #tpu.memory_space<hbm>> -> memref<1x11776xi32, #tpu.memory_space<hbm>>
    %dma_wait3A_204 = tpu.memref_squeeze %dma_wait3A_203 : memref<1x11776xi32, #tpu.memory_space<hbm>> -> memref<11776xi32, #tpu.memory_space<hbm>>
    tpu.wait_dma2 semaphore(%arg20 : memref<!tpu.dma_semaphore, #tpu.memory_space<semaphore_mem>>) src(%dma_wait3A_204 : memref<11776xi32, #tpu.memory_space<hbm>>) dst(%dma_wait3A_202 : memref<11776xi32, #tpu.memory_space<vmem>>)
    %dma_start3A_205 = arith.constant 0 : i32
    %dma_start3A_206 = tpu.memref_slice %arg6[%dma_start3A_205] : memref<11776xi32, #tpu.memory_space<vmem>> -> memref<11776xi32, #tpu.memory_space<vmem>>
    %dma_start3A_207 = tpu.memref_slice %arg2[%sub3A_0, %add3A_62] : memref<2x1600000xi32, #tpu.memory_space<hbm>> -> memref<1x11776xi32, #tpu.memory_space<hbm>>
    %dma_start3A_208 = tpu.memref_squeeze %dma_start3A_207 : memref<1x11776xi32, #tpu.memory_space<hbm>> -> memref<11776xi32, #tpu.memory_space<hbm>>
    %dma_start3A_209 = arith.constant 0 : i32
    %dma_start3A_210 = tpu.memref_slice %arg6[%dma_start3A_209] : memref<11776xi32, #tpu.memory_space<vmem>> -> memref<11776xi32, #tpu.memory_space<vmem>>
    %dma_start3A_211 = tpu.memref_slice %arg2[%sub3A_0, %add3A_62] : memref<2x1600000xi32, #tpu.memory_space<hbm>> -> memref<1x11776xi32, #tpu.memory_space<hbm>>
    %dma_start3A_212 = tpu.memref_squeeze %dma_start3A_211 : memref<1x11776xi32, #tpu.memory_space<hbm>> -> memref<11776xi32, #tpu.memory_space<hbm>>
    tpu.enqueue_dma source(%dma_start3A_212 : memref<11776xi32, #tpu.memory_space<hbm>>) target(%dma_start3A_210 : memref<11776xi32, #tpu.memory_space<vmem>>) target_semaphore(%arg19 : memref<!tpu.dma_semaphore, #tpu.memory_space<semaphore_mem>>)
    %scan3A_213 = arith.constant 0 : i32
    %scan3A_214 = arith.constant 0 : i32
    %scan3A_215 = arith.constant 32 : i32
    %scan3A_216 = arith.addi %scan3A_214, %scan3A_215 : i32
    %scan3A_217 = arith.constant 1 : i32
    %scan3A_218 = scf.for %scan3A_451 = %scan3A_214 to %scan3A_216 step %scan3A_217 iter_args(%scan3A_452 = %scan3A_213) -> (i32)  : i32 {
      %mul3A_453 = arith.constant 23 : i32
      %mul3A_454 = arith.muli %scan3A_451, %mul3A_453 : i32
      %add3A_455 = arith.constant 0 : i32
      %add3A_456 = arith.addi %mul3A_454, %add3A_455 : i32
      %mul3A_457 = arith.constant 16 : i32
      %mul3A_458 = arith.muli %add3A_456, %mul3A_457 : i32
      %get3A_459 = arith.index_cast %mul3A_458 : i32 to index
      %get3A_460 = tpu.vector_load %arg7[%get3A_459] {strides = array<i32>} : memref<11776xi32, #tpu.memory_space<vmem>>, vector<16xi32>,
      %mul3A_461 = arith.constant 23 : i32
      %mul3A_462 = arith.muli %scan3A_451, %mul3A_461 : i32
      %add3A_463 = arith.constant 1 : i32
      %add3A_464 = arith.addi %mul3A_462, %add3A_463 : i32
      %mul3A_465 = arith.constant 16 : i32
      %mul3A_466 = arith.muli %add3A_464, %mul3A_465 : i32
      %get3A_467 = arith.index_cast %mul3A_466 : i32 to index
      %get3A_468 = tpu.vector_load %arg7[%get3A_467] {strides = array<i32>} : memref<11776xi32, #tpu.memory_space<vmem>>, vector<16xi32>,
      %mul3A_469 = arith.constant 23 : i32
      %mul3A_470 = arith.muli %scan3A_451, %mul3A_469 : i32
      %add3A_471 = arith.constant 2 : i32
      %add3A_472 = arith.addi %mul3A_470, %add3A_471 : i32
      %mul3A_473 = arith.constant 16 : i32
      %mul3A_474 = arith.muli %add3A_472, %mul3A_473 : i32
      %get3A_475 = arith.index_cast %mul3A_474 : i32 to index
      %get3A_476 = tpu.vector_load %arg7[%get3A_475] {strides = array<i32>} : memref<11776xi32, #tpu.memory_space<vmem>>, vector<16xi32>,
      %mul3A_477 = arith.constant 23 : i32
      %mul3A_478 = arith.muli %scan3A_451, %mul3A_477 : i32
      %add3A_479 = arith.constant 3 : i32
      %add3A_480 = arith.addi %mul3A_478, %add3A_479 : i32
      %mul3A_481 = arith.constant 16 : i32
      %mul3A_482 = arith.muli %add3A_480, %mul3A_481 : i32
      %get3A_483 = arith.index_cast %mul3A_482 : i32 to index
      %get3A_484 = tpu.vector_load %arg7[%get3A_483] {strides = array<i32>} : memref<11776xi32, #tpu.memory_space<vmem>>, vector<16xi32>,
      %mul3A_485 = arith.constant 23 : i32
      %mul3A_486 = arith.muli %scan3A_451, %mul3A_485 : i32
      %add3A_487 = arith.constant 4 : i32
      %add3A_488 = arith.addi %mul3A_486, %add3A_487 : i32
      %mul3A_489 = arith.constant 16 : i32
      %mul3A_490 = arith.muli %add3A_488, %mul3A_489 : i32
      %get3A_491 = arith.index_cast %mul3A_490 : i32 to index
      %get3A_492 = tpu.vector_load %arg7[%get3A_491] {strides = array<i32>} : memref<11776xi32, #tpu.memory_space<vmem>>, vector<16xi32>,
      %mul3A_493 = arith.constant 23 : i32
      %mul3A_494 = arith.muli %scan3A_451, %mul3A_493 : i32
      %add3A_495 = arith.constant 5 : i32
      %add3A_496 = arith.addi %mul3A_494, %add3A_495 : i32
      %mul3A_497 = arith.constant 16 : i32
      %mul3A_498 = arith.muli %add3A_496, %mul3A_497 : i32
      %get3A_499 = arith.index_cast %mul3A_498 : i32 to index
      %get3A_500 = tpu.vector_load %arg7[%get3A_499] {strides = array<i32>} : memref<11776xi32, #tpu.memory_space<vmem>>, vector<16xi32>,
      %mul3A_501 = arith.constant 23 : i32
      %mul3A_502 = arith.muli %scan3A_451, %mul3A_501 : i32
      %add3A_503 = arith.constant 6 : i32
      %add3A_504 = arith.addi %mul3A_502, %add3A_503 : i32
      %mul3A_505 = arith.constant 16 : i32
      %mul3A_506 = arith.muli %add3A_504, %mul3A_505 : i32
      %get3A_507 = arith.index_cast %mul3A_506 : i32 to index
      %get3A_508 = tpu.vector_load %arg7[%get3A_507] {strides = array<i32>} : memref<11776xi32, #tpu.memory_space<vmem>>, vector<16xi32>,
      %mul3A_509 = arith.constant 23 : i32
      %mul3A_510 = arith.muli %scan3A_451, %mul3A_509 : i32
      %add3A_511 = arith.constant 7 : i32
      %add3A_512 = arith.addi %mul3A_510, %add3A_511 : i32
      %mul3A_513 = arith.constant 16 : i32
      %mul3A_514 = arith.muli %add3A_512, %mul3A_513 : i32
      %get3A_515 = arith.index_cast %mul3A_514 : i32 to index
      %get3A_516 = tpu.vector_load %arg7[%get3A_515] {strides = array<i32>} : memref<11776xi32, #tpu.memory_space<vmem>>, vector<16xi32>,
      %mul3A_517 = arith.constant 23 : i32
      %mul3A_518 = arith.muli %scan3A_451, %mul3A_517 : i32
      %add3A_519 = arith.constant 8 : i32
      %add3A_520 = arith.addi %mul3A_518, %add3A_519 : i32
      %mul3A_521 = arith.constant 16 : i32
      %mul3A_522 = arith.muli %add3A_520, %mul3A_521 : i32
      %get3A_523 = arith.index_cast %mul3A_522 : i32 to index
      %get3A_524 = tpu.vector_load %arg7[%get3A_523] {strides = array<i32>} : memref<11776xi32, #tpu.memory_space<vmem>>, vector<16xi32>,
      %mul3A_525 = arith.constant 23 : i32
      %mul3A_526 = arith.muli %scan3A_451, %mul3A_525 : i32
      %add3A_527 = arith.constant 9 : i32
      %add3A_528 = arith.addi %mul3A_526, %add3A_527 : i32
      %mul3A_529 = arith.constant 16 : i32
      %mul3A_530 = arith.muli %add3A_528, %mul3A_529 : i32
      %get3A_531 = arith.index_cast %mul3A_530 : i32 to index
      %get3A_532 = tpu.vector_load %arg7[%get3A_531] {strides = array<i32>} : memref<11776xi32, #tpu.memory_space<vmem>>, vector<16xi32>,
      %mul3A_533 = arith.constant 23 : i32
      %mul3A_534 = arith.muli %scan3A_451, %mul3A_533 : i32
      %add3A_535 = arith.constant 10 : i32
      %add3A_536 = arith.addi %mul3A_534, %add3A_535 : i32
      %mul3A_537 = arith.constant 16 : i32
      %mul3A_538 = arith.muli %add3A_536, %mul3A_537 : i32
      %get3A_539 = arith.index_cast %mul3A_538 : i32 to index
      %get3A_540 = tpu.vector_load %arg7[%get3A_539] {strides = array<i32>} : memref<11776xi32, #tpu.memory_space<vmem>>, vector<16xi32>,
      %mul3A_541 = arith.constant 23 : i32
      %mul3A_542 = arith.muli %scan3A_451, %mul3A_541 : i32
      %add3A_543 = arith.constant 11 : i32
      %add3A_544 = arith.addi %mul3A_542, %add3A_543 : i32
      %mul3A_545 = arith.constant 16 : i32
      %mul3A_546 = arith.muli %add3A_544, %mul3A_545 : i32
      %get3A_547 = arith.index_cast %mul3A_546 : i32 to index
      %get3A_548 = tpu.vector_load %arg7[%get3A_547] {strides = array<i32>} : memref<11776xi32, #tpu.memory_space<vmem>>, vector<16xi32>,
      %mul3A_549 = arith.constant 23 : i32
      %mul3A_550 = arith.muli %scan3A_451, %mul3A_549 : i32
      %add3A_551 = arith.constant 12 : i32
      %add3A_552 = arith.addi %mul3A_550, %add3A_551 : i32
      %mul3A_553 = arith.constant 16 : i32
      %mul3A_554 = arith.muli %add3A_552, %mul3A_553 : i32
      %get3A_555 = arith.index_cast %mul3A_554 : i32 to index
      %get3A_556 = tpu.vector_load %arg7[%get3A_555] {strides = array<i32>} : memref<11776xi32, #tpu.memory_space<vmem>>, vector<16xi32>,
      %mul3A_557 = arith.constant 23 : i32
      %mul3A_558 = arith.muli %scan3A_451, %mul3A_557 : i32
      %add3A_559 = arith.constant 13 : i32
      %add3A_560 = arith.addi %mul3A_558, %add3A_559 : i32
      %mul3A_561 = arith.constant 16 : i32
      %mul3A_562 = arith.muli %add3A_560, %mul3A_561 : i32
      %get3A_563 = arith.index_cast %mul3A_562 : i32 to index
      %get3A_564 = tpu.vector_load %arg7[%get3A_563] {strides = array<i32>} : memref<11776xi32, #tpu.memory_space<vmem>>, vector<16xi32>,
      %mul3A_565 = arith.constant 23 : i32
      %mul3A_566 = arith.muli %scan3A_451, %mul3A_565 : i32
      %add3A_567 = arith.constant 14 : i32
      %add3A_568 = arith.addi %mul3A_566, %add3A_567 : i32
      %mul3A_569 = arith.constant 16 : i32
      %mul3A_570 = arith.muli %add3A_568, %mul3A_569 : i32
      %get3A_571 = arith.index_cast %mul3A_570 : i32 to index
      %get3A_572 = tpu.vector_load %arg7[%get3A_571] {strides = array<i32>} : memref<11776xi32, #tpu.memory_space<vmem>>, vector<16xi32>,
      %mul3A_573 = arith.constant 23 : i32
      %mul3A_574 = arith.muli %scan3A_451, %mul3A_573 : i32
      %add3A_575 = arith.constant 15 : i32
      %add3A_576 = arith.addi %mul3A_574, %add3A_575 : i32
      %mul3A_577 = arith.constant 16 : i32
      %mul3A_578 = arith.muli %add3A_576, %mul3A_577 : i32
      %get3A_579 = arith.index_cast %mul3A_578 : i32 to index
      %get3A_580 = tpu.vector_load %arg7[%get3A_579] {strides = array<i32>} : memref<11776xi32, #tpu.memory_space<vmem>>, vector<16xi32>,
      %mul3A_581 = arith.constant 23 : i32
      %mul3A_582 = arith.muli %scan3A_451, %mul3A_581 : i32
      %add3A_583 = arith.constant 16 : i32
      %add3A_584 = arith.addi %mul3A_582, %add3A_583 : i32
      %mul3A_585 = arith.constant 16 : i32
      %mul3A_586 = arith.muli %add3A_584, %mul3A_585 : i32
      %get3A_587 = arith.index_cast %mul3A_586 : i32 to index
      %get3A_588 = tpu.vector_load %arg7[%get3A_587] {strides = array<i32>} : memref<11776xi32, #tpu.memory_space<vmem>>, vector<16xi32>,
      %mul3A_589 = arith.constant 23 : i32
      %mul3A_590 = arith.muli %scan3A_451, %mul3A_589 : i32
      %add3A_591 = arith.constant 17 : i32
      %add3A_592 = arith.addi %mul3A_590, %add3A_591 : i32
      %mul3A_593 = arith.constant 16 : i32
      %mul3A_594 = arith.muli %add3A_592, %mul3A_593 : i32
      %get3A_595 = arith.index_cast %mul3A_594 : i32 to index
      %get3A_596 = tpu.vector_load %arg7[%get3A_595] {strides = array<i32>} : memref<11776xi32, #tpu.memory_space<vmem>>, vector<16xi32>,
      %mul3A_597 = arith.constant 23 : i32
      %mul3A_598 = arith.muli %scan3A_451, %mul3A_597 : i32
      %add3A_599 = arith.constant 18 : i32
      %add3A_600 = arith.addi %mul3A_598, %add3A_599 : i32
      %mul3A_601 = arith.constant 16 : i32
      %mul3A_602 = arith.muli %add3A_600, %mul3A_601 : i32
      %get3A_603 = arith.index_cast %mul3A_602 : i32 to index
      %get3A_604 = tpu.vector_load %arg7[%get3A_603] {strides = array<i32>} : memref<11776xi32, #tpu.memory_space<vmem>>, vector<16xi32>,
      %mul3A_605 = arith.constant 23 : i32
      %mul3A_606 = arith.muli %scan3A_451, %mul3A_605 : i32
      %add3A_607 = arith.constant 19 : i32
      %add3A_608 = arith.addi %mul3A_606, %add3A_607 : i32
      %mul3A_609 = arith.constant 16 : i32
      %mul3A_610 = arith.muli %add3A_608, %mul3A_609 : i32
      %get3A_611 = arith.index_cast %mul3A_610 : i32 to index
      %get3A_612 = tpu.vector_load %arg7[%get3A_611] {strides = array<i32>} : memref<11776xi32, #tpu.memory_space<vmem>>, vector<16xi32>,
      %mul3A_613 = arith.constant 23 : i32
      %mul3A_614 = arith.muli %scan3A_451, %mul3A_613 : i32
      %add3A_615 = arith.constant 20 : i32
      %add3A_616 = arith.addi %mul3A_614, %add3A_615 : i32
      %mul3A_617 = arith.constant 16 : i32
      %mul3A_618 = arith.muli %add3A_616, %mul3A_617 : i32
      %get3A_619 = arith.index_cast %mul3A_618 : i32 to index
      %get3A_620 = tpu.vector_load %arg7[%get3A_619] {strides = array<i32>} : memref<11776xi32, #tpu.memory_space<vmem>>, vector<16xi32>,
      %mul3A_621 = arith.constant 23 : i32
      %mul3A_622 = arith.muli %scan3A_451, %mul3A_621 : i32
      %add3A_623 = arith.constant 21 : i32
      %add3A_624 = arith.addi %mul3A_622, %add3A_623 : i32
      %mul3A_625 = arith.constant 16 : i32
      %mul3A_626 = arith.muli %add3A_624, %mul3A_625 : i32
      %get3A_627 = arith.index_cast %mul3A_626 : i32 to index
      %get3A_628 = tpu.vector_load %arg7[%get3A_627] {strides = array<i32>} : memref<11776xi32, #tpu.memory_space<vmem>>, vector<16xi32>,
      %mul3A_629 = arith.constant 23 : i32
      %mul3A_630 = arith.muli %scan3A_451, %mul3A_629 : i32
      %add3A_631 = arith.constant 22 : i32
      %add3A_632 = arith.addi %mul3A_630, %add3A_631 : i32
      %mul3A_633 = arith.constant 16 : i32
      %mul3A_634 = arith.muli %add3A_632, %mul3A_633 : i32
      %get3A_635 = arith.index_cast %mul3A_634 : i32 to index
      %get3A_636 = tpu.vector_load %arg7[%get3A_635] {strides = array<i32>} : memref<11776xi32, #tpu.memory_space<vmem>>, vector<16xi32>,
      tpu.vector_store_idx %arg5[%get3A_460], %broadcast_in_dim3A_82 {add = true} : memref<50176xi32, #tpu.memory_space<vmem>>[vector<16xi32>], vector<16xi32>,
      tpu.vector_store_idx %arg5[%get3A_468], %broadcast_in_dim3A_82 {add = true} : memref<50176xi32, #tpu.memory_space<vmem>>[vector<16xi32>], vector<16xi32>,
      tpu.vector_store_idx %arg5[%get3A_476], %broadcast_in_dim3A_82 {add = true} : memref<50176xi32, #tpu.memory_space<vmem>>[vector<16xi32>], vector<16xi32>,
      tpu.vector_store_idx %arg5[%get3A_484], %broadcast_in_dim3A_82 {add = true} : memref<50176xi32, #tpu.memory_space<vmem>>[vector<16xi32>], vector<16xi32>,
      tpu.vector_store_idx %arg5[%get3A_492], %broadcast_in_dim3A_82 {add = true} : memref<50176xi32, #tpu.memory_space<vmem>>[vector<16xi32>], vector<16xi32>,
      tpu.vector_store_idx %arg5[%get3A_500], %broadcast_in_dim3A_82 {add = true} : memref<50176xi32, #tpu.memory_space<vmem>>[vector<16xi32>], vector<16xi32>,
      tpu.vector_store_idx %arg5[%get3A_508], %broadcast_in_dim3A_82 {add = true} : memref<50176xi32, #tpu.memory_space<vmem>>[vector<16xi32>], vector<16xi32>,
      tpu.vector_store_idx %arg5[%get3A_516], %broadcast_in_dim3A_82 {add = true} : memref<50176xi32, #tpu.memory_space<vmem>>[vector<16xi32>], vector<16xi32>,
      tpu.vector_store_idx %arg5[%get3A_524], %broadcast_in_dim3A_82 {add = true} : memref<50176xi32, #tpu.memory_space<vmem>>[vector<16xi32>], vector<16xi32>,
      tpu.vector_store_idx %arg5[%get3A_532], %broadcast_in_dim3A_82 {add = true} : memref<50176xi32, #tpu.memory_space<vmem>>[vector<16xi32>], vector<16xi32>,
      tpu.vector_store_idx %arg5[%get3A_540], %broadcast_in_dim3A_82 {add = true} : memref<50176xi32, #tpu.memory_space<vmem>>[vector<16xi32>], vector<16xi32>,
      tpu.vector_store_idx %arg5[%get3A_548], %broadcast_in_dim3A_82 {add = true} : memref<50176xi32, #tpu.memory_space<vmem>>[vector<16xi32>], vector<16xi32>,
      tpu.vector_store_idx %arg5[%get3A_556], %broadcast_in_dim3A_82 {add = true} : memref<50176xi32, #tpu.memory_space<vmem>>[vector<16xi32>], vector<16xi32>,
      tpu.vector_store_idx %arg5[%get3A_564], %broadcast_in_dim3A_82 {add = true} : memref<50176xi32, #tpu.memory_space<vmem>>[vector<16xi32>], vector<16xi32>,
      tpu.vector_store_idx %arg5[%get3A_572], %broadcast_in_dim3A_82 {add = true} : memref<50176xi32, #tpu.memory_space<vmem>>[vector<16xi32>], vector<16xi32>,
      tpu.vector_store_idx %arg5[%get3A_580], %broadcast_in_dim3A_82 {add = true} : memref<50176xi32, #tpu.memory_space<vmem>>[vector<16xi32>], vector<16xi32>,
      tpu.vector_store_idx %arg5[%get3A_588], %broadcast_in_dim3A_82 {add = true} : memref<50176xi32, #tpu.memory_space<vmem>>[vector<16xi32>], vector<16xi32>,
      tpu.vector_store_idx %arg5[%get3A_596], %broadcast_in_dim3A_82 {add = true} : memref<50176xi32, #tpu.memory_space<vmem>>[vector<16xi32>], vector<16xi32>,
      tpu.vector_store_idx %arg5[%get3A_604], %broadcast_in_dim3A_82 {add = true} : memref<50176xi32, #tpu.memory_space<vmem>>[vector<16xi32>], vector<16xi32>,
      tpu.vector_store_idx %arg5[%get3A_612], %broadcast_in_dim3A_82 {add = true} : memref<50176xi32, #tpu.memory_space<vmem>>[vector<16xi32>], vector<16xi32>,
      tpu.vector_store_idx %arg5[%get3A_620], %broadcast_in_dim3A_82 {add = true} : memref<50176xi32, #tpu.memory_space<vmem>>[vector<16xi32>], vector<16xi32>,
      tpu.vector_store_idx %arg5[%get3A_628], %broadcast_in_dim3A_82 {add = true} : memref<50176xi32, #tpu.memory_space<vmem>>[vector<16xi32>], vector<16xi32>,
      tpu.vector_store_idx %arg5[%get3A_636], %broadcast_in_dim3A_82 {add = true} : memref<50176xi32, #tpu.memory_space<vmem>>[vector<16xi32>], vector<16xi32>,
      %scan3A_637 = arith.constant 0 : i32
      scf.yield %scan3A_637 : i32
    }
    %scan3A_219 = arith.constant 32 : i32
    %dma_wait3A_220 = arith.constant 0 : i32
    %dma_wait3A_221 = tpu.memref_slice %arg6[%dma_wait3A_220] : memref<11776xi32, #tpu.memory_space<vmem>> -> memref<11776xi32, #tpu.memory_space<vmem>>
    %dma_wait3A_222 = tpu.memref_slice %arg2[%sub3A_0, %add3A_62] : memref<2x1600000xi32, #tpu.memory_space<hbm>> -> memref<1x11776xi32, #tpu.memory_space<hbm>>
    %dma_wait3A_223 = tpu.memref_squeeze %dma_wait3A_222 : memref<1x11776xi32, #tpu.memory_space<hbm>> -> memref<11776xi32, #tpu.memory_space<hbm>>
    %dma_wait3A_224 = arith.constant 0 : i32
    %dma_wait3A_225 = tpu.memref_slice %arg6[%dma_wait3A_224] : memref<11776xi32, #tpu.memory_space<vmem>> -> memref<11776xi32, #tpu.memory_space<vmem>>
    %dma_wait3A_226 = tpu.memref_slice %arg2[%sub3A_0, %add3A_62] : memref<2x1600000xi32, #tpu.memory_space<hbm>> -> memref<1x11776xi32, #tpu.memory_space<hbm>>
    %dma_wait3A_227 = tpu.memref_squeeze %dma_wait3A_226 : memref<1x11776xi32, #tpu.memory_space<hbm>> -> memref<11776xi32, #tpu.memory_space<hbm>>
    tpu.wait_dma2 semaphore(%arg19 : memref<!tpu.dma_semaphore, #tpu.memory_space<semaphore_mem>>) src(%dma_wait3A_227 : memref<11776xi32, #tpu.memory_space<hbm>>) dst(%dma_wait3A_225 : memref<11776xi32, #tpu.memory_space<vmem>>)
    %dma_start3A_228 = arith.constant 0 : i32
    %dma_start3A_229 = tpu.memref_slice %arg7[%dma_start3A_228] : memref<11776xi32, #tpu.memory_space<vmem>> -> memref<11776xi32, #tpu.memory_space<vmem>>
    %dma_start3A_230 = tpu.memref_slice %arg2[%sub3A_0, %add3A_64] : memref<2x1600000xi32, #tpu.memory_space<hbm>> -> memref<1x11776xi32, #tpu.memory_space<hbm>>
    %dma_start3A_231 = tpu.memref_squeeze %dma_start3A_230 : memref<1x11776xi32, #tpu.memory_space<hbm>> -> memref<11776xi32, #tpu.memory_space<hbm>>
    %dma_start3A_232 = arith.constant 0 : i32
    %dma_start3A_233 = tpu.memref_slice %arg7[%dma_start3A_232] : memref<11776xi32, #tpu.memory_space<vmem>> -> memref<11776xi32, #tpu.memory_space<vmem>>
    %dma_start3A_234 = tpu.memref_slice %arg2[%sub3A_0, %add3A_64] : memref<2x1600000xi32, #tpu.memory_space<hbm>> -> memref<1x11776xi32, #tpu.memory_space<hbm>>
    %dma_start3A_235 = tpu.memref_squeeze %dma_start3A_234 : memref<1x11776xi32, #tpu.memory_space<hbm>> -> memref<11776xi32, #tpu.memory_space<hbm>>
    tpu.enqueue_dma source(%dma_start3A_235 : memref<11776xi32, #tpu.memory_space<hbm>>) target(%dma_start3A_233 : memref<11776xi32, #tpu.memory_space<vmem>>) target_semaphore(%arg20 : memref<!tpu.dma_semaphore, #tpu.memory_space<semaphore_mem>>)
    %scan3A_236 = arith.constant 0 : i32
    %scan3A_237 = arith.constant 0 : i32
    %scan3A_238 = arith.constant 32 : i32
    %scan3A_239 = arith.addi %scan3A_237, %scan3A_238 : i32
    %scan3A_240 = arith.constant 1 : i32
    %scan3A_241 = scf.for %scan3A_451 = %scan3A_237 to %scan3A_239 step %scan3A_240 iter_args(%scan3A_452 = %scan3A_236) -> (i32)  : i32 {
      %mul3A_453 = arith.constant 23 : i32
      %mul3A_454 = arith.muli %scan3A_451, %mul3A_453 : i32
      %add3A_455 = arith.constant 0 : i32
      %add3A_456 = arith.addi %mul3A_454, %add3A_455 : i32
      %mul3A_457 = arith.constant 16 : i32
      %mul3A_458 = arith.muli %add3A_456, %mul3A_457 : i32
      %get3A_459 = arith.index_cast %mul3A_458 : i32 to index
      %get3A_460 = tpu.vector_load %arg6[%get3A_459] {strides = array<i32>} : memref<11776xi32, #tpu.memory_space<vmem>>, vector<16xi32>,
      %mul3A_461 = arith.constant 23 : i32
      %mul3A_462 = arith.muli %scan3A_451, %mul3A_461 : i32
      %add3A_463 = arith.constant 1 : i32
      %add3A_464 = arith.addi %mul3A_462, %add3A_463 : i32
      %mul3A_465 = arith.constant 16 : i32
      %mul3A_466 = arith.muli %add3A_464, %mul3A_465 : i32
      %get3A_467 = arith.index_cast %mul3A_466 : i32 to index
      %get3A_468 = tpu.vector_load %arg6[%get3A_467] {strides = array<i32>} : memref<11776xi32, #tpu.memory_space<vmem>>, vector<16xi32>,
      %mul3A_469 = arith.constant 23 : i32
      %mul3A_470 = arith.muli %scan3A_451, %mul3A_469 : i32
      %add3A_471 = arith.constant 2 : i32
      %add3A_472 = arith.addi %mul3A_470, %add3A_471 : i32
      %mul3A_473 = arith.constant 16 : i32
      %mul3A_474 = arith.muli %add3A_472, %mul3A_473 : i32
      %get3A_475 = arith.index_cast %mul3A_474 : i32 to index
      %get3A_476 = tpu.vector_load %arg6[%get3A_475] {strides = array<i32>} : memref<11776xi32, #tpu.memory_space<vmem>>, vector<16xi32>,
      %mul3A_477 = arith.constant 23 : i32
      %mul3A_478 = arith.muli %scan3A_451, %mul3A_477 : i32
      %add3A_479 = arith.constant 3 : i32
      %add3A_480 = arith.addi %mul3A_478, %add3A_479 : i32
      %mul3A_481 = arith.constant 16 : i32
      %mul3A_482 = arith.muli %add3A_480, %mul3A_481 : i32
      %get3A_483 = arith.index_cast %mul3A_482 : i32 to index
      %get3A_484 = tpu.vector_load %arg6[%get3A_483] {strides = array<i32>} : memref<11776xi32, #tpu.memory_space<vmem>>, vector<16xi32>,
      %mul3A_485 = arith.constant 23 : i32
      %mul3A_486 = arith.muli %scan3A_451, %mul3A_485 : i32
      %add3A_487 = arith.constant 4 : i32
      %add3A_488 = arith.addi %mul3A_486, %add3A_487 : i32
      %mul3A_489 = arith.constant 16 : i32
      %mul3A_490 = arith.muli %add3A_488, %mul3A_489 : i32
      %get3A_491 = arith.index_cast %mul3A_490 : i32 to index
      %get3A_492 = tpu.vector_load %arg6[%get3A_491] {strides = array<i32>} : memref<11776xi32, #tpu.memory_space<vmem>>, vector<16xi32>,
      %mul3A_493 = arith.constant 23 : i32
      %mul3A_494 = arith.muli %scan3A_451, %mul3A_493 : i32
      %add3A_495 = arith.constant 5 : i32
      %add3A_496 = arith.addi %mul3A_494, %add3A_495 : i32
      %mul3A_497 = arith.constant 16 : i32
      %mul3A_498 = arith.muli %add3A_496, %mul3A_497 : i32
      %get3A_499 = arith.index_cast %mul3A_498 : i32 to index
      %get3A_500 = tpu.vector_load %arg6[%get3A_499] {strides = array<i32>} : memref<11776xi32, #tpu.memory_space<vmem>>, vector<16xi32>,
      %mul3A_501 = arith.constant 23 : i32
      %mul3A_502 = arith.muli %scan3A_451, %mul3A_501 : i32
      %add3A_503 = arith.constant 6 : i32
      %add3A_504 = arith.addi %mul3A_502, %add3A_503 : i32
      %mul3A_505 = arith.constant 16 : i32
      %mul3A_506 = arith.muli %add3A_504, %mul3A_505 : i32
      %get3A_507 = arith.index_cast %mul3A_506 : i32 to index
      %get3A_508 = tpu.vector_load %arg6[%get3A_507] {strides = array<i32>} : memref<11776xi32, #tpu.memory_space<vmem>>, vector<16xi32>,
      %mul3A_509 = arith.constant 23 : i32
      %mul3A_510 = arith.muli %scan3A_451, %mul3A_509 : i32
      %add3A_511 = arith.constant 7 : i32
      %add3A_512 = arith.addi %mul3A_510, %add3A_511 : i32
      %mul3A_513 = arith.constant 16 : i32
      %mul3A_514 = arith.muli %add3A_512, %mul3A_513 : i32
      %get3A_515 = arith.index_cast %mul3A_514 : i32 to index
      %get3A_516 = tpu.vector_load %arg6[%get3A_515] {strides = array<i32>} : memref<11776xi32, #tpu.memory_space<vmem>>, vector<16xi32>,
      %mul3A_517 = arith.constant 23 : i32
      %mul3A_518 = arith.muli %scan3A_451, %mul3A_517 : i32
      %add3A_519 = arith.constant 8 : i32
      %add3A_520 = arith.addi %mul3A_518, %add3A_519 : i32
      %mul3A_521 = arith.constant 16 : i32
      %mul3A_522 = arith.muli %add3A_520, %mul3A_521 : i32
      %get3A_523 = arith.index_cast %mul3A_522 : i32 to index
      %get3A_524 = tpu.vector_load %arg6[%get3A_523] {strides = array<i32>} : memref<11776xi32, #tpu.memory_space<vmem>>, vector<16xi32>,
      %mul3A_525 = arith.constant 23 : i32
      %mul3A_526 = arith.muli %scan3A_451, %mul3A_525 : i32
      %add3A_527 = arith.constant 9 : i32
      %add3A_528 = arith.addi %mul3A_526, %add3A_527 : i32
      %mul3A_529 = arith.constant 16 : i32
      %mul3A_530 = arith.muli %add3A_528, %mul3A_529 : i32
      %get3A_531 = arith.index_cast %mul3A_530 : i32 to index
      %get3A_532 = tpu.vector_load %arg6[%get3A_531] {strides = array<i32>} : memref<11776xi32, #tpu.memory_space<vmem>>, vector<16xi32>,
      %mul3A_533 = arith.constant 23 : i32
      %mul3A_534 = arith.muli %scan3A_451, %mul3A_533 : i32
      %add3A_535 = arith.constant 10 : i32
      %add3A_536 = arith.addi %mul3A_534, %add3A_535 : i32
      %mul3A_537 = arith.constant 16 : i32
      %mul3A_538 = arith.muli %add3A_536, %mul3A_537 : i32
      %get3A_539 = arith.index_cast %mul3A_538 : i32 to index
      %get3A_540 = tpu.vector_load %arg6[%get3A_539] {strides = array<i32>} : memref<11776xi32, #tpu.memory_space<vmem>>, vector<16xi32>,
      %mul3A_541 = arith.constant 23 : i32
      %mul3A_542 = arith.muli %scan3A_451, %mul3A_541 : i32
      %add3A_543 = arith.constant 11 : i32
      %add3A_544 = arith.addi %mul3A_542, %add3A_543 : i32
      %mul3A_545 = arith.constant 16 : i32
      %mul3A_546 = arith.muli %add3A_544, %mul3A_545 : i32
      %get3A_547 = arith.index_cast %mul3A_546 : i32 to index
      %get3A_548 = tpu.vector_load %arg6[%get3A_547] {strides = array<i32>} : memref<11776xi32, #tpu.memory_space<vmem>>, vector<16xi32>,
      %mul3A_549 = arith.constant 23 : i32
      %mul3A_550 = arith.muli %scan3A_451, %mul3A_549 : i32
      %add3A_551 = arith.constant 12 : i32
      %add3A_552 = arith.addi %mul3A_550, %add3A_551 : i32
      %mul3A_553 = arith.constant 16 : i32
      %mul3A_554 = arith.muli %add3A_552, %mul3A_553 : i32
      %get3A_555 = arith.index_cast %mul3A_554 : i32 to index
      %get3A_556 = tpu.vector_load %arg6[%get3A_555] {strides = array<i32>} : memref<11776xi32, #tpu.memory_space<vmem>>, vector<16xi32>,
      %mul3A_557 = arith.constant 23 : i32
      %mul3A_558 = arith.muli %scan3A_451, %mul3A_557 : i32
      %add3A_559 = arith.constant 13 : i32
      %add3A_560 = arith.addi %mul3A_558, %add3A_559 : i32
      %mul3A_561 = arith.constant 16 : i32
      %mul3A_562 = arith.muli %add3A_560, %mul3A_561 : i32
      %get3A_563 = arith.index_cast %mul3A_562 : i32 to index
      %get3A_564 = tpu.vector_load %arg6[%get3A_563] {strides = array<i32>} : memref<11776xi32, #tpu.memory_space<vmem>>, vector<16xi32>,
      %mul3A_565 = arith.constant 23 : i32
      %mul3A_566 = arith.muli %scan3A_451, %mul3A_565 : i32
      %add3A_567 = arith.constant 14 : i32
      %add3A_568 = arith.addi %mul3A_566, %add3A_567 : i32
      %mul3A_569 = arith.constant 16 : i32
      %mul3A_570 = arith.muli %add3A_568, %mul3A_569 : i32
      %get3A_571 = arith.index_cast %mul3A_570 : i32 to index
      %get3A_572 = tpu.vector_load %arg6[%get3A_571] {strides = array<i32>} : memref<11776xi32, #tpu.memory_space<vmem>>, vector<16xi32>,
      %mul3A_573 = arith.constant 23 : i32
      %mul3A_574 = arith.muli %scan3A_451, %mul3A_573 : i32
      %add3A_575 = arith.constant 15 : i32
      %add3A_576 = arith.addi %mul3A_574, %add3A_575 : i32
      %mul3A_577 = arith.constant 16 : i32
      %mul3A_578 = arith.muli %add3A_576, %mul3A_577 : i32
      %get3A_579 = arith.index_cast %mul3A_578 : i32 to index
      %get3A_580 = tpu.vector_load %arg6[%get3A_579] {strides = array<i32>} : memref<11776xi32, #tpu.memory_space<vmem>>, vector<16xi32>,
      %mul3A_581 = arith.constant 23 : i32
      %mul3A_582 = arith.muli %scan3A_451, %mul3A_581 : i32
      %add3A_583 = arith.constant 16 : i32
      %add3A_584 = arith.addi %mul3A_582, %add3A_583 : i32
      %mul3A_585 = arith.constant 16 : i32
      %mul3A_586 = arith.muli %add3A_584, %mul3A_585 : i32
      %get3A_587 = arith.index_cast %mul3A_586 : i32 to index
      %get3A_588 = tpu.vector_load %arg6[%get3A_587] {strides = array<i32>} : memref<11776xi32, #tpu.memory_space<vmem>>, vector<16xi32>,
      %mul3A_589 = arith.constant 23 : i32
      %mul3A_590 = arith.muli %scan3A_451, %mul3A_589 : i32
      %add3A_591 = arith.constant 17 : i32
      %add3A_592 = arith.addi %mul3A_590, %add3A_591 : i32
      %mul3A_593 = arith.constant 16 : i32
      %mul3A_594 = arith.muli %add3A_592, %mul3A_593 : i32
      %get3A_595 = arith.index_cast %mul3A_594 : i32 to index
      %get3A_596 = tpu.vector_load %arg6[%get3A_595] {strides = array<i32>} : memref<11776xi32, #tpu.memory_space<vmem>>, vector<16xi32>,
      %mul3A_597 = arith.constant 23 : i32
      %mul3A_598 = arith.muli %scan3A_451, %mul3A_597 : i32
      %add3A_599 = arith.constant 18 : i32
      %add3A_600 = arith.addi %mul3A_598, %add3A_599 : i32
      %mul3A_601 = arith.constant 16 : i32
      %mul3A_602 = arith.muli %add3A_600, %mul3A_601 : i32
      %get3A_603 = arith.index_cast %mul3A_602 : i32 to index
      %get3A_604 = tpu.vector_load %arg6[%get3A_603] {strides = array<i32>} : memref<11776xi32, #tpu.memory_space<vmem>>, vector<16xi32>,
      %mul3A_605 = arith.constant 23 : i32
      %mul3A_606 = arith.muli %scan3A_451, %mul3A_605 : i32
      %add3A_607 = arith.constant 19 : i32
      %add3A_608 = arith.addi %mul3A_606, %add3A_607 : i32
      %mul3A_609 = arith.constant 16 : i32
      %mul3A_610 = arith.muli %add3A_608, %mul3A_609 : i32
      %get3A_611 = arith.index_cast %mul3A_610 : i32 to index
      %get3A_612 = tpu.vector_load %arg6[%get3A_611] {strides = array<i32>} : memref<11776xi32, #tpu.memory_space<vmem>>, vector<16xi32>,
      %mul3A_613 = arith.constant 23 : i32
      %mul3A_614 = arith.muli %scan3A_451, %mul3A_613 : i32
      %add3A_615 = arith.constant 20 : i32
      %add3A_616 = arith.addi %mul3A_614, %add3A_615 : i32
      %mul3A_617 = arith.constant 16 : i32
      %mul3A_618 = arith.muli %add3A_616, %mul3A_617 : i32
      %get3A_619 = arith.index_cast %mul3A_618 : i32 to index
      %get3A_620 = tpu.vector_load %arg6[%get3A_619] {strides = array<i32>} : memref<11776xi32, #tpu.memory_space<vmem>>, vector<16xi32>,
      %mul3A_621 = arith.constant 23 : i32
      %mul3A_622 = arith.muli %scan3A_451, %mul3A_621 : i32
      %add3A_623 = arith.constant 21 : i32
      %add3A_624 = arith.addi %mul3A_622, %add3A_623 : i32
      %mul3A_625 = arith.constant 16 : i32
      %mul3A_626 = arith.muli %add3A_624, %mul3A_625 : i32
      %get3A_627 = arith.index_cast %mul3A_626 : i32 to index
      %get3A_628 = tpu.vector_load %arg6[%get3A_627] {strides = array<i32>} : memref<11776xi32, #tpu.memory_space<vmem>>, vector<16xi32>,
      %mul3A_629 = arith.constant 23 : i32
      %mul3A_630 = arith.muli %scan3A_451, %mul3A_629 : i32
      %add3A_631 = arith.constant 22 : i32
      %add3A_632 = arith.addi %mul3A_630, %add3A_631 : i32
      %mul3A_633 = arith.constant 16 : i32
      %mul3A_634 = arith.muli %add3A_632, %mul3A_633 : i32
      %get3A_635 = arith.index_cast %mul3A_634 : i32 to index
      %get3A_636 = tpu.vector_load %arg6[%get3A_635] {strides = array<i32>} : memref<11776xi32, #tpu.memory_space<vmem>>, vector<16xi32>,
      tpu.vector_store_idx %arg5[%get3A_460], %broadcast_in_dim3A_82 {add = true} : memref<50176xi32, #tpu.memory_space<vmem>>[vector<16xi32>], vector<16xi32>,
      tpu.vector_store_idx %arg5[%get3A_468], %broadcast_in_dim3A_82 {add = true} : memref<50176xi32, #tpu.memory_space<vmem>>[vector<16xi32>], vector<16xi32>,
      tpu.vector_store_idx %arg5[%get3A_476], %broadcast_in_dim3A_82 {add = true} : memref<50176xi32, #tpu.memory_space<vmem>>[vector<16xi32>], vector<16xi32>,
      tpu.vector_store_idx %arg5[%get3A_484], %broadcast_in_dim3A_82 {add = true} : memref<50176xi32, #tpu.memory_space<vmem>>[vector<16xi32>], vector<16xi32>,
      tpu.vector_store_idx %arg5[%get3A_492], %broadcast_in_dim3A_82 {add = true} : memref<50176xi32, #tpu.memory_space<vmem>>[vector<16xi32>], vector<16xi32>,
      tpu.vector_store_idx %arg5[%get3A_500], %broadcast_in_dim3A_82 {add = true} : memref<50176xi32, #tpu.memory_space<vmem>>[vector<16xi32>], vector<16xi32>,
      tpu.vector_store_idx %arg5[%get3A_508], %broadcast_in_dim3A_82 {add = true} : memref<50176xi32, #tpu.memory_space<vmem>>[vector<16xi32>], vector<16xi32>,
      tpu.vector_store_idx %arg5[%get3A_516], %broadcast_in_dim3A_82 {add = true} : memref<50176xi32, #tpu.memory_space<vmem>>[vector<16xi32>], vector<16xi32>,
      tpu.vector_store_idx %arg5[%get3A_524], %broadcast_in_dim3A_82 {add = true} : memref<50176xi32, #tpu.memory_space<vmem>>[vector<16xi32>], vector<16xi32>,
      tpu.vector_store_idx %arg5[%get3A_532], %broadcast_in_dim3A_82 {add = true} : memref<50176xi32, #tpu.memory_space<vmem>>[vector<16xi32>], vector<16xi32>,
      tpu.vector_store_idx %arg5[%get3A_540], %broadcast_in_dim3A_82 {add = true} : memref<50176xi32, #tpu.memory_space<vmem>>[vector<16xi32>], vector<16xi32>,
      tpu.vector_store_idx %arg5[%get3A_548], %broadcast_in_dim3A_82 {add = true} : memref<50176xi32, #tpu.memory_space<vmem>>[vector<16xi32>], vector<16xi32>,
      tpu.vector_store_idx %arg5[%get3A_556], %broadcast_in_dim3A_82 {add = true} : memref<50176xi32, #tpu.memory_space<vmem>>[vector<16xi32>], vector<16xi32>,
      tpu.vector_store_idx %arg5[%get3A_564], %broadcast_in_dim3A_82 {add = true} : memref<50176xi32, #tpu.memory_space<vmem>>[vector<16xi32>], vector<16xi32>,
      tpu.vector_store_idx %arg5[%get3A_572], %broadcast_in_dim3A_82 {add = true} : memref<50176xi32, #tpu.memory_space<vmem>>[vector<16xi32>], vector<16xi32>,
      tpu.vector_store_idx %arg5[%get3A_580], %broadcast_in_dim3A_82 {add = true} : memref<50176xi32, #tpu.memory_space<vmem>>[vector<16xi32>], vector<16xi32>,
      tpu.vector_store_idx %arg5[%get3A_588], %broadcast_in_dim3A_82 {add = true} : memref<50176xi32, #tpu.memory_space<vmem>>[vector<16xi32>], vector<16xi32>,
      tpu.vector_store_idx %arg5[%get3A_596], %broadcast_in_dim3A_82 {add = true} : memref<50176xi32, #tpu.memory_space<vmem>>[vector<16xi32>], vector<16xi32>,
      tpu.vector_store_idx %arg5[%get3A_604], %broadcast_in_dim3A_82 {add = true} : memref<50176xi32, #tpu.memory_space<vmem>>[vector<16xi32>], vector<16xi32>,
      tpu.vector_store_idx %arg5[%get3A_612], %broadcast_in_dim3A_82 {add = true} : memref<50176xi32, #tpu.memory_space<vmem>>[vector<16xi32>], vector<16xi32>,
      tpu.vector_store_idx %arg5[%get3A_620], %broadcast_in_dim3A_82 {add = true} : memref<50176xi32, #tpu.memory_space<vmem>>[vector<16xi32>], vector<16xi32>,
      tpu.vector_store_idx %arg5[%get3A_628], %broadcast_in_dim3A_82 {add = true} : memref<50176xi32, #tpu.memory_space<vmem>>[vector<16xi32>], vector<16xi32>,
      tpu.vector_store_idx %arg5[%get3A_636], %broadcast_in_dim3A_82 {add = true} : memref<50176xi32, #tpu.memory_space<vmem>>[vector<16xi32>], vector<16xi32>,
      %scan3A_637 = arith.constant 0 : i32
      scf.yield %scan3A_637 : i32
    }
    %scan3A_242 = arith.constant 32 : i32
    %dma_wait3A_243 = arith.constant 0 : i32
    %dma_wait3A_244 = tpu.memref_slice %arg7[%dma_wait3A_243] : memref<11776xi32, #tpu.memory_space<vmem>> -> memref<11776xi32, #tpu.memory_space<vmem>>
    %dma_wait3A_245 = tpu.memref_slice %arg2[%sub3A_0, %add3A_64] : memref<2x1600000xi32, #tpu.memory_space<hbm>> -> memref<1x11776xi32, #tpu.memory_space<hbm>>
    %dma_wait3A_246 = tpu.memref_squeeze %dma_wait3A_245 : memref<1x11776xi32, #tpu.memory_space<hbm>> -> memref<11776xi32, #tpu.memory_space<hbm>>
    %dma_wait3A_247 = arith.constant 0 : i32
    %dma_wait3A_248 = tpu.memref_slice %arg7[%dma_wait3A_247] : memref<11776xi32, #tpu.memory_space<vmem>> -> memref<11776xi32, #tpu.memory_space<vmem>>
    %dma_wait3A_249 = tpu.memref_slice %arg2[%sub3A_0, %add3A_64] : memref<2x1600000xi32, #tpu.memory_space<hbm>> -> memref<1x11776xi32, #tpu.memory_space<hbm>>
    %dma_wait3A_250 = tpu.memref_squeeze %dma_wait3A_249 : memref<1x11776xi32, #tpu.memory_space<hbm>> -> memref<11776xi32, #tpu.memory_space<hbm>>
    tpu.wait_dma2 semaphore(%arg20 : memref<!tpu.dma_semaphore, #tpu.memory_space<semaphore_mem>>) src(%dma_wait3A_250 : memref<11776xi32, #tpu.memory_space<hbm>>) dst(%dma_wait3A_248 : memref<11776xi32, #tpu.memory_space<vmem>>)
    %dma_start3A_251 = arith.constant 0 : i32
    %dma_start3A_252 = tpu.memref_slice %arg6[%dma_start3A_251] : memref<11776xi32, #tpu.memory_space<vmem>> -> memref<5888xi32, #tpu.memory_space<vmem>>
    %dma_start3A_253 = tpu.memref_slice %arg2[%sub3A_0, %add3A_66] : memref<2x1600000xi32, #tpu.memory_space<hbm>> -> memref<1x5888xi32, #tpu.memory_space<hbm>>
    %dma_start3A_254 = tpu.memref_squeeze %dma_start3A_253 : memref<1x5888xi32, #tpu.memory_space<hbm>> -> memref<5888xi32, #tpu.memory_space<hbm>>
    %dma_start3A_255 = arith.constant 0 : i32
    %dma_start3A_256 = tpu.memref_slice %arg6[%dma_start3A_255] : memref<11776xi32, #tpu.memory_space<vmem>> -> memref<5888xi32, #tpu.memory_space<vmem>>
    %dma_start3A_257 = tpu.memref_slice %arg2[%sub3A_0, %add3A_66] : memref<2x1600000xi32, #tpu.memory_space<hbm>> -> memref<1x5888xi32, #tpu.memory_space<hbm>>
    %dma_start3A_258 = tpu.memref_squeeze %dma_start3A_257 : memref<1x5888xi32, #tpu.memory_space<hbm>> -> memref<5888xi32, #tpu.memory_space<hbm>>
    tpu.enqueue_dma source(%dma_start3A_258 : memref<5888xi32, #tpu.memory_space<hbm>>) target(%dma_start3A_256 : memref<5888xi32, #tpu.memory_space<vmem>>) target_semaphore(%arg19 : memref<!tpu.dma_semaphore, #tpu.memory_space<semaphore_mem>>)
    %scan3A_259 = arith.constant 0 : i32
    %scan3A_260 = arith.constant 0 : i32
    %scan3A_261 = arith.constant 32 : i32
    %scan3A_262 = arith.addi %scan3A_260, %scan3A_261 : i32
    %scan3A_263 = arith.constant 1 : i32
    %scan3A_264 = scf.for %scan3A_451 = %scan3A_260 to %scan3A_262 step %scan3A_263 iter_args(%scan3A_452 = %scan3A_259) -> (i32)  : i32 {
      %mul3A_453 = arith.constant 23 : i32
      %mul3A_454 = arith.muli %scan3A_451, %mul3A_453 : i32
      %add3A_455 = arith.constant 0 : i32
      %add3A_456 = arith.addi %mul3A_454, %add3A_455 : i32
      %mul3A_457 = arith.constant 16 : i32
      %mul3A_458 = arith.muli %add3A_456, %mul3A_457 : i32
      %get3A_459 = arith.index_cast %mul3A_458 : i32 to index
      %get3A_460 = tpu.vector_load %arg7[%get3A_459] {strides = array<i32>} : memref<11776xi32, #tpu.memory_space<vmem>>, vector<16xi32>,
      %mul3A_461 = arith.constant 23 : i32
      %mul3A_462 = arith.muli %scan3A_451, %mul3A_461 : i32
      %add3A_463 = arith.constant 1 : i32
      %add3A_464 = arith.addi %mul3A_462, %add3A_463 : i32
      %mul3A_465 = arith.constant 16 : i32
      %mul3A_466 = arith.muli %add3A_464, %mul3A_465 : i32
      %get3A_467 = arith.index_cast %mul3A_466 : i32 to index
      %get3A_468 = tpu.vector_load %arg7[%get3A_467] {strides = array<i32>} : memref<11776xi32, #tpu.memory_space<vmem>>, vector<16xi32>,
      %mul3A_469 = arith.constant 23 : i32
      %mul3A_470 = arith.muli %scan3A_451, %mul3A_469 : i32
      %add3A_471 = arith.constant 2 : i32
      %add3A_472 = arith.addi %mul3A_470, %add3A_471 : i32
      %mul3A_473 = arith.constant 16 : i32
      %mul3A_474 = arith.muli %add3A_472, %mul3A_473 : i32
      %get3A_475 = arith.index_cast %mul3A_474 : i32 to index
      %get3A_476 = tpu.vector_load %arg7[%get3A_475] {strides = array<i32>} : memref<11776xi32, #tpu.memory_space<vmem>>, vector<16xi32>,
      %mul3A_477 = arith.constant 23 : i32
      %mul3A_478 = arith.muli %scan3A_451, %mul3A_477 : i32
      %add3A_479 = arith.constant 3 : i32
      %add3A_480 = arith.addi %mul3A_478, %add3A_479 : i32
      %mul3A_481 = arith.constant 16 : i32
      %mul3A_482 = arith.muli %add3A_480, %mul3A_481 : i32
      %get3A_483 = arith.index_cast %mul3A_482 : i32 to index
      %get3A_484 = tpu.vector_load %arg7[%get3A_483] {strides = array<i32>} : memref<11776xi32, #tpu.memory_space<vmem>>, vector<16xi32>,
      %mul3A_485 = arith.constant 23 : i32
      %mul3A_486 = arith.muli %scan3A_451, %mul3A_485 : i32
      %add3A_487 = arith.constant 4 : i32
      %add3A_488 = arith.addi %mul3A_486, %add3A_487 : i32
      %mul3A_489 = arith.constant 16 : i32
      %mul3A_490 = arith.muli %add3A_488, %mul3A_489 : i32
      %get3A_491 = arith.index_cast %mul3A_490 : i32 to index
      %get3A_492 = tpu.vector_load %arg7[%get3A_491] {strides = array<i32>} : memref<11776xi32, #tpu.memory_space<vmem>>, vector<16xi32>,
      %mul3A_493 = arith.constant 23 : i32
      %mul3A_494 = arith.muli %scan3A_451, %mul3A_493 : i32
      %add3A_495 = arith.constant 5 : i32
      %add3A_496 = arith.addi %mul3A_494, %add3A_495 : i32
      %mul3A_497 = arith.constant 16 : i32
      %mul3A_498 = arith.muli %add3A_496, %mul3A_497 : i32
      %get3A_499 = arith.index_cast %mul3A_498 : i32 to index
      %get3A_500 = tpu.vector_load %arg7[%get3A_499] {strides = array<i32>} : memref<11776xi32, #tpu.memory_space<vmem>>, vector<16xi32>,
      %mul3A_501 = arith.constant 23 : i32
      %mul3A_502 = arith.muli %scan3A_451, %mul3A_501 : i32
      %add3A_503 = arith.constant 6 : i32
      %add3A_504 = arith.addi %mul3A_502, %add3A_503 : i32
      %mul3A_505 = arith.constant 16 : i32
      %mul3A_506 = arith.muli %add3A_504, %mul3A_505 : i32
      %get3A_507 = arith.index_cast %mul3A_506 : i32 to index
      %get3A_508 = tpu.vector_load %arg7[%get3A_507] {strides = array<i32>} : memref<11776xi32, #tpu.memory_space<vmem>>, vector<16xi32>,
      %mul3A_509 = arith.constant 23 : i32
      %mul3A_510 = arith.muli %scan3A_451, %mul3A_509 : i32
      %add3A_511 = arith.constant 7 : i32
      %add3A_512 = arith.addi %mul3A_510, %add3A_511 : i32
      %mul3A_513 = arith.constant 16 : i32
      %mul3A_514 = arith.muli %add3A_512, %mul3A_513 : i32
      %get3A_515 = arith.index_cast %mul3A_514 : i32 to index
      %get3A_516 = tpu.vector_load %arg7[%get3A_515] {strides = array<i32>} : memref<11776xi32, #tpu.memory_space<vmem>>, vector<16xi32>,
      %mul3A_517 = arith.constant 23 : i32
      %mul3A_518 = arith.muli %scan3A_451, %mul3A_517 : i32
      %add3A_519 = arith.constant 8 : i32
      %add3A_520 = arith.addi %mul3A_518, %add3A_519 : i32
      %mul3A_521 = arith.constant 16 : i32
      %mul3A_522 = arith.muli %add3A_520, %mul3A_521 : i32
      %get3A_523 = arith.index_cast %mul3A_522 : i32 to index
      %get3A_524 = tpu.vector_load %arg7[%get3A_523] {strides = array<i32>} : memref<11776xi32, #tpu.memory_space<vmem>>, vector<16xi32>,
      %mul3A_525 = arith.constant 23 : i32
      %mul3A_526 = arith.muli %scan3A_451, %mul3A_525 : i32
      %add3A_527 = arith.constant 9 : i32
      %add3A_528 = arith.addi %mul3A_526, %add3A_527 : i32
      %mul3A_529 = arith.constant 16 : i32
      %mul3A_530 = arith.muli %add3A_528, %mul3A_529 : i32
      %get3A_531 = arith.index_cast %mul3A_530 : i32 to index
      %get3A_532 = tpu.vector_load %arg7[%get3A_531] {strides = array<i32>} : memref<11776xi32, #tpu.memory_space<vmem>>, vector<16xi32>,
      %mul3A_533 = arith.constant 23 : i32
      %mul3A_534 = arith.muli %scan3A_451, %mul3A_533 : i32
      %add3A_535 = arith.constant 10 : i32
      %add3A_536 = arith.addi %mul3A_534, %add3A_535 : i32
      %mul3A_537 = arith.constant 16 : i32
      %mul3A_538 = arith.muli %add3A_536, %mul3A_537 : i32
      %get3A_539 = arith.index_cast %mul3A_538 : i32 to index
      %get3A_540 = tpu.vector_load %arg7[%get3A_539] {strides = array<i32>} : memref<11776xi32, #tpu.memory_space<vmem>>, vector<16xi32>,
      %mul3A_541 = arith.constant 23 : i32
      %mul3A_542 = arith.muli %scan3A_451, %mul3A_541 : i32
      %add3A_543 = arith.constant 11 : i32
      %add3A_544 = arith.addi %mul3A_542, %add3A_543 : i32
      %mul3A_545 = arith.constant 16 : i32
      %mul3A_546 = arith.muli %add3A_544, %mul3A_545 : i32
      %get3A_547 = arith.index_cast %mul3A_546 : i32 to index
      %get3A_548 = tpu.vector_load %arg7[%get3A_547] {strides = array<i32>} : memref<11776xi32, #tpu.memory_space<vmem>>, vector<16xi32>,
      %mul3A_549 = arith.constant 23 : i32
      %mul3A_550 = arith.muli %scan3A_451, %mul3A_549 : i32
      %add3A_551 = arith.constant 12 : i32
      %add3A_552 = arith.addi %mul3A_550, %add3A_551 : i32
      %mul3A_553 = arith.constant 16 : i32
      %mul3A_554 = arith.muli %add3A_552, %mul3A_553 : i32
      %get3A_555 = arith.index_cast %mul3A_554 : i32 to index
      %get3A_556 = tpu.vector_load %arg7[%get3A_555] {strides = array<i32>} : memref<11776xi32, #tpu.memory_space<vmem>>, vector<16xi32>,
      %mul3A_557 = arith.constant 23 : i32
      %mul3A_558 = arith.muli %scan3A_451, %mul3A_557 : i32
      %add3A_559 = arith.constant 13 : i32
      %add3A_560 = arith.addi %mul3A_558, %add3A_559 : i32
      %mul3A_561 = arith.constant 16 : i32
      %mul3A_562 = arith.muli %add3A_560, %mul3A_561 : i32
      %get3A_563 = arith.index_cast %mul3A_562 : i32 to index
      %get3A_564 = tpu.vector_load %arg7[%get3A_563] {strides = array<i32>} : memref<11776xi32, #tpu.memory_space<vmem>>, vector<16xi32>,
      %mul3A_565 = arith.constant 23 : i32
      %mul3A_566 = arith.muli %scan3A_451, %mul3A_565 : i32
      %add3A_567 = arith.constant 14 : i32
      %add3A_568 = arith.addi %mul3A_566, %add3A_567 : i32
      %mul3A_569 = arith.constant 16 : i32
      %mul3A_570 = arith.muli %add3A_568, %mul3A_569 : i32
      %get3A_571 = arith.index_cast %mul3A_570 : i32 to index
      %get3A_572 = tpu.vector_load %arg7[%get3A_571] {strides = array<i32>} : memref<11776xi32, #tpu.memory_space<vmem>>, vector<16xi32>,
      %mul3A_573 = arith.constant 23 : i32
      %mul3A_574 = arith.muli %scan3A_451, %mul3A_573 : i32
      %add3A_575 = arith.constant 15 : i32
      %add3A_576 = arith.addi %mul3A_574, %add3A_575 : i32
      %mul3A_577 = arith.constant 16 : i32
      %mul3A_578 = arith.muli %add3A_576, %mul3A_577 : i32
      %get3A_579 = arith.index_cast %mul3A_578 : i32 to index
      %get3A_580 = tpu.vector_load %arg7[%get3A_579] {strides = array<i32>} : memref<11776xi32, #tpu.memory_space<vmem>>, vector<16xi32>,
      %mul3A_581 = arith.constant 23 : i32
      %mul3A_582 = arith.muli %scan3A_451, %mul3A_581 : i32
      %add3A_583 = arith.constant 16 : i32
      %add3A_584 = arith.addi %mul3A_582, %add3A_583 : i32
      %mul3A_585 = arith.constant 16 : i32
      %mul3A_586 = arith.muli %add3A_584, %mul3A_585 : i32
      %get3A_587 = arith.index_cast %mul3A_586 : i32 to index
      %get3A_588 = tpu.vector_load %arg7[%get3A_587] {strides = array<i32>} : memref<11776xi32, #tpu.memory_space<vmem>>, vector<16xi32>,
      %mul3A_589 = arith.constant 23 : i32
      %mul3A_590 = arith.muli %scan3A_451, %mul3A_589 : i32
      %add3A_591 = arith.constant 17 : i32
      %add3A_592 = arith.addi %mul3A_590, %add3A_591 : i32
      %mul3A_593 = arith.constant 16 : i32
      %mul3A_594 = arith.muli %add3A_592, %mul3A_593 : i32
      %get3A_595 = arith.index_cast %mul3A_594 : i32 to index
      %get3A_596 = tpu.vector_load %arg7[%get3A_595] {strides = array<i32>} : memref<11776xi32, #tpu.memory_space<vmem>>, vector<16xi32>,
      %mul3A_597 = arith.constant 23 : i32
      %mul3A_598 = arith.muli %scan3A_451, %mul3A_597 : i32
      %add3A_599 = arith.constant 18 : i32
      %add3A_600 = arith.addi %mul3A_598, %add3A_599 : i32
      %mul3A_601 = arith.constant 16 : i32
      %mul3A_602 = arith.muli %add3A_600, %mul3A_601 : i32
      %get3A_603 = arith.index_cast %mul3A_602 : i32 to index
      %get3A_604 = tpu.vector_load %arg7[%get3A_603] {strides = array<i32>} : memref<11776xi32, #tpu.memory_space<vmem>>, vector<16xi32>,
      %mul3A_605 = arith.constant 23 : i32
      %mul3A_606 = arith.muli %scan3A_451, %mul3A_605 : i32
      %add3A_607 = arith.constant 19 : i32
      %add3A_608 = arith.addi %mul3A_606, %add3A_607 : i32
      %mul3A_609 = arith.constant 16 : i32
      %mul3A_610 = arith.muli %add3A_608, %mul3A_609 : i32
      %get3A_611 = arith.index_cast %mul3A_610 : i32 to index
      %get3A_612 = tpu.vector_load %arg7[%get3A_611] {strides = array<i32>} : memref<11776xi32, #tpu.memory_space<vmem>>, vector<16xi32>,
      %mul3A_613 = arith.constant 23 : i32
      %mul3A_614 = arith.muli %scan3A_451, %mul3A_613 : i32
      %add3A_615 = arith.constant 20 : i32
      %add3A_616 = arith.addi %mul3A_614, %add3A_615 : i32
      %mul3A_617 = arith.constant 16 : i32
      %mul3A_618 = arith.muli %add3A_616, %mul3A_617 : i32
      %get3A_619 = arith.index_cast %mul3A_618 : i32 to index
      %get3A_620 = tpu.vector_load %arg7[%get3A_619] {strides = array<i32>} : memref<11776xi32, #tpu.memory_space<vmem>>, vector<16xi32>,
      %mul3A_621 = arith.constant 23 : i32
      %mul3A_622 = arith.muli %scan3A_451, %mul3A_621 : i32
      %add3A_623 = arith.constant 21 : i32
      %add3A_624 = arith.addi %mul3A_622, %add3A_623 : i32
      %mul3A_625 = arith.constant 16 : i32
      %mul3A_626 = arith.muli %add3A_624, %mul3A_625 : i32
      %get3A_627 = arith.index_cast %mul3A_626 : i32 to index
      %get3A_628 = tpu.vector_load %arg7[%get3A_627] {strides = array<i32>} : memref<11776xi32, #tpu.memory_space<vmem>>, vector<16xi32>,
      %mul3A_629 = arith.constant 23 : i32
      %mul3A_630 = arith.muli %scan3A_451, %mul3A_629 : i32
      %add3A_631 = arith.constant 22 : i32
      %add3A_632 = arith.addi %mul3A_630, %add3A_631 : i32
      %mul3A_633 = arith.constant 16 : i32
      %mul3A_634 = arith.muli %add3A_632, %mul3A_633 : i32
      %get3A_635 = arith.index_cast %mul3A_634 : i32 to index
      %get3A_636 = tpu.vector_load %arg7[%get3A_635] {strides = array<i32>} : memref<11776xi32, #tpu.memory_space<vmem>>, vector<16xi32>,
      tpu.vector_store_idx %arg5[%get3A_460], %broadcast_in_dim3A_82 {add = true} : memref<50176xi32, #tpu.memory_space<vmem>>[vector<16xi32>], vector<16xi32>,
      tpu.vector_store_idx %arg5[%get3A_468], %broadcast_in_dim3A_82 {add = true} : memref<50176xi32, #tpu.memory_space<vmem>>[vector<16xi32>], vector<16xi32>,
      tpu.vector_store_idx %arg5[%get3A_476], %broadcast_in_dim3A_82 {add = true} : memref<50176xi32, #tpu.memory_space<vmem>>[vector<16xi32>], vector<16xi32>,
      tpu.vector_store_idx %arg5[%get3A_484], %broadcast_in_dim3A_82 {add = true} : memref<50176xi32, #tpu.memory_space<vmem>>[vector<16xi32>], vector<16xi32>,
      tpu.vector_store_idx %arg5[%get3A_492], %broadcast_in_dim3A_82 {add = true} : memref<50176xi32, #tpu.memory_space<vmem>>[vector<16xi32>], vector<16xi32>,
      tpu.vector_store_idx %arg5[%get3A_500], %broadcast_in_dim3A_82 {add = true} : memref<50176xi32, #tpu.memory_space<vmem>>[vector<16xi32>], vector<16xi32>,
      tpu.vector_store_idx %arg5[%get3A_508], %broadcast_in_dim3A_82 {add = true} : memref<50176xi32, #tpu.memory_space<vmem>>[vector<16xi32>], vector<16xi32>,
      tpu.vector_store_idx %arg5[%get3A_516], %broadcast_in_dim3A_82 {add = true} : memref<50176xi32, #tpu.memory_space<vmem>>[vector<16xi32>], vector<16xi32>,
      tpu.vector_store_idx %arg5[%get3A_524], %broadcast_in_dim3A_82 {add = true} : memref<50176xi32, #tpu.memory_space<vmem>>[vector<16xi32>], vector<16xi32>,
      tpu.vector_store_idx %arg5[%get3A_532], %broadcast_in_dim3A_82 {add = true} : memref<50176xi32, #tpu.memory_space<vmem>>[vector<16xi32>], vector<16xi32>,
      tpu.vector_store_idx %arg5[%get3A_540], %broadcast_in_dim3A_82 {add = true} : memref<50176xi32, #tpu.memory_space<vmem>>[vector<16xi32>], vector<16xi32>,
      tpu.vector_store_idx %arg5[%get3A_548], %broadcast_in_dim3A_82 {add = true} : memref<50176xi32, #tpu.memory_space<vmem>>[vector<16xi32>], vector<16xi32>,
      tpu.vector_store_idx %arg5[%get3A_556], %broadcast_in_dim3A_82 {add = true} : memref<50176xi32, #tpu.memory_space<vmem>>[vector<16xi32>], vector<16xi32>,
      tpu.vector_store_idx %arg5[%get3A_564], %broadcast_in_dim3A_82 {add = true} : memref<50176xi32, #tpu.memory_space<vmem>>[vector<16xi32>], vector<16xi32>,
      tpu.vector_store_idx %arg5[%get3A_572], %broadcast_in_dim3A_82 {add = true} : memref<50176xi32, #tpu.memory_space<vmem>>[vector<16xi32>], vector<16xi32>,
      tpu.vector_store_idx %arg5[%get3A_580], %broadcast_in_dim3A_82 {add = true} : memref<50176xi32, #tpu.memory_space<vmem>>[vector<16xi32>], vector<16xi32>,
      tpu.vector_store_idx %arg5[%get3A_588], %broadcast_in_dim3A_82 {add = true} : memref<50176xi32, #tpu.memory_space<vmem>>[vector<16xi32>], vector<16xi32>,
      tpu.vector_store_idx %arg5[%get3A_596], %broadcast_in_dim3A_82 {add = true} : memref<50176xi32, #tpu.memory_space<vmem>>[vector<16xi32>], vector<16xi32>,
      tpu.vector_store_idx %arg5[%get3A_604], %broadcast_in_dim3A_82 {add = true} : memref<50176xi32, #tpu.memory_space<vmem>>[vector<16xi32>], vector<16xi32>,
      tpu.vector_store_idx %arg5[%get3A_612], %broadcast_in_dim3A_82 {add = true} : memref<50176xi32, #tpu.memory_space<vmem>>[vector<16xi32>], vector<16xi32>,
      tpu.vector_store_idx %arg5[%get3A_620], %broadcast_in_dim3A_82 {add = true} : memref<50176xi32, #tpu.memory_space<vmem>>[vector<16xi32>], vector<16xi32>,
      tpu.vector_store_idx %arg5[%get3A_628], %broadcast_in_dim3A_82 {add = true} : memref<50176xi32, #tpu.memory_space<vmem>>[vector<16xi32>], vector<16xi32>,
      tpu.vector_store_idx %arg5[%get3A_636], %broadcast_in_dim3A_82 {add = true} : memref<50176xi32, #tpu.memory_space<vmem>>[vector<16xi32>], vector<16xi32>,
      %scan3A_637 = arith.constant 0 : i32
      scf.yield %scan3A_637 : i32
    }
    %scan3A_265 = arith.constant 32 : i32
    %dma_wait3A_266 = arith.constant 0 : i32
    %dma_wait3A_267 = tpu.memref_slice %arg6[%dma_wait3A_266] : memref<11776xi32, #tpu.memory_space<vmem>> -> memref<5888xi32, #tpu.memory_space<vmem>>
    %dma_wait3A_268 = tpu.memref_slice %arg2[%sub3A_0, %add3A_66] : memref<2x1600000xi32, #tpu.memory_space<hbm>> -> memref<1x5888xi32, #tpu.memory_space<hbm>>
    %dma_wait3A_269 = tpu.memref_squeeze %dma_wait3A_268 : memref<1x5888xi32, #tpu.memory_space<hbm>> -> memref<5888xi32, #tpu.memory_space<hbm>>
    %dma_wait3A_270 = arith.constant 0 : i32
    %dma_wait3A_271 = tpu.memref_slice %arg6[%dma_wait3A_270] : memref<11776xi32, #tpu.memory_space<vmem>> -> memref<5888xi32, #tpu.memory_space<vmem>>
    %dma_wait3A_272 = tpu.memref_slice %arg2[%sub3A_0, %add3A_66] : memref<2x1600000xi32, #tpu.memory_space<hbm>> -> memref<1x5888xi32, #tpu.memory_space<hbm>>
    %dma_wait3A_273 = tpu.memref_squeeze %dma_wait3A_272 : memref<1x5888xi32, #tpu.memory_space<hbm>> -> memref<5888xi32, #tpu.memory_space<hbm>>
    tpu.wait_dma2 semaphore(%arg19 : memref<!tpu.dma_semaphore, #tpu.memory_space<semaphore_mem>>) src(%dma_wait3A_273 : memref<5888xi32, #tpu.memory_space<hbm>>) dst(%dma_wait3A_271 : memref<5888xi32, #tpu.memory_space<vmem>>)
    %scan3A_274 = arith.constant 0 : i32
    %scan3A_275 = arith.constant 0 : i32
    %scan3A_276 = arith.constant 16 : i32
    %scan3A_277 = arith.addi %scan3A_275, %scan3A_276 : i32
    %scan3A_278 = arith.constant 1 : i32
    %scan3A_279 = scf.for %scan3A_451 = %scan3A_275 to %scan3A_277 step %scan3A_278 iter_args(%scan3A_452 = %scan3A_274) -> (i32)  : i32 {
      %mul3A_453 = arith.constant 23 : i32
      %mul3A_454 = arith.muli %scan3A_451, %mul3A_453 : i32
      %add3A_455 = arith.constant 0 : i32
      %add3A_456 = arith.addi %mul3A_454, %add3A_455 : i32
      %mul3A_457 = arith.constant 16 : i32
      %mul3A_458 = arith.muli %add3A_456, %mul3A_457 : i32
      %get3A_459 = arith.index_cast %mul3A_458 : i32 to index
      %get3A_460 = tpu.vector_load %arg6[%get3A_459] {strides = array<i32>} : memref<11776xi32, #tpu.memory_space<vmem>>, vector<16xi32>,
      %mul3A_461 = arith.constant 23 : i32
      %mul3A_462 = arith.muli %scan3A_451, %mul3A_461 : i32
      %add3A_463 = arith.constant 1 : i32
      %add3A_464 = arith.addi %mul3A_462, %add3A_463 : i32
      %mul3A_465 = arith.constant 16 : i32
      %mul3A_466 = arith.muli %add3A_464, %mul3A_465 : i32
      %get3A_467 = arith.index_cast %mul3A_466 : i32 to index
      %get3A_468 = tpu.vector_load %arg6[%get3A_467] {strides = array<i32>} : memref<11776xi32, #tpu.memory_space<vmem>>, vector<16xi32>,
      %mul3A_469 = arith.constant 23 : i32
      %mul3A_470 = arith.muli %scan3A_451, %mul3A_469 : i32
      %add3A_471 = arith.constant 2 : i32
      %add3A_472 = arith.addi %mul3A_470, %add3A_471 : i32
      %mul3A_473 = arith.constant 16 : i32
      %mul3A_474 = arith.muli %add3A_472, %mul3A_473 : i32
      %get3A_475 = arith.index_cast %mul3A_474 : i32 to index
      %get3A_476 = tpu.vector_load %arg6[%get3A_475] {strides = array<i32>} : memref<11776xi32, #tpu.memory_space<vmem>>, vector<16xi32>,
      %mul3A_477 = arith.constant 23 : i32
      %mul3A_478 = arith.muli %scan3A_451, %mul3A_477 : i32
      %add3A_479 = arith.constant 3 : i32
      %add3A_480 = arith.addi %mul3A_478, %add3A_479 : i32
      %mul3A_481 = arith.constant 16 : i32
      %mul3A_482 = arith.muli %add3A_480, %mul3A_481 : i32
      %get3A_483 = arith.index_cast %mul3A_482 : i32 to index
      %get3A_484 = tpu.vector_load %arg6[%get3A_483] {strides = array<i32>} : memref<11776xi32, #tpu.memory_space<vmem>>, vector<16xi32>,
      %mul3A_485 = arith.constant 23 : i32
      %mul3A_486 = arith.muli %scan3A_451, %mul3A_485 : i32
      %add3A_487 = arith.constant 4 : i32
      %add3A_488 = arith.addi %mul3A_486, %add3A_487 : i32
      %mul3A_489 = arith.constant 16 : i32
      %mul3A_490 = arith.muli %add3A_488, %mul3A_489 : i32
      %get3A_491 = arith.index_cast %mul3A_490 : i32 to index
      %get3A_492 = tpu.vector_load %arg6[%get3A_491] {strides = array<i32>} : memref<11776xi32, #tpu.memory_space<vmem>>, vector<16xi32>,
      %mul3A_493 = arith.constant 23 : i32
      %mul3A_494 = arith.muli %scan3A_451, %mul3A_493 : i32
      %add3A_495 = arith.constant 5 : i32
      %add3A_496 = arith.addi %mul3A_494, %add3A_495 : i32
      %mul3A_497 = arith.constant 16 : i32
      %mul3A_498 = arith.muli %add3A_496, %mul3A_497 : i32
      %get3A_499 = arith.index_cast %mul3A_498 : i32 to index
      %get3A_500 = tpu.vector_load %arg6[%get3A_499] {strides = array<i32>} : memref<11776xi32, #tpu.memory_space<vmem>>, vector<16xi32>,
      %mul3A_501 = arith.constant 23 : i32
      %mul3A_502 = arith.muli %scan3A_451, %mul3A_501 : i32
      %add3A_503 = arith.constant 6 : i32
      %add3A_504 = arith.addi %mul3A_502, %add3A_503 : i32
      %mul3A_505 = arith.constant 16 : i32
      %mul3A_506 = arith.muli %add3A_504, %mul3A_505 : i32
      %get3A_507 = arith.index_cast %mul3A_506 : i32 to index
      %get3A_508 = tpu.vector_load %arg6[%get3A_507] {strides = array<i32>} : memref<11776xi32, #tpu.memory_space<vmem>>, vector<16xi32>,
      %mul3A_509 = arith.constant 23 : i32
      %mul3A_510 = arith.muli %scan3A_451, %mul3A_509 : i32
      %add3A_511 = arith.constant 7 : i32
      %add3A_512 = arith.addi %mul3A_510, %add3A_511 : i32
      %mul3A_513 = arith.constant 16 : i32
      %mul3A_514 = arith.muli %add3A_512, %mul3A_513 : i32
      %get3A_515 = arith.index_cast %mul3A_514 : i32 to index
      %get3A_516 = tpu.vector_load %arg6[%get3A_515] {strides = array<i32>} : memref<11776xi32, #tpu.memory_space<vmem>>, vector<16xi32>,
      %mul3A_517 = arith.constant 23 : i32
      %mul3A_518 = arith.muli %scan3A_451, %mul3A_517 : i32
      %add3A_519 = arith.constant 8 : i32
      %add3A_520 = arith.addi %mul3A_518, %add3A_519 : i32
      %mul3A_521 = arith.constant 16 : i32
      %mul3A_522 = arith.muli %add3A_520, %mul3A_521 : i32
      %get3A_523 = arith.index_cast %mul3A_522 : i32 to index
      %get3A_524 = tpu.vector_load %arg6[%get3A_523] {strides = array<i32>} : memref<11776xi32, #tpu.memory_space<vmem>>, vector<16xi32>,
      %mul3A_525 = arith.constant 23 : i32
      %mul3A_526 = arith.muli %scan3A_451, %mul3A_525 : i32
      %add3A_527 = arith.constant 9 : i32
      %add3A_528 = arith.addi %mul3A_526, %add3A_527 : i32
      %mul3A_529 = arith.constant 16 : i32
      %mul3A_530 = arith.muli %add3A_528, %mul3A_529 : i32
      %get3A_531 = arith.index_cast %mul3A_530 : i32 to index
      %get3A_532 = tpu.vector_load %arg6[%get3A_531] {strides = array<i32>} : memref<11776xi32, #tpu.memory_space<vmem>>, vector<16xi32>,
      %mul3A_533 = arith.constant 23 : i32
      %mul3A_534 = arith.muli %scan3A_451, %mul3A_533 : i32
      %add3A_535 = arith.constant 10 : i32
      %add3A_536 = arith.addi %mul3A_534, %add3A_535 : i32
      %mul3A_537 = arith.constant 16 : i32
      %mul3A_538 = arith.muli %add3A_536, %mul3A_537 : i32
      %get3A_539 = arith.index_cast %mul3A_538 : i32 to index
      %get3A_540 = tpu.vector_load %arg6[%get3A_539] {strides = array<i32>} : memref<11776xi32, #tpu.memory_space<vmem>>, vector<16xi32>,
      %mul3A_541 = arith.constant 23 : i32
      %mul3A_542 = arith.muli %scan3A_451, %mul3A_541 : i32
      %add3A_543 = arith.constant 11 : i32
      %add3A_544 = arith.addi %mul3A_542, %add3A_543 : i32
      %mul3A_545 = arith.constant 16 : i32
      %mul3A_546 = arith.muli %add3A_544, %mul3A_545 : i32
      %get3A_547 = arith.index_cast %mul3A_546 : i32 to index
      %get3A_548 = tpu.vector_load %arg6[%get3A_547] {strides = array<i32>} : memref<11776xi32, #tpu.memory_space<vmem>>, vector<16xi32>,
      %mul3A_549 = arith.constant 23 : i32
      %mul3A_550 = arith.muli %scan3A_451, %mul3A_549 : i32
      %add3A_551 = arith.constant 12 : i32
      %add3A_552 = arith.addi %mul3A_550, %add3A_551 : i32
      %mul3A_553 = arith.constant 16 : i32
      %mul3A_554 = arith.muli %add3A_552, %mul3A_553 : i32
      %get3A_555 = arith.index_cast %mul3A_554 : i32 to index
      %get3A_556 = tpu.vector_load %arg6[%get3A_555] {strides = array<i32>} : memref<11776xi32, #tpu.memory_space<vmem>>, vector<16xi32>,
      %mul3A_557 = arith.constant 23 : i32
      %mul3A_558 = arith.muli %scan3A_451, %mul3A_557 : i32
      %add3A_559 = arith.constant 13 : i32
      %add3A_560 = arith.addi %mul3A_558, %add3A_559 : i32
      %mul3A_561 = arith.constant 16 : i32
      %mul3A_562 = arith.muli %add3A_560, %mul3A_561 : i32
      %get3A_563 = arith.index_cast %mul3A_562 : i32 to index
      %get3A_564 = tpu.vector_load %arg6[%get3A_563] {strides = array<i32>} : memref<11776xi32, #tpu.memory_space<vmem>>, vector<16xi32>,
      %mul3A_565 = arith.constant 23 : i32
      %mul3A_566 = arith.muli %scan3A_451, %mul3A_565 : i32
      %add3A_567 = arith.constant 14 : i32
      %add3A_568 = arith.addi %mul3A_566, %add3A_567 : i32
      %mul3A_569 = arith.constant 16 : i32
      %mul3A_570 = arith.muli %add3A_568, %mul3A_569 : i32
      %get3A_571 = arith.index_cast %mul3A_570 : i32 to index
      %get3A_572 = tpu.vector_load %arg6[%get3A_571] {strides = array<i32>} : memref<11776xi32, #tpu.memory_space<vmem>>, vector<16xi32>,
      %mul3A_573 = arith.constant 23 : i32
      %mul3A_574 = arith.muli %scan3A_451, %mul3A_573 : i32
      %add3A_575 = arith.constant 15 : i32
      %add3A_576 = arith.addi %mul3A_574, %add3A_575 : i32
      %mul3A_577 = arith.constant 16 : i32
      %mul3A_578 = arith.muli %add3A_576, %mul3A_577 : i32
      %get3A_579 = arith.index_cast %mul3A_578 : i32 to index
      %get3A_580 = tpu.vector_load %arg6[%get3A_579] {strides = array<i32>} : memref<11776xi32, #tpu.memory_space<vmem>>, vector<16xi32>,
      %mul3A_581 = arith.constant 23 : i32
      %mul3A_582 = arith.muli %scan3A_451, %mul3A_581 : i32
      %add3A_583 = arith.constant 16 : i32
      %add3A_584 = arith.addi %mul3A_582, %add3A_583 : i32
      %mul3A_585 = arith.constant 16 : i32
      %mul3A_586 = arith.muli %add3A_584, %mul3A_585 : i32
      %get3A_587 = arith.index_cast %mul3A_586 : i32 to index
      %get3A_588 = tpu.vector_load %arg6[%get3A_587] {strides = array<i32>} : memref<11776xi32, #tpu.memory_space<vmem>>, vector<16xi32>,
      %mul3A_589 = arith.constant 23 : i32
      %mul3A_590 = arith.muli %scan3A_451, %mul3A_589 : i32
      %add3A_591 = arith.constant 17 : i32
      %add3A_592 = arith.addi %mul3A_590, %add3A_591 : i32
      %mul3A_593 = arith.constant 16 : i32
      %mul3A_594 = arith.muli %add3A_592, %mul3A_593 : i32
      %get3A_595 = arith.index_cast %mul3A_594 : i32 to index
      %get3A_596 = tpu.vector_load %arg6[%get3A_595] {strides = array<i32>} : memref<11776xi32, #tpu.memory_space<vmem>>, vector<16xi32>,
      %mul3A_597 = arith.constant 23 : i32
      %mul3A_598 = arith.muli %scan3A_451, %mul3A_597 : i32
      %add3A_599 = arith.constant 18 : i32
      %add3A_600 = arith.addi %mul3A_598, %add3A_599 : i32
      %mul3A_601 = arith.constant 16 : i32
      %mul3A_602 = arith.muli %add3A_600, %mul3A_601 : i32
      %get3A_603 = arith.index_cast %mul3A_602 : i32 to index
      %get3A_604 = tpu.vector_load %arg6[%get3A_603] {strides = array<i32>} : memref<11776xi32, #tpu.memory_space<vmem>>, vector<16xi32>,
      %mul3A_605 = arith.constant 23 : i32
      %mul3A_606 = arith.muli %scan3A_451, %mul3A_605 : i32
      %add3A_607 = arith.constant 19 : i32
      %add3A_608 = arith.addi %mul3A_606, %add3A_607 : i32
      %mul3A_609 = arith.constant 16 : i32
      %mul3A_610 = arith.muli %add3A_608, %mul3A_609 : i32
      %get3A_611 = arith.index_cast %mul3A_610 : i32 to index
      %get3A_612 = tpu.vector_load %arg6[%get3A_611] {strides = array<i32>} : memref<11776xi32, #tpu.memory_space<vmem>>, vector<16xi32>,
      %mul3A_613 = arith.constant 23 : i32
      %mul3A_614 = arith.muli %scan3A_451, %mul3A_613 : i32
      %add3A_615 = arith.constant 20 : i32
      %add3A_616 = arith.addi %mul3A_614, %add3A_615 : i32
      %mul3A_617 = arith.constant 16 : i32
      %mul3A_618 = arith.muli %add3A_616, %mul3A_617 : i32
      %get3A_619 = arith.index_cast %mul3A_618 : i32 to index
      %get3A_620 = tpu.vector_load %arg6[%get3A_619] {strides = array<i32>} : memref<11776xi32, #tpu.memory_space<vmem>>, vector<16xi32>,
      %mul3A_621 = arith.constant 23 : i32
      %mul3A_622 = arith.muli %scan3A_451, %mul3A_621 : i32
      %add3A_623 = arith.constant 21 : i32
      %add3A_624 = arith.addi %mul3A_622, %add3A_623 : i32
      %mul3A_625 = arith.constant 16 : i32
      %mul3A_626 = arith.muli %add3A_624, %mul3A_625 : i32
      %get3A_627 = arith.index_cast %mul3A_626 : i32 to index
      %get3A_628 = tpu.vector_load %arg6[%get3A_627] {strides = array<i32>} : memref<11776xi32, #tpu.memory_space<vmem>>, vector<16xi32>,
      %mul3A_629 = arith.constant 23 : i32
      %mul3A_630 = arith.muli %scan3A_451, %mul3A_629 : i32
      %add3A_631 = arith.constant 22 : i32
      %add3A_632 = arith.addi %mul3A_630, %add3A_631 : i32
      %mul3A_633 = arith.constant 16 : i32
      %mul3A_634 = arith.muli %add3A_632, %mul3A_633 : i32
      %get3A_635 = arith.index_cast %mul3A_634 : i32 to index
      %get3A_636 = tpu.vector_load %arg6[%get3A_635] {strides = array<i32>} : memref<11776xi32, #tpu.memory_space<vmem>>, vector<16xi32>,
      %mul3A_637 = arith.constant 23 : i32
      %mul3A_638 = arith.muli %scan3A_451, %mul3A_637 : i32
      %add3A_639 = arith.constant 0 : i32
      %add3A_640 = arith.addi %mul3A_638, %add3A_639 : i32
      %add3A_641 = arith.constant 362 : i32
      %add3A_642 = arith.addi %add3A_641, %select_n3A_47 : i32
      %lt3A_643 = arith.cmpi slt, %add3A_640, %add3A_642 : i32
      %broadcast_in_dim3A_644 = vector.broadcast %lt3A_643 : i1 to vector<16xi1>
      tpu.vector_store_idx %arg5[%get3A_460], %broadcast_in_dim3A_82 masked %broadcast_in_dim3A_644 {add = true} : memref<50176xi32, #tpu.memory_space<vmem>>[vector<16xi32>], vector<16xi32>, vector<16xi1>
      %mul3A_645 = arith.constant 23 : i32
      %mul3A_646 = arith.muli %scan3A_451, %mul3A_645 : i32
      %add3A_647 = arith.constant 1 : i32
      %add3A_648 = arith.addi %mul3A_646, %add3A_647 : i32
      %add3A_649 = arith.constant 362 : i32
      %add3A_650 = arith.addi %add3A_649, %select_n3A_47 : i32
      %lt3A_651 = arith.cmpi slt, %add3A_648, %add3A_650 : i32
      %broadcast_in_dim3A_652 = vector.broadcast %lt3A_651 : i1 to vector<16xi1>
      tpu.vector_store_idx %arg5[%get3A_468], %broadcast_in_dim3A_82 masked %broadcast_in_dim3A_652 {add = true} : memref<50176xi32, #tpu.memory_space<vmem>>[vector<16xi32>], vector<16xi32>, vector<16xi1>
      %mul3A_653 = arith.constant 23 : i32
      %mul3A_654 = arith.muli %scan3A_451, %mul3A_653 : i32
      %add3A_655 = arith.constant 2 : i32
      %add3A_656 = arith.addi %mul3A_654, %add3A_655 : i32
      %add3A_657 = arith.constant 362 : i32
      %add3A_658 = arith.addi %add3A_657, %select_n3A_47 : i32
      %lt3A_659 = arith.cmpi slt, %add3A_656, %add3A_658 : i32
      %broadcast_in_dim3A_660 = vector.broadcast %lt3A_659 : i1 to vector<16xi1>
      tpu.vector_store_idx %arg5[%get3A_476], %broadcast_in_dim3A_82 masked %broadcast_in_dim3A_660 {add = true} : memref<50176xi32, #tpu.memory_space<vmem>>[vector<16xi32>], vector<16xi32>, vector<16xi1>
      %mul3A_661 = arith.constant 23 : i32
      %mul3A_662 = arith.muli %scan3A_451, %mul3A_661 : i32
      %add3A_663 = arith.constant 3 : i32
      %add3A_664 = arith.addi %mul3A_662, %add3A_663 : i32
      %add3A_665 = arith.constant 362 : i32
      %add3A_666 = arith.addi %add3A_665, %select_n3A_47 : i32
      %lt3A_667 = arith.cmpi slt, %add3A_664, %add3A_666 : i32
      %broadcast_in_dim3A_668 = vector.broadcast %lt3A_667 : i1 to vector<16xi1>
      tpu.vector_store_idx %arg5[%get3A_484], %broadcast_in_dim3A_82 masked %broadcast_in_dim3A_668 {add = true} : memref<50176xi32, #tpu.memory_space<vmem>>[vector<16xi32>], vector<16xi32>, vector<16xi1>
      %mul3A_669 = arith.constant 23 : i32
      %mul3A_670 = arith.muli %scan3A_451, %mul3A_669 : i32
      %add3A_671 = arith.constant 4 : i32
      %add3A_672 = arith.addi %mul3A_670, %add3A_671 : i32
      %add3A_673 = arith.constant 362 : i32
      %add3A_674 = arith.addi %add3A_673, %select_n3A_47 : i32
      %lt3A_675 = arith.cmpi slt, %add3A_672, %add3A_674 : i32
      %broadcast_in_dim3A_676 = vector.broadcast %lt3A_675 : i1 to vector<16xi1>
      tpu.vector_store_idx %arg5[%get3A_492], %broadcast_in_dim3A_82 masked %broadcast_in_dim3A_676 {add = true} : memref<50176xi32, #tpu.memory_space<vmem>>[vector<16xi32>], vector<16xi32>, vector<16xi1>
      %mul3A_677 = arith.constant 23 : i32
      %mul3A_678 = arith.muli %scan3A_451, %mul3A_677 : i32
      %add3A_679 = arith.constant 5 : i32
      %add3A_680 = arith.addi %mul3A_678, %add3A_679 : i32
      %add3A_681 = arith.constant 362 : i32
      %add3A_682 = arith.addi %add3A_681, %select_n3A_47 : i32
      %lt3A_683 = arith.cmpi slt, %add3A_680, %add3A_682 : i32
      %broadcast_in_dim3A_684 = vector.broadcast %lt3A_683 : i1 to vector<16xi1>
      tpu.vector_store_idx %arg5[%get3A_500], %broadcast_in_dim3A_82 masked %broadcast_in_dim3A_684 {add = true} : memref<50176xi32, #tpu.memory_space<vmem>>[vector<16xi32>], vector<16xi32>, vector<16xi1>
      %mul3A_685 = arith.constant 23 : i32
      %mul3A_686 = arith.muli %scan3A_451, %mul3A_685 : i32
      %add3A_687 = arith.constant 6 : i32
      %add3A_688 = arith.addi %mul3A_686, %add3A_687 : i32
      %add3A_689 = arith.constant 362 : i32
      %add3A_690 = arith.addi %add3A_689, %select_n3A_47 : i32
      %lt3A_691 = arith.cmpi slt, %add3A_688, %add3A_690 : i32
      %broadcast_in_dim3A_692 = vector.broadcast %lt3A_691 : i1 to vector<16xi1>
      tpu.vector_store_idx %arg5[%get3A_508], %broadcast_in_dim3A_82 masked %broadcast_in_dim3A_692 {add = true} : memref<50176xi32, #tpu.memory_space<vmem>>[vector<16xi32>], vector<16xi32>, vector<16xi1>
      %mul3A_693 = arith.constant 23 : i32
      %mul3A_694 = arith.muli %scan3A_451, %mul3A_693 : i32
      %add3A_695 = arith.constant 7 : i32
      %add3A_696 = arith.addi %mul3A_694, %add3A_695 : i32
      %add3A_697 = arith.constant 362 : i32
      %add3A_698 = arith.addi %add3A_697, %select_n3A_47 : i32
      %lt3A_699 = arith.cmpi slt, %add3A_696, %add3A_698 : i32
      %broadcast_in_dim3A_700 = vector.broadcast %lt3A_699 : i1 to vector<16xi1>
      tpu.vector_store_idx %arg5[%get3A_516], %broadcast_in_dim3A_82 masked %broadcast_in_dim3A_700 {add = true} : memref<50176xi32, #tpu.memory_space<vmem>>[vector<16xi32>], vector<16xi32>, vector<16xi1>
      %mul3A_701 = arith.constant 23 : i32
      %mul3A_702 = arith.muli %scan3A_451, %mul3A_701 : i32
      %add3A_703 = arith.constant 8 : i32
      %add3A_704 = arith.addi %mul3A_702, %add3A_703 : i32
      %add3A_705 = arith.constant 362 : i32
      %add3A_706 = arith.addi %add3A_705, %select_n3A_47 : i32
      %lt3A_707 = arith.cmpi slt, %add3A_704, %add3A_706 : i32
      %broadcast_in_dim3A_708 = vector.broadcast %lt3A_707 : i1 to vector<16xi1>
      tpu.vector_store_idx %arg5[%get3A_524], %broadcast_in_dim3A_82 masked %broadcast_in_dim3A_708 {add = true} : memref<50176xi32, #tpu.memory_space<vmem>>[vector<16xi32>], vector<16xi32>, vector<16xi1>
      %mul3A_709 = arith.constant 23 : i32
      %mul3A_710 = arith.muli %scan3A_451, %mul3A_709 : i32
      %add3A_711 = arith.constant 9 : i32
      %add3A_712 = arith.addi %mul3A_710, %add3A_711 : i32
      %add3A_713 = arith.constant 362 : i32
      %add3A_714 = arith.addi %add3A_713, %select_n3A_47 : i32
      %lt3A_715 = arith.cmpi slt, %add3A_712, %add3A_714 : i32
      %broadcast_in_dim3A_716 = vector.broadcast %lt3A_715 : i1 to vector<16xi1>
      tpu.vector_store_idx %arg5[%get3A_532], %broadcast_in_dim3A_82 masked %broadcast_in_dim3A_716 {add = true} : memref<50176xi32, #tpu.memory_space<vmem>>[vector<16xi32>], vector<16xi32>, vector<16xi1>
      %mul3A_717 = arith.constant 23 : i32
      %mul3A_718 = arith.muli %scan3A_451, %mul3A_717 : i32
      %add3A_719 = arith.constant 10 : i32
      %add3A_720 = arith.addi %mul3A_718, %add3A_719 : i32
      %add3A_721 = arith.constant 362 : i32
      %add3A_722 = arith.addi %add3A_721, %select_n3A_47 : i32
      %lt3A_723 = arith.cmpi slt, %add3A_720, %add3A_722 : i32
      %broadcast_in_dim3A_724 = vector.broadcast %lt3A_723 : i1 to vector<16xi1>
      tpu.vector_store_idx %arg5[%get3A_540], %broadcast_in_dim3A_82 masked %broadcast_in_dim3A_724 {add = true} : memref<50176xi32, #tpu.memory_space<vmem>>[vector<16xi32>], vector<16xi32>, vector<16xi1>
      %mul3A_725 = arith.constant 23 : i32
      %mul3A_726 = arith.muli %scan3A_451, %mul3A_725 : i32
      %add3A_727 = arith.constant 11 : i32
      %add3A_728 = arith.addi %mul3A_726, %add3A_727 : i32
      %add3A_729 = arith.constant 362 : i32
      %add3A_730 = arith.addi %add3A_729, %select_n3A_47 : i32
      %lt3A_731 = arith.cmpi slt, %add3A_728, %add3A_730 : i32
      %broadcast_in_dim3A_732 = vector.broadcast %lt3A_731 : i1 to vector<16xi1>
      tpu.vector_store_idx %arg5[%get3A_548], %broadcast_in_dim3A_82 masked %broadcast_in_dim3A_732 {add = true} : memref<50176xi32, #tpu.memory_space<vmem>>[vector<16xi32>], vector<16xi32>, vector<16xi1>
      %mul3A_733 = arith.constant 23 : i32
      %mul3A_734 = arith.muli %scan3A_451, %mul3A_733 : i32
      %add3A_735 = arith.constant 12 : i32
      %add3A_736 = arith.addi %mul3A_734, %add3A_735 : i32
      %add3A_737 = arith.constant 362 : i32
      %add3A_738 = arith.addi %add3A_737, %select_n3A_47 : i32
      %lt3A_739 = arith.cmpi slt, %add3A_736, %add3A_738 : i32
      %broadcast_in_dim3A_740 = vector.broadcast %lt3A_739 : i1 to vector<16xi1>
      tpu.vector_store_idx %arg5[%get3A_556], %broadcast_in_dim3A_82 masked %broadcast_in_dim3A_740 {add = true} : memref<50176xi32, #tpu.memory_space<vmem>>[vector<16xi32>], vector<16xi32>, vector<16xi1>
      %mul3A_741 = arith.constant 23 : i32
      %mul3A_742 = arith.muli %scan3A_451, %mul3A_741 : i32
      %add3A_743 = arith.constant 13 : i32
      %add3A_744 = arith.addi %mul3A_742, %add3A_743 : i32
      %add3A_745 = arith.constant 362 : i32
      %add3A_746 = arith.addi %add3A_745, %select_n3A_47 : i32
      %lt3A_747 = arith.cmpi slt, %add3A_744, %add3A_746 : i32
      %broadcast_in_dim3A_748 = vector.broadcast %lt3A_747 : i1 to vector<16xi1>
      tpu.vector_store_idx %arg5[%get3A_564], %broadcast_in_dim3A_82 masked %broadcast_in_dim3A_748 {add = true} : memref<50176xi32, #tpu.memory_space<vmem>>[vector<16xi32>], vector<16xi32>, vector<16xi1>
      %mul3A_749 = arith.constant 23 : i32
      %mul3A_750 = arith.muli %scan3A_451, %mul3A_749 : i32
      %add3A_751 = arith.constant 14 : i32
      %add3A_752 = arith.addi %mul3A_750, %add3A_751 : i32
      %add3A_753 = arith.constant 362 : i32
      %add3A_754 = arith.addi %add3A_753, %select_n3A_47 : i32
      %lt3A_755 = arith.cmpi slt, %add3A_752, %add3A_754 : i32
      %broadcast_in_dim3A_756 = vector.broadcast %lt3A_755 : i1 to vector<16xi1>
      tpu.vector_store_idx %arg5[%get3A_572], %broadcast_in_dim3A_82 masked %broadcast_in_dim3A_756 {add = true} : memref<50176xi32, #tpu.memory_space<vmem>>[vector<16xi32>], vector<16xi32>, vector<16xi1>
      %mul3A_757 = arith.constant 23 : i32
      %mul3A_758 = arith.muli %scan3A_451, %mul3A_757 : i32
      %add3A_759 = arith.constant 15 : i32
      %add3A_760 = arith.addi %mul3A_758, %add3A_759 : i32
      %add3A_761 = arith.constant 362 : i32
      %add3A_762 = arith.addi %add3A_761, %select_n3A_47 : i32
      %lt3A_763 = arith.cmpi slt, %add3A_760, %add3A_762 : i32
      %broadcast_in_dim3A_764 = vector.broadcast %lt3A_763 : i1 to vector<16xi1>
      tpu.vector_store_idx %arg5[%get3A_580], %broadcast_in_dim3A_82 masked %broadcast_in_dim3A_764 {add = true} : memref<50176xi32, #tpu.memory_space<vmem>>[vector<16xi32>], vector<16xi32>, vector<16xi1>
      %mul3A_765 = arith.constant 23 : i32
      %mul3A_766 = arith.muli %scan3A_451, %mul3A_765 : i32
      %add3A_767 = arith.constant 16 : i32
      %add3A_768 = arith.addi %mul3A_766, %add3A_767 : i32
      %add3A_769 = arith.constant 362 : i32
      %add3A_770 = arith.addi %add3A_769, %select_n3A_47 : i32
      %lt3A_771 = arith.cmpi slt, %add3A_768, %add3A_770 : i32
      %broadcast_in_dim3A_772 = vector.broadcast %lt3A_771 : i1 to vector<16xi1>
      tpu.vector_store_idx %arg5[%get3A_588], %broadcast_in_dim3A_82 masked %broadcast_in_dim3A_772 {add = true} : memref<50176xi32, #tpu.memory_space<vmem>>[vector<16xi32>], vector<16xi32>, vector<16xi1>
      %mul3A_773 = arith.constant 23 : i32
      %mul3A_774 = arith.muli %scan3A_451, %mul3A_773 : i32
      %add3A_775 = arith.constant 17 : i32
      %add3A_776 = arith.addi %mul3A_774, %add3A_775 : i32
      %add3A_777 = arith.constant 362 : i32
      %add3A_778 = arith.addi %add3A_777, %select_n3A_47 : i32
      %lt3A_779 = arith.cmpi slt, %add3A_776, %add3A_778 : i32
      %broadcast_in_dim3A_780 = vector.broadcast %lt3A_779 : i1 to vector<16xi1>
      tpu.vector_store_idx %arg5[%get3A_596], %broadcast_in_dim3A_82 masked %broadcast_in_dim3A_780 {add = true} : memref<50176xi32, #tpu.memory_space<vmem>>[vector<16xi32>], vector<16xi32>, vector<16xi1>
      %mul3A_781 = arith.constant 23 : i32
      %mul3A_782 = arith.muli %scan3A_451, %mul3A_781 : i32
      %add3A_783 = arith.constant 18 : i32
      %add3A_784 = arith.addi %mul3A_782, %add3A_783 : i32
      %add3A_785 = arith.constant 362 : i32
      %add3A_786 = arith.addi %add3A_785, %select_n3A_47 : i32
      %lt3A_787 = arith.cmpi slt, %add3A_784, %add3A_786 : i32
      %broadcast_in_dim3A_788 = vector.broadcast %lt3A_787 : i1 to vector<16xi1>
      tpu.vector_store_idx %arg5[%get3A_604], %broadcast_in_dim3A_82 masked %broadcast_in_dim3A_788 {add = true} : memref<50176xi32, #tpu.memory_space<vmem>>[vector<16xi32>], vector<16xi32>, vector<16xi1>
      %mul3A_789 = arith.constant 23 : i32
      %mul3A_790 = arith.muli %scan3A_451, %mul3A_789 : i32
      %add3A_791 = arith.constant 19 : i32
      %add3A_792 = arith.addi %mul3A_790, %add3A_791 : i32
      %add3A_793 = arith.constant 362 : i32
      %add3A_794 = arith.addi %add3A_793, %select_n3A_47 : i32
      %lt3A_795 = arith.cmpi slt, %add3A_792, %add3A_794 : i32
      %broadcast_in_dim3A_796 = vector.broadcast %lt3A_795 : i1 to vector<16xi1>
      tpu.vector_store_idx %arg5[%get3A_612], %broadcast_in_dim3A_82 masked %broadcast_in_dim3A_796 {add = true} : memref<50176xi32, #tpu.memory_space<vmem>>[vector<16xi32>], vector<16xi32>, vector<16xi1>
      %mul3A_797 = arith.constant 23 : i32
      %mul3A_798 = arith.muli %scan3A_451, %mul3A_797 : i32
      %add3A_799 = arith.constant 20 : i32
      %add3A_800 = arith.addi %mul3A_798, %add3A_799 : i32
      %add3A_801 = arith.constant 362 : i32
      %add3A_802 = arith.addi %add3A_801, %select_n3A_47 : i32
      %lt3A_803 = arith.cmpi slt, %add3A_800, %add3A_802 : i32
      %broadcast_in_dim3A_804 = vector.broadcast %lt3A_803 : i1 to vector<16xi1>
      tpu.vector_store_idx %arg5[%get3A_620], %broadcast_in_dim3A_82 masked %broadcast_in_dim3A_804 {add = true} : memref<50176xi32, #tpu.memory_space<vmem>>[vector<16xi32>], vector<16xi32>, vector<16xi1>
      %mul3A_805 = arith.constant 23 : i32
      %mul3A_806 = arith.muli %scan3A_451, %mul3A_805 : i32
      %add3A_807 = arith.constant 21 : i32
      %add3A_808 = arith.addi %mul3A_806, %add3A_807 : i32
      %add3A_809 = arith.constant 362 : i32
      %add3A_810 = arith.addi %add3A_809, %select_n3A_47 : i32
      %lt3A_811 = arith.cmpi slt, %add3A_808, %add3A_810 : i32
      %broadcast_in_dim3A_812 = vector.broadcast %lt3A_811 : i1 to vector<16xi1>
      tpu.vector_store_idx %arg5[%get3A_628], %broadcast_in_dim3A_82 masked %broadcast_in_dim3A_812 {add = true} : memref<50176xi32, #tpu.memory_space<vmem>>[vector<16xi32>], vector<16xi32>, vector<16xi1>
      %mul3A_813 = arith.constant 23 : i32
      %mul3A_814 = arith.muli %scan3A_451, %mul3A_813 : i32
      %add3A_815 = arith.constant 22 : i32
      %add3A_816 = arith.addi %mul3A_814, %add3A_815 : i32
      %add3A_817 = arith.constant 362 : i32
      %add3A_818 = arith.addi %add3A_817, %select_n3A_47 : i32
      %lt3A_819 = arith.cmpi slt, %add3A_816, %add3A_818 : i32
      %broadcast_in_dim3A_820 = vector.broadcast %lt3A_819 : i1 to vector<16xi1>
      tpu.vector_store_idx %arg5[%get3A_636], %broadcast_in_dim3A_82 masked %broadcast_in_dim3A_820 {add = true} : memref<50176xi32, #tpu.memory_space<vmem>>[vector<16xi32>], vector<16xi32>, vector<16xi1>
      %scan3A_821 = arith.constant 0 : i32
      scf.yield %scan3A_821 : i32
    }
    %scan3A_280 = arith.constant 16 : i32
    %ge3A = arith.constant 0 : i32
    %ge3A_281 = arith.cmpi sge, %arg1, %ge3A : i32
    %lt3A = arith.constant 8 : i32
    %lt3A_282 = arith.cmpi slt, %arg1, %lt3A : i32
    %and3A_283 = arith.andi %ge3A_281, %lt3A_282 : i1
    %convert_element_type3A = arith.extui %and3A_283 : i1 to i32
    %cond3A = arith.constant 0 : i32
    %cond3A_284 = arith.cmpi ne, %convert_element_type3A, %cond3A : i32
    scf.if %cond3A_284 {
      %sub3A_451 = arith.constant 0 : i32
      %sub3A_452 = arith.subi %arg1, %sub3A_451 : i32
      %mul3A_453 = arith.constant 50176 : i32
      %mul3A_454 = arith.muli %sub3A_452, %mul3A_453 : i32
      "tpu.region"() ({
        %run_scoped3A = tpu.sem_alloc : memref<!tpu.dma_semaphore, #tpu.memory_space<semaphore_mem>>
        %dma_start3A_455 = tpu.memref_slice %arg18[%mul3A_454] : memref<401408xi32, #tpu.memory_space<vmem_shared>> -> memref<50176xi32, #tpu.memory_space<vmem_shared>>
        %dma_start3A_456 = tpu.memref_slice %arg18[%mul3A_454] : memref<401408xi32, #tpu.memory_space<vmem_shared>> -> memref<50176xi32, #tpu.memory_space<vmem_shared>>
        tpu.enqueue_dma source(%arg5 : memref<50176xi32, #tpu.memory_space<vmem>>) target(%dma_start3A_456 : memref<50176xi32, #tpu.memory_space<vmem_shared>>) target_semaphore(%run_scoped3A : memref<!tpu.dma_semaphore, #tpu.memory_space<semaphore_mem>>)
        %dma_wait3A_457 = tpu.memref_slice %arg18[%mul3A_454] : memref<401408xi32, #tpu.memory_space<vmem_shared>> -> memref<50176xi32, #tpu.memory_space<vmem_shared>>
        %dma_wait3A_458 = tpu.memref_slice %arg18[%mul3A_454] : memref<401408xi32, #tpu.memory_space<vmem_shared>> -> memref<50176xi32, #tpu.memory_space<vmem_shared>>
        tpu.wait_dma2 semaphore(%run_scoped3A : memref<!tpu.dma_semaphore, #tpu.memory_space<semaphore_mem>>) src(%arg5 : memref<50176xi32, #tpu.memory_space<vmem>>) dst(%dma_wait3A_458 : memref<50176xi32, #tpu.memory_space<vmem_shared>>)
        tpu.yield
      }) : () -> ()
    } else {
    }
    %barrier3A = arith.constant 0 : index
    tpu.barrier barrier_id(%barrier3A)
    %mul3A_285 = arith.constant 3136 : i32
    %mul3A_286 = arith.muli %arg1, %mul3A_285 : i32
    %add3A_287 = arith.constant 0 : i32
    %add3A_288 = arith.addi %add3A_287, %mul3A_286 : i32
    %dma_start3A_289 = tpu.memref_slice %arg18[%add3A_288] : memref<401408xi32, #tpu.memory_space<vmem_shared>> -> memref<3136xi32, #tpu.memory_space<vmem_shared>>
    %dma_start3A_290 = tpu.memref_slice %arg18[%add3A_288] : memref<401408xi32, #tpu.memory_space<vmem_shared>> -> memref<3136xi32, #tpu.memory_space<vmem_shared>>
    tpu.enqueue_dma source(%dma_start3A_290 : memref<3136xi32, #tpu.memory_space<vmem_shared>>) target(%arg9 : memref<3136xi32, #tpu.memory_space<vmem>>) target_semaphore(%arg21 : memref<!tpu.dma_semaphore, #tpu.memory_space<semaphore_mem>>)
    %mul3A_291 = arith.constant 3136 : i32
    %mul3A_292 = arith.muli %arg1, %mul3A_291 : i32
    %add3A_293 = arith.constant 50176 : i32
    %add3A_294 = arith.addi %add3A_293, %mul3A_292 : i32
    %dma_start3A_295 = tpu.memref_slice %arg18[%add3A_294] : memref<401408xi32, #tpu.memory_space<vmem_shared>> -> memref<3136xi32, #tpu.memory_space<vmem_shared>>
    %dma_start3A_296 = tpu.memref_slice %arg18[%add3A_294] : memref<401408xi32, #tpu.memory_space<vmem_shared>> -> memref<3136xi32, #tpu.memory_space<vmem_shared>>
    tpu.enqueue_dma source(%dma_start3A_296 : memref<3136xi32, #tpu.memory_space<vmem_shared>>) target(%arg10 : memref<3136xi32, #tpu.memory_space<vmem>>) target_semaphore(%arg22 : memref<!tpu.dma_semaphore, #tpu.memory_space<semaphore_mem>>)
    %mul3A_297 = arith.constant 3136 : i32
    %mul3A_298 = arith.muli %arg1, %mul3A_297 : i32
    %add3A_299 = arith.constant 100352 : i32
    %add3A_300 = arith.addi %add3A_299, %mul3A_298 : i32
    %dma_start3A_301 = tpu.memref_slice %arg18[%add3A_300] : memref<401408xi32, #tpu.memory_space<vmem_shared>> -> memref<3136xi32, #tpu.memory_space<vmem_shared>>
    %dma_start3A_302 = tpu.memref_slice %arg18[%add3A_300] : memref<401408xi32, #tpu.memory_space<vmem_shared>> -> memref<3136xi32, #tpu.memory_space<vmem_shared>>
    tpu.enqueue_dma source(%dma_start3A_302 : memref<3136xi32, #tpu.memory_space<vmem_shared>>) target(%arg11 : memref<3136xi32, #tpu.memory_space<vmem>>) target_semaphore(%arg23 : memref<!tpu.dma_semaphore, #tpu.memory_space<semaphore_mem>>)
    %mul3A_303 = arith.constant 3136 : i32
    %mul3A_304 = arith.muli %arg1, %mul3A_303 : i32
    %add3A_305 = arith.constant 150528 : i32
    %add3A_306 = arith.addi %add3A_305, %mul3A_304 : i32
    %dma_start3A_307 = tpu.memref_slice %arg18[%add3A_306] : memref<401408xi32, #tpu.memory_space<vmem_shared>> -> memref<3136xi32, #tpu.memory_space<vmem_shared>>
    %dma_start3A_308 = tpu.memref_slice %arg18[%add3A_306] : memref<401408xi32, #tpu.memory_space<vmem_shared>> -> memref<3136xi32, #tpu.memory_space<vmem_shared>>
    tpu.enqueue_dma source(%dma_start3A_308 : memref<3136xi32, #tpu.memory_space<vmem_shared>>) target(%arg12 : memref<3136xi32, #tpu.memory_space<vmem>>) target_semaphore(%arg24 : memref<!tpu.dma_semaphore, #tpu.memory_space<semaphore_mem>>)
    %mul3A_309 = arith.constant 3136 : i32
    %mul3A_310 = arith.muli %arg1, %mul3A_309 : i32
    %add3A_311 = arith.constant 200704 : i32
    %add3A_312 = arith.addi %add3A_311, %mul3A_310 : i32
    %dma_start3A_313 = tpu.memref_slice %arg18[%add3A_312] : memref<401408xi32, #tpu.memory_space<vmem_shared>> -> memref<3136xi32, #tpu.memory_space<vmem_shared>>
    %dma_start3A_314 = tpu.memref_slice %arg18[%add3A_312] : memref<401408xi32, #tpu.memory_space<vmem_shared>> -> memref<3136xi32, #tpu.memory_space<vmem_shared>>
    tpu.enqueue_dma source(%dma_start3A_314 : memref<3136xi32, #tpu.memory_space<vmem_shared>>) target(%arg13 : memref<3136xi32, #tpu.memory_space<vmem>>) target_semaphore(%arg25 : memref<!tpu.dma_semaphore, #tpu.memory_space<semaphore_mem>>)
    %mul3A_315 = arith.constant 3136 : i32
    %mul3A_316 = arith.muli %arg1, %mul3A_315 : i32
    %add3A_317 = arith.constant 250880 : i32
    %add3A_318 = arith.addi %add3A_317, %mul3A_316 : i32
    %dma_start3A_319 = tpu.memref_slice %arg18[%add3A_318] : memref<401408xi32, #tpu.memory_space<vmem_shared>> -> memref<3136xi32, #tpu.memory_space<vmem_shared>>
    %dma_start3A_320 = tpu.memref_slice %arg18[%add3A_318] : memref<401408xi32, #tpu.memory_space<vmem_shared>> -> memref<3136xi32, #tpu.memory_space<vmem_shared>>
    tpu.enqueue_dma source(%dma_start3A_320 : memref<3136xi32, #tpu.memory_space<vmem_shared>>) target(%arg14 : memref<3136xi32, #tpu.memory_space<vmem>>) target_semaphore(%arg26 : memref<!tpu.dma_semaphore, #tpu.memory_space<semaphore_mem>>)
    %mul3A_321 = arith.constant 3136 : i32
    %mul3A_322 = arith.muli %arg1, %mul3A_321 : i32
    %add3A_323 = arith.constant 301056 : i32
    %add3A_324 = arith.addi %add3A_323, %mul3A_322 : i32
    %dma_start3A_325 = tpu.memref_slice %arg18[%add3A_324] : memref<401408xi32, #tpu.memory_space<vmem_shared>> -> memref<3136xi32, #tpu.memory_space<vmem_shared>>
    %dma_start3A_326 = tpu.memref_slice %arg18[%add3A_324] : memref<401408xi32, #tpu.memory_space<vmem_shared>> -> memref<3136xi32, #tpu.memory_space<vmem_shared>>
    tpu.enqueue_dma source(%dma_start3A_326 : memref<3136xi32, #tpu.memory_space<vmem_shared>>) target(%arg15 : memref<3136xi32, #tpu.memory_space<vmem>>) target_semaphore(%arg27 : memref<!tpu.dma_semaphore, #tpu.memory_space<semaphore_mem>>)
    %mul3A_327 = arith.constant 3136 : i32
    %mul3A_328 = arith.muli %arg1, %mul3A_327 : i32
    %add3A_329 = arith.constant 351232 : i32
    %add3A_330 = arith.addi %add3A_329, %mul3A_328 : i32
    %dma_start3A_331 = tpu.memref_slice %arg18[%add3A_330] : memref<401408xi32, #tpu.memory_space<vmem_shared>> -> memref<3136xi32, #tpu.memory_space<vmem_shared>>
    %dma_start3A_332 = tpu.memref_slice %arg18[%add3A_330] : memref<401408xi32, #tpu.memory_space<vmem_shared>> -> memref<3136xi32, #tpu.memory_space<vmem_shared>>
    tpu.enqueue_dma source(%dma_start3A_332 : memref<3136xi32, #tpu.memory_space<vmem_shared>>) target(%arg16 : memref<3136xi32, #tpu.memory_space<vmem>>) target_semaphore(%arg28 : memref<!tpu.dma_semaphore, #tpu.memory_space<semaphore_mem>>)
    %dma_wait3A_333 = tpu.memref_slice %arg18[%add3A_288] : memref<401408xi32, #tpu.memory_space<vmem_shared>> -> memref<3136xi32, #tpu.memory_space<vmem_shared>>
    %dma_wait3A_334 = tpu.memref_slice %arg18[%add3A_288] : memref<401408xi32, #tpu.memory_space<vmem_shared>> -> memref<3136xi32, #tpu.memory_space<vmem_shared>>
    tpu.wait_dma2 semaphore(%arg21 : memref<!tpu.dma_semaphore, #tpu.memory_space<semaphore_mem>>) src(%dma_wait3A_334 : memref<3136xi32, #tpu.memory_space<vmem_shared>>) dst(%arg9 : memref<3136xi32, #tpu.memory_space<vmem>>)
    %dma_wait3A_335 = tpu.memref_slice %arg18[%add3A_294] : memref<401408xi32, #tpu.memory_space<vmem_shared>> -> memref<3136xi32, #tpu.memory_space<vmem_shared>>
    %dma_wait3A_336 = tpu.memref_slice %arg18[%add3A_294] : memref<401408xi32, #tpu.memory_space<vmem_shared>> -> memref<3136xi32, #tpu.memory_space<vmem_shared>>
    tpu.wait_dma2 semaphore(%arg22 : memref<!tpu.dma_semaphore, #tpu.memory_space<semaphore_mem>>) src(%dma_wait3A_336 : memref<3136xi32, #tpu.memory_space<vmem_shared>>) dst(%arg10 : memref<3136xi32, #tpu.memory_space<vmem>>)
    %dma_wait3A_337 = tpu.memref_slice %arg18[%add3A_300] : memref<401408xi32, #tpu.memory_space<vmem_shared>> -> memref<3136xi32, #tpu.memory_space<vmem_shared>>
    %dma_wait3A_338 = tpu.memref_slice %arg18[%add3A_300] : memref<401408xi32, #tpu.memory_space<vmem_shared>> -> memref<3136xi32, #tpu.memory_space<vmem_shared>>
    tpu.wait_dma2 semaphore(%arg23 : memref<!tpu.dma_semaphore, #tpu.memory_space<semaphore_mem>>) src(%dma_wait3A_338 : memref<3136xi32, #tpu.memory_space<vmem_shared>>) dst(%arg11 : memref<3136xi32, #tpu.memory_space<vmem>>)
    %dma_wait3A_339 = tpu.memref_slice %arg18[%add3A_306] : memref<401408xi32, #tpu.memory_space<vmem_shared>> -> memref<3136xi32, #tpu.memory_space<vmem_shared>>
    %dma_wait3A_340 = tpu.memref_slice %arg18[%add3A_306] : memref<401408xi32, #tpu.memory_space<vmem_shared>> -> memref<3136xi32, #tpu.memory_space<vmem_shared>>
    tpu.wait_dma2 semaphore(%arg24 : memref<!tpu.dma_semaphore, #tpu.memory_space<semaphore_mem>>) src(%dma_wait3A_340 : memref<3136xi32, #tpu.memory_space<vmem_shared>>) dst(%arg12 : memref<3136xi32, #tpu.memory_space<vmem>>)
    %dma_wait3A_341 = tpu.memref_slice %arg18[%add3A_312] : memref<401408xi32, #tpu.memory_space<vmem_shared>> -> memref<3136xi32, #tpu.memory_space<vmem_shared>>
    %dma_wait3A_342 = tpu.memref_slice %arg18[%add3A_312] : memref<401408xi32, #tpu.memory_space<vmem_shared>> -> memref<3136xi32, #tpu.memory_space<vmem_shared>>
    tpu.wait_dma2 semaphore(%arg25 : memref<!tpu.dma_semaphore, #tpu.memory_space<semaphore_mem>>) src(%dma_wait3A_342 : memref<3136xi32, #tpu.memory_space<vmem_shared>>) dst(%arg13 : memref<3136xi32, #tpu.memory_space<vmem>>)
    %dma_wait3A_343 = tpu.memref_slice %arg18[%add3A_318] : memref<401408xi32, #tpu.memory_space<vmem_shared>> -> memref<3136xi32, #tpu.memory_space<vmem_shared>>
    %dma_wait3A_344 = tpu.memref_slice %arg18[%add3A_318] : memref<401408xi32, #tpu.memory_space<vmem_shared>> -> memref<3136xi32, #tpu.memory_space<vmem_shared>>
    tpu.wait_dma2 semaphore(%arg26 : memref<!tpu.dma_semaphore, #tpu.memory_space<semaphore_mem>>) src(%dma_wait3A_344 : memref<3136xi32, #tpu.memory_space<vmem_shared>>) dst(%arg14 : memref<3136xi32, #tpu.memory_space<vmem>>)
    %dma_wait3A_345 = tpu.memref_slice %arg18[%add3A_324] : memref<401408xi32, #tpu.memory_space<vmem_shared>> -> memref<3136xi32, #tpu.memory_space<vmem_shared>>
    %dma_wait3A_346 = tpu.memref_slice %arg18[%add3A_324] : memref<401408xi32, #tpu.memory_space<vmem_shared>> -> memref<3136xi32, #tpu.memory_space<vmem_shared>>
    tpu.wait_dma2 semaphore(%arg27 : memref<!tpu.dma_semaphore, #tpu.memory_space<semaphore_mem>>) src(%dma_wait3A_346 : memref<3136xi32, #tpu.memory_space<vmem_shared>>) dst(%arg15 : memref<3136xi32, #tpu.memory_space<vmem>>)
    %dma_wait3A_347 = tpu.memref_slice %arg18[%add3A_330] : memref<401408xi32, #tpu.memory_space<vmem_shared>> -> memref<3136xi32, #tpu.memory_space<vmem_shared>>
    %dma_wait3A_348 = tpu.memref_slice %arg18[%add3A_330] : memref<401408xi32, #tpu.memory_space<vmem_shared>> -> memref<3136xi32, #tpu.memory_space<vmem_shared>>
    tpu.wait_dma2 semaphore(%arg28 : memref<!tpu.dma_semaphore, #tpu.memory_space<semaphore_mem>>) src(%dma_wait3A_348 : memref<3136xi32, #tpu.memory_space<vmem_shared>>) dst(%arg16 : memref<3136xi32, #tpu.memory_space<vmem>>)
    %scan3A_349 = arith.constant 0 : i32
    %scan3A_350 = arith.constant 0 : i32
    %scan3A_351 = arith.constant 98 : i32
    %scan3A_352 = arith.addi %scan3A_350, %scan3A_351 : i32
    %scan3A_353 = arith.constant 1 : i32
    %scan3A_354 = scf.for %scan3A_451 = %scan3A_350 to %scan3A_352 step %scan3A_353 iter_args(%scan3A_452 = %scan3A_349) -> (i32)  : i32 {
      %mul3A_453 = arith.constant 2 : i32
      %mul3A_454 = arith.muli %scan3A_451, %mul3A_453 : i32
      %add3A_455 = arith.constant 0 : i32
      %add3A_456 = arith.addi %mul3A_454, %add3A_455 : i32
      %mul3A_457 = arith.constant 16 : i32
      %mul3A_458 = arith.muli %add3A_456, %mul3A_457 : i32
      %get3A_459 = arith.index_cast %mul3A_458 : i32 to index
      %get3A_460 = tpu.vector_load %arg9[%get3A_459] {strides = array<i32>} : memref<3136xi32, #tpu.memory_space<vmem>>, vector<16xi32>,
      %get3A_461 = arith.index_cast %mul3A_458 : i32 to index
      %get3A_462 = tpu.vector_load %arg10[%get3A_461] {strides = array<i32>} : memref<3136xi32, #tpu.memory_space<vmem>>, vector<16xi32>,
      %add3A_463 = arith.addi %get3A_460, %get3A_462 : vector<16xi32>
      %get3A_464 = arith.index_cast %mul3A_458 : i32 to index
      %get3A_465 = tpu.vector_load %arg11[%get3A_464] {strides = array<i32>} : memref<3136xi32, #tpu.memory_space<vmem>>, vector<16xi32>,
      %add3A_466 = arith.addi %add3A_463, %get3A_465 : vector<16xi32>
      %get3A_467 = arith.index_cast %mul3A_458 : i32 to index
      %get3A_468 = tpu.vector_load %arg12[%get3A_467] {strides = array<i32>} : memref<3136xi32, #tpu.memory_space<vmem>>, vector<16xi32>,
      %add3A_469 = arith.addi %add3A_466, %get3A_468 : vector<16xi32>
      %get3A_470 = arith.index_cast %mul3A_458 : i32 to index
      %get3A_471 = tpu.vector_load %arg13[%get3A_470] {strides = array<i32>} : memref<3136xi32, #tpu.memory_space<vmem>>, vector<16xi32>,
      %add3A_472 = arith.addi %add3A_469, %get3A_471 : vector<16xi32>
      %get3A_473 = arith.index_cast %mul3A_458 : i32 to index
      %get3A_474 = tpu.vector_load %arg14[%get3A_473] {strides = array<i32>} : memref<3136xi32, #tpu.memory_space<vmem>>, vector<16xi32>,
      %add3A_475 = arith.addi %add3A_472, %get3A_474 : vector<16xi32>
      %get3A_476 = arith.index_cast %mul3A_458 : i32 to index
      %get3A_477 = tpu.vector_load %arg15[%get3A_476] {strides = array<i32>} : memref<3136xi32, #tpu.memory_space<vmem>>, vector<16xi32>,
      %add3A_478 = arith.addi %add3A_475, %get3A_477 : vector<16xi32>
      %get3A_479 = arith.index_cast %mul3A_458 : i32 to index
      %get3A_480 = tpu.vector_load %arg16[%get3A_479] {strides = array<i32>} : memref<3136xi32, #tpu.memory_space<vmem>>, vector<16xi32>,
      %add3A_481 = arith.addi %add3A_478, %get3A_480 : vector<16xi32>
      %swap3A = arith.index_cast %mul3A_458 : i32 to index
      %swap3A_482 = tpu.vector_load %arg8[%swap3A] {strides = array<i32>} : memref<3136xi32, #tpu.memory_space<vmem>>, vector<16xi32>,
      tpu.vector_store %arg8[%swap3A], %add3A_481 {strides = array<i32>} : memref<3136xi32, #tpu.memory_space<vmem>>, vector<16xi32>,
      %mul3A_483 = arith.constant 2 : i32
      %mul3A_484 = arith.muli %scan3A_451, %mul3A_483 : i32
      %add3A_485 = arith.constant 1 : i32
      %add3A_486 = arith.addi %mul3A_484, %add3A_485 : i32
      %mul3A_487 = arith.constant 16 : i32
      %mul3A_488 = arith.muli %add3A_486, %mul3A_487 : i32
      %get3A_489 = arith.index_cast %mul3A_488 : i32 to index
      %get3A_490 = tpu.vector_load %arg9[%get3A_489] {strides = array<i32>} : memref<3136xi32, #tpu.memory_space<vmem>>, vector<16xi32>,
      %get3A_491 = arith.index_cast %mul3A_488 : i32 to index
      %get3A_492 = tpu.vector_load %arg10[%get3A_491] {strides = array<i32>} : memref<3136xi32, #tpu.memory_space<vmem>>, vector<16xi32>,
      %add3A_493 = arith.addi %get3A_490, %get3A_492 : vector<16xi32>
      %get3A_494 = arith.index_cast %mul3A_488 : i32 to index
      %get3A_495 = tpu.vector_load %arg11[%get3A_494] {strides = array<i32>} : memref<3136xi32, #tpu.memory_space<vmem>>, vector<16xi32>,
      %add3A_496 = arith.addi %add3A_493, %get3A_495 : vector<16xi32>
      %get3A_497 = arith.index_cast %mul3A_488 : i32 to index
      %get3A_498 = tpu.vector_load %arg12[%get3A_497] {strides = array<i32>} : memref<3136xi32, #tpu.memory_space<vmem>>, vector<16xi32>,
      %add3A_499 = arith.addi %add3A_496, %get3A_498 : vector<16xi32>
      %get3A_500 = arith.index_cast %mul3A_488 : i32 to index
      %get3A_501 = tpu.vector_load %arg13[%get3A_500] {strides = array<i32>} : memref<3136xi32, #tpu.memory_space<vmem>>, vector<16xi32>,
      %add3A_502 = arith.addi %add3A_499, %get3A_501 : vector<16xi32>
      %get3A_503 = arith.index_cast %mul3A_488 : i32 to index
      %get3A_504 = tpu.vector_load %arg14[%get3A_503] {strides = array<i32>} : memref<3136xi32, #tpu.memory_space<vmem>>, vector<16xi32>,
      %add3A_505 = arith.addi %add3A_502, %get3A_504 : vector<16xi32>
      %get3A_506 = arith.index_cast %mul3A_488 : i32 to index
      %get3A_507 = tpu.vector_load %arg15[%get3A_506] {strides = array<i32>} : memref<3136xi32, #tpu.memory_space<vmem>>, vector<16xi32>,
      %add3A_508 = arith.addi %add3A_505, %get3A_507 : vector<16xi32>
      %get3A_509 = arith.index_cast %mul3A_488 : i32 to index
      %get3A_510 = tpu.vector_load %arg16[%get3A_509] {strides = array<i32>} : memref<3136xi32, #tpu.memory_space<vmem>>, vector<16xi32>,
      %add3A_511 = arith.addi %add3A_508, %get3A_510 : vector<16xi32>
      %swap3A_512 = arith.index_cast %mul3A_488 : i32 to index
      %swap3A_513 = tpu.vector_load %arg8[%swap3A_512] {strides = array<i32>} : memref<3136xi32, #tpu.memory_space<vmem>>, vector<16xi32>,
      tpu.vector_store %arg8[%swap3A_512], %add3A_511 {strides = array<i32>} : memref<3136xi32, #tpu.memory_space<vmem>>, vector<16xi32>,
      %scan3A_514 = arith.constant 0 : i32
      scf.yield %scan3A_514 : i32
    }
    %scan3A_355 = arith.constant 98 : i32
    %barrier3A_356 = arith.constant 0 : index
    tpu.barrier barrier_id(%barrier3A_356)
    %ge3A_357 = arith.constant 8 : i32
    %ge3A_358 = arith.cmpi sge, %arg1, %ge3A_357 : i32
    %lt3A_359 = arith.constant 16 : i32
    %lt3A_360 = arith.cmpi slt, %arg1, %lt3A_359 : i32
    %and3A_361 = arith.andi %ge3A_358, %lt3A_360 : i1
    %convert_element_type3A_362 = arith.extui %and3A_361 : i1 to i32
    %cond3A_363 = arith.constant 0 : i32
    %cond3A_364 = arith.cmpi ne, %convert_element_type3A_362, %cond3A_363 : i32
    scf.if %cond3A_364 {
      %sub3A_451 = arith.constant 8 : i32
      %sub3A_452 = arith.subi %arg1, %sub3A_451 : i32
      %mul3A_453 = arith.constant 50176 : i32
      %mul3A_454 = arith.muli %sub3A_452, %mul3A_453 : i32
      "tpu.region"() ({
        %run_scoped3A = tpu.sem_alloc : memref<!tpu.dma_semaphore, #tpu.memory_space<semaphore_mem>>
        %dma_start3A_455 = tpu.memref_slice %arg18[%mul3A_454] : memref<401408xi32, #tpu.memory_space<vmem_shared>> -> memref<50176xi32, #tpu.memory_space<vmem_shared>>
        %dma_start3A_456 = tpu.memref_slice %arg18[%mul3A_454] : memref<401408xi32, #tpu.memory_space<vmem_shared>> -> memref<50176xi32, #tpu.memory_space<vmem_shared>>
        tpu.enqueue_dma source(%arg5 : memref<50176xi32, #tpu.memory_space<vmem>>) target(%dma_start3A_456 : memref<50176xi32, #tpu.memory_space<vmem_shared>>) target_semaphore(%run_scoped3A : memref<!tpu.dma_semaphore, #tpu.memory_space<semaphore_mem>>)
        %dma_wait3A_457 = tpu.memref_slice %arg18[%mul3A_454] : memref<401408xi32, #tpu.memory_space<vmem_shared>> -> memref<50176xi32, #tpu.memory_space<vmem_shared>>
        %dma_wait3A_458 = tpu.memref_slice %arg18[%mul3A_454] : memref<401408xi32, #tpu.memory_space<vmem_shared>> -> memref<50176xi32, #tpu.memory_space<vmem_shared>>
        tpu.wait_dma2 semaphore(%run_scoped3A : memref<!tpu.dma_semaphore, #tpu.memory_space<semaphore_mem>>) src(%arg5 : memref<50176xi32, #tpu.memory_space<vmem>>) dst(%dma_wait3A_458 : memref<50176xi32, #tpu.memory_space<vmem_shared>>)
        tpu.yield
      }) : () -> ()
    } else {
    }
    %barrier3A_365 = arith.constant 0 : index
    tpu.barrier barrier_id(%barrier3A_365)
    %mul3A_366 = arith.constant 3136 : i32
    %mul3A_367 = arith.muli %arg1, %mul3A_366 : i32
    %add3A_368 = arith.constant 0 : i32
    %add3A_369 = arith.addi %add3A_368, %mul3A_367 : i32
    %dma_start3A_370 = tpu.memref_slice %arg18[%add3A_369] : memref<401408xi32, #tpu.memory_space<vmem_shared>> -> memref<3136xi32, #tpu.memory_space<vmem_shared>>
    %dma_start3A_371 = tpu.memref_slice %arg18[%add3A_369] : memref<401408xi32, #tpu.memory_space<vmem_shared>> -> memref<3136xi32, #tpu.memory_space<vmem_shared>>
    tpu.enqueue_dma source(%dma_start3A_371 : memref<3136xi32, #tpu.memory_space<vmem_shared>>) target(%arg9 : memref<3136xi32, #tpu.memory_space<vmem>>) target_semaphore(%arg21 : memref<!tpu.dma_semaphore, #tpu.memory_space<semaphore_mem>>)
    %mul3A_372 = arith.constant 3136 : i32
    %mul3A_373 = arith.muli %arg1, %mul3A_372 : i32
    %add3A_374 = arith.constant 50176 : i32
    %add3A_375 = arith.addi %add3A_374, %mul3A_373 : i32
    %dma_start3A_376 = tpu.memref_slice %arg18[%add3A_375] : memref<401408xi32, #tpu.memory_space<vmem_shared>> -> memref<3136xi32, #tpu.memory_space<vmem_shared>>
    %dma_start3A_377 = tpu.memref_slice %arg18[%add3A_375] : memref<401408xi32, #tpu.memory_space<vmem_shared>> -> memref<3136xi32, #tpu.memory_space<vmem_shared>>
    tpu.enqueue_dma source(%dma_start3A_377 : memref<3136xi32, #tpu.memory_space<vmem_shared>>) target(%arg10 : memref<3136xi32, #tpu.memory_space<vmem>>) target_semaphore(%arg22 : memref<!tpu.dma_semaphore, #tpu.memory_space<semaphore_mem>>)
    %mul3A_378 = arith.constant 3136 : i32
    %mul3A_379 = arith.muli %arg1, %mul3A_378 : i32
    %add3A_380 = arith.constant 100352 : i32
    %add3A_381 = arith.addi %add3A_380, %mul3A_379 : i32
    %dma_start3A_382 = tpu.memref_slice %arg18[%add3A_381] : memref<401408xi32, #tpu.memory_space<vmem_shared>> -> memref<3136xi32, #tpu.memory_space<vmem_shared>>
    %dma_start3A_383 = tpu.memref_slice %arg18[%add3A_381] : memref<401408xi32, #tpu.memory_space<vmem_shared>> -> memref<3136xi32, #tpu.memory_space<vmem_shared>>
    tpu.enqueue_dma source(%dma_start3A_383 : memref<3136xi32, #tpu.memory_space<vmem_shared>>) target(%arg11 : memref<3136xi32, #tpu.memory_space<vmem>>) target_semaphore(%arg23 : memref<!tpu.dma_semaphore, #tpu.memory_space<semaphore_mem>>)
    %mul3A_384 = arith.constant 3136 : i32
    %mul3A_385 = arith.muli %arg1, %mul3A_384 : i32
    %add3A_386 = arith.constant 150528 : i32
    %add3A_387 = arith.addi %add3A_386, %mul3A_385 : i32
    %dma_start3A_388 = tpu.memref_slice %arg18[%add3A_387] : memref<401408xi32, #tpu.memory_space<vmem_shared>> -> memref<3136xi32, #tpu.memory_space<vmem_shared>>
    %dma_start3A_389 = tpu.memref_slice %arg18[%add3A_387] : memref<401408xi32, #tpu.memory_space<vmem_shared>> -> memref<3136xi32, #tpu.memory_space<vmem_shared>>
    tpu.enqueue_dma source(%dma_start3A_389 : memref<3136xi32, #tpu.memory_space<vmem_shared>>) target(%arg12 : memref<3136xi32, #tpu.memory_space<vmem>>) target_semaphore(%arg24 : memref<!tpu.dma_semaphore, #tpu.memory_space<semaphore_mem>>)
    %mul3A_390 = arith.constant 3136 : i32
    %mul3A_391 = arith.muli %arg1, %mul3A_390 : i32
    %add3A_392 = arith.constant 200704 : i32
    %add3A_393 = arith.addi %add3A_392, %mul3A_391 : i32
    %dma_start3A_394 = tpu.memref_slice %arg18[%add3A_393] : memref<401408xi32, #tpu.memory_space<vmem_shared>> -> memref<3136xi32, #tpu.memory_space<vmem_shared>>
    %dma_start3A_395 = tpu.memref_slice %arg18[%add3A_393] : memref<401408xi32, #tpu.memory_space<vmem_shared>> -> memref<3136xi32, #tpu.memory_space<vmem_shared>>
    tpu.enqueue_dma source(%dma_start3A_395 : memref<3136xi32, #tpu.memory_space<vmem_shared>>) target(%arg13 : memref<3136xi32, #tpu.memory_space<vmem>>) target_semaphore(%arg25 : memref<!tpu.dma_semaphore, #tpu.memory_space<semaphore_mem>>)
    %mul3A_396 = arith.constant 3136 : i32
    %mul3A_397 = arith.muli %arg1, %mul3A_396 : i32
    %add3A_398 = arith.constant 250880 : i32
    %add3A_399 = arith.addi %add3A_398, %mul3A_397 : i32
    %dma_start3A_400 = tpu.memref_slice %arg18[%add3A_399] : memref<401408xi32, #tpu.memory_space<vmem_shared>> -> memref<3136xi32, #tpu.memory_space<vmem_shared>>
    %dma_start3A_401 = tpu.memref_slice %arg18[%add3A_399] : memref<401408xi32, #tpu.memory_space<vmem_shared>> -> memref<3136xi32, #tpu.memory_space<vmem_shared>>
    tpu.enqueue_dma source(%dma_start3A_401 : memref<3136xi32, #tpu.memory_space<vmem_shared>>) target(%arg14 : memref<3136xi32, #tpu.memory_space<vmem>>) target_semaphore(%arg26 : memref<!tpu.dma_semaphore, #tpu.memory_space<semaphore_mem>>)
    %mul3A_402 = arith.constant 3136 : i32
    %mul3A_403 = arith.muli %arg1, %mul3A_402 : i32
    %add3A_404 = arith.constant 301056 : i32
    %add3A_405 = arith.addi %add3A_404, %mul3A_403 : i32
    %dma_start3A_406 = tpu.memref_slice %arg18[%add3A_405] : memref<401408xi32, #tpu.memory_space<vmem_shared>> -> memref<3136xi32, #tpu.memory_space<vmem_shared>>
    %dma_start3A_407 = tpu.memref_slice %arg18[%add3A_405] : memref<401408xi32, #tpu.memory_space<vmem_shared>> -> memref<3136xi32, #tpu.memory_space<vmem_shared>>
    tpu.enqueue_dma source(%dma_start3A_407 : memref<3136xi32, #tpu.memory_space<vmem_shared>>) target(%arg15 : memref<3136xi32, #tpu.memory_space<vmem>>) target_semaphore(%arg27 : memref<!tpu.dma_semaphore, #tpu.memory_space<semaphore_mem>>)
    %mul3A_408 = arith.constant 3136 : i32
    %mul3A_409 = arith.muli %arg1, %mul3A_408 : i32
    %add3A_410 = arith.constant 351232 : i32
    %add3A_411 = arith.addi %add3A_410, %mul3A_409 : i32
    %dma_start3A_412 = tpu.memref_slice %arg18[%add3A_411] : memref<401408xi32, #tpu.memory_space<vmem_shared>> -> memref<3136xi32, #tpu.memory_space<vmem_shared>>
    %dma_start3A_413 = tpu.memref_slice %arg18[%add3A_411] : memref<401408xi32, #tpu.memory_space<vmem_shared>> -> memref<3136xi32, #tpu.memory_space<vmem_shared>>
    tpu.enqueue_dma source(%dma_start3A_413 : memref<3136xi32, #tpu.memory_space<vmem_shared>>) target(%arg16 : memref<3136xi32, #tpu.memory_space<vmem>>) target_semaphore(%arg28 : memref<!tpu.dma_semaphore, #tpu.memory_space<semaphore_mem>>)
    %dma_wait3A_414 = tpu.memref_slice %arg18[%add3A_369] : memref<401408xi32, #tpu.memory_space<vmem_shared>> -> memref<3136xi32, #tpu.memory_space<vmem_shared>>
    %dma_wait3A_415 = tpu.memref_slice %arg18[%add3A_369] : memref<401408xi32, #tpu.memory_space<vmem_shared>> -> memref<3136xi32, #tpu.memory_space<vmem_shared>>
    tpu.wait_dma2 semaphore(%arg21 : memref<!tpu.dma_semaphore, #tpu.memory_space<semaphore_mem>>) src(%dma_wait3A_415 : memref<3136xi32, #tpu.memory_space<vmem_shared>>) dst(%arg9 : memref<3136xi32, #tpu.memory_space<vmem>>)
    %dma_wait3A_416 = tpu.memref_slice %arg18[%add3A_375] : memref<401408xi32, #tpu.memory_space<vmem_shared>> -> memref<3136xi32, #tpu.memory_space<vmem_shared>>
    %dma_wait3A_417 = tpu.memref_slice %arg18[%add3A_375] : memref<401408xi32, #tpu.memory_space<vmem_shared>> -> memref<3136xi32, #tpu.memory_space<vmem_shared>>
    tpu.wait_dma2 semaphore(%arg22 : memref<!tpu.dma_semaphore, #tpu.memory_space<semaphore_mem>>) src(%dma_wait3A_417 : memref<3136xi32, #tpu.memory_space<vmem_shared>>) dst(%arg10 : memref<3136xi32, #tpu.memory_space<vmem>>)
    %dma_wait3A_418 = tpu.memref_slice %arg18[%add3A_381] : memref<401408xi32, #tpu.memory_space<vmem_shared>> -> memref<3136xi32, #tpu.memory_space<vmem_shared>>
    %dma_wait3A_419 = tpu.memref_slice %arg18[%add3A_381] : memref<401408xi32, #tpu.memory_space<vmem_shared>> -> memref<3136xi32, #tpu.memory_space<vmem_shared>>
    tpu.wait_dma2 semaphore(%arg23 : memref<!tpu.dma_semaphore, #tpu.memory_space<semaphore_mem>>) src(%dma_wait3A_419 : memref<3136xi32, #tpu.memory_space<vmem_shared>>) dst(%arg11 : memref<3136xi32, #tpu.memory_space<vmem>>)
    %dma_wait3A_420 = tpu.memref_slice %arg18[%add3A_387] : memref<401408xi32, #tpu.memory_space<vmem_shared>> -> memref<3136xi32, #tpu.memory_space<vmem_shared>>
    %dma_wait3A_421 = tpu.memref_slice %arg18[%add3A_387] : memref<401408xi32, #tpu.memory_space<vmem_shared>> -> memref<3136xi32, #tpu.memory_space<vmem_shared>>
    tpu.wait_dma2 semaphore(%arg24 : memref<!tpu.dma_semaphore, #tpu.memory_space<semaphore_mem>>) src(%dma_wait3A_421 : memref<3136xi32, #tpu.memory_space<vmem_shared>>) dst(%arg12 : memref<3136xi32, #tpu.memory_space<vmem>>)
    %dma_wait3A_422 = tpu.memref_slice %arg18[%add3A_393] : memref<401408xi32, #tpu.memory_space<vmem_shared>> -> memref<3136xi32, #tpu.memory_space<vmem_shared>>
    %dma_wait3A_423 = tpu.memref_slice %arg18[%add3A_393] : memref<401408xi32, #tpu.memory_space<vmem_shared>> -> memref<3136xi32, #tpu.memory_space<vmem_shared>>
    tpu.wait_dma2 semaphore(%arg25 : memref<!tpu.dma_semaphore, #tpu.memory_space<semaphore_mem>>) src(%dma_wait3A_423 : memref<3136xi32, #tpu.memory_space<vmem_shared>>) dst(%arg13 : memref<3136xi32, #tpu.memory_space<vmem>>)
    %dma_wait3A_424 = tpu.memref_slice %arg18[%add3A_399] : memref<401408xi32, #tpu.memory_space<vmem_shared>> -> memref<3136xi32, #tpu.memory_space<vmem_shared>>
    %dma_wait3A_425 = tpu.memref_slice %arg18[%add3A_399] : memref<401408xi32, #tpu.memory_space<vmem_shared>> -> memref<3136xi32, #tpu.memory_space<vmem_shared>>
    tpu.wait_dma2 semaphore(%arg26 : memref<!tpu.dma_semaphore, #tpu.memory_space<semaphore_mem>>) src(%dma_wait3A_425 : memref<3136xi32, #tpu.memory_space<vmem_shared>>) dst(%arg14 : memref<3136xi32, #tpu.memory_space<vmem>>)
    %dma_wait3A_426 = tpu.memref_slice %arg18[%add3A_405] : memref<401408xi32, #tpu.memory_space<vmem_shared>> -> memref<3136xi32, #tpu.memory_space<vmem_shared>>
    %dma_wait3A_427 = tpu.memref_slice %arg18[%add3A_405] : memref<401408xi32, #tpu.memory_space<vmem_shared>> -> memref<3136xi32, #tpu.memory_space<vmem_shared>>
    tpu.wait_dma2 semaphore(%arg27 : memref<!tpu.dma_semaphore, #tpu.memory_space<semaphore_mem>>) src(%dma_wait3A_427 : memref<3136xi32, #tpu.memory_space<vmem_shared>>) dst(%arg15 : memref<3136xi32, #tpu.memory_space<vmem>>)
    %dma_wait3A_428 = tpu.memref_slice %arg18[%add3A_411] : memref<401408xi32, #tpu.memory_space<vmem_shared>> -> memref<3136xi32, #tpu.memory_space<vmem_shared>>
    %dma_wait3A_429 = tpu.memref_slice %arg18[%add3A_411] : memref<401408xi32, #tpu.memory_space<vmem_shared>> -> memref<3136xi32, #tpu.memory_space<vmem_shared>>
    tpu.wait_dma2 semaphore(%arg28 : memref<!tpu.dma_semaphore, #tpu.memory_space<semaphore_mem>>) src(%dma_wait3A_429 : memref<3136xi32, #tpu.memory_space<vmem_shared>>) dst(%arg16 : memref<3136xi32, #tpu.memory_space<vmem>>)
    %scan3A_430 = arith.constant 0 : i32
    %scan3A_431 = arith.constant 0 : i32
    %scan3A_432 = arith.constant 98 : i32
    %scan3A_433 = arith.addi %scan3A_431, %scan3A_432 : i32
    %scan3A_434 = arith.constant 1 : i32
    %scan3A_435 = scf.for %scan3A_451 = %scan3A_431 to %scan3A_433 step %scan3A_434 iter_args(%scan3A_452 = %scan3A_430) -> (i32)  : i32 {
      %mul3A_453 = arith.constant 2 : i32
      %mul3A_454 = arith.muli %scan3A_451, %mul3A_453 : i32
      %add3A_455 = arith.constant 0 : i32
      %add3A_456 = arith.addi %mul3A_454, %add3A_455 : i32
      %mul3A_457 = arith.constant 16 : i32
      %mul3A_458 = arith.muli %add3A_456, %mul3A_457 : i32
      %get3A_459 = arith.index_cast %mul3A_458 : i32 to index
      %get3A_460 = tpu.vector_load %arg9[%get3A_459] {strides = array<i32>} : memref<3136xi32, #tpu.memory_space<vmem>>, vector<16xi32>,
      %get3A_461 = arith.index_cast %mul3A_458 : i32 to index
      %get3A_462 = tpu.vector_load %arg10[%get3A_461] {strides = array<i32>} : memref<3136xi32, #tpu.memory_space<vmem>>, vector<16xi32>,
      %add3A_463 = arith.addi %get3A_460, %get3A_462 : vector<16xi32>
      %get3A_464 = arith.index_cast %mul3A_458 : i32 to index
      %get3A_465 = tpu.vector_load %arg11[%get3A_464] {strides = array<i32>} : memref<3136xi32, #tpu.memory_space<vmem>>, vector<16xi32>,
      %add3A_466 = arith.addi %add3A_463, %get3A_465 : vector<16xi32>
      %get3A_467 = arith.index_cast %mul3A_458 : i32 to index
      %get3A_468 = tpu.vector_load %arg12[%get3A_467] {strides = array<i32>} : memref<3136xi32, #tpu.memory_space<vmem>>, vector<16xi32>,
      %add3A_469 = arith.addi %add3A_466, %get3A_468 : vector<16xi32>
      %get3A_470 = arith.index_cast %mul3A_458 : i32 to index
      %get3A_471 = tpu.vector_load %arg13[%get3A_470] {strides = array<i32>} : memref<3136xi32, #tpu.memory_space<vmem>>, vector<16xi32>,
      %add3A_472 = arith.addi %add3A_469, %get3A_471 : vector<16xi32>
      %get3A_473 = arith.index_cast %mul3A_458 : i32 to index
      %get3A_474 = tpu.vector_load %arg14[%get3A_473] {strides = array<i32>} : memref<3136xi32, #tpu.memory_space<vmem>>, vector<16xi32>,
      %add3A_475 = arith.addi %add3A_472, %get3A_474 : vector<16xi32>
      %get3A_476 = arith.index_cast %mul3A_458 : i32 to index
      %get3A_477 = tpu.vector_load %arg15[%get3A_476] {strides = array<i32>} : memref<3136xi32, #tpu.memory_space<vmem>>, vector<16xi32>,
      %add3A_478 = arith.addi %add3A_475, %get3A_477 : vector<16xi32>
      %get3A_479 = arith.index_cast %mul3A_458 : i32 to index
      %get3A_480 = tpu.vector_load %arg16[%get3A_479] {strides = array<i32>} : memref<3136xi32, #tpu.memory_space<vmem>>, vector<16xi32>,
      %add3A_481 = arith.addi %add3A_478, %get3A_480 : vector<16xi32>
      %get3A_482 = arith.index_cast %mul3A_458 : i32 to index
      %get3A_483 = tpu.vector_load %arg8[%get3A_482] {strides = array<i32>} : memref<3136xi32, #tpu.memory_space<vmem>>, vector<16xi32>,
      %add3A_484 = arith.addi %add3A_481, %get3A_483 : vector<16xi32>
      %swap3A = arith.index_cast %mul3A_458 : i32 to index
      %swap3A_485 = tpu.vector_load %arg8[%swap3A] {strides = array<i32>} : memref<3136xi32, #tpu.memory_space<vmem>>, vector<16xi32>,
      tpu.vector_store %arg8[%swap3A], %add3A_484 {strides = array<i32>} : memref<3136xi32, #tpu.memory_space<vmem>>, vector<16xi32>,
      %mul3A_486 = arith.constant 2 : i32
      %mul3A_487 = arith.muli %scan3A_451, %mul3A_486 : i32
      %add3A_488 = arith.constant 1 : i32
      %add3A_489 = arith.addi %mul3A_487, %add3A_488 : i32
      %mul3A_490 = arith.constant 16 : i32
      %mul3A_491 = arith.muli %add3A_489, %mul3A_490 : i32
      %get3A_492 = arith.index_cast %mul3A_491 : i32 to index
      %get3A_493 = tpu.vector_load %arg9[%get3A_492] {strides = array<i32>} : memref<3136xi32, #tpu.memory_space<vmem>>, vector<16xi32>,
      %get3A_494 = arith.index_cast %mul3A_491 : i32 to index
      %get3A_495 = tpu.vector_load %arg10[%get3A_494] {strides = array<i32>} : memref<3136xi32, #tpu.memory_space<vmem>>, vector<16xi32>,
      %add3A_496 = arith.addi %get3A_493, %get3A_495 : vector<16xi32>
      %get3A_497 = arith.index_cast %mul3A_491 : i32 to index
      %get3A_498 = tpu.vector_load %arg11[%get3A_497] {strides = array<i32>} : memref<3136xi32, #tpu.memory_space<vmem>>, vector<16xi32>,
      %add3A_499 = arith.addi %add3A_496, %get3A_498 : vector<16xi32>
      %get3A_500 = arith.index_cast %mul3A_491 : i32 to index
      %get3A_501 = tpu.vector_load %arg12[%get3A_500] {strides = array<i32>} : memref<3136xi32, #tpu.memory_space<vmem>>, vector<16xi32>,
      %add3A_502 = arith.addi %add3A_499, %get3A_501 : vector<16xi32>
      %get3A_503 = arith.index_cast %mul3A_491 : i32 to index
      %get3A_504 = tpu.vector_load %arg13[%get3A_503] {strides = array<i32>} : memref<3136xi32, #tpu.memory_space<vmem>>, vector<16xi32>,
      %add3A_505 = arith.addi %add3A_502, %get3A_504 : vector<16xi32>
      %get3A_506 = arith.index_cast %mul3A_491 : i32 to index
      %get3A_507 = tpu.vector_load %arg14[%get3A_506] {strides = array<i32>} : memref<3136xi32, #tpu.memory_space<vmem>>, vector<16xi32>,
      %add3A_508 = arith.addi %add3A_505, %get3A_507 : vector<16xi32>
      %get3A_509 = arith.index_cast %mul3A_491 : i32 to index
      %get3A_510 = tpu.vector_load %arg15[%get3A_509] {strides = array<i32>} : memref<3136xi32, #tpu.memory_space<vmem>>, vector<16xi32>,
      %add3A_511 = arith.addi %add3A_508, %get3A_510 : vector<16xi32>
      %get3A_512 = arith.index_cast %mul3A_491 : i32 to index
      %get3A_513 = tpu.vector_load %arg16[%get3A_512] {strides = array<i32>} : memref<3136xi32, #tpu.memory_space<vmem>>, vector<16xi32>,
      %add3A_514 = arith.addi %add3A_511, %get3A_513 : vector<16xi32>
      %get3A_515 = arith.index_cast %mul3A_491 : i32 to index
      %get3A_516 = tpu.vector_load %arg8[%get3A_515] {strides = array<i32>} : memref<3136xi32, #tpu.memory_space<vmem>>, vector<16xi32>,
      %add3A_517 = arith.addi %add3A_514, %get3A_516 : vector<16xi32>
      %swap3A_518 = arith.index_cast %mul3A_491 : i32 to index
      %swap3A_519 = tpu.vector_load %arg8[%swap3A_518] {strides = array<i32>} : memref<3136xi32, #tpu.memory_space<vmem>>, vector<16xi32>,
      tpu.vector_store %arg8[%swap3A_518], %add3A_517 {strides = array<i32>} : memref<3136xi32, #tpu.memory_space<vmem>>, vector<16xi32>,
      %scan3A_520 = arith.constant 0 : i32
      scf.yield %scan3A_520 : i32
    }
    %scan3A_436 = arith.constant 98 : i32
    %barrier3A_437 = arith.constant 0 : index
    tpu.barrier barrier_id(%barrier3A_437)
    %get3A = arith.constant 0 : index
    %get3A_438 = tpu.vector_load %arg17[%get3A] {strides = array<i32>} : memref<16xi32, #tpu.memory_space<vmem>>, vector<16xi32>,
    %scan3A_439 = arith.constant 0 : i32
    %scan3A_440 = arith.constant 0 : i32
    %scan3A_441 = arith.constant 49 : i32
    %scan3A_442 = arith.addi %scan3A_440, %scan3A_441 : i32
    %scan3A_443 = arith.constant 1 : i32
    %scan3A_444 = scf.for %scan3A_451 = %scan3A_440 to %scan3A_442 step %scan3A_443 iter_args(%scan3A_452 = %scan3A_439) -> (i32)  : i32 {
      %mul3A_453 = arith.constant 4 : i32
      %mul3A_454 = arith.muli %scan3A_451, %mul3A_453 : i32
      %add3A_455 = arith.constant 0 : i32
      %add3A_456 = arith.addi %mul3A_454, %add3A_455 : i32
      %mul3A_457 = arith.constant 16 : i32
      %mul3A_458 = arith.muli %add3A_456, %mul3A_457 : i32
      %get3A_459 = arith.index_cast %mul3A_458 : i32 to index
      %get3A_460 = tpu.vector_load %arg8[%get3A_459] {strides = array<i32>} : memref<3136xi32, #tpu.memory_space<vmem>>, vector<16xi32>,
      %mul3A_461 = arith.constant 3136 : i32
      %mul3A_462 = arith.muli %arg1, %mul3A_461 : i32
      %add3A_463 = arith.addi %mul3A_462, %mul3A_458 : i32
      %iota3A = tpu.iota {dimensions = array<i32: 0>} : vector<16xi32>
      %add3A_464 = vector.broadcast %add3A_463 : i32 to vector<16xi32>
      %add3A_465 = arith.addi %add3A_464, %iota3A : vector<16xi32>
      %lt3A_466 = arith.cmpi slt, %add3A_465, %get3A_438 : vector<16xi32>
      %min3A = arith.constant 512 : i32
      %min3A_467 = vector.broadcast %min3A : i32 to vector<16xi32>
      %min3A_468 = arith.minsi %get3A_460, %min3A_467 : vector<16xi32>
      %jit3A_469 = arith.constant 0 : i32
      %broadcast_in_dim3A_470 = vector.broadcast %jit3A_469 : i32 to vector<16xi32>
      %select_n3A_471 = arith.select %lt3A_466, %min3A_468, %broadcast_in_dim3A_470 : vector<16xi1>, vector<16xi32>
      %swap3A = arith.index_cast %mul3A_458 : i32 to index
      %swap3A_472 = tpu.vector_load %arg8[%swap3A] {strides = array<i32>} : memref<3136xi32, #tpu.memory_space<vmem>>, vector<16xi32>,
      tpu.vector_store %arg8[%swap3A], %select_n3A_471 {strides = array<i32>} : memref<3136xi32, #tpu.memory_space<vmem>>, vector<16xi32>,
      %mul3A_473 = arith.constant 4 : i32
      %mul3A_474 = arith.muli %scan3A_451, %mul3A_473 : i32
      %add3A_475 = arith.constant 1 : i32
      %add3A_476 = arith.addi %mul3A_474, %add3A_475 : i32
      %mul3A_477 = arith.constant 16 : i32
      %mul3A_478 = arith.muli %add3A_476, %mul3A_477 : i32
      %get3A_479 = arith.index_cast %mul3A_478 : i32 to index
      %get3A_480 = tpu.vector_load %arg8[%get3A_479] {strides = array<i32>} : memref<3136xi32, #tpu.memory_space<vmem>>, vector<16xi32>,
      %mul3A_481 = arith.constant 3136 : i32
      %mul3A_482 = arith.muli %arg1, %mul3A_481 : i32
      %add3A_483 = arith.addi %mul3A_482, %mul3A_478 : i32
      %iota3A_484 = tpu.iota {dimensions = array<i32: 0>} : vector<16xi32>
      %add3A_485 = vector.broadcast %add3A_483 : i32 to vector<16xi32>
      %add3A_486 = arith.addi %add3A_485, %iota3A_484 : vector<16xi32>
      %lt3A_487 = arith.cmpi slt, %add3A_486, %get3A_438 : vector<16xi32>
      %min3A_488 = arith.constant 512 : i32
      %min3A_489 = vector.broadcast %min3A_488 : i32 to vector<16xi32>
      %min3A_490 = arith.minsi %get3A_480, %min3A_489 : vector<16xi32>
      %jit3A_491 = arith.constant 0 : i32
      %broadcast_in_dim3A_492 = vector.broadcast %jit3A_491 : i32 to vector<16xi32>
      %select_n3A_493 = arith.select %lt3A_487, %min3A_490, %broadcast_in_dim3A_492 : vector<16xi1>, vector<16xi32>
      %swap3A_494 = arith.index_cast %mul3A_478 : i32 to index
      %swap3A_495 = tpu.vector_load %arg8[%swap3A_494] {strides = array<i32>} : memref<3136xi32, #tpu.memory_space<vmem>>, vector<16xi32>,
      tpu.vector_store %arg8[%swap3A_494], %select_n3A_493 {strides = array<i32>} : memref<3136xi32, #tpu.memory_space<vmem>>, vector<16xi32>,
      %mul3A_496 = arith.constant 4 : i32
      %mul3A_497 = arith.muli %scan3A_451, %mul3A_496 : i32
      %add3A_498 = arith.constant 2 : i32
      %add3A_499 = arith.addi %mul3A_497, %add3A_498 : i32
      %mul3A_500 = arith.constant 16 : i32
      %mul3A_501 = arith.muli %add3A_499, %mul3A_500 : i32
      %get3A_502 = arith.index_cast %mul3A_501 : i32 to index
      %get3A_503 = tpu.vector_load %arg8[%get3A_502] {strides = array<i32>} : memref<3136xi32, #tpu.memory_space<vmem>>, vector<16xi32>,
      %mul3A_504 = arith.constant 3136 : i32
      %mul3A_505 = arith.muli %arg1, %mul3A_504 : i32
      %add3A_506 = arith.addi %mul3A_505, %mul3A_501 : i32
      %iota3A_507 = tpu.iota {dimensions = array<i32: 0>} : vector<16xi32>
      %add3A_508 = vector.broadcast %add3A_506 : i32 to vector<16xi32>
      %add3A_509 = arith.addi %add3A_508, %iota3A_507 : vector<16xi32>
      %lt3A_510 = arith.cmpi slt, %add3A_509, %get3A_438 : vector<16xi32>
      %min3A_511 = arith.constant 512 : i32
      %min3A_512 = vector.broadcast %min3A_511 : i32 to vector<16xi32>
      %min3A_513 = arith.minsi %get3A_503, %min3A_512 : vector<16xi32>
      %jit3A_514 = arith.constant 0 : i32
      %broadcast_in_dim3A_515 = vector.broadcast %jit3A_514 : i32 to vector<16xi32>
      %select_n3A_516 = arith.select %lt3A_510, %min3A_513, %broadcast_in_dim3A_515 : vector<16xi1>, vector<16xi32>
      %swap3A_517 = arith.index_cast %mul3A_501 : i32 to index
      %swap3A_518 = tpu.vector_load %arg8[%swap3A_517] {strides = array<i32>} : memref<3136xi32, #tpu.memory_space<vmem>>, vector<16xi32>,
      tpu.vector_store %arg8[%swap3A_517], %select_n3A_516 {strides = array<i32>} : memref<3136xi32, #tpu.memory_space<vmem>>, vector<16xi32>,
      %mul3A_519 = arith.constant 4 : i32
      %mul3A_520 = arith.muli %scan3A_451, %mul3A_519 : i32
      %add3A_521 = arith.constant 3 : i32
      %add3A_522 = arith.addi %mul3A_520, %add3A_521 : i32
      %mul3A_523 = arith.constant 16 : i32
      %mul3A_524 = arith.muli %add3A_522, %mul3A_523 : i32
      %get3A_525 = arith.index_cast %mul3A_524 : i32 to index
      %get3A_526 = tpu.vector_load %arg8[%get3A_525] {strides = array<i32>} : memref<3136xi32, #tpu.memory_space<vmem>>, vector<16xi32>,
      %mul3A_527 = arith.constant 3136 : i32
      %mul3A_528 = arith.muli %arg1, %mul3A_527 : i32
      %add3A_529 = arith.addi %mul3A_528, %mul3A_524 : i32
      %iota3A_530 = tpu.iota {dimensions = array<i32: 0>} : vector<16xi32>
      %add3A_531 = vector.broadcast %add3A_529 : i32 to vector<16xi32>
      %add3A_532 = arith.addi %add3A_531, %iota3A_530 : vector<16xi32>
      %lt3A_533 = arith.cmpi slt, %add3A_532, %get3A_438 : vector<16xi32>
      %min3A_534 = arith.constant 512 : i32
      %min3A_535 = vector.broadcast %min3A_534 : i32 to vector<16xi32>
      %min3A_536 = arith.minsi %get3A_526, %min3A_535 : vector<16xi32>
      %jit3A_537 = arith.constant 0 : i32
      %broadcast_in_dim3A_538 = vector.broadcast %jit3A_537 : i32 to vector<16xi32>
      %select_n3A_539 = arith.select %lt3A_533, %min3A_536, %broadcast_in_dim3A_538 : vector<16xi1>, vector<16xi32>
      %swap3A_540 = arith.index_cast %mul3A_524 : i32 to index
      %swap3A_541 = tpu.vector_load %arg8[%swap3A_540] {strides = array<i32>} : memref<3136xi32, #tpu.memory_space<vmem>>, vector<16xi32>,
      tpu.vector_store %arg8[%swap3A_540], %select_n3A_539 {strides = array<i32>} : memref<3136xi32, #tpu.memory_space<vmem>>, vector<16xi32>,
      %scan3A_542 = arith.constant 0 : i32
      scf.yield %scan3A_542 : i32
    }
    %scan3A_445 = arith.constant 49 : i32
    %mul3A_446 = arith.constant 50176 : i32
    %mul3A_447 = arith.muli %arg0, %mul3A_446 : i32
    %mul3A_448 = arith.constant 3136 : i32
    %mul3A_449 = arith.muli %arg1, %mul3A_448 : i32
    %add3A_450 = arith.addi %mul3A_447, %mul3A_449 : i32
    "tpu.region"() ({
      %run_scoped3A = tpu.sem_alloc : memref<!tpu.dma_semaphore, #tpu.memory_space<semaphore_mem>>
      %dma_start3A_451 = tpu.memref_slice %arg4[%add3A_450] : memref<100352xi32, #tpu.memory_space<hbm>> -> memref<3136xi32, #tpu.memory_space<hbm>>
      %dma_start3A_452 = tpu.memref_slice %arg4[%add3A_450] : memref<100352xi32, #tpu.memory_space<hbm>> -> memref<3136xi32, #tpu.memory_space<hbm>>
      tpu.enqueue_dma source(%arg8 : memref<3136xi32, #tpu.memory_space<vmem>>) target(%dma_start3A_452 : memref<3136xi32, #tpu.memory_space<hbm>>) target_semaphore(%run_scoped3A : memref<!tpu.dma_semaphore, #tpu.memory_space<semaphore_mem>>)
      %dma_wait3A_453 = tpu.memref_slice %arg4[%add3A_450] : memref<100352xi32, #tpu.memory_space<hbm>> -> memref<3136xi32, #tpu.memory_space<hbm>>
      %dma_wait3A_454 = tpu.memref_slice %arg4[%add3A_450] : memref<100352xi32, #tpu.memory_space<hbm>> -> memref<3136xi32, #tpu.memory_space<hbm>>
      tpu.wait_dma2 semaphore(%run_scoped3A : memref<!tpu.dma_semaphore, #tpu.memory_space<semaphore_mem>>) src(%arg8 : memref<3136xi32, #tpu.memory_space<vmem>>) dst(%dma_wait3A_454 : memref<3136xi32, #tpu.memory_space<hbm>>)
      tpu.yield
    }) : () -> ()
    return
  }
}

#map = affine_map<(d0, d1) -> (0)>
#map1 = affine_map<(d0, d1) -> (0, 0)>
module attributes {stable_mosaic.version = 14 : i64} {
  func.func @_embed_kernel(%arg0: i32, %arg1: i32, %arg2: memref<100352xi32, #tpu.memory_space<hbm>>, %arg3: memref<513x128xf32, #tpu.memory_space<hbm>>, %arg4: memref<513x128xf32, #tpu.memory_space<hbm>>, %arg5: memref<50000x128xf32, #tpu.memory_space<hbm>>, %arg6: memref<513x128xf32, #tpu.memory_space<vmem_shared>>, %arg7: memref<513x128xf32, #tpu.memory_space<vmem_shared>>, %arg8: memref<1640xi32, #tpu.memory_space<vmem>>, %arg9: memref<1640xi32, #tpu.memory_space<vmem>>, %arg10: memref<120x128xf32, #tpu.memory_space<vmem>>, %arg11: memref<120x128xf32, #tpu.memory_space<vmem>>, %arg12: memref<128xf32, #tpu.memory_space<vmem>>, %arg13: memref<!tpu.dma_semaphore, #tpu.memory_space<semaphore_mem>>, %arg14: memref<!tpu.dma_semaphore, #tpu.memory_space<semaphore_mem>>, %arg15: memref<!tpu.dma_semaphore, #tpu.memory_space<semaphore_mem>>, %arg16: memref<!tpu.dma_semaphore, #tpu.memory_space<semaphore_mem>>, %arg17: memref<!tpu.dma_semaphore, #tpu.memory_space<semaphore_mem>>) attributes {dimension_semantics = [#tpu.dimension_semantics<core_parallel>, #tpu.dimension_semantics<subcore_parallel>], iteration_bounds = array<i64: 2, 16>, scalar_prefetch = 0 : i64, scratch_operands = 12 : i64, tpu.core_type = #tpu.core_type<sc_vector_subcore>, window_params = [{transform_indices = #map}, {transform_indices = #map1}, {transform_indices = #map1}, {transform_indices = #map1}]} {
    %mul3A = arith.constant 2 : i32
    %mul3A_0 = arith.muli %arg1, %mul3A : i32
    %add3A = arith.addi %mul3A_0, %arg0 : i32
    %mul3A_1 = arith.constant 1560 : i32
    %mul3A_2 = arith.muli %add3A, %mul3A_1 : i32
    %dma_start3A = tpu.memref_slice %arg2[%mul3A_2] : memref<100352xi32, #tpu.memory_space<hbm>> -> memref<1640xi32, #tpu.memory_space<hbm>>
    %dma_start3A_3 = tpu.memref_slice %arg2[%mul3A_2] : memref<100352xi32, #tpu.memory_space<hbm>> -> memref<1640xi32, #tpu.memory_space<hbm>>
    tpu.enqueue_dma source(%dma_start3A_3 : memref<1640xi32, #tpu.memory_space<hbm>>) target(%arg8 : memref<1640xi32, #tpu.memory_space<vmem>>) target_semaphore(%arg16 : memref<!tpu.dma_semaphore, #tpu.memory_space<semaphore_mem>>)
    %mul3A_4 = arith.constant 1560 : i32
    %mul3A_5 = arith.muli %add3A, %mul3A_4 : i32
    %add3A_6 = arith.constant 50176 : i32
    %add3A_7 = arith.addi %add3A_6, %mul3A_5 : i32
    %dma_start3A_8 = tpu.memref_slice %arg2[%add3A_7] : memref<100352xi32, #tpu.memory_space<hbm>> -> memref<1640xi32, #tpu.memory_space<hbm>>
    %dma_start3A_9 = tpu.memref_slice %arg2[%add3A_7] : memref<100352xi32, #tpu.memory_space<hbm>> -> memref<1640xi32, #tpu.memory_space<hbm>>
    tpu.enqueue_dma source(%dma_start3A_9 : memref<1640xi32, #tpu.memory_space<hbm>>) target(%arg9 : memref<1640xi32, #tpu.memory_space<vmem>>) target_semaphore(%arg17 : memref<!tpu.dma_semaphore, #tpu.memory_space<semaphore_mem>>)
    %eq3A = arith.constant 0 : i32
    %eq3A_10 = arith.cmpi eq, %arg1, %eq3A : i32
    %convert_element_type3A = arith.extui %eq3A_10 : i1 to i32
    %cond3A = arith.constant 0 : i32
    %cond3A_11 = arith.cmpi ne, %convert_element_type3A, %cond3A : i32
    scf.if %cond3A_11 {
      "tpu.region"() ({
        %run_scoped3A_483 = tpu.sem_alloc : memref<!tpu.dma_semaphore, #tpu.memory_space<semaphore_mem>>
        tpu.enqueue_dma source(%arg3 : memref<513x128xf32, #tpu.memory_space<hbm>>) target(%arg6 : memref<513x128xf32, #tpu.memory_space<vmem_shared>>) target_semaphore(%run_scoped3A_483 : memref<!tpu.dma_semaphore, #tpu.memory_space<semaphore_mem>>)
        tpu.wait_dma2 semaphore(%run_scoped3A_483 : memref<!tpu.dma_semaphore, #tpu.memory_space<semaphore_mem>>) src(%arg3 : memref<513x128xf32, #tpu.memory_space<hbm>>) dst(%arg6 : memref<513x128xf32, #tpu.memory_space<vmem_shared>>)
        tpu.yield
      }) : () -> ()
      "tpu.region"() ({
        %run_scoped3A_483 = tpu.sem_alloc : memref<!tpu.dma_semaphore, #tpu.memory_space<semaphore_mem>>
        tpu.enqueue_dma source(%arg4 : memref<513x128xf32, #tpu.memory_space<hbm>>) target(%arg7 : memref<513x128xf32, #tpu.memory_space<vmem_shared>>) target_semaphore(%run_scoped3A_483 : memref<!tpu.dma_semaphore, #tpu.memory_space<semaphore_mem>>)
        tpu.wait_dma2 semaphore(%run_scoped3A_483 : memref<!tpu.dma_semaphore, #tpu.memory_space<semaphore_mem>>) src(%arg4 : memref<513x128xf32, #tpu.memory_space<hbm>>) dst(%arg7 : memref<513x128xf32, #tpu.memory_space<vmem_shared>>)
        tpu.yield
      }) : () -> ()
      %broadcast_in_dim3A = arith.constant 0.000000e+00 : f32
      %broadcast_in_dim3A_436 = vector.broadcast %broadcast_in_dim3A : f32 to vector<16xf32>
      %swap3A = arith.constant 0 : index
      %swap3A_437 = tpu.vector_load %arg12[%swap3A] {strides = array<i32>} : memref<128xf32, #tpu.memory_space<vmem>>, vector<16xf32>,
      %swap3A_438 = vector.shape_cast %swap3A_437 : vector<16xf32> to vector<16xf32>
      %swap3A_439 = vector.shape_cast %broadcast_in_dim3A_436 : vector<16xf32> to vector<16xf32>
      tpu.vector_store %arg12[%swap3A], %swap3A_439 {strides = array<i32>} : memref<128xf32, #tpu.memory_space<vmem>>, vector<16xf32>,
      %broadcast_in_dim3A_440 = arith.constant 0.000000e+00 : f32
      %broadcast_in_dim3A_441 = vector.broadcast %broadcast_in_dim3A_440 : f32 to vector<16xf32>
      %swap3A_442 = arith.constant 16 : index
      %swap3A_443 = tpu.vector_load %arg12[%swap3A_442] {strides = array<i32>} : memref<128xf32, #tpu.memory_space<vmem>>, vector<16xf32>,
      %swap3A_444 = vector.shape_cast %swap3A_443 : vector<16xf32> to vector<16xf32>
      %swap3A_445 = vector.shape_cast %broadcast_in_dim3A_441 : vector<16xf32> to vector<16xf32>
      tpu.vector_store %arg12[%swap3A_442], %swap3A_445 {strides = array<i32>} : memref<128xf32, #tpu.memory_space<vmem>>, vector<16xf32>,
      %broadcast_in_dim3A_446 = arith.constant 0.000000e+00 : f32
      %broadcast_in_dim3A_447 = vector.broadcast %broadcast_in_dim3A_446 : f32 to vector<16xf32>
      %swap3A_448 = arith.constant 32 : index
      %swap3A_449 = tpu.vector_load %arg12[%swap3A_448] {strides = array<i32>} : memref<128xf32, #tpu.memory_space<vmem>>, vector<16xf32>,
      %swap3A_450 = vector.shape_cast %swap3A_449 : vector<16xf32> to vector<16xf32>
      %swap3A_451 = vector.shape_cast %broadcast_in_dim3A_447 : vector<16xf32> to vector<16xf32>
      tpu.vector_store %arg12[%swap3A_448], %swap3A_451 {strides = array<i32>} : memref<128xf32, #tpu.memory_space<vmem>>, vector<16xf32>,
      %broadcast_in_dim3A_452 = arith.constant 0.000000e+00 : f32
      %broadcast_in_dim3A_453 = vector.broadcast %broadcast_in_dim3A_452 : f32 to vector<16xf32>
      %swap3A_454 = arith.constant 48 : index
      %swap3A_455 = tpu.vector_load %arg12[%swap3A_454] {strides = array<i32>} : memref<128xf32, #tpu.memory_space<vmem>>, vector<16xf32>,
      %swap3A_456 = vector.shape_cast %swap3A_455 : vector<16xf32> to vector<16xf32>
      %swap3A_457 = vector.shape_cast %broadcast_in_dim3A_453 : vector<16xf32> to vector<16xf32>
      tpu.vector_store %arg12[%swap3A_454], %swap3A_457 {strides = array<i32>} : memref<128xf32, #tpu.memory_space<vmem>>, vector<16xf32>,
      %broadcast_in_dim3A_458 = arith.constant 0.000000e+00 : f32
      %broadcast_in_dim3A_459 = vector.broadcast %broadcast_in_dim3A_458 : f32 to vector<16xf32>
      %swap3A_460 = arith.constant 64 : index
      %swap3A_461 = tpu.vector_load %arg12[%swap3A_460] {strides = array<i32>} : memref<128xf32, #tpu.memory_space<vmem>>, vector<16xf32>,
      %swap3A_462 = vector.shape_cast %swap3A_461 : vector<16xf32> to vector<16xf32>
      %swap3A_463 = vector.shape_cast %broadcast_in_dim3A_459 : vector<16xf32> to vector<16xf32>
      tpu.vector_store %arg12[%swap3A_460], %swap3A_463 {strides = array<i32>} : memref<128xf32, #tpu.memory_space<vmem>>, vector<16xf32>,
      %broadcast_in_dim3A_464 = arith.constant 0.000000e+00 : f32
      %broadcast_in_dim3A_465 = vector.broadcast %broadcast_in_dim3A_464 : f32 to vector<16xf32>
      %swap3A_466 = arith.constant 80 : index
      %swap3A_467 = tpu.vector_load %arg12[%swap3A_466] {strides = array<i32>} : memref<128xf32, #tpu.memory_space<vmem>>, vector<16xf32>,
      %swap3A_468 = vector.shape_cast %swap3A_467 : vector<16xf32> to vector<16xf32>
      %swap3A_469 = vector.shape_cast %broadcast_in_dim3A_465 : vector<16xf32> to vector<16xf32>
      tpu.vector_store %arg12[%swap3A_466], %swap3A_469 {strides = array<i32>} : memref<128xf32, #tpu.memory_space<vmem>>, vector<16xf32>,
      %broadcast_in_dim3A_470 = arith.constant 0.000000e+00 : f32
      %broadcast_in_dim3A_471 = vector.broadcast %broadcast_in_dim3A_470 : f32 to vector<16xf32>
      %swap3A_472 = arith.constant 96 : index
      %swap3A_473 = tpu.vector_load %arg12[%swap3A_472] {strides = array<i32>} : memref<128xf32, #tpu.memory_space<vmem>>, vector<16xf32>,
      %swap3A_474 = vector.shape_cast %swap3A_473 : vector<16xf32> to vector<16xf32>
      %swap3A_475 = vector.shape_cast %broadcast_in_dim3A_471 : vector<16xf32> to vector<16xf32>
      tpu.vector_store %arg12[%swap3A_472], %swap3A_475 {strides = array<i32>} : memref<128xf32, #tpu.memory_space<vmem>>, vector<16xf32>,
      %broadcast_in_dim3A_476 = arith.constant 0.000000e+00 : f32
      %broadcast_in_dim3A_477 = vector.broadcast %broadcast_in_dim3A_476 : f32 to vector<16xf32>
      %swap3A_478 = arith.constant 112 : index
      %swap3A_479 = tpu.vector_load %arg12[%swap3A_478] {strides = array<i32>} : memref<128xf32, #tpu.memory_space<vmem>>, vector<16xf32>,
      %swap3A_480 = vector.shape_cast %swap3A_479 : vector<16xf32> to vector<16xf32>
      %swap3A_481 = vector.shape_cast %broadcast_in_dim3A_477 : vector<16xf32> to vector<16xf32>
      tpu.vector_store %arg12[%swap3A_478], %swap3A_481 {strides = array<i32>} : memref<128xf32, #tpu.memory_space<vmem>>, vector<16xf32>,
      %run_scoped3A = arith.constant 0 : i32
      "tpu.region"() ({
        %run_scoped3A_483 = tpu.sem_alloc : memref<!tpu.dma_semaphore, #tpu.memory_space<semaphore_mem>>
        %dma_start3A_484 = arith.constant 0 : i32
        %dma_start3A_485 = tpu.memref_slice %arg6[%run_scoped3A, %dma_start3A_484] : memref<513x128xf32, #tpu.memory_space<vmem_shared>> -> memref<1x128xf32, #tpu.memory_space<vmem_shared>>
        %dma_start3A_486 = tpu.memref_squeeze %dma_start3A_485 : memref<1x128xf32, #tpu.memory_space<vmem_shared>> -> memref<128xf32, #tpu.memory_space<vmem_shared>>
        %dma_start3A_487 = arith.constant 0 : i32
        %dma_start3A_488 = tpu.memref_slice %arg6[%run_scoped3A, %dma_start3A_487] : memref<513x128xf32, #tpu.memory_space<vmem_shared>> -> memref<1x128xf32, #tpu.memory_space<vmem_shared>>
        %dma_start3A_489 = tpu.memref_squeeze %dma_start3A_488 : memref<1x128xf32, #tpu.memory_space<vmem_shared>> -> memref<128xf32, #tpu.memory_space<vmem_shared>>
        tpu.enqueue_dma source(%arg12 : memref<128xf32, #tpu.memory_space<vmem>>) target(%dma_start3A_489 : memref<128xf32, #tpu.memory_space<vmem_shared>>) target_semaphore(%run_scoped3A_483 : memref<!tpu.dma_semaphore, #tpu.memory_space<semaphore_mem>>)
        %dma_wait3A_490 = arith.constant 0 : i32
        %dma_wait3A_491 = tpu.memref_slice %arg6[%run_scoped3A, %dma_wait3A_490] : memref<513x128xf32, #tpu.memory_space<vmem_shared>> -> memref<1x128xf32, #tpu.memory_space<vmem_shared>>
        %dma_wait3A_492 = tpu.memref_squeeze %dma_wait3A_491 : memref<1x128xf32, #tpu.memory_space<vmem_shared>> -> memref<128xf32, #tpu.memory_space<vmem_shared>>
        %dma_wait3A_493 = arith.constant 0 : i32
        %dma_wait3A_494 = tpu.memref_slice %arg6[%run_scoped3A, %dma_wait3A_493] : memref<513x128xf32, #tpu.memory_space<vmem_shared>> -> memref<1x128xf32, #tpu.memory_space<vmem_shared>>
        %dma_wait3A_495 = tpu.memref_squeeze %dma_wait3A_494 : memref<1x128xf32, #tpu.memory_space<vmem_shared>> -> memref<128xf32, #tpu.memory_space<vmem_shared>>
        tpu.wait_dma2 semaphore(%run_scoped3A_483 : memref<!tpu.dma_semaphore, #tpu.memory_space<semaphore_mem>>) src(%arg12 : memref<128xf32, #tpu.memory_space<vmem>>) dst(%dma_wait3A_495 : memref<128xf32, #tpu.memory_space<vmem_shared>>)
        tpu.yield
      }) : () -> ()
      %run_scoped3A_482 = arith.constant 0 : i32
      "tpu.region"() ({
        %run_scoped3A_483 = tpu.sem_alloc : memref<!tpu.dma_semaphore, #tpu.memory_space<semaphore_mem>>
        %dma_start3A_484 = arith.constant 0 : i32
        %dma_start3A_485 = tpu.memref_slice %arg7[%run_scoped3A_482, %dma_start3A_484] : memref<513x128xf32, #tpu.memory_space<vmem_shared>> -> memref<1x128xf32, #tpu.memory_space<vmem_shared>>
        %dma_start3A_486 = tpu.memref_squeeze %dma_start3A_485 : memref<1x128xf32, #tpu.memory_space<vmem_shared>> -> memref<128xf32, #tpu.memory_space<vmem_shared>>
        %dma_start3A_487 = arith.constant 0 : i32
        %dma_start3A_488 = tpu.memref_slice %arg7[%run_scoped3A_482, %dma_start3A_487] : memref<513x128xf32, #tpu.memory_space<vmem_shared>> -> memref<1x128xf32, #tpu.memory_space<vmem_shared>>
        %dma_start3A_489 = tpu.memref_squeeze %dma_start3A_488 : memref<1x128xf32, #tpu.memory_space<vmem_shared>> -> memref<128xf32, #tpu.memory_space<vmem_shared>>
        tpu.enqueue_dma source(%arg12 : memref<128xf32, #tpu.memory_space<vmem>>) target(%dma_start3A_489 : memref<128xf32, #tpu.memory_space<vmem_shared>>) target_semaphore(%run_scoped3A_483 : memref<!tpu.dma_semaphore, #tpu.memory_space<semaphore_mem>>)
        %dma_wait3A_490 = arith.constant 0 : i32
        %dma_wait3A_491 = tpu.memref_slice %arg7[%run_scoped3A_482, %dma_wait3A_490] : memref<513x128xf32, #tpu.memory_space<vmem_shared>> -> memref<1x128xf32, #tpu.memory_space<vmem_shared>>
        %dma_wait3A_492 = tpu.memref_squeeze %dma_wait3A_491 : memref<1x128xf32, #tpu.memory_space<vmem_shared>> -> memref<128xf32, #tpu.memory_space<vmem_shared>>
        %dma_wait3A_493 = arith.constant 0 : i32
        %dma_wait3A_494 = tpu.memref_slice %arg7[%run_scoped3A_482, %dma_wait3A_493] : memref<513x128xf32, #tpu.memory_space<vmem_shared>> -> memref<1x128xf32, #tpu.memory_space<vmem_shared>>
        %dma_wait3A_495 = tpu.memref_squeeze %dma_wait3A_494 : memref<1x128xf32, #tpu.memory_space<vmem_shared>> -> memref<128xf32, #tpu.memory_space<vmem_shared>>
        tpu.wait_dma2 semaphore(%run_scoped3A_483 : memref<!tpu.dma_semaphore, #tpu.memory_space<semaphore_mem>>) src(%arg12 : memref<128xf32, #tpu.memory_space<vmem>>) dst(%dma_wait3A_495 : memref<128xf32, #tpu.memory_space<vmem_shared>>)
        tpu.yield
      }) : () -> ()
    } else {
    }
    %barrier3A = arith.constant 0 : index
    tpu.barrier barrier_id(%barrier3A)
    %dma_wait3A = tpu.memref_slice %arg2[%mul3A_2] : memref<100352xi32, #tpu.memory_space<hbm>> -> memref<1640xi32, #tpu.memory_space<hbm>>
    %dma_wait3A_12 = tpu.memref_slice %arg2[%mul3A_2] : memref<100352xi32, #tpu.memory_space<hbm>> -> memref<1640xi32, #tpu.memory_space<hbm>>
    tpu.wait_dma2 semaphore(%arg16 : memref<!tpu.dma_semaphore, #tpu.memory_space<semaphore_mem>>) src(%dma_wait3A_12 : memref<1640xi32, #tpu.memory_space<hbm>>) dst(%arg8 : memref<1640xi32, #tpu.memory_space<vmem>>)
    %dma_wait3A_13 = tpu.memref_slice %arg2[%add3A_7] : memref<100352xi32, #tpu.memory_space<hbm>> -> memref<1640xi32, #tpu.memory_space<hbm>>
    %dma_wait3A_14 = tpu.memref_slice %arg2[%add3A_7] : memref<100352xi32, #tpu.memory_space<hbm>> -> memref<1640xi32, #tpu.memory_space<hbm>>
    tpu.wait_dma2 semaphore(%arg17 : memref<!tpu.dma_semaphore, #tpu.memory_space<semaphore_mem>>) src(%dma_wait3A_14 : memref<1640xi32, #tpu.memory_space<hbm>>) dst(%arg9 : memref<1640xi32, #tpu.memory_space<vmem>>)
    %dma_start3A_15 = arith.constant 0 : i32
    %dma_start3A_16 = tpu.memref_slice %arg8[%dma_start3A_15] : memref<1640xi32, #tpu.memory_space<vmem>> -> memref<120xi32, #tpu.memory_space<vmem>>
    %dma_start3A_17 = arith.constant 0 : i32
    %dma_start3A_18 = arith.constant 0 : i32
    %dma_start3A_19 = tpu.memref_slice %arg6[%dma_start3A_17, %dma_start3A_18] : memref<513x128xf32, #tpu.memory_space<vmem_shared>> -> memref<513x128xf32, #tpu.memory_space<vmem_shared>>
    tpu.enqueue_indirect_dma source(%dma_start3A_19 : memref<513x128xf32, #tpu.memory_space<vmem_shared>>) target(%arg10 : memref<120x128xf32, #tpu.memory_space<vmem>>) offsets(%dma_start3A_16 : memref<120xi32, #tpu.memory_space<vmem>>) semaphore(%arg13 : memref<!tpu.dma_semaphore, #tpu.memory_space<semaphore_mem>>)
    %dma_wait3A_20 = arith.constant 0 : i32
    %dma_wait3A_21 = tpu.memref_slice %arg8[%dma_wait3A_20] : memref<1640xi32, #tpu.memory_space<vmem>> -> memref<120xi32, #tpu.memory_space<vmem>>
    %dma_wait3A_22 = arith.constant 0 : i32
    %dma_wait3A_23 = arith.constant 0 : i32
    %dma_wait3A_24 = tpu.memref_slice %arg6[%dma_wait3A_22, %dma_wait3A_23] : memref<513x128xf32, #tpu.memory_space<vmem_shared>> -> memref<513x128xf32, #tpu.memory_space<vmem_shared>>
    tpu.wait_indirect_dma semaphore(%arg13 : memref<!tpu.dma_semaphore, #tpu.memory_space<semaphore_mem>>) src(%dma_wait3A_24 : memref<513x128xf32, #tpu.memory_space<vmem_shared>>) dst(%arg10 : memref<120x128xf32, #tpu.memory_space<vmem>>)
    %dma_start3A_25 = arith.constant 0 : i32
    %dma_start3A_26 = tpu.memref_slice %arg9[%dma_start3A_25] : memref<1640xi32, #tpu.memory_space<vmem>> -> memref<120xi32, #tpu.memory_space<vmem>>
    %dma_start3A_27 = arith.constant 0 : i32
    %dma_start3A_28 = arith.constant 0 : i32
    %dma_start3A_29 = tpu.memref_slice %arg7[%dma_start3A_27, %dma_start3A_28] : memref<513x128xf32, #tpu.memory_space<vmem_shared>> -> memref<513x128xf32, #tpu.memory_space<vmem_shared>>
    tpu.enqueue_indirect_dma source(%dma_start3A_29 : memref<513x128xf32, #tpu.memory_space<vmem_shared>>) target(%arg10 : memref<120x128xf32, #tpu.memory_space<vmem>>) offsets(%dma_start3A_26 : memref<120xi32, #tpu.memory_space<vmem>>) semaphore(%arg14 : memref<!tpu.dma_semaphore, #tpu.memory_space<semaphore_mem>>) {add = true}
    %dma_start3A_30 = arith.constant 120 : i32
    %dma_start3A_31 = tpu.memref_slice %arg8[%dma_start3A_30] : memref<1640xi32, #tpu.memory_space<vmem>> -> memref<120xi32, #tpu.memory_space<vmem>>
    %dma_start3A_32 = arith.constant 0 : i32
    %dma_start3A_33 = arith.constant 0 : i32
    %dma_start3A_34 = tpu.memref_slice %arg6[%dma_start3A_32, %dma_start3A_33] : memref<513x128xf32, #tpu.memory_space<vmem_shared>> -> memref<513x128xf32, #tpu.memory_space<vmem_shared>>
    tpu.enqueue_indirect_dma source(%dma_start3A_34 : memref<513x128xf32, #tpu.memory_space<vmem_shared>>) target(%arg11 : memref<120x128xf32, #tpu.memory_space<vmem>>) offsets(%dma_start3A_31 : memref<120xi32, #tpu.memory_space<vmem>>) semaphore(%arg13 : memref<!tpu.dma_semaphore, #tpu.memory_space<semaphore_mem>>)
    %dma_wait3A_35 = arith.constant 0 : i32
    %dma_wait3A_36 = tpu.memref_slice %arg9[%dma_wait3A_35] : memref<1640xi32, #tpu.memory_space<vmem>> -> memref<120xi32, #tpu.memory_space<vmem>>
    %dma_wait3A_37 = arith.constant 0 : i32
    %dma_wait3A_38 = arith.constant 0 : i32
    %dma_wait3A_39 = tpu.memref_slice %arg7[%dma_wait3A_37, %dma_wait3A_38] : memref<513x128xf32, #tpu.memory_space<vmem_shared>> -> memref<513x128xf32, #tpu.memory_space<vmem_shared>>
    tpu.wait_indirect_dma semaphore(%arg14 : memref<!tpu.dma_semaphore, #tpu.memory_space<semaphore_mem>>) src(%dma_wait3A_39 : memref<513x128xf32, #tpu.memory_space<vmem_shared>>) dst(%arg10 : memref<120x128xf32, #tpu.memory_space<vmem>>)
    %mul3A_40 = arith.constant 1560 : i32
    %mul3A_41 = arith.muli %add3A, %mul3A_40 : i32
    %add3A_42 = arith.constant 0 : i32
    %add3A_43 = arith.addi %mul3A_41, %add3A_42 : i32
    %dma_start3A_44 = arith.constant 0 : i32
    %dma_start3A_45 = tpu.memref_slice %arg5[%add3A_43, %dma_start3A_44] : memref<50000x128xf32, #tpu.memory_space<hbm>> -> memref<120x128xf32, #tpu.memory_space<hbm>>
    %dma_start3A_46 = arith.constant 0 : i32
    %dma_start3A_47 = tpu.memref_slice %arg5[%add3A_43, %dma_start3A_46] : memref<50000x128xf32, #tpu.memory_space<hbm>> -> memref<120x128xf32, #tpu.memory_space<hbm>>
    tpu.enqueue_dma source(%arg10 : memref<120x128xf32, #tpu.memory_space<vmem>>) target(%dma_start3A_47 : memref<120x128xf32, #tpu.memory_space<hbm>>) target_semaphore(%arg15 : memref<!tpu.dma_semaphore, #tpu.memory_space<semaphore_mem>>)
    %dma_wait3A_48 = arith.constant 120 : i32
    %dma_wait3A_49 = tpu.memref_slice %arg8[%dma_wait3A_48] : memref<1640xi32, #tpu.memory_space<vmem>> -> memref<120xi32, #tpu.memory_space<vmem>>
    %dma_wait3A_50 = arith.constant 0 : i32
    %dma_wait3A_51 = arith.constant 0 : i32
    %dma_wait3A_52 = tpu.memref_slice %arg6[%dma_wait3A_50, %dma_wait3A_51] : memref<513x128xf32, #tpu.memory_space<vmem_shared>> -> memref<513x128xf32, #tpu.memory_space<vmem_shared>>
    tpu.wait_indirect_dma semaphore(%arg13 : memref<!tpu.dma_semaphore, #tpu.memory_space<semaphore_mem>>) src(%dma_wait3A_52 : memref<513x128xf32, #tpu.memory_space<vmem_shared>>) dst(%arg11 : memref<120x128xf32, #tpu.memory_space<vmem>>)
    %dma_start3A_53 = arith.constant 120 : i32
    %dma_start3A_54 = tpu.memref_slice %arg9[%dma_start3A_53] : memref<1640xi32, #tpu.memory_space<vmem>> -> memref<120xi32, #tpu.memory_space<vmem>>
    %dma_start3A_55 = arith.constant 0 : i32
    %dma_start3A_56 = arith.constant 0 : i32
    %dma_start3A_57 = tpu.memref_slice %arg7[%dma_start3A_55, %dma_start3A_56] : memref<513x128xf32, #tpu.memory_space<vmem_shared>> -> memref<513x128xf32, #tpu.memory_space<vmem_shared>>
    tpu.enqueue_indirect_dma source(%dma_start3A_57 : memref<513x128xf32, #tpu.memory_space<vmem_shared>>) target(%arg11 : memref<120x128xf32, #tpu.memory_space<vmem>>) offsets(%dma_start3A_54 : memref<120xi32, #tpu.memory_space<vmem>>) semaphore(%arg14 : memref<!tpu.dma_semaphore, #tpu.memory_space<semaphore_mem>>) {add = true}
    %dma_wait3A_58 = arith.constant 0 : i32
    %dma_wait3A_59 = tpu.memref_slice %arg5[%add3A_43, %dma_wait3A_58] : memref<50000x128xf32, #tpu.memory_space<hbm>> -> memref<120x128xf32, #tpu.memory_space<hbm>>
    %dma_wait3A_60 = arith.constant 0 : i32
    %dma_wait3A_61 = tpu.memref_slice %arg5[%add3A_43, %dma_wait3A_60] : memref<50000x128xf32, #tpu.memory_space<hbm>> -> memref<120x128xf32, #tpu.memory_space<hbm>>
    tpu.wait_dma2 semaphore(%arg15 : memref<!tpu.dma_semaphore, #tpu.memory_space<semaphore_mem>>) src(%arg10 : memref<120x128xf32, #tpu.memory_space<vmem>>) dst(%dma_wait3A_61 : memref<120x128xf32, #tpu.memory_space<hbm>>)
    %dma_start3A_62 = arith.constant 240 : i32
    %dma_start3A_63 = tpu.memref_slice %arg8[%dma_start3A_62] : memref<1640xi32, #tpu.memory_space<vmem>> -> memref<120xi32, #tpu.memory_space<vmem>>
    %dma_start3A_64 = arith.constant 0 : i32
    %dma_start3A_65 = arith.constant 0 : i32
    %dma_start3A_66 = tpu.memref_slice %arg6[%dma_start3A_64, %dma_start3A_65] : memref<513x128xf32, #tpu.memory_space<vmem_shared>> -> memref<513x128xf32, #tpu.memory_space<vmem_shared>>
    tpu.enqueue_indirect_dma source(%dma_start3A_66 : memref<513x128xf32, #tpu.memory_space<vmem_shared>>) target(%arg10 : memref<120x128xf32, #tpu.memory_space<vmem>>) offsets(%dma_start3A_63 : memref<120xi32, #tpu.memory_space<vmem>>) semaphore(%arg13 : memref<!tpu.dma_semaphore, #tpu.memory_space<semaphore_mem>>)
    %dma_wait3A_67 = arith.constant 120 : i32
    %dma_wait3A_68 = tpu.memref_slice %arg9[%dma_wait3A_67] : memref<1640xi32, #tpu.memory_space<vmem>> -> memref<120xi32, #tpu.memory_space<vmem>>
    %dma_wait3A_69 = arith.constant 0 : i32
    %dma_wait3A_70 = arith.constant 0 : i32
    %dma_wait3A_71 = tpu.memref_slice %arg7[%dma_wait3A_69, %dma_wait3A_70] : memref<513x128xf32, #tpu.memory_space<vmem_shared>> -> memref<513x128xf32, #tpu.memory_space<vmem_shared>>
    tpu.wait_indirect_dma semaphore(%arg14 : memref<!tpu.dma_semaphore, #tpu.memory_space<semaphore_mem>>) src(%dma_wait3A_71 : memref<513x128xf32, #tpu.memory_space<vmem_shared>>) dst(%arg11 : memref<120x128xf32, #tpu.memory_space<vmem>>)
    %mul3A_72 = arith.constant 1560 : i32
    %mul3A_73 = arith.muli %add3A, %mul3A_72 : i32
    %add3A_74 = arith.constant 120 : i32
    %add3A_75 = arith.addi %mul3A_73, %add3A_74 : i32
    %dma_start3A_76 = arith.constant 0 : i32
    %dma_start3A_77 = tpu.memref_slice %arg5[%add3A_75, %dma_start3A_76] : memref<50000x128xf32, #tpu.memory_space<hbm>> -> memref<120x128xf32, #tpu.memory_space<hbm>>
    %dma_start3A_78 = arith.constant 0 : i32
    %dma_start3A_79 = tpu.memref_slice %arg5[%add3A_75, %dma_start3A_78] : memref<50000x128xf32, #tpu.memory_space<hbm>> -> memref<120x128xf32, #tpu.memory_space<hbm>>
    tpu.enqueue_dma source(%arg11 : memref<120x128xf32, #tpu.memory_space<vmem>>) target(%dma_start3A_79 : memref<120x128xf32, #tpu.memory_space<hbm>>) target_semaphore(%arg15 : memref<!tpu.dma_semaphore, #tpu.memory_space<semaphore_mem>>)
    %dma_wait3A_80 = arith.constant 240 : i32
    %dma_wait3A_81 = tpu.memref_slice %arg8[%dma_wait3A_80] : memref<1640xi32, #tpu.memory_space<vmem>> -> memref<120xi32, #tpu.memory_space<vmem>>
    %dma_wait3A_82 = arith.constant 0 : i32
    %dma_wait3A_83 = arith.constant 0 : i32
    %dma_wait3A_84 = tpu.memref_slice %arg6[%dma_wait3A_82, %dma_wait3A_83] : memref<513x128xf32, #tpu.memory_space<vmem_shared>> -> memref<513x128xf32, #tpu.memory_space<vmem_shared>>
    tpu.wait_indirect_dma semaphore(%arg13 : memref<!tpu.dma_semaphore, #tpu.memory_space<semaphore_mem>>) src(%dma_wait3A_84 : memref<513x128xf32, #tpu.memory_space<vmem_shared>>) dst(%arg10 : memref<120x128xf32, #tpu.memory_space<vmem>>)
    %dma_start3A_85 = arith.constant 240 : i32
    %dma_start3A_86 = tpu.memref_slice %arg9[%dma_start3A_85] : memref<1640xi32, #tpu.memory_space<vmem>> -> memref<120xi32, #tpu.memory_space<vmem>>
    %dma_start3A_87 = arith.constant 0 : i32
    %dma_start3A_88 = arith.constant 0 : i32
    %dma_start3A_89 = tpu.memref_slice %arg7[%dma_start3A_87, %dma_start3A_88] : memref<513x128xf32, #tpu.memory_space<vmem_shared>> -> memref<513x128xf32, #tpu.memory_space<vmem_shared>>
    tpu.enqueue_indirect_dma source(%dma_start3A_89 : memref<513x128xf32, #tpu.memory_space<vmem_shared>>) target(%arg10 : memref<120x128xf32, #tpu.memory_space<vmem>>) offsets(%dma_start3A_86 : memref<120xi32, #tpu.memory_space<vmem>>) semaphore(%arg14 : memref<!tpu.dma_semaphore, #tpu.memory_space<semaphore_mem>>) {add = true}
    %dma_wait3A_90 = arith.constant 0 : i32
    %dma_wait3A_91 = tpu.memref_slice %arg5[%add3A_75, %dma_wait3A_90] : memref<50000x128xf32, #tpu.memory_space<hbm>> -> memref<120x128xf32, #tpu.memory_space<hbm>>
    %dma_wait3A_92 = arith.constant 0 : i32
    %dma_wait3A_93 = tpu.memref_slice %arg5[%add3A_75, %dma_wait3A_92] : memref<50000x128xf32, #tpu.memory_space<hbm>> -> memref<120x128xf32, #tpu.memory_space<hbm>>
    tpu.wait_dma2 semaphore(%arg15 : memref<!tpu.dma_semaphore, #tpu.memory_space<semaphore_mem>>) src(%arg11 : memref<120x128xf32, #tpu.memory_space<vmem>>) dst(%dma_wait3A_93 : memref<120x128xf32, #tpu.memory_space<hbm>>)
    %dma_start3A_94 = arith.constant 360 : i32
    %dma_start3A_95 = tpu.memref_slice %arg8[%dma_start3A_94] : memref<1640xi32, #tpu.memory_space<vmem>> -> memref<120xi32, #tpu.memory_space<vmem>>
    %dma_start3A_96 = arith.constant 0 : i32
    %dma_start3A_97 = arith.constant 0 : i32
    %dma_start3A_98 = tpu.memref_slice %arg6[%dma_start3A_96, %dma_start3A_97] : memref<513x128xf32, #tpu.memory_space<vmem_shared>> -> memref<513x128xf32, #tpu.memory_space<vmem_shared>>
    tpu.enqueue_indirect_dma source(%dma_start3A_98 : memref<513x128xf32, #tpu.memory_space<vmem_shared>>) target(%arg11 : memref<120x128xf32, #tpu.memory_space<vmem>>) offsets(%dma_start3A_95 : memref<120xi32, #tpu.memory_space<vmem>>) semaphore(%arg13 : memref<!tpu.dma_semaphore, #tpu.memory_space<semaphore_mem>>)
    %dma_wait3A_99 = arith.constant 240 : i32
    %dma_wait3A_100 = tpu.memref_slice %arg9[%dma_wait3A_99] : memref<1640xi32, #tpu.memory_space<vmem>> -> memref<120xi32, #tpu.memory_space<vmem>>
    %dma_wait3A_101 = arith.constant 0 : i32
    %dma_wait3A_102 = arith.constant 0 : i32
    %dma_wait3A_103 = tpu.memref_slice %arg7[%dma_wait3A_101, %dma_wait3A_102] : memref<513x128xf32, #tpu.memory_space<vmem_shared>> -> memref<513x128xf32, #tpu.memory_space<vmem_shared>>
    tpu.wait_indirect_dma semaphore(%arg14 : memref<!tpu.dma_semaphore, #tpu.memory_space<semaphore_mem>>) src(%dma_wait3A_103 : memref<513x128xf32, #tpu.memory_space<vmem_shared>>) dst(%arg10 : memref<120x128xf32, #tpu.memory_space<vmem>>)
    %mul3A_104 = arith.constant 1560 : i32
    %mul3A_105 = arith.muli %add3A, %mul3A_104 : i32
    %add3A_106 = arith.constant 240 : i32
    %add3A_107 = arith.addi %mul3A_105, %add3A_106 : i32
    %dma_start3A_108 = arith.constant 0 : i32
    %dma_start3A_109 = tpu.memref_slice %arg5[%add3A_107, %dma_start3A_108] : memref<50000x128xf32, #tpu.memory_space<hbm>> -> memref<120x128xf32, #tpu.memory_space<hbm>>
    %dma_start3A_110 = arith.constant 0 : i32
    %dma_start3A_111 = tpu.memref_slice %arg5[%add3A_107, %dma_start3A_110] : memref<50000x128xf32, #tpu.memory_space<hbm>> -> memref<120x128xf32, #tpu.memory_space<hbm>>
    tpu.enqueue_dma source(%arg10 : memref<120x128xf32, #tpu.memory_space<vmem>>) target(%dma_start3A_111 : memref<120x128xf32, #tpu.memory_space<hbm>>) target_semaphore(%arg15 : memref<!tpu.dma_semaphore, #tpu.memory_space<semaphore_mem>>)
    %dma_wait3A_112 = arith.constant 360 : i32
    %dma_wait3A_113 = tpu.memref_slice %arg8[%dma_wait3A_112] : memref<1640xi32, #tpu.memory_space<vmem>> -> memref<120xi32, #tpu.memory_space<vmem>>
    %dma_wait3A_114 = arith.constant 0 : i32
    %dma_wait3A_115 = arith.constant 0 : i32
    %dma_wait3A_116 = tpu.memref_slice %arg6[%dma_wait3A_114, %dma_wait3A_115] : memref<513x128xf32, #tpu.memory_space<vmem_shared>> -> memref<513x128xf32, #tpu.memory_space<vmem_shared>>
    tpu.wait_indirect_dma semaphore(%arg13 : memref<!tpu.dma_semaphore, #tpu.memory_space<semaphore_mem>>) src(%dma_wait3A_116 : memref<513x128xf32, #tpu.memory_space<vmem_shared>>) dst(%arg11 : memref<120x128xf32, #tpu.memory_space<vmem>>)
    %dma_start3A_117 = arith.constant 360 : i32
    %dma_start3A_118 = tpu.memref_slice %arg9[%dma_start3A_117] : memref<1640xi32, #tpu.memory_space<vmem>> -> memref<120xi32, #tpu.memory_space<vmem>>
    %dma_start3A_119 = arith.constant 0 : i32
    %dma_start3A_120 = arith.constant 0 : i32
    %dma_start3A_121 = tpu.memref_slice %arg7[%dma_start3A_119, %dma_start3A_120] : memref<513x128xf32, #tpu.memory_space<vmem_shared>> -> memref<513x128xf32, #tpu.memory_space<vmem_shared>>
    tpu.enqueue_indirect_dma source(%dma_start3A_121 : memref<513x128xf32, #tpu.memory_space<vmem_shared>>) target(%arg11 : memref<120x128xf32, #tpu.memory_space<vmem>>) offsets(%dma_start3A_118 : memref<120xi32, #tpu.memory_space<vmem>>) semaphore(%arg14 : memref<!tpu.dma_semaphore, #tpu.memory_space<semaphore_mem>>) {add = true}
    %dma_wait3A_122 = arith.constant 0 : i32
    %dma_wait3A_123 = tpu.memref_slice %arg5[%add3A_107, %dma_wait3A_122] : memref<50000x128xf32, #tpu.memory_space<hbm>> -> memref<120x128xf32, #tpu.memory_space<hbm>>
    %dma_wait3A_124 = arith.constant 0 : i32
    %dma_wait3A_125 = tpu.memref_slice %arg5[%add3A_107, %dma_wait3A_124] : memref<50000x128xf32, #tpu.memory_space<hbm>> -> memref<120x128xf32, #tpu.memory_space<hbm>>
    tpu.wait_dma2 semaphore(%arg15 : memref<!tpu.dma_semaphore, #tpu.memory_space<semaphore_mem>>) src(%arg10 : memref<120x128xf32, #tpu.memory_space<vmem>>) dst(%dma_wait3A_125 : memref<120x128xf32, #tpu.memory_space<hbm>>)
    %dma_start3A_126 = arith.constant 480 : i32
    %dma_start3A_127 = tpu.memref_slice %arg8[%dma_start3A_126] : memref<1640xi32, #tpu.memory_space<vmem>> -> memref<120xi32, #tpu.memory_space<vmem>>
    %dma_start3A_128 = arith.constant 0 : i32
    %dma_start3A_129 = arith.constant 0 : i32
    %dma_start3A_130 = tpu.memref_slice %arg6[%dma_start3A_128, %dma_start3A_129] : memref<513x128xf32, #tpu.memory_space<vmem_shared>> -> memref<513x128xf32, #tpu.memory_space<vmem_shared>>
    tpu.enqueue_indirect_dma source(%dma_start3A_130 : memref<513x128xf32, #tpu.memory_space<vmem_shared>>) target(%arg10 : memref<120x128xf32, #tpu.memory_space<vmem>>) offsets(%dma_start3A_127 : memref<120xi32, #tpu.memory_space<vmem>>) semaphore(%arg13 : memref<!tpu.dma_semaphore, #tpu.memory_space<semaphore_mem>>)
    %dma_wait3A_131 = arith.constant 360 : i32
    %dma_wait3A_132 = tpu.memref_slice %arg9[%dma_wait3A_131] : memref<1640xi32, #tpu.memory_space<vmem>> -> memref<120xi32, #tpu.memory_space<vmem>>
    %dma_wait3A_133 = arith.constant 0 : i32
    %dma_wait3A_134 = arith.constant 0 : i32
    %dma_wait3A_135 = tpu.memref_slice %arg7[%dma_wait3A_133, %dma_wait3A_134] : memref<513x128xf32, #tpu.memory_space<vmem_shared>> -> memref<513x128xf32, #tpu.memory_space<vmem_shared>>
    tpu.wait_indirect_dma semaphore(%arg14 : memref<!tpu.dma_semaphore, #tpu.memory_space<semaphore_mem>>) src(%dma_wait3A_135 : memref<513x128xf32, #tpu.memory_space<vmem_shared>>) dst(%arg11 : memref<120x128xf32, #tpu.memory_space<vmem>>)
    %mul3A_136 = arith.constant 1560 : i32
    %mul3A_137 = arith.muli %add3A, %mul3A_136 : i32
    %add3A_138 = arith.constant 360 : i32
    %add3A_139 = arith.addi %mul3A_137, %add3A_138 : i32
    %dma_start3A_140 = arith.constant 0 : i32
    %dma_start3A_141 = tpu.memref_slice %arg5[%add3A_139, %dma_start3A_140] : memref<50000x128xf32, #tpu.memory_space<hbm>> -> memref<120x128xf32, #tpu.memory_space<hbm>>
    %dma_start3A_142 = arith.constant 0 : i32
    %dma_start3A_143 = tpu.memref_slice %arg5[%add3A_139, %dma_start3A_142] : memref<50000x128xf32, #tpu.memory_space<hbm>> -> memref<120x128xf32, #tpu.memory_space<hbm>>
    tpu.enqueue_dma source(%arg11 : memref<120x128xf32, #tpu.memory_space<vmem>>) target(%dma_start3A_143 : memref<120x128xf32, #tpu.memory_space<hbm>>) target_semaphore(%arg15 : memref<!tpu.dma_semaphore, #tpu.memory_space<semaphore_mem>>)
    %dma_wait3A_144 = arith.constant 480 : i32
    %dma_wait3A_145 = tpu.memref_slice %arg8[%dma_wait3A_144] : memref<1640xi32, #tpu.memory_space<vmem>> -> memref<120xi32, #tpu.memory_space<vmem>>
    %dma_wait3A_146 = arith.constant 0 : i32
    %dma_wait3A_147 = arith.constant 0 : i32
    %dma_wait3A_148 = tpu.memref_slice %arg6[%dma_wait3A_146, %dma_wait3A_147] : memref<513x128xf32, #tpu.memory_space<vmem_shared>> -> memref<513x128xf32, #tpu.memory_space<vmem_shared>>
    tpu.wait_indirect_dma semaphore(%arg13 : memref<!tpu.dma_semaphore, #tpu.memory_space<semaphore_mem>>) src(%dma_wait3A_148 : memref<513x128xf32, #tpu.memory_space<vmem_shared>>) dst(%arg10 : memref<120x128xf32, #tpu.memory_space<vmem>>)
    %dma_start3A_149 = arith.constant 480 : i32
    %dma_start3A_150 = tpu.memref_slice %arg9[%dma_start3A_149] : memref<1640xi32, #tpu.memory_space<vmem>> -> memref<120xi32, #tpu.memory_space<vmem>>
    %dma_start3A_151 = arith.constant 0 : i32
    %dma_start3A_152 = arith.constant 0 : i32
    %dma_start3A_153 = tpu.memref_slice %arg7[%dma_start3A_151, %dma_start3A_152] : memref<513x128xf32, #tpu.memory_space<vmem_shared>> -> memref<513x128xf32, #tpu.memory_space<vmem_shared>>
    tpu.enqueue_indirect_dma source(%dma_start3A_153 : memref<513x128xf32, #tpu.memory_space<vmem_shared>>) target(%arg10 : memref<120x128xf32, #tpu.memory_space<vmem>>) offsets(%dma_start3A_150 : memref<120xi32, #tpu.memory_space<vmem>>) semaphore(%arg14 : memref<!tpu.dma_semaphore, #tpu.memory_space<semaphore_mem>>) {add = true}
    %dma_wait3A_154 = arith.constant 0 : i32
    %dma_wait3A_155 = tpu.memref_slice %arg5[%add3A_139, %dma_wait3A_154] : memref<50000x128xf32, #tpu.memory_space<hbm>> -> memref<120x128xf32, #tpu.memory_space<hbm>>
    %dma_wait3A_156 = arith.constant 0 : i32
    %dma_wait3A_157 = tpu.memref_slice %arg5[%add3A_139, %dma_wait3A_156] : memref<50000x128xf32, #tpu.memory_space<hbm>> -> memref<120x128xf32, #tpu.memory_space<hbm>>
    tpu.wait_dma2 semaphore(%arg15 : memref<!tpu.dma_semaphore, #tpu.memory_space<semaphore_mem>>) src(%arg11 : memref<120x128xf32, #tpu.memory_space<vmem>>) dst(%dma_wait3A_157 : memref<120x128xf32, #tpu.memory_space<hbm>>)
    %dma_start3A_158 = arith.constant 600 : i32
    %dma_start3A_159 = tpu.memref_slice %arg8[%dma_start3A_158] : memref<1640xi32, #tpu.memory_space<vmem>> -> memref<120xi32, #tpu.memory_space<vmem>>
    %dma_start3A_160 = arith.constant 0 : i32
    %dma_start3A_161 = arith.constant 0 : i32
    %dma_start3A_162 = tpu.memref_slice %arg6[%dma_start3A_160, %dma_start3A_161] : memref<513x128xf32, #tpu.memory_space<vmem_shared>> -> memref<513x128xf32, #tpu.memory_space<vmem_shared>>
    tpu.enqueue_indirect_dma source(%dma_start3A_162 : memref<513x128xf32, #tpu.memory_space<vmem_shared>>) target(%arg11 : memref<120x128xf32, #tpu.memory_space<vmem>>) offsets(%dma_start3A_159 : memref<120xi32, #tpu.memory_space<vmem>>) semaphore(%arg13 : memref<!tpu.dma_semaphore, #tpu.memory_space<semaphore_mem>>)
    %dma_wait3A_163 = arith.constant 480 : i32
    %dma_wait3A_164 = tpu.memref_slice %arg9[%dma_wait3A_163] : memref<1640xi32, #tpu.memory_space<vmem>> -> memref<120xi32, #tpu.memory_space<vmem>>
    %dma_wait3A_165 = arith.constant 0 : i32
    %dma_wait3A_166 = arith.constant 0 : i32
    %dma_wait3A_167 = tpu.memref_slice %arg7[%dma_wait3A_165, %dma_wait3A_166] : memref<513x128xf32, #tpu.memory_space<vmem_shared>> -> memref<513x128xf32, #tpu.memory_space<vmem_shared>>
    tpu.wait_indirect_dma semaphore(%arg14 : memref<!tpu.dma_semaphore, #tpu.memory_space<semaphore_mem>>) src(%dma_wait3A_167 : memref<513x128xf32, #tpu.memory_space<vmem_shared>>) dst(%arg10 : memref<120x128xf32, #tpu.memory_space<vmem>>)
    %mul3A_168 = arith.constant 1560 : i32
    %mul3A_169 = arith.muli %add3A, %mul3A_168 : i32
    %add3A_170 = arith.constant 480 : i32
    %add3A_171 = arith.addi %mul3A_169, %add3A_170 : i32
    %dma_start3A_172 = arith.constant 0 : i32
    %dma_start3A_173 = tpu.memref_slice %arg5[%add3A_171, %dma_start3A_172] : memref<50000x128xf32, #tpu.memory_space<hbm>> -> memref<120x128xf32, #tpu.memory_space<hbm>>
    %dma_start3A_174 = arith.constant 0 : i32
    %dma_start3A_175 = tpu.memref_slice %arg5[%add3A_171, %dma_start3A_174] : memref<50000x128xf32, #tpu.memory_space<hbm>> -> memref<120x128xf32, #tpu.memory_space<hbm>>
    tpu.enqueue_dma source(%arg10 : memref<120x128xf32, #tpu.memory_space<vmem>>) target(%dma_start3A_175 : memref<120x128xf32, #tpu.memory_space<hbm>>) target_semaphore(%arg15 : memref<!tpu.dma_semaphore, #tpu.memory_space<semaphore_mem>>)
    %dma_wait3A_176 = arith.constant 600 : i32
    %dma_wait3A_177 = tpu.memref_slice %arg8[%dma_wait3A_176] : memref<1640xi32, #tpu.memory_space<vmem>> -> memref<120xi32, #tpu.memory_space<vmem>>
    %dma_wait3A_178 = arith.constant 0 : i32
    %dma_wait3A_179 = arith.constant 0 : i32
    %dma_wait3A_180 = tpu.memref_slice %arg6[%dma_wait3A_178, %dma_wait3A_179] : memref<513x128xf32, #tpu.memory_space<vmem_shared>> -> memref<513x128xf32, #tpu.memory_space<vmem_shared>>
    tpu.wait_indirect_dma semaphore(%arg13 : memref<!tpu.dma_semaphore, #tpu.memory_space<semaphore_mem>>) src(%dma_wait3A_180 : memref<513x128xf32, #tpu.memory_space<vmem_shared>>) dst(%arg11 : memref<120x128xf32, #tpu.memory_space<vmem>>)
    %dma_start3A_181 = arith.constant 600 : i32
    %dma_start3A_182 = tpu.memref_slice %arg9[%dma_start3A_181] : memref<1640xi32, #tpu.memory_space<vmem>> -> memref<120xi32, #tpu.memory_space<vmem>>
    %dma_start3A_183 = arith.constant 0 : i32
    %dma_start3A_184 = arith.constant 0 : i32
    %dma_start3A_185 = tpu.memref_slice %arg7[%dma_start3A_183, %dma_start3A_184] : memref<513x128xf32, #tpu.memory_space<vmem_shared>> -> memref<513x128xf32, #tpu.memory_space<vmem_shared>>
    tpu.enqueue_indirect_dma source(%dma_start3A_185 : memref<513x128xf32, #tpu.memory_space<vmem_shared>>) target(%arg11 : memref<120x128xf32, #tpu.memory_space<vmem>>) offsets(%dma_start3A_182 : memref<120xi32, #tpu.memory_space<vmem>>) semaphore(%arg14 : memref<!tpu.dma_semaphore, #tpu.memory_space<semaphore_mem>>) {add = true}
    %dma_wait3A_186 = arith.constant 0 : i32
    %dma_wait3A_187 = tpu.memref_slice %arg5[%add3A_171, %dma_wait3A_186] : memref<50000x128xf32, #tpu.memory_space<hbm>> -> memref<120x128xf32, #tpu.memory_space<hbm>>
    %dma_wait3A_188 = arith.constant 0 : i32
    %dma_wait3A_189 = tpu.memref_slice %arg5[%add3A_171, %dma_wait3A_188] : memref<50000x128xf32, #tpu.memory_space<hbm>> -> memref<120x128xf32, #tpu.memory_space<hbm>>
    tpu.wait_dma2 semaphore(%arg15 : memref<!tpu.dma_semaphore, #tpu.memory_space<semaphore_mem>>) src(%arg10 : memref<120x128xf32, #tpu.memory_space<vmem>>) dst(%dma_wait3A_189 : memref<120x128xf32, #tpu.memory_space<hbm>>)
    %dma_start3A_190 = arith.constant 720 : i32
    %dma_start3A_191 = tpu.memref_slice %arg8[%dma_start3A_190] : memref<1640xi32, #tpu.memory_space<vmem>> -> memref<120xi32, #tpu.memory_space<vmem>>
    %dma_start3A_192 = arith.constant 0 : i32
    %dma_start3A_193 = arith.constant 0 : i32
    %dma_start3A_194 = tpu.memref_slice %arg6[%dma_start3A_192, %dma_start3A_193] : memref<513x128xf32, #tpu.memory_space<vmem_shared>> -> memref<513x128xf32, #tpu.memory_space<vmem_shared>>
    tpu.enqueue_indirect_dma source(%dma_start3A_194 : memref<513x128xf32, #tpu.memory_space<vmem_shared>>) target(%arg10 : memref<120x128xf32, #tpu.memory_space<vmem>>) offsets(%dma_start3A_191 : memref<120xi32, #tpu.memory_space<vmem>>) semaphore(%arg13 : memref<!tpu.dma_semaphore, #tpu.memory_space<semaphore_mem>>)
    %dma_wait3A_195 = arith.constant 600 : i32
    %dma_wait3A_196 = tpu.memref_slice %arg9[%dma_wait3A_195] : memref<1640xi32, #tpu.memory_space<vmem>> -> memref<120xi32, #tpu.memory_space<vmem>>
    %dma_wait3A_197 = arith.constant 0 : i32
    %dma_wait3A_198 = arith.constant 0 : i32
    %dma_wait3A_199 = tpu.memref_slice %arg7[%dma_wait3A_197, %dma_wait3A_198] : memref<513x128xf32, #tpu.memory_space<vmem_shared>> -> memref<513x128xf32, #tpu.memory_space<vmem_shared>>
    tpu.wait_indirect_dma semaphore(%arg14 : memref<!tpu.dma_semaphore, #tpu.memory_space<semaphore_mem>>) src(%dma_wait3A_199 : memref<513x128xf32, #tpu.memory_space<vmem_shared>>) dst(%arg11 : memref<120x128xf32, #tpu.memory_space<vmem>>)
    %mul3A_200 = arith.constant 1560 : i32
    %mul3A_201 = arith.muli %add3A, %mul3A_200 : i32
    %add3A_202 = arith.constant 600 : i32
    %add3A_203 = arith.addi %mul3A_201, %add3A_202 : i32
    %dma_start3A_204 = arith.constant 0 : i32
    %dma_start3A_205 = tpu.memref_slice %arg5[%add3A_203, %dma_start3A_204] : memref<50000x128xf32, #tpu.memory_space<hbm>> -> memref<120x128xf32, #tpu.memory_space<hbm>>
    %dma_start3A_206 = arith.constant 0 : i32
    %dma_start3A_207 = tpu.memref_slice %arg5[%add3A_203, %dma_start3A_206] : memref<50000x128xf32, #tpu.memory_space<hbm>> -> memref<120x128xf32, #tpu.memory_space<hbm>>
    tpu.enqueue_dma source(%arg11 : memref<120x128xf32, #tpu.memory_space<vmem>>) target(%dma_start3A_207 : memref<120x128xf32, #tpu.memory_space<hbm>>) target_semaphore(%arg15 : memref<!tpu.dma_semaphore, #tpu.memory_space<semaphore_mem>>)
    %dma_wait3A_208 = arith.constant 720 : i32
    %dma_wait3A_209 = tpu.memref_slice %arg8[%dma_wait3A_208] : memref<1640xi32, #tpu.memory_space<vmem>> -> memref<120xi32, #tpu.memory_space<vmem>>
    %dma_wait3A_210 = arith.constant 0 : i32
    %dma_wait3A_211 = arith.constant 0 : i32
    %dma_wait3A_212 = tpu.memref_slice %arg6[%dma_wait3A_210, %dma_wait3A_211] : memref<513x128xf32, #tpu.memory_space<vmem_shared>> -> memref<513x128xf32, #tpu.memory_space<vmem_shared>>
    tpu.wait_indirect_dma semaphore(%arg13 : memref<!tpu.dma_semaphore, #tpu.memory_space<semaphore_mem>>) src(%dma_wait3A_212 : memref<513x128xf32, #tpu.memory_space<vmem_shared>>) dst(%arg10 : memref<120x128xf32, #tpu.memory_space<vmem>>)
    %dma_start3A_213 = arith.constant 720 : i32
    %dma_start3A_214 = tpu.memref_slice %arg9[%dma_start3A_213] : memref<1640xi32, #tpu.memory_space<vmem>> -> memref<120xi32, #tpu.memory_space<vmem>>
    %dma_start3A_215 = arith.constant 0 : i32
    %dma_start3A_216 = arith.constant 0 : i32
    %dma_start3A_217 = tpu.memref_slice %arg7[%dma_start3A_215, %dma_start3A_216] : memref<513x128xf32, #tpu.memory_space<vmem_shared>> -> memref<513x128xf32, #tpu.memory_space<vmem_shared>>
    tpu.enqueue_indirect_dma source(%dma_start3A_217 : memref<513x128xf32, #tpu.memory_space<vmem_shared>>) target(%arg10 : memref<120x128xf32, #tpu.memory_space<vmem>>) offsets(%dma_start3A_214 : memref<120xi32, #tpu.memory_space<vmem>>) semaphore(%arg14 : memref<!tpu.dma_semaphore, #tpu.memory_space<semaphore_mem>>) {add = true}
    %dma_wait3A_218 = arith.constant 0 : i32
    %dma_wait3A_219 = tpu.memref_slice %arg5[%add3A_203, %dma_wait3A_218] : memref<50000x128xf32, #tpu.memory_space<hbm>> -> memref<120x128xf32, #tpu.memory_space<hbm>>
    %dma_wait3A_220 = arith.constant 0 : i32
    %dma_wait3A_221 = tpu.memref_slice %arg5[%add3A_203, %dma_wait3A_220] : memref<50000x128xf32, #tpu.memory_space<hbm>> -> memref<120x128xf32, #tpu.memory_space<hbm>>
    tpu.wait_dma2 semaphore(%arg15 : memref<!tpu.dma_semaphore, #tpu.memory_space<semaphore_mem>>) src(%arg11 : memref<120x128xf32, #tpu.memory_space<vmem>>) dst(%dma_wait3A_221 : memref<120x128xf32, #tpu.memory_space<hbm>>)
    %dma_start3A_222 = arith.constant 840 : i32
    %dma_start3A_223 = tpu.memref_slice %arg8[%dma_start3A_222] : memref<1640xi32, #tpu.memory_space<vmem>> -> memref<120xi32, #tpu.memory_space<vmem>>
    %dma_start3A_224 = arith.constant 0 : i32
    %dma_start3A_225 = arith.constant 0 : i32
    %dma_start3A_226 = tpu.memref_slice %arg6[%dma_start3A_224, %dma_start3A_225] : memref<513x128xf32, #tpu.memory_space<vmem_shared>> -> memref<513x128xf32, #tpu.memory_space<vmem_shared>>
    tpu.enqueue_indirect_dma source(%dma_start3A_226 : memref<513x128xf32, #tpu.memory_space<vmem_shared>>) target(%arg11 : memref<120x128xf32, #tpu.memory_space<vmem>>) offsets(%dma_start3A_223 : memref<120xi32, #tpu.memory_space<vmem>>) semaphore(%arg13 : memref<!tpu.dma_semaphore, #tpu.memory_space<semaphore_mem>>)
    %dma_wait3A_227 = arith.constant 720 : i32
    %dma_wait3A_228 = tpu.memref_slice %arg9[%dma_wait3A_227] : memref<1640xi32, #tpu.memory_space<vmem>> -> memref<120xi32, #tpu.memory_space<vmem>>
    %dma_wait3A_229 = arith.constant 0 : i32
    %dma_wait3A_230 = arith.constant 0 : i32
    %dma_wait3A_231 = tpu.memref_slice %arg7[%dma_wait3A_229, %dma_wait3A_230] : memref<513x128xf32, #tpu.memory_space<vmem_shared>> -> memref<513x128xf32, #tpu.memory_space<vmem_shared>>
    tpu.wait_indirect_dma semaphore(%arg14 : memref<!tpu.dma_semaphore, #tpu.memory_space<semaphore_mem>>) src(%dma_wait3A_231 : memref<513x128xf32, #tpu.memory_space<vmem_shared>>) dst(%arg10 : memref<120x128xf32, #tpu.memory_space<vmem>>)
    %mul3A_232 = arith.constant 1560 : i32
    %mul3A_233 = arith.muli %add3A, %mul3A_232 : i32
    %add3A_234 = arith.constant 720 : i32
    %add3A_235 = arith.addi %mul3A_233, %add3A_234 : i32
    %dma_start3A_236 = arith.constant 0 : i32
    %dma_start3A_237 = tpu.memref_slice %arg5[%add3A_235, %dma_start3A_236] : memref<50000x128xf32, #tpu.memory_space<hbm>> -> memref<120x128xf32, #tpu.memory_space<hbm>>
    %dma_start3A_238 = arith.constant 0 : i32
    %dma_start3A_239 = tpu.memref_slice %arg5[%add3A_235, %dma_start3A_238] : memref<50000x128xf32, #tpu.memory_space<hbm>> -> memref<120x128xf32, #tpu.memory_space<hbm>>
    tpu.enqueue_dma source(%arg10 : memref<120x128xf32, #tpu.memory_space<vmem>>) target(%dma_start3A_239 : memref<120x128xf32, #tpu.memory_space<hbm>>) target_semaphore(%arg15 : memref<!tpu.dma_semaphore, #tpu.memory_space<semaphore_mem>>)
    %dma_wait3A_240 = arith.constant 840 : i32
    %dma_wait3A_241 = tpu.memref_slice %arg8[%dma_wait3A_240] : memref<1640xi32, #tpu.memory_space<vmem>> -> memref<120xi32, #tpu.memory_space<vmem>>
    %dma_wait3A_242 = arith.constant 0 : i32
    %dma_wait3A_243 = arith.constant 0 : i32
    %dma_wait3A_244 = tpu.memref_slice %arg6[%dma_wait3A_242, %dma_wait3A_243] : memref<513x128xf32, #tpu.memory_space<vmem_shared>> -> memref<513x128xf32, #tpu.memory_space<vmem_shared>>
    tpu.wait_indirect_dma semaphore(%arg13 : memref<!tpu.dma_semaphore, #tpu.memory_space<semaphore_mem>>) src(%dma_wait3A_244 : memref<513x128xf32, #tpu.memory_space<vmem_shared>>) dst(%arg11 : memref<120x128xf32, #tpu.memory_space<vmem>>)
    %dma_start3A_245 = arith.constant 840 : i32
    %dma_start3A_246 = tpu.memref_slice %arg9[%dma_start3A_245] : memref<1640xi32, #tpu.memory_space<vmem>> -> memref<120xi32, #tpu.memory_space<vmem>>
    %dma_start3A_247 = arith.constant 0 : i32
    %dma_start3A_248 = arith.constant 0 : i32
    %dma_start3A_249 = tpu.memref_slice %arg7[%dma_start3A_247, %dma_start3A_248] : memref<513x128xf32, #tpu.memory_space<vmem_shared>> -> memref<513x128xf32, #tpu.memory_space<vmem_shared>>
    tpu.enqueue_indirect_dma source(%dma_start3A_249 : memref<513x128xf32, #tpu.memory_space<vmem_shared>>) target(%arg11 : memref<120x128xf32, #tpu.memory_space<vmem>>) offsets(%dma_start3A_246 : memref<120xi32, #tpu.memory_space<vmem>>) semaphore(%arg14 : memref<!tpu.dma_semaphore, #tpu.memory_space<semaphore_mem>>) {add = true}
    %dma_wait3A_250 = arith.constant 0 : i32
    %dma_wait3A_251 = tpu.memref_slice %arg5[%add3A_235, %dma_wait3A_250] : memref<50000x128xf32, #tpu.memory_space<hbm>> -> memref<120x128xf32, #tpu.memory_space<hbm>>
    %dma_wait3A_252 = arith.constant 0 : i32
    %dma_wait3A_253 = tpu.memref_slice %arg5[%add3A_235, %dma_wait3A_252] : memref<50000x128xf32, #tpu.memory_space<hbm>> -> memref<120x128xf32, #tpu.memory_space<hbm>>
    tpu.wait_dma2 semaphore(%arg15 : memref<!tpu.dma_semaphore, #tpu.memory_space<semaphore_mem>>) src(%arg10 : memref<120x128xf32, #tpu.memory_space<vmem>>) dst(%dma_wait3A_253 : memref<120x128xf32, #tpu.memory_space<hbm>>)
    %dma_start3A_254 = arith.constant 960 : i32
    %dma_start3A_255 = tpu.memref_slice %arg8[%dma_start3A_254] : memref<1640xi32, #tpu.memory_space<vmem>> -> memref<120xi32, #tpu.memory_space<vmem>>
    %dma_start3A_256 = arith.constant 0 : i32
    %dma_start3A_257 = arith.constant 0 : i32
    %dma_start3A_258 = tpu.memref_slice %arg6[%dma_start3A_256, %dma_start3A_257] : memref<513x128xf32, #tpu.memory_space<vmem_shared>> -> memref<513x128xf32, #tpu.memory_space<vmem_shared>>
    tpu.enqueue_indirect_dma source(%dma_start3A_258 : memref<513x128xf32, #tpu.memory_space<vmem_shared>>) target(%arg10 : memref<120x128xf32, #tpu.memory_space<vmem>>) offsets(%dma_start3A_255 : memref<120xi32, #tpu.memory_space<vmem>>) semaphore(%arg13 : memref<!tpu.dma_semaphore, #tpu.memory_space<semaphore_mem>>)
    %dma_wait3A_259 = arith.constant 840 : i32
    %dma_wait3A_260 = tpu.memref_slice %arg9[%dma_wait3A_259] : memref<1640xi32, #tpu.memory_space<vmem>> -> memref<120xi32, #tpu.memory_space<vmem>>
    %dma_wait3A_261 = arith.constant 0 : i32
    %dma_wait3A_262 = arith.constant 0 : i32
    %dma_wait3A_263 = tpu.memref_slice %arg7[%dma_wait3A_261, %dma_wait3A_262] : memref<513x128xf32, #tpu.memory_space<vmem_shared>> -> memref<513x128xf32, #tpu.memory_space<vmem_shared>>
    tpu.wait_indirect_dma semaphore(%arg14 : memref<!tpu.dma_semaphore, #tpu.memory_space<semaphore_mem>>) src(%dma_wait3A_263 : memref<513x128xf32, #tpu.memory_space<vmem_shared>>) dst(%arg11 : memref<120x128xf32, #tpu.memory_space<vmem>>)
    %mul3A_264 = arith.constant 1560 : i32
    %mul3A_265 = arith.muli %add3A, %mul3A_264 : i32
    %add3A_266 = arith.constant 840 : i32
    %add3A_267 = arith.addi %mul3A_265, %add3A_266 : i32
    %dma_start3A_268 = arith.constant 0 : i32
    %dma_start3A_269 = tpu.memref_slice %arg5[%add3A_267, %dma_start3A_268] : memref<50000x128xf32, #tpu.memory_space<hbm>> -> memref<120x128xf32, #tpu.memory_space<hbm>>
    %dma_start3A_270 = arith.constant 0 : i32
    %dma_start3A_271 = tpu.memref_slice %arg5[%add3A_267, %dma_start3A_270] : memref<50000x128xf32, #tpu.memory_space<hbm>> -> memref<120x128xf32, #tpu.memory_space<hbm>>
    tpu.enqueue_dma source(%arg11 : memref<120x128xf32, #tpu.memory_space<vmem>>) target(%dma_start3A_271 : memref<120x128xf32, #tpu.memory_space<hbm>>) target_semaphore(%arg15 : memref<!tpu.dma_semaphore, #tpu.memory_space<semaphore_mem>>)
    %dma_wait3A_272 = arith.constant 960 : i32
    %dma_wait3A_273 = tpu.memref_slice %arg8[%dma_wait3A_272] : memref<1640xi32, #tpu.memory_space<vmem>> -> memref<120xi32, #tpu.memory_space<vmem>>
    %dma_wait3A_274 = arith.constant 0 : i32
    %dma_wait3A_275 = arith.constant 0 : i32
    %dma_wait3A_276 = tpu.memref_slice %arg6[%dma_wait3A_274, %dma_wait3A_275] : memref<513x128xf32, #tpu.memory_space<vmem_shared>> -> memref<513x128xf32, #tpu.memory_space<vmem_shared>>
    tpu.wait_indirect_dma semaphore(%arg13 : memref<!tpu.dma_semaphore, #tpu.memory_space<semaphore_mem>>) src(%dma_wait3A_276 : memref<513x128xf32, #tpu.memory_space<vmem_shared>>) dst(%arg10 : memref<120x128xf32, #tpu.memory_space<vmem>>)
    %dma_start3A_277 = arith.constant 960 : i32
    %dma_start3A_278 = tpu.memref_slice %arg9[%dma_start3A_277] : memref<1640xi32, #tpu.memory_space<vmem>> -> memref<120xi32, #tpu.memory_space<vmem>>
    %dma_start3A_279 = arith.constant 0 : i32
    %dma_start3A_280 = arith.constant 0 : i32
    %dma_start3A_281 = tpu.memref_slice %arg7[%dma_start3A_279, %dma_start3A_280] : memref<513x128xf32, #tpu.memory_space<vmem_shared>> -> memref<513x128xf32, #tpu.memory_space<vmem_shared>>
    tpu.enqueue_indirect_dma source(%dma_start3A_281 : memref<513x128xf32, #tpu.memory_space<vmem_shared>>) target(%arg10 : memref<120x128xf32, #tpu.memory_space<vmem>>) offsets(%dma_start3A_278 : memref<120xi32, #tpu.memory_space<vmem>>) semaphore(%arg14 : memref<!tpu.dma_semaphore, #tpu.memory_space<semaphore_mem>>) {add = true}
    %dma_wait3A_282 = arith.constant 0 : i32
    %dma_wait3A_283 = tpu.memref_slice %arg5[%add3A_267, %dma_wait3A_282] : memref<50000x128xf32, #tpu.memory_space<hbm>> -> memref<120x128xf32, #tpu.memory_space<hbm>>
    %dma_wait3A_284 = arith.constant 0 : i32
    %dma_wait3A_285 = tpu.memref_slice %arg5[%add3A_267, %dma_wait3A_284] : memref<50000x128xf32, #tpu.memory_space<hbm>> -> memref<120x128xf32, #tpu.memory_space<hbm>>
    tpu.wait_dma2 semaphore(%arg15 : memref<!tpu.dma_semaphore, #tpu.memory_space<semaphore_mem>>) src(%arg11 : memref<120x128xf32, #tpu.memory_space<vmem>>) dst(%dma_wait3A_285 : memref<120x128xf32, #tpu.memory_space<hbm>>)
    %dma_start3A_286 = arith.constant 1080 : i32
    %dma_start3A_287 = tpu.memref_slice %arg8[%dma_start3A_286] : memref<1640xi32, #tpu.memory_space<vmem>> -> memref<120xi32, #tpu.memory_space<vmem>>
    %dma_start3A_288 = arith.constant 0 : i32
    %dma_start3A_289 = arith.constant 0 : i32
    %dma_start3A_290 = tpu.memref_slice %arg6[%dma_start3A_288, %dma_start3A_289] : memref<513x128xf32, #tpu.memory_space<vmem_shared>> -> memref<513x128xf32, #tpu.memory_space<vmem_shared>>
    tpu.enqueue_indirect_dma source(%dma_start3A_290 : memref<513x128xf32, #tpu.memory_space<vmem_shared>>) target(%arg11 : memref<120x128xf32, #tpu.memory_space<vmem>>) offsets(%dma_start3A_287 : memref<120xi32, #tpu.memory_space<vmem>>) semaphore(%arg13 : memref<!tpu.dma_semaphore, #tpu.memory_space<semaphore_mem>>)
    %dma_wait3A_291 = arith.constant 960 : i32
    %dma_wait3A_292 = tpu.memref_slice %arg9[%dma_wait3A_291] : memref<1640xi32, #tpu.memory_space<vmem>> -> memref<120xi32, #tpu.memory_space<vmem>>
    %dma_wait3A_293 = arith.constant 0 : i32
    %dma_wait3A_294 = arith.constant 0 : i32
    %dma_wait3A_295 = tpu.memref_slice %arg7[%dma_wait3A_293, %dma_wait3A_294] : memref<513x128xf32, #tpu.memory_space<vmem_shared>> -> memref<513x128xf32, #tpu.memory_space<vmem_shared>>
    tpu.wait_indirect_dma semaphore(%arg14 : memref<!tpu.dma_semaphore, #tpu.memory_space<semaphore_mem>>) src(%dma_wait3A_295 : memref<513x128xf32, #tpu.memory_space<vmem_shared>>) dst(%arg10 : memref<120x128xf32, #tpu.memory_space<vmem>>)
    %mul3A_296 = arith.constant 1560 : i32
    %mul3A_297 = arith.muli %add3A, %mul3A_296 : i32
    %add3A_298 = arith.constant 960 : i32
    %add3A_299 = arith.addi %mul3A_297, %add3A_298 : i32
    %dma_start3A_300 = arith.constant 0 : i32
    %dma_start3A_301 = tpu.memref_slice %arg5[%add3A_299, %dma_start3A_300] : memref<50000x128xf32, #tpu.memory_space<hbm>> -> memref<120x128xf32, #tpu.memory_space<hbm>>
    %dma_start3A_302 = arith.constant 0 : i32
    %dma_start3A_303 = tpu.memref_slice %arg5[%add3A_299, %dma_start3A_302] : memref<50000x128xf32, #tpu.memory_space<hbm>> -> memref<120x128xf32, #tpu.memory_space<hbm>>
    tpu.enqueue_dma source(%arg10 : memref<120x128xf32, #tpu.memory_space<vmem>>) target(%dma_start3A_303 : memref<120x128xf32, #tpu.memory_space<hbm>>) target_semaphore(%arg15 : memref<!tpu.dma_semaphore, #tpu.memory_space<semaphore_mem>>)
    %dma_wait3A_304 = arith.constant 1080 : i32
    %dma_wait3A_305 = tpu.memref_slice %arg8[%dma_wait3A_304] : memref<1640xi32, #tpu.memory_space<vmem>> -> memref<120xi32, #tpu.memory_space<vmem>>
    %dma_wait3A_306 = arith.constant 0 : i32
    %dma_wait3A_307 = arith.constant 0 : i32
    %dma_wait3A_308 = tpu.memref_slice %arg6[%dma_wait3A_306, %dma_wait3A_307] : memref<513x128xf32, #tpu.memory_space<vmem_shared>> -> memref<513x128xf32, #tpu.memory_space<vmem_shared>>
    tpu.wait_indirect_dma semaphore(%arg13 : memref<!tpu.dma_semaphore, #tpu.memory_space<semaphore_mem>>) src(%dma_wait3A_308 : memref<513x128xf32, #tpu.memory_space<vmem_shared>>) dst(%arg11 : memref<120x128xf32, #tpu.memory_space<vmem>>)
    %dma_start3A_309 = arith.constant 1080 : i32
    %dma_start3A_310 = tpu.memref_slice %arg9[%dma_start3A_309] : memref<1640xi32, #tpu.memory_space<vmem>> -> memref<120xi32, #tpu.memory_space<vmem>>
    %dma_start3A_311 = arith.constant 0 : i32
    %dma_start3A_312 = arith.constant 0 : i32
    %dma_start3A_313 = tpu.memref_slice %arg7[%dma_start3A_311, %dma_start3A_312] : memref<513x128xf32, #tpu.memory_space<vmem_shared>> -> memref<513x128xf32, #tpu.memory_space<vmem_shared>>
    tpu.enqueue_indirect_dma source(%dma_start3A_313 : memref<513x128xf32, #tpu.memory_space<vmem_shared>>) target(%arg11 : memref<120x128xf32, #tpu.memory_space<vmem>>) offsets(%dma_start3A_310 : memref<120xi32, #tpu.memory_space<vmem>>) semaphore(%arg14 : memref<!tpu.dma_semaphore, #tpu.memory_space<semaphore_mem>>) {add = true}
    %dma_wait3A_314 = arith.constant 0 : i32
    %dma_wait3A_315 = tpu.memref_slice %arg5[%add3A_299, %dma_wait3A_314] : memref<50000x128xf32, #tpu.memory_space<hbm>> -> memref<120x128xf32, #tpu.memory_space<hbm>>
    %dma_wait3A_316 = arith.constant 0 : i32
    %dma_wait3A_317 = tpu.memref_slice %arg5[%add3A_299, %dma_wait3A_316] : memref<50000x128xf32, #tpu.memory_space<hbm>> -> memref<120x128xf32, #tpu.memory_space<hbm>>
    tpu.wait_dma2 semaphore(%arg15 : memref<!tpu.dma_semaphore, #tpu.memory_space<semaphore_mem>>) src(%arg10 : memref<120x128xf32, #tpu.memory_space<vmem>>) dst(%dma_wait3A_317 : memref<120x128xf32, #tpu.memory_space<hbm>>)
    %dma_start3A_318 = arith.constant 1200 : i32
    %dma_start3A_319 = tpu.memref_slice %arg8[%dma_start3A_318] : memref<1640xi32, #tpu.memory_space<vmem>> -> memref<120xi32, #tpu.memory_space<vmem>>
    %dma_start3A_320 = arith.constant 0 : i32
    %dma_start3A_321 = arith.constant 0 : i32
    %dma_start3A_322 = tpu.memref_slice %arg6[%dma_start3A_320, %dma_start3A_321] : memref<513x128xf32, #tpu.memory_space<vmem_shared>> -> memref<513x128xf32, #tpu.memory_space<vmem_shared>>
    tpu.enqueue_indirect_dma source(%dma_start3A_322 : memref<513x128xf32, #tpu.memory_space<vmem_shared>>) target(%arg10 : memref<120x128xf32, #tpu.memory_space<vmem>>) offsets(%dma_start3A_319 : memref<120xi32, #tpu.memory_space<vmem>>) semaphore(%arg13 : memref<!tpu.dma_semaphore, #tpu.memory_space<semaphore_mem>>)
    %dma_wait3A_323 = arith.constant 1080 : i32
    %dma_wait3A_324 = tpu.memref_slice %arg9[%dma_wait3A_323] : memref<1640xi32, #tpu.memory_space<vmem>> -> memref<120xi32, #tpu.memory_space<vmem>>
    %dma_wait3A_325 = arith.constant 0 : i32
    %dma_wait3A_326 = arith.constant 0 : i32
    %dma_wait3A_327 = tpu.memref_slice %arg7[%dma_wait3A_325, %dma_wait3A_326] : memref<513x128xf32, #tpu.memory_space<vmem_shared>> -> memref<513x128xf32, #tpu.memory_space<vmem_shared>>
    tpu.wait_indirect_dma semaphore(%arg14 : memref<!tpu.dma_semaphore, #tpu.memory_space<semaphore_mem>>) src(%dma_wait3A_327 : memref<513x128xf32, #tpu.memory_space<vmem_shared>>) dst(%arg11 : memref<120x128xf32, #tpu.memory_space<vmem>>)
    %mul3A_328 = arith.constant 1560 : i32
    %mul3A_329 = arith.muli %add3A, %mul3A_328 : i32
    %add3A_330 = arith.constant 1080 : i32
    %add3A_331 = arith.addi %mul3A_329, %add3A_330 : i32
    %dma_start3A_332 = arith.constant 0 : i32
    %dma_start3A_333 = tpu.memref_slice %arg5[%add3A_331, %dma_start3A_332] : memref<50000x128xf32, #tpu.memory_space<hbm>> -> memref<120x128xf32, #tpu.memory_space<hbm>>
    %dma_start3A_334 = arith.constant 0 : i32
    %dma_start3A_335 = tpu.memref_slice %arg5[%add3A_331, %dma_start3A_334] : memref<50000x128xf32, #tpu.memory_space<hbm>> -> memref<120x128xf32, #tpu.memory_space<hbm>>
    tpu.enqueue_dma source(%arg11 : memref<120x128xf32, #tpu.memory_space<vmem>>) target(%dma_start3A_335 : memref<120x128xf32, #tpu.memory_space<hbm>>) target_semaphore(%arg15 : memref<!tpu.dma_semaphore, #tpu.memory_space<semaphore_mem>>)
    %dma_wait3A_336 = arith.constant 1200 : i32
    %dma_wait3A_337 = tpu.memref_slice %arg8[%dma_wait3A_336] : memref<1640xi32, #tpu.memory_space<vmem>> -> memref<120xi32, #tpu.memory_space<vmem>>
    %dma_wait3A_338 = arith.constant 0 : i32
    %dma_wait3A_339 = arith.constant 0 : i32
    %dma_wait3A_340 = tpu.memref_slice %arg6[%dma_wait3A_338, %dma_wait3A_339] : memref<513x128xf32, #tpu.memory_space<vmem_shared>> -> memref<513x128xf32, #tpu.memory_space<vmem_shared>>
    tpu.wait_indirect_dma semaphore(%arg13 : memref<!tpu.dma_semaphore, #tpu.memory_space<semaphore_mem>>) src(%dma_wait3A_340 : memref<513x128xf32, #tpu.memory_space<vmem_shared>>) dst(%arg10 : memref<120x128xf32, #tpu.memory_space<vmem>>)
    %dma_start3A_341 = arith.constant 1200 : i32
    %dma_start3A_342 = tpu.memref_slice %arg9[%dma_start3A_341] : memref<1640xi32, #tpu.memory_space<vmem>> -> memref<120xi32, #tpu.memory_space<vmem>>
    %dma_start3A_343 = arith.constant 0 : i32
    %dma_start3A_344 = arith.constant 0 : i32
    %dma_start3A_345 = tpu.memref_slice %arg7[%dma_start3A_343, %dma_start3A_344] : memref<513x128xf32, #tpu.memory_space<vmem_shared>> -> memref<513x128xf32, #tpu.memory_space<vmem_shared>>
    tpu.enqueue_indirect_dma source(%dma_start3A_345 : memref<513x128xf32, #tpu.memory_space<vmem_shared>>) target(%arg10 : memref<120x128xf32, #tpu.memory_space<vmem>>) offsets(%dma_start3A_342 : memref<120xi32, #tpu.memory_space<vmem>>) semaphore(%arg14 : memref<!tpu.dma_semaphore, #tpu.memory_space<semaphore_mem>>) {add = true}
    %dma_wait3A_346 = arith.constant 0 : i32
    %dma_wait3A_347 = tpu.memref_slice %arg5[%add3A_331, %dma_wait3A_346] : memref<50000x128xf32, #tpu.memory_space<hbm>> -> memref<120x128xf32, #tpu.memory_space<hbm>>
    %dma_wait3A_348 = arith.constant 0 : i32
    %dma_wait3A_349 = tpu.memref_slice %arg5[%add3A_331, %dma_wait3A_348] : memref<50000x128xf32, #tpu.memory_space<hbm>> -> memref<120x128xf32, #tpu.memory_space<hbm>>
    tpu.wait_dma2 semaphore(%arg15 : memref<!tpu.dma_semaphore, #tpu.memory_space<semaphore_mem>>) src(%arg11 : memref<120x128xf32, #tpu.memory_space<vmem>>) dst(%dma_wait3A_349 : memref<120x128xf32, #tpu.memory_space<hbm>>)
    %dma_start3A_350 = arith.constant 1320 : i32
    %dma_start3A_351 = tpu.memref_slice %arg8[%dma_start3A_350] : memref<1640xi32, #tpu.memory_space<vmem>> -> memref<120xi32, #tpu.memory_space<vmem>>
    %dma_start3A_352 = arith.constant 0 : i32
    %dma_start3A_353 = arith.constant 0 : i32
    %dma_start3A_354 = tpu.memref_slice %arg6[%dma_start3A_352, %dma_start3A_353] : memref<513x128xf32, #tpu.memory_space<vmem_shared>> -> memref<513x128xf32, #tpu.memory_space<vmem_shared>>
    tpu.enqueue_indirect_dma source(%dma_start3A_354 : memref<513x128xf32, #tpu.memory_space<vmem_shared>>) target(%arg11 : memref<120x128xf32, #tpu.memory_space<vmem>>) offsets(%dma_start3A_351 : memref<120xi32, #tpu.memory_space<vmem>>) semaphore(%arg13 : memref<!tpu.dma_semaphore, #tpu.memory_space<semaphore_mem>>)
    %dma_wait3A_355 = arith.constant 1200 : i32
    %dma_wait3A_356 = tpu.memref_slice %arg9[%dma_wait3A_355] : memref<1640xi32, #tpu.memory_space<vmem>> -> memref<120xi32, #tpu.memory_space<vmem>>
    %dma_wait3A_357 = arith.constant 0 : i32
    %dma_wait3A_358 = arith.constant 0 : i32
    %dma_wait3A_359 = tpu.memref_slice %arg7[%dma_wait3A_357, %dma_wait3A_358] : memref<513x128xf32, #tpu.memory_space<vmem_shared>> -> memref<513x128xf32, #tpu.memory_space<vmem_shared>>
    tpu.wait_indirect_dma semaphore(%arg14 : memref<!tpu.dma_semaphore, #tpu.memory_space<semaphore_mem>>) src(%dma_wait3A_359 : memref<513x128xf32, #tpu.memory_space<vmem_shared>>) dst(%arg10 : memref<120x128xf32, #tpu.memory_space<vmem>>)
    %mul3A_360 = arith.constant 1560 : i32
    %mul3A_361 = arith.muli %add3A, %mul3A_360 : i32
    %add3A_362 = arith.constant 1200 : i32
    %add3A_363 = arith.addi %mul3A_361, %add3A_362 : i32
    %dma_start3A_364 = arith.constant 0 : i32
    %dma_start3A_365 = tpu.memref_slice %arg5[%add3A_363, %dma_start3A_364] : memref<50000x128xf32, #tpu.memory_space<hbm>> -> memref<120x128xf32, #tpu.memory_space<hbm>>
    %dma_start3A_366 = arith.constant 0 : i32
    %dma_start3A_367 = tpu.memref_slice %arg5[%add3A_363, %dma_start3A_366] : memref<50000x128xf32, #tpu.memory_space<hbm>> -> memref<120x128xf32, #tpu.memory_space<hbm>>
    tpu.enqueue_dma source(%arg10 : memref<120x128xf32, #tpu.memory_space<vmem>>) target(%dma_start3A_367 : memref<120x128xf32, #tpu.memory_space<hbm>>) target_semaphore(%arg15 : memref<!tpu.dma_semaphore, #tpu.memory_space<semaphore_mem>>)
    %dma_wait3A_368 = arith.constant 1320 : i32
    %dma_wait3A_369 = tpu.memref_slice %arg8[%dma_wait3A_368] : memref<1640xi32, #tpu.memory_space<vmem>> -> memref<120xi32, #tpu.memory_space<vmem>>
    %dma_wait3A_370 = arith.constant 0 : i32
    %dma_wait3A_371 = arith.constant 0 : i32
    %dma_wait3A_372 = tpu.memref_slice %arg6[%dma_wait3A_370, %dma_wait3A_371] : memref<513x128xf32, #tpu.memory_space<vmem_shared>> -> memref<513x128xf32, #tpu.memory_space<vmem_shared>>
    tpu.wait_indirect_dma semaphore(%arg13 : memref<!tpu.dma_semaphore, #tpu.memory_space<semaphore_mem>>) src(%dma_wait3A_372 : memref<513x128xf32, #tpu.memory_space<vmem_shared>>) dst(%arg11 : memref<120x128xf32, #tpu.memory_space<vmem>>)
    %dma_start3A_373 = arith.constant 1320 : i32
    %dma_start3A_374 = tpu.memref_slice %arg9[%dma_start3A_373] : memref<1640xi32, #tpu.memory_space<vmem>> -> memref<120xi32, #tpu.memory_space<vmem>>
    %dma_start3A_375 = arith.constant 0 : i32
    %dma_start3A_376 = arith.constant 0 : i32
    %dma_start3A_377 = tpu.memref_slice %arg7[%dma_start3A_375, %dma_start3A_376] : memref<513x128xf32, #tpu.memory_space<vmem_shared>> -> memref<513x128xf32, #tpu.memory_space<vmem_shared>>
    tpu.enqueue_indirect_dma source(%dma_start3A_377 : memref<513x128xf32, #tpu.memory_space<vmem_shared>>) target(%arg11 : memref<120x128xf32, #tpu.memory_space<vmem>>) offsets(%dma_start3A_374 : memref<120xi32, #tpu.memory_space<vmem>>) semaphore(%arg14 : memref<!tpu.dma_semaphore, #tpu.memory_space<semaphore_mem>>) {add = true}
    %dma_wait3A_378 = arith.constant 0 : i32
    %dma_wait3A_379 = tpu.memref_slice %arg5[%add3A_363, %dma_wait3A_378] : memref<50000x128xf32, #tpu.memory_space<hbm>> -> memref<120x128xf32, #tpu.memory_space<hbm>>
    %dma_wait3A_380 = arith.constant 0 : i32
    %dma_wait3A_381 = tpu.memref_slice %arg5[%add3A_363, %dma_wait3A_380] : memref<50000x128xf32, #tpu.memory_space<hbm>> -> memref<120x128xf32, #tpu.memory_space<hbm>>
    tpu.wait_dma2 semaphore(%arg15 : memref<!tpu.dma_semaphore, #tpu.memory_space<semaphore_mem>>) src(%arg10 : memref<120x128xf32, #tpu.memory_space<vmem>>) dst(%dma_wait3A_381 : memref<120x128xf32, #tpu.memory_space<hbm>>)
    %dma_start3A_382 = arith.constant 1440 : i32
    %dma_start3A_383 = tpu.memref_slice %arg8[%dma_start3A_382] : memref<1640xi32, #tpu.memory_space<vmem>> -> memref<120xi32, #tpu.memory_space<vmem>>
    %dma_start3A_384 = arith.constant 0 : i32
    %dma_start3A_385 = arith.constant 0 : i32
    %dma_start3A_386 = tpu.memref_slice %arg6[%dma_start3A_384, %dma_start3A_385] : memref<513x128xf32, #tpu.memory_space<vmem_shared>> -> memref<513x128xf32, #tpu.memory_space<vmem_shared>>
    tpu.enqueue_indirect_dma source(%dma_start3A_386 : memref<513x128xf32, #tpu.memory_space<vmem_shared>>) target(%arg10 : memref<120x128xf32, #tpu.memory_space<vmem>>) offsets(%dma_start3A_383 : memref<120xi32, #tpu.memory_space<vmem>>) semaphore(%arg13 : memref<!tpu.dma_semaphore, #tpu.memory_space<semaphore_mem>>)
    %dma_wait3A_387 = arith.constant 1320 : i32
    %dma_wait3A_388 = tpu.memref_slice %arg9[%dma_wait3A_387] : memref<1640xi32, #tpu.memory_space<vmem>> -> memref<120xi32, #tpu.memory_space<vmem>>
    %dma_wait3A_389 = arith.constant 0 : i32
    %dma_wait3A_390 = arith.constant 0 : i32
    %dma_wait3A_391 = tpu.memref_slice %arg7[%dma_wait3A_389, %dma_wait3A_390] : memref<513x128xf32, #tpu.memory_space<vmem_shared>> -> memref<513x128xf32, #tpu.memory_space<vmem_shared>>
    tpu.wait_indirect_dma semaphore(%arg14 : memref<!tpu.dma_semaphore, #tpu.memory_space<semaphore_mem>>) src(%dma_wait3A_391 : memref<513x128xf32, #tpu.memory_space<vmem_shared>>) dst(%arg11 : memref<120x128xf32, #tpu.memory_space<vmem>>)
    %mul3A_392 = arith.constant 1560 : i32
    %mul3A_393 = arith.muli %add3A, %mul3A_392 : i32
    %add3A_394 = arith.constant 1320 : i32
    %add3A_395 = arith.addi %mul3A_393, %add3A_394 : i32
    %dma_start3A_396 = arith.constant 0 : i32
    %dma_start3A_397 = tpu.memref_slice %arg5[%add3A_395, %dma_start3A_396] : memref<50000x128xf32, #tpu.memory_space<hbm>> -> memref<120x128xf32, #tpu.memory_space<hbm>>
    %dma_start3A_398 = arith.constant 0 : i32
    %dma_start3A_399 = tpu.memref_slice %arg5[%add3A_395, %dma_start3A_398] : memref<50000x128xf32, #tpu.memory_space<hbm>> -> memref<120x128xf32, #tpu.memory_space<hbm>>
    tpu.enqueue_dma source(%arg11 : memref<120x128xf32, #tpu.memory_space<vmem>>) target(%dma_start3A_399 : memref<120x128xf32, #tpu.memory_space<hbm>>) target_semaphore(%arg15 : memref<!tpu.dma_semaphore, #tpu.memory_space<semaphore_mem>>)
    %dma_wait3A_400 = arith.constant 1440 : i32
    %dma_wait3A_401 = tpu.memref_slice %arg8[%dma_wait3A_400] : memref<1640xi32, #tpu.memory_space<vmem>> -> memref<120xi32, #tpu.memory_space<vmem>>
    %dma_wait3A_402 = arith.constant 0 : i32
    %dma_wait3A_403 = arith.constant 0 : i32
    %dma_wait3A_404 = tpu.memref_slice %arg6[%dma_wait3A_402, %dma_wait3A_403] : memref<513x128xf32, #tpu.memory_space<vmem_shared>> -> memref<513x128xf32, #tpu.memory_space<vmem_shared>>
    tpu.wait_indirect_dma semaphore(%arg13 : memref<!tpu.dma_semaphore, #tpu.memory_space<semaphore_mem>>) src(%dma_wait3A_404 : memref<513x128xf32, #tpu.memory_space<vmem_shared>>) dst(%arg10 : memref<120x128xf32, #tpu.memory_space<vmem>>)
    %dma_start3A_405 = arith.constant 1440 : i32
    %dma_start3A_406 = tpu.memref_slice %arg9[%dma_start3A_405] : memref<1640xi32, #tpu.memory_space<vmem>> -> memref<120xi32, #tpu.memory_space<vmem>>
    %dma_start3A_407 = arith.constant 0 : i32
    %dma_start3A_408 = arith.constant 0 : i32
    %dma_start3A_409 = tpu.memref_slice %arg7[%dma_start3A_407, %dma_start3A_408] : memref<513x128xf32, #tpu.memory_space<vmem_shared>> -> memref<513x128xf32, #tpu.memory_space<vmem_shared>>
    tpu.enqueue_indirect_dma source(%dma_start3A_409 : memref<513x128xf32, #tpu.memory_space<vmem_shared>>) target(%arg10 : memref<120x128xf32, #tpu.memory_space<vmem>>) offsets(%dma_start3A_406 : memref<120xi32, #tpu.memory_space<vmem>>) semaphore(%arg14 : memref<!tpu.dma_semaphore, #tpu.memory_space<semaphore_mem>>) {add = true}
    %dma_wait3A_410 = arith.constant 1440 : i32
    %dma_wait3A_411 = tpu.memref_slice %arg9[%dma_wait3A_410] : memref<1640xi32, #tpu.memory_space<vmem>> -> memref<120xi32, #tpu.memory_space<vmem>>
    %dma_wait3A_412 = arith.constant 0 : i32
    %dma_wait3A_413 = arith.constant 0 : i32
    %dma_wait3A_414 = tpu.memref_slice %arg7[%dma_wait3A_412, %dma_wait3A_413] : memref<513x128xf32, #tpu.memory_space<vmem_shared>> -> memref<513x128xf32, #tpu.memory_space<vmem_shared>>
    tpu.wait_indirect_dma semaphore(%arg14 : memref<!tpu.dma_semaphore, #tpu.memory_space<semaphore_mem>>) src(%dma_wait3A_414 : memref<513x128xf32, #tpu.memory_space<vmem_shared>>) dst(%arg10 : memref<120x128xf32, #tpu.memory_space<vmem>>)
    %mul3A_415 = arith.constant 1560 : i32
    %mul3A_416 = arith.muli %add3A, %mul3A_415 : i32
    %add3A_417 = arith.constant 1440 : i32
    %add3A_418 = arith.addi %mul3A_416, %add3A_417 : i32
    %dma_start3A_419 = arith.constant 0 : i32
    %dma_start3A_420 = tpu.memref_slice %arg5[%add3A_418, %dma_start3A_419] : memref<50000x128xf32, #tpu.memory_space<hbm>> -> memref<120x128xf32, #tpu.memory_space<hbm>>
    %dma_start3A_421 = arith.constant 0 : i32
    %dma_start3A_422 = tpu.memref_slice %arg5[%add3A_418, %dma_start3A_421] : memref<50000x128xf32, #tpu.memory_space<hbm>> -> memref<120x128xf32, #tpu.memory_space<hbm>>
    tpu.enqueue_dma source(%arg10 : memref<120x128xf32, #tpu.memory_space<vmem>>) target(%dma_start3A_422 : memref<120x128xf32, #tpu.memory_space<hbm>>) target_semaphore(%arg15 : memref<!tpu.dma_semaphore, #tpu.memory_space<semaphore_mem>>)
    %dma_wait3A_423 = arith.constant 0 : i32
    %dma_wait3A_424 = tpu.memref_slice %arg5[%add3A_418, %dma_wait3A_423] : memref<50000x128xf32, #tpu.memory_space<hbm>> -> memref<120x128xf32, #tpu.memory_space<hbm>>
    %dma_wait3A_425 = arith.constant 0 : i32
    %dma_wait3A_426 = tpu.memref_slice %arg5[%add3A_418, %dma_wait3A_425] : memref<50000x128xf32, #tpu.memory_space<hbm>> -> memref<120x128xf32, #tpu.memory_space<hbm>>
    tpu.wait_dma2 semaphore(%arg15 : memref<!tpu.dma_semaphore, #tpu.memory_space<semaphore_mem>>) src(%arg10 : memref<120x128xf32, #tpu.memory_space<vmem>>) dst(%dma_wait3A_426 : memref<120x128xf32, #tpu.memory_space<hbm>>)
    %dma_wait3A_427 = arith.constant 0 : i32
    %dma_wait3A_428 = tpu.memref_slice %arg5[%add3A_395, %dma_wait3A_427] : memref<50000x128xf32, #tpu.memory_space<hbm>> -> memref<120x128xf32, #tpu.memory_space<hbm>>
    %dma_wait3A_429 = arith.constant 0 : i32
    %dma_wait3A_430 = tpu.memref_slice %arg5[%add3A_395, %dma_wait3A_429] : memref<50000x128xf32, #tpu.memory_space<hbm>> -> memref<120x128xf32, #tpu.memory_space<hbm>>
    tpu.wait_dma2 semaphore(%arg15 : memref<!tpu.dma_semaphore, #tpu.memory_space<semaphore_mem>>) src(%arg11 : memref<120x128xf32, #tpu.memory_space<vmem>>) dst(%dma_wait3A_430 : memref<120x128xf32, #tpu.memory_space<hbm>>)
    %eq3A_431 = arith.constant 31 : i32
    %eq3A_432 = arith.cmpi eq, %add3A, %eq3A_431 : i32
    %convert_element_type3A_433 = arith.extui %eq3A_432 : i1 to i32
    %cond3A_434 = arith.constant 0 : i32
    %cond3A_435 = arith.cmpi ne, %convert_element_type3A_433, %cond3A_434 : i32
    scf.if %cond3A_435 {
      "tpu.region"() ({
        %run_scoped3A = tpu.sem_alloc : memref<!tpu.dma_semaphore, #tpu.memory_space<semaphore_mem>>
        %dma_start3A_436 = arith.constant 0 : i32
        %dma_start3A_437 = arith.constant 0 : i32
        %dma_start3A_438 = tpu.memref_slice %arg10[%dma_start3A_436, %dma_start3A_437] : memref<120x128xf32, #tpu.memory_space<vmem>> -> memref<80x128xf32, #tpu.memory_space<vmem>>
        %dma_start3A_439 = arith.constant 1560 : i32
        %dma_start3A_440 = tpu.memref_slice %arg8[%dma_start3A_439] : memref<1640xi32, #tpu.memory_space<vmem>> -> memref<80xi32, #tpu.memory_space<vmem>>
        %dma_start3A_441 = arith.constant 0 : i32
        %dma_start3A_442 = arith.constant 0 : i32
        %dma_start3A_443 = tpu.memref_slice %arg6[%dma_start3A_441, %dma_start3A_442] : memref<513x128xf32, #tpu.memory_space<vmem_shared>> -> memref<513x128xf32, #tpu.memory_space<vmem_shared>>
        tpu.enqueue_indirect_dma source(%dma_start3A_443 : memref<513x128xf32, #tpu.memory_space<vmem_shared>>) target(%dma_start3A_438 : memref<80x128xf32, #tpu.memory_space<vmem>>) offsets(%dma_start3A_440 : memref<80xi32, #tpu.memory_space<vmem>>) semaphore(%run_scoped3A : memref<!tpu.dma_semaphore, #tpu.memory_space<semaphore_mem>>)
        %dma_wait3A_444 = arith.constant 0 : i32
        %dma_wait3A_445 = arith.constant 0 : i32
        %dma_wait3A_446 = tpu.memref_slice %arg10[%dma_wait3A_444, %dma_wait3A_445] : memref<120x128xf32, #tpu.memory_space<vmem>> -> memref<80x128xf32, #tpu.memory_space<vmem>>
        %dma_wait3A_447 = arith.constant 1560 : i32
        %dma_wait3A_448 = tpu.memref_slice %arg8[%dma_wait3A_447] : memref<1640xi32, #tpu.memory_space<vmem>> -> memref<80xi32, #tpu.memory_space<vmem>>
        %dma_wait3A_449 = arith.constant 0 : i32
        %dma_wait3A_450 = arith.constant 0 : i32
        %dma_wait3A_451 = tpu.memref_slice %arg6[%dma_wait3A_449, %dma_wait3A_450] : memref<513x128xf32, #tpu.memory_space<vmem_shared>> -> memref<513x128xf32, #tpu.memory_space<vmem_shared>>
        tpu.wait_indirect_dma semaphore(%run_scoped3A : memref<!tpu.dma_semaphore, #tpu.memory_space<semaphore_mem>>) src(%dma_wait3A_451 : memref<513x128xf32, #tpu.memory_space<vmem_shared>>) dst(%dma_wait3A_446 : memref<80x128xf32, #tpu.memory_space<vmem>>)
        tpu.yield
      }) : () -> ()
      "tpu.region"() ({
        %run_scoped3A = tpu.sem_alloc : memref<!tpu.dma_semaphore, #tpu.memory_space<semaphore_mem>>
        %dma_start3A_436 = arith.constant 0 : i32
        %dma_start3A_437 = arith.constant 0 : i32
        %dma_start3A_438 = tpu.memref_slice %arg10[%dma_start3A_436, %dma_start3A_437] : memref<120x128xf32, #tpu.memory_space<vmem>> -> memref<80x128xf32, #tpu.memory_space<vmem>>
        %dma_start3A_439 = arith.constant 1560 : i32
        %dma_start3A_440 = tpu.memref_slice %arg9[%dma_start3A_439] : memref<1640xi32, #tpu.memory_space<vmem>> -> memref<80xi32, #tpu.memory_space<vmem>>
        %dma_start3A_441 = arith.constant 0 : i32
        %dma_start3A_442 = arith.constant 0 : i32
        %dma_start3A_443 = tpu.memref_slice %arg7[%dma_start3A_441, %dma_start3A_442] : memref<513x128xf32, #tpu.memory_space<vmem_shared>> -> memref<513x128xf32, #tpu.memory_space<vmem_shared>>
        tpu.enqueue_indirect_dma source(%dma_start3A_443 : memref<513x128xf32, #tpu.memory_space<vmem_shared>>) target(%dma_start3A_438 : memref<80x128xf32, #tpu.memory_space<vmem>>) offsets(%dma_start3A_440 : memref<80xi32, #tpu.memory_space<vmem>>) semaphore(%run_scoped3A : memref<!tpu.dma_semaphore, #tpu.memory_space<semaphore_mem>>) {add = true}
        %dma_wait3A_444 = arith.constant 0 : i32
        %dma_wait3A_445 = arith.constant 0 : i32
        %dma_wait3A_446 = tpu.memref_slice %arg10[%dma_wait3A_444, %dma_wait3A_445] : memref<120x128xf32, #tpu.memory_space<vmem>> -> memref<80x128xf32, #tpu.memory_space<vmem>>
        %dma_wait3A_447 = arith.constant 1560 : i32
        %dma_wait3A_448 = tpu.memref_slice %arg9[%dma_wait3A_447] : memref<1640xi32, #tpu.memory_space<vmem>> -> memref<80xi32, #tpu.memory_space<vmem>>
        %dma_wait3A_449 = arith.constant 0 : i32
        %dma_wait3A_450 = arith.constant 0 : i32
        %dma_wait3A_451 = tpu.memref_slice %arg7[%dma_wait3A_449, %dma_wait3A_450] : memref<513x128xf32, #tpu.memory_space<vmem_shared>> -> memref<513x128xf32, #tpu.memory_space<vmem_shared>>
        tpu.wait_indirect_dma semaphore(%run_scoped3A : memref<!tpu.dma_semaphore, #tpu.memory_space<semaphore_mem>>) src(%dma_wait3A_451 : memref<513x128xf32, #tpu.memory_space<vmem_shared>>) dst(%dma_wait3A_446 : memref<80x128xf32, #tpu.memory_space<vmem>>)
        tpu.yield
      }) : () -> ()
      "tpu.region"() ({
        %run_scoped3A = tpu.sem_alloc : memref<!tpu.dma_semaphore, #tpu.memory_space<semaphore_mem>>
        %dma_start3A_436 = arith.constant 0 : i32
        %dma_start3A_437 = arith.constant 0 : i32
        %dma_start3A_438 = tpu.memref_slice %arg10[%dma_start3A_436, %dma_start3A_437] : memref<120x128xf32, #tpu.memory_space<vmem>> -> memref<80x128xf32, #tpu.memory_space<vmem>>
        %dma_start3A_439 = arith.constant 49920 : i32
        %dma_start3A_440 = arith.constant 0 : i32
        %dma_start3A_441 = tpu.memref_slice %arg5[%dma_start3A_439, %dma_start3A_440] : memref<50000x128xf32, #tpu.memory_space<hbm>> -> memref<80x128xf32, #tpu.memory_space<hbm>>
        %dma_start3A_442 = arith.constant 49920 : i32
        %dma_start3A_443 = arith.constant 0 : i32
        %dma_start3A_444 = tpu.memref_slice %arg5[%dma_start3A_442, %dma_start3A_443] : memref<50000x128xf32, #tpu.memory_space<hbm>> -> memref<80x128xf32, #tpu.memory_space<hbm>>
        %dma_start3A_445 = arith.constant 0 : i32
        %dma_start3A_446 = arith.constant 0 : i32
        %dma_start3A_447 = tpu.memref_slice %arg10[%dma_start3A_445, %dma_start3A_446] : memref<120x128xf32, #tpu.memory_space<vmem>> -> memref<80x128xf32, #tpu.memory_space<vmem>>
        tpu.enqueue_dma source(%dma_start3A_447 : memref<80x128xf32, #tpu.memory_space<vmem>>) target(%dma_start3A_444 : memref<80x128xf32, #tpu.memory_space<hbm>>) target_semaphore(%run_scoped3A : memref<!tpu.dma_semaphore, #tpu.memory_space<semaphore_mem>>)
        %dma_wait3A_448 = arith.constant 0 : i32
        %dma_wait3A_449 = arith.constant 0 : i32
        %dma_wait3A_450 = tpu.memref_slice %arg10[%dma_wait3A_448, %dma_wait3A_449] : memref<120x128xf32, #tpu.memory_space<vmem>> -> memref<80x128xf32, #tpu.memory_space<vmem>>
        %dma_wait3A_451 = arith.constant 49920 : i32
        %dma_wait3A_452 = arith.constant 0 : i32
        %dma_wait3A_453 = tpu.memref_slice %arg5[%dma_wait3A_451, %dma_wait3A_452] : memref<50000x128xf32, #tpu.memory_space<hbm>> -> memref<80x128xf32, #tpu.memory_space<hbm>>
        %dma_wait3A_454 = arith.constant 49920 : i32
        %dma_wait3A_455 = arith.constant 0 : i32
        %dma_wait3A_456 = tpu.memref_slice %arg5[%dma_wait3A_454, %dma_wait3A_455] : memref<50000x128xf32, #tpu.memory_space<hbm>> -> memref<80x128xf32, #tpu.memory_space<hbm>>
        %dma_wait3A_457 = arith.constant 0 : i32
        %dma_wait3A_458 = arith.constant 0 : i32
        %dma_wait3A_459 = tpu.memref_slice %arg10[%dma_wait3A_457, %dma_wait3A_458] : memref<120x128xf32, #tpu.memory_space<vmem>> -> memref<80x128xf32, #tpu.memory_space<vmem>>
        tpu.wait_dma2 semaphore(%run_scoped3A : memref<!tpu.dma_semaphore, #tpu.memory_space<semaphore_mem>>) src(%dma_wait3A_459 : memref<80x128xf32, #tpu.memory_space<vmem>>) dst(%dma_wait3A_456 : memref<80x128xf32, #tpu.memory_space<hbm>>)
        tpu.yield
      }) : () -> ()
    } else {
    }
    return
  }
}

</mosaic_0001>

<sc_bundles>
// kernel: kernel.4.cloned.1.call-start
scs
__scs_entry_jumppad:
0x0: {  	(pc) =	sbr.rel $0x88, $3  }
0x1: {  	(tag) =	ssettag $0x0;
	lr =	simm.s32 $0x1  }
0x2: {  	[smem:$0x3F9D] =	sst lr;
	_ =	strace $0xD0000000  }
0x3: {  	_ = 	snop  }
0x4: {  	_ = 	snop  }
0x5: {  	_ = 	snop  }
0x6: {  	_ = 	snop  }
0x7: {  	_ = 	snop  }
__scs_overlays_trampoline_lowered:
0x8: {  	[smem:$0x3FAC] =	sst s0  }
0x9: {  	[smem:$0x3FAD] =	sst s1  }
0xa: {  	[smem:$0x3FAE] =	sst s2  }
0xb: {  	[smem:$0x3FAF] =	sst s3  }
0xc: {  	[smem:$0x3FB0] =	sst s4  }
0xd: {  	[smem:$0x3FB1] =	sst s5  }
0xe: {  	[smem:$0x3FB2] =	sst s6  }
0xf: {  	[smem:$0x3FB3] =	sst s7  }
0x10: {  	[smem:$0x3FB4] =	sst s8  }
0x11: {  	[smem:$0x3FB5] =	sst s9;
	s0 =	simm.s32 @!p0 $0x0  }
0x12: {  	s1 =	sld [smem:$0x3F9B];
	s0 =	simm.s32 @p0 $0x1  }
0x13: {  	[smem:$0x3FB6] =	sst s0;
	s0 =	simm.s32 @!p1 $0x0  }
0x14: {  	s2 =	sld [smem:$0x3F9A];
	s0 =	simm.s32 @p1 $0x1  }
0x15: {  	[smem:$0x3FB7] =	sst s0;
	s0 =	simm.s32 @!p2 $0x0  }
0x16: {  	s3 =	sld [smem:$0x3FDB];
	s0 =	simm.s32 @p2 $0x1  }
0x17: {  	s4 =	simm.s32 $0x1BF5;
	[smem:$0x3FB9] =	sst s0  }
0x18: {  	s0 =	sld [smem:$0x3F9C];
	_ =	swait.ge [sflag:s4], $0x0  }
0x19: {  	s7 =	sld [smem:$0x3F9D]  }
0x1a: {  	s8 =	sadd.s32 $0xFFFFE003, lr  }
0x1b: {  	s9 =	sadd.s32 $0xFFFFFEF7, lr;
	s5 =	simm.s32 $0xFFFFFFFF;
	p2 =	slt.u32 s8, $0xFFFFF086  }
0x1c: {  	p1 =	slt.u32 s9, $0xF7A;
	s5 =	simm.s32 @!p2 $0x0  }
0x1d: {  	s5 =	simm.s32 @p1 $0x1;
	p0 =	seq.s32 s7, s2  }
0x1e: {  	s7 =	smul.u32 @!p0 $0xF7A, s2;
	p2 =	seq.s32 @!p0 s5, $0x0  }
0x1f: {  	s9 =	smul.u32 $0xF7A, s1;
	s8 =	simm.s32 @!p0 $0x1BF5;
	p2 =	por !p2, p0  }
0x20: {  	[sflag:s8] =	ssyncset.s32 @!p0 $0xFFFFF086;
	s6 =	sadd.s32 @!p0 s3, s7;
	s7 =	simm.s32 @!p0 $0x108  }
0x21: {  	s3 =	sadd.s32 s3, s9;
	s6 =	sadd.s32 @!p0 $0x88, s6;
	s7 =	simm.s32 @p2 $0x1082  }
0x22: {  	[simem:s7], [sflag:s8] =	dma.local @!p0 [hbm:s6], $0xF7A  }
0x23: {  	s9 =	sor.u32 $0xD0000000, s2;
	s6 =	simm.s32 $0x108;
	_ =	swait.ge @!p0 [sflag:s8], $0x0  }
0x24: {  	s3 =	sadd.s32 $0x88, s3;
	s6 =	simm.s32 @!p1 $0x1082;
	[sflag:s4] =	ssyncset.s32 $0xFFFFF086  }
0x25: {  	[simem:s6], [sflag:s4] =	dma.local [hbm:s3], $0xF7A  }
0x26: {  	[smem:$0x3F9D] =	sst s1;
	(tag) =	ssettag s2;
	_ =	strace s9  }
0x27: {  	s1 =	sld [smem:$0x3FAD]  }
0x28: {  	s2 =	sld [smem:$0x3FAE]  }
0x29: {  	s4 =	sld [smem:$0x3FB0]  }
0x2a: {  	p0 =	seq.s32 s5, $0x0;
	s5 =	sld [smem:$0x3FB1]  }
0x2b: {  	s6 =	sld [smem:$0x3FB2]  }
0x2c: {  	s7 =	sld [smem:$0x3FB3]  }
0x2d: {  	s3 =	simm.s32 $0x108;
	s8 =	sld [smem:$0x3FB4]  }
0x2e: {  	s3 =	simm.s32 @!p0 $0x1082;
	s9 =	sld [smem:$0x3FB5]  }
0x2f: {  	lr =	sadd.s32 s0, s3;
	s0 =	sld [smem:$0x3FAC]  }
0x30: {  	s3 =	sld [smem:$0x3FAF]  }
0x31: {  	[smem:$0x3FB8] =	sst s10  }
0x32: {  	s10 =	sld [smem:$0x3FB6];
	_ =	sdelay $0x3  }
0x33: {  	p0 =	seq.s32 s10, $0x1;
	s10 =	sld [smem:$0x3FB8];
	_ =	sdelay $0x3  }
0x34: {  	[smem:$0x3FB8] =	sst s10  }
0x35: {  	s10 =	sld [smem:$0x3FB7];
	_ =	sdelay $0x3  }
0x36: {  	p1 =	seq.s32 s10, $0x1;
	s10 =	sld [smem:$0x3FB8];
	_ =	sdelay $0x3  }
0x37: {  	[smem:$0x3FB8] =	sst s10  }
0x38: {  	s10 =	sld [smem:$0x3FB9]  }
0x39: {  	_ = 	snop;
	(pc) =	sbr.ind lr, $3  }
0x3a: {  	_ = 	snop  }
0x3b: {  	_ = 	snop  }
0x3c: {  	p2 =	seq.s32 s10, $0x1;
	s10 =	sld [smem:$0x3FB8]  }
0x3d: {  	_ =	shalt  }
0x3e: {  	_ =	shalt  }
0x3f: {  	_ =	shalt  }
0x40: {  	_ =	shalt  }
0x41: {  	_ =	shalt  }
0x42: {  	_ =	shalt  }
0x43: {  	_ =	shalt  }
0x44: {  	_ =	shalt  }
0x45: {  	_ =	shalt  }
0x46: {  	_ =	shalt  }
0x47: {  	_ =	shalt  }
0x48: {  	_ =	shalt  }
0x49: {  	_ =	shalt  }
0x4a: {  	_ =	shalt  }
0x4b: {  	_ =	shalt  }
0x4c: {  	_ =	shalt  }
0x4d: {  	_ =	shalt  }
0x4e: {  	_ =	shalt  }
0x4f: {  	_ =	shalt  }
0x50: {  	_ =	shalt  }
0x51: {  	_ =	shalt  }
0x52: {  	_ =	shalt  }
0x53: {  	_ =	shalt  }
0x54: {  	_ =	shalt  }
0x55: {  	_ =	shalt  }
0x56: {  	_ =	shalt  }
0x57: {  	_ =	shalt  }
0x58: {  	_ =	shalt  }
0x59: {  	_ =	shalt  }
0x5a: {  	_ =	shalt  }
0x5b: {  	_ =	shalt  }
0x5c: {  	_ =	shalt  }
0x5d: {  	_ =	shalt  }
0x5e: {  	_ =	shalt  }
0x5f: {  	_ =	shalt  }
0x60: {  	_ =	shalt  }
0x61: {  	_ =	shalt  }
0x62: {  	_ =	shalt  }
0x63: {  	_ =	shalt  }
0x64: {  	_ =	shalt  }
0x65: {  	_ =	shalt  }
0x66: {  	_ =	shalt  }
0x67: {  	_ =	shalt  }
0x68: {  	_ =	shalt  }
0x69: {  	_ =	shalt  }
0x6a: {  	_ =	shalt  }
0x6b: {  	_ =	shalt  }
0x6c: {  	_ =	shalt  }
0x6d: {  	_ =	shalt  }
0x6e: {  	_ =	shalt  }
0x6f: {  	_ =	shalt  }
0x70: {  	_ =	shalt  }
0x71: {  	_ =	shalt  }
0x72: {  	_ =	shalt  }
0x73: {  	_ =	shalt  }
0x74: {  	_ =	shalt  }
0x75: {  	_ =	shalt  }
0x76: {  	_ =	shalt  }
0x77: {  	_ =	shalt  }
0x78: {  	_ =	shalt  }
0x79: {  	_ =	shalt  }
0x7a: {  	_ =	shalt  }
0x7b: {  	_ =	shalt  }
0x7c: {  	_ =	shalt  }
0x7d: {  	_ =	shalt  }
0x7e: {  	_ =	shalt  }
0x7f: {  	_ =	shalt  }
0x80: {  	_ =	shalt  }
0x81: {  	_ =	shalt  }
0x82: {  	_ =	shalt  }
0x83: {  	_ =	shalt  }
0x84: {  	_ =	shalt  }
0x85: {  	_ =	shalt  }
0x86: {  	_ =	shalt  }
0x87: {  	_ =	shalt  }
.Lfunc_end0:
.L_simem_size_0:
called_computation_lowered:
.L_overlay_start_0:
0x88: {  	s2 =	sld [smem:$0x3FD9]  }
0x89: {  	s3 =	sld [smem:$0x3FFE];
	_ =	sdelay $0x1  }
0x8a: {  	s1 =	srdreg.scid  }
0x8b: {  	s0 =	sand.u32 $0x1, s1  }
0x8c: {  	s17 =	sshll.u32 s0, $0xA;
	s2 =	sadd.s32 s3, s2  }
0x8d: {  	s2 =	sadd.s32 s2, s17  }
0x8e: {  	[smem:$0x3FC4] =	sst s2  }
0x8f: {  	_ = 	snop  }
0x90: {  	s2 =	sld [smem:$0x3FC9]  }
0x91: {  	s18 =	sld [smem:$0x3FD0];
	(tm) =	ssettm $0x1  }
0x92: {  	s4 =	sld [smem:$0x3FFB];
	_ =	sdelay $0x3  }
0x93: {  	_ =	strace s4  }
0x94: {  	s4 =	sld [smem:$0x3FFC];
	_ =	sdelay $0x3  }
0x95: {  	_ =	strace s4  }
0x96: {  	s4 =	sld [smem:$0x3FFD];
	_ =	sdelay $0x3  }
0x97: {  	_ =	strace s4  }
0x98: {  	_ =	strace $0x8FFFFFFF  }
0x99: {  	s19 =	sld [smem:$0x3FDB];
	_ =	sdelay $0x1  }
0x9a: {  	s5 =	simm.s32 $_scs_section_size  }
0x9b: {  	s6 =	simm.s32 $_size__tile_overlayer_lowered;
	s7 =	simm.s32 $_tile_overlayer_lowered  }
0x9c: {  	s22 =	simm.s32 $0x1BFF;
	s21 =	sshll.u32 s7, $0x1;
	s4 =	sadd.s32 s5, s19  }
0x9d: {  	s8 =	simm.s32 $0x0;
	s20 =	sshll.u32 s6, $0x1;
	s6 =	sadd.s32 s21, s4  }
0x9e: {  	[timem:s8], [sflag:s22] =	dma.local [hbm:s6], s20  }
0x9f: {  	_ =	swait.ge [sflag:s22], s20  }
0xa0: {  	s5 =	ssub.s32 $0x0, s20;
	[sflag:s22] =	ssyncset.done $0x0  }
0xa1: {  	[sflag:s22] =	ssyncadd.s32 s5;
	_ =	sdelay $0x1  }
0xa2: {  	s23 =	simm.s32 $0x1B8B  }
0xa3: {  	_ =	swait.ge [sflag:s23], $0x1  }
0xa4: {  	[sflag:s23] =	ssyncset.done $0x0  }
0xa5: {  	s25 =	simm.s32 $0x1B8E;
	s24 =	sld [smem:$0x3FFE];
	[sflag:s23] =	ssyncadd.s32 $0xFFFFFFFF  }
0xa6: {  	s26 =	simm.s32 $execute0_lowered;
	[smem:$0x3FD2] =	sst s25  }
0xa7: {  	s6 =	sshll.u32 s26, $0x1;
	_ =	strace $0x80000046;
	[dreg:$0x1] =	wrdreg $0xFFFFFFFF  }
0xa8: {  	s28 =	simm.s32 $_size_execute0_lowered;
	s4 =	sadd.s32 s4, s6;
	[dreg:$0x0] =	wrdreg $0x0  }
0xa9: {  	s6 =	sshll.u32 s28, $0x1;
	[dreg:$0x2] =	wrdreg s4  }
0xaa: {  	[dreg:$0x3] =	wrdreg s6  }
0xab: {  	[dreg:$0x4] =	wrdreg $0xC0  }
0xac: {  	_ =	task [dreg:s8], $0x5FFFF  }
0xad: {  	[dreg:$0x1] =	wrdreg $0xFFFFFFFF  }
0xae: {  	[dreg:$0x0] =	wrdreg $0x60  }
0xaf: {  	[dreg:$0x2] =	wrdreg s2  }
0xb0: {  	[dreg:$0x3] =	wrdreg s18  }
0xb1: {  	[dreg:$0x4] =	wrdreg s24  }
0xb2: {  	[dreg:$0x5] =	wrdreg $0x191000  }
0xb3: {  	[dreg:$0x6] =	wrdreg $0x9  }
0xb4: {  	_ =	task.clear_ibuf [dreg:s8], $0x7FFFF;
	_ =	strace $0x90000046  }
0xb5: {  	s29 =	simm.s32 $0x9;
	_ =	strace $0x80000048  }
0xb6: {  	_ =	swait.ge [sflag:s29], $0x1  }
0xb7: {  	[sflag:s29] =	ssyncadd.s32 $0xFFFFFFFF  }
0xb8: {  	_ =	strace $0x90000048  }
0xb9: {  	_ =	sfence  }
0xba: {  	s30 =	sld [smem:$0x0];
	_ =	sdelay $0x2  }
0xbb: {  	s31 =	sshll.u32 s1, $0xD;
	s1 =	sshrl.u32 s1, $0x2  }
0xbc: {  	s3 =	sand.u32 $0x4000, s31;
	s1 =	sadd.s32 s1, s30  }
0xbd: {  	s0 =	sor.u32 s3, s0;
	s1 =	sshll.u32 s1, $0x11  }
0xbe: {  	s0 =	sor.u32 s1, s0  }
0xbf: {  	s0 =	sadd.s32 $0x8F2B, s0  }
0xc0: {  	[sflag:s0] =	ssyncadd.remote.s32 $0x1  }
0xc1: {  	_ =	sfence.sel $0xFFFF  }
0xc2: {  	[dreg:$0x0] =	wrdreg $0xFFFFFFFF;
	(pc) =	sbr.abs _section_cstart, $3  }
0xc3: {  	[dreg:$0x1] =	wrdreg $0xFFFFFFFF  }
0xc4: {  	_ =	task.clear_ibuf [dreg:s8], $0x2FFFF;
	_ =	strace $0x9FFFFFFF  }
0xc5: {  	(tm) =	ssettm $0x7FFFFFFF  }
tec
execute0_lowered:
.L_overlay_start_1:
0x0: {  	(tag) =	ssettag $0x1  }
0x1: {  	s0 =	rddreg [dreg:$0x0]  }
0x2: {  	s1 =	srdreg.scid;
	s2 =	rddreg [dreg:$0x2]  }
0x3: {  	s11 =	stileid.u32;
	s6 =	rddreg [dreg:$0x3]  }
0x4: {  	s4 =	simm.s32 $0x0;
	s29 =	simm.s32 $0x80;
	s30 =	simm.s32 $0x100  }
0x5: {  	s31 =	simm.s32 $0xC400;
	s1 =	sand.u32 $0x1, s1;
	s3 =	smul.u32 $0xC40, s11  }
0x6: {  	[smem:$0x7FF] =	sst s4;
	s7 =	smul.u32 $0x30D40, s11;
	s9 =	sshll.u32 s11, $0x1  }
0x7: {  	s21 =	smul.u32 $0x31000, s11;
	p0 =	sgt.u32 s11, $0x7;
	p1 =	slt.u32 s11, $0x8  }
0x8: {  	s11 =	simm.s32 $0x5;
	s5 =	smul.u32 $0xC400, s1;
	_ =	strace $0x80000047  }
0x9: {  	s25 =	ssub.s32 $0x2, s1;
	s1 =	sshll.u32 s1, $0x7;
	s7 =	sand.u32 $0x3FFF00, s7  }
0xa: {  	s8 =	sshrl.u32 s25, $0x1;
	s23 =	sshrl.u32 s21, $0x2;
	s5 =	sadd.s32 s3, s5  }
0xb: {  	s1 =	ssub.s32 s7, s1;
	s7 =	ssub.s32 s25, s8;
	s5 =	sshrl.u32 s5, $0x3  }
0xc: {  	s26 =	sadd.s32 $0x80, s1;
	s28 =	sadd.s32 $0x5C80, s1;
	s10 =	sadd.s32 $0xB880, s1  }
0xd: {  	s13 =	sadd.s32 $0x11480, s1;
	s14 =	sadd.s32 $0x17080, s1;
	s15 =	sadd.s32 $0x1CC80, s1  }
0xe: {  	s19 =	sadd.s32 $0x22880, s1;
	s20 =	sadd.s32 $0x28480, s1;
	s1 =	sadd.s32 $0x2E080, s1  }
0xf: {  	s2 =	sadd.s32 s5, s2;
	s5 =	sand.u32 $0x6, s9;
	s8 =	sshrl.u32 s26, $0x3  }
0x10: {  	s9 =	sshrl.u32 s28, $0x3;
	s10 =	sshrl.u32 s10, $0x3;
	s16 =	sshrl.u32 s14, $0x3  }
0x11: {  	s17 =	sshrl.u32 s15, $0x3;
	s1 =	sshrl.u32 s1, $0x3;
	s28 =	smax.u32 s7, $0x1  }
0x12: {  	s7 =	simm.s32 $0x7;
	s8 =	sadd.s32 s0, s8;
	[dreg:$0x12] =	wrdreg s28  }
0x13: {  	s14 =	simm.s32 $0x8;
	s12 =	sadd.s32 s0, s10;
	[dreg:$0x5] =	wrdreg s8  }
0x14: {  	s18 =	sadd.s32 s0, s17;
	s15 =	sadd.s32 $0x16A, s5;
	[dreg:$0x7] =	wrdreg s12  }
0x15: {  	s26 =	sadd.s32 $0x800, s2;
	s2 =	simm.s32 $0x1;
	[dreg:$0xa] =	wrdreg s18  }
0x16: {  	s10 =	simm.s32 $0x3;
	s8 =	sadd.s32 s0, s9;
	[dreg:$0x11] =	wrdreg s26  }
0x17: {  	s9 =	sshrl.u32 s20, $0x3;
	s12 =	simm.s32 $0x4;
	[dreg:$0x6] =	wrdreg s8  }
0x18: {  	s8 =	sshrl.u32 s13, $0x3;
	s22 =	sadd.s32 s0, s9;
	s13 =	simm.s32 $0x6  }
0x19: {  	s9 =	simm.s32 $0xA;
	s8 =	sadd.s32 s0, s8;
	[dreg:$0xc] =	wrdreg s22  }
0x1a: {  	[dreg:$0x8] =	wrdreg s8;
	s8 =	sadd.s32 s0, s16;
	s16 =	sadd.s32 s3, s6  }
0x1b: {  	[dreg:$0x9] =	wrdreg s8;
	s8 =	sshrl.u32 s19, $0x3;
	s24 =	sadd.s32 $0xC400, s16  }
0x1c: {  	s25 =	sadd.s32 $0x18800, s16;
	s20 =	sadd.s32 $0x24C00, s16;
	s21 =	sadd.s32 $0x31000, s16  }
0x1d: {  	s22 =	sadd.s32 $0x3D400, s16;
	s26 =	sadd.s32 $0x55C00, s16;
	[dreg:$0xf] =	wrdreg s24  }
0x1e: {  	s8 =	sadd.s32 s0, s8;
	s0 =	sadd.s32 s0, s1;
	[dreg:$0x10] =	wrdreg s25  }
0x1f: {  	s1 =	simm.s32 $0xF200;
	s24 =	simm.s32 $0x0;
	[dreg:$0xb] =	wrdreg s8  }
0x20: {  	[dreg:$0xd] =	wrdreg s0;
	s0 =	sadd.s32 s23, s6;
	s23 =	sadd.s32 $0x49800, s16  }
0x21: {  	v0 =	vimm.s32 $0x0;
	s6 =	simm.s32 $0x2;
	[dreg:$0xe] =	wrdreg s0;
	s0 =	sadd.s32 $0xFFF9E000, s0  }
0x22: {  	vm0 =	vmxor vm0, vm0;
	v1 =	vimm.s32 $0x1;
	v2 =	vlaneseq.u32;
	s8 =	simm.s32 $0x9;
	[dreg:$0x13] =	wrdreg s0;
	s0 =	simm.s32 $0xB  }
.LBB2_1:
0x23: {  	s17 =	rddreg [dreg:$0x5]  }
0x24: {  	[tilespmem:s31], [sflag:$0x1] =	stream.strided.gather [hbm4b:s17+s29], $0x2E00, s30, s29, $0x38;
	[tilespmem:$0x1F300] =	vst v63  }
0x25: {  	s18 =	simm.s32 $0x200;
	s17 =	simm.s32 $0x0  }
.LBB2_2:
0x26: {  	p2 =	sne.s32 s18, $0x30E00;
	[tilespmem:s17+$0x70] =	vst v0  }
0x27: {  	[tilespmem:s17+$0x0] =	vst v0  }
0x28: {  	[tilespmem:s17+$0x10] =	vst v0  }
.Ltmp0:
0x29: {  	[tilespmem:s17+$0x20] =	vst v0;
	(pc) =	sbr.rel @p2 .LBB2_2-.Ltmp0, $4  }
0x2a: {  	[tilespmem:s17+$0x30] =	vst v0  }
0x2b: {  	[tilespmem:s17+$0x40] =	vst v0  }
0x2c: {  	[tilespmem:s17+$0x50] =	vst v0  }
0x2d: {  	[tilespmem:s17+$0x60] =	vst v0;
	s17 =	sshra.s32 s18, $0x2;
	s18 =	sadd.s32 $0x200, s18  }
0x2e: {  	[tilespmem:s17+$0x70] =	vst v0  }
0x2f: {  	[tilespmem:s17+$0x0] =	vst v0  }
0x30: {  	[tilespmem:s17+$0x10] =	vst v0  }
0x31: {  	[tilespmem:s17+$0x20] =	vst v0  }
0x32: {  	[tilespmem:s17+$0x30] =	vst v0  }
0x33: {  	[tilespmem:s17+$0x40] =	vst v0  }
0x34: {  	[tilespmem:s17+$0x50] =	vst v0  }
0x35: {  	[tilespmem:s17+$0x60] =	vst v0;
	s19 =	rddreg [dreg:$0x1];
	s18 =	simm.s32 $0x19080  }
0x36: {  	[tilespmem:s18], [sflag:$0xB] =	stream.linear.gather [hbm4b:s19+s4], $0x80, $0x38;
	[tilespmem:$0x1F300] =	vst v63  }
0x37: {  	_ =	swait.ge [sflag:s0], $0x80  }
0x38: {  	[sflag:s0] =	ssyncset.done $0x0  }
0x39: {  	[sflag:s0] =	ssyncadd.s32 $0xFFFFFF80  }
0x3a: {  	_ =	swait.ge [sflag:s2], $0x2E00  }
0x3b: {  	[sflag:s2] =	ssyncset.done $0x0  }
0x3c: {  	s25 =	rddreg [dreg:$0x6];
	[sflag:s2] =	ssyncadd.s32 $0xFFFFD200  }
0x3d: {  	[tilespmem:s1], [sflag:$0x2] =	stream.strided.gather [hbm4b:s25+s29], $0x2E00, s30, s29, $0x38;
	[tilespmem:$0x1F300] =	vst v63  }
0x3e: {  	s25 =	simm.s32 $0xC4B0  }
0x3f: {  	v3 =	vld [tilespmem:s25+$0xB0]  }
0x40: {  	v4 =	vld [tilespmem:s25+$0xA0]  }
0x41: {  	v5 =	vld [tilespmem:s25+$0x90]  }
0x42: {  	v6 =	vld [tilespmem:s25+$0x80]  }
0x43: {  	v7 =	vld [tilespmem:s25+$0x70]  }
0x44: {  	v8 =	vld [tilespmem:s25+$0x60]  }
0x45: {  	v9 =	vld [tilespmem:s25+$0x50]  }
0x46: {  	v10 =	vld [tilespmem:s25+$0x40]  }
0x47: {  	v11 =	vld [tilespmem:s25+$0x30]  }
0x48: {  	v12 =	vld [tilespmem:s25+$0x20]  }
0x49: {  	v13 =	vld [tilespmem:s25+$0x10]  }
0x4a: {  	v14 =	vld [tilespmem:s25+$0x0]  }
0x4b: {  	v15 =	vld [tilespmem:s25+$0xFFFFFFF0]  }
0x4c: {  	v16 =	vld [tilespmem:s25+$0xFFFFFFE0]  }
0x4d: {  	v17 =	vld [tilespmem:s25+$0xFFFFFFD0]  }
0x4e: {  	v18 =	vld [tilespmem:s25+$0xFFFFFF50]  }
0x4f: {  	p2 =	sle.u32 s5, $0x0;
	vm1 =	vmmov vm0;
	v19 =	vld [tilespmem:s25+$0xFFFFFF60]  }
0x50: {  	vm2 =	vmmov vm0;
	vm1 =	vmneg @p2 vm1;
	p2 =	sle.u32 s5, $0x1;
	v20 =	vld [tilespmem:s25+$0xFFFFFF70]  }
0x51: {  	vm3 =	vmmov vm0;
	vm2 =	vmneg @p2 vm2;
	p2 =	sle.u32 s5, $0x2;
	v21 =	vld [tilespmem:s25+$0xFFFFFF80]  }
0x52: {  	vm4 =	vmmov vm0;
	vm3 =	vmneg @p2 vm3;
	p2 =	sle.u32 s5, $0x3;
	v22 =	vld [tilespmem:s25+$0xFFFFFF90]  }
0x53: {  	vm5 =	vmmov vm0;
	vm4 =	vmneg @p2 vm4;
	p2 =	sle.u32 s5, $0x4;
	v23 =	vld [tilespmem:s25+$0xFFFFFFA0]  }
0x54: {  	vm6 =	vmmov vm0;
	vm5 =	vmneg @p2 vm5;
	p2 =	sle.u32 s5, $0x5;
	v24 =	vld [tilespmem:s25+$0xFFFFFFB0]  }
0x55: {  	vm6 =	vmneg @p2 vm6;
	v25 =	vld [tilespmem:s25+$0xFFFFFFC0]  }
0x56: {  	[tilespmem:v18+s4+$0x0] =	vst.idx.add.s32.msk vm1, v1  }
0x57: {  	[tilespmem:v19+s4+$0x0] =	vst.idx.add.s32.msk vm2, v1  }
0x58: {  	[tilespmem:v20+s4+$0x0] =	vst.idx.add.s32.msk vm3, v1  }
0x59: {  	[tilespmem:v21+s4+$0x0] =	vst.idx.add.s32.msk vm4, v1  }
0x5a: {  	[tilespmem:v22+s4+$0x0] =	vst.idx.add.s32.msk vm5, v1  }
0x5b: {  	[tilespmem:v23+s4+$0x0] =	vst.idx.add.s32.msk vm6, v1  }
0x5c: {  	[tilespmem:v24+s4+$0x0] =	vst.idx.add.s32.msk $0xffff, v1  }
0x5d: {  	[tilespmem:v25+s4+$0x0] =	vst.idx.add.s32.msk $0xffff, v1  }
0x5e: {  	[tilespmem:v17+s4+$0x0] =	vst.idx.add.s32.msk $0xffff, v1  }
0x5f: {  	[tilespmem:v16+s4+$0x0] =	vst.idx.add.s32.msk $0xffff, v1  }
0x60: {  	[tilespmem:v15+s4+$0x0] =	vst.idx.add.s32.msk $0xffff, v1  }
0x61: {  	[tilespmem:v14+s4+$0x0] =	vst.idx.add.s32.msk $0xffff, v1  }
0x62: {  	[tilespmem:v13+s4+$0x0] =	vst.idx.add.s32.msk $0xffff, v1  }
0x63: {  	[tilespmem:v12+s4+$0x0] =	vst.idx.add.s32.msk $0xffff, v1  }
0x64: {  	[tilespmem:v11+s4+$0x0] =	vst.idx.add.s32.msk $0xffff, v1  }
0x65: {  	[tilespmem:v10+s4+$0x0] =	vst.idx.add.s32.msk $0xffff, v1  }
0x66: {  	[tilespmem:v9+s4+$0x0] =	vst.idx.add.s32.msk $0xffff, v1  }
0x67: {  	[tilespmem:v8+s4+$0x0] =	vst.idx.add.s32.msk $0xffff, v1  }
0x68: {  	[tilespmem:v7+s4+$0x0] =	vst.idx.add.s32.msk $0xffff, v1  }
0x69: {  	[tilespmem:v6+s4+$0x0] =	vst.idx.add.s32.msk $0xffff, v1  }
0x6a: {  	[tilespmem:v5+s4+$0x0] =	vst.idx.add.s32.msk $0xffff, v1  }
0x6b: {  	s28 =	simm.s32 $0x1C;
	[tilespmem:v4+s4+$0x0] =	vst.idx.add.s32.msk $0xffff, v1  }
.LBB2_4:
0x6c: {  	p2 =	sne.s32 s28, $0x2CE  }
0x6d: {  	[tilespmem:v3+s4+$0x0] =	vst.idx.add.s32.msk $0xffff, v1;
	s25 =	sadd.s32 $0x170, s25;
	s17 =	smov.u32 s28;
	s28 =	sadd.s32 $0x17, s28  }
0x6e: {  	v3 =	vld [tilespmem:s25+$0xB0]  }
0x6f: {  	v4 =	vld [tilespmem:s25+$0xA0]  }
0x70: {  	v5 =	vld [tilespmem:s25+$0x90]  }
0x71: {  	v6 =	vld [tilespmem:s25+$0x80]  }
0x72: {  	v7 =	vld [tilespmem:s25+$0x70]  }
0x73: {  	v8 =	vld [tilespmem:s25+$0x60]  }
0x74: {  	v9 =	vld [tilespmem:s25+$0x50]  }
0x75: {  	v10 =	vld [tilespmem:s25+$0x40]  }
0x76: {  	v11 =	vld [tilespmem:s25+$0x30]  }
0x77: {  	v12 =	vld [tilespmem:s25+$0x20]  }
0x78: {  	v13 =	vld [tilespmem:s25+$0x10]  }
0x79: {  	v14 =	vld [tilespmem:s25+$0x0]  }
0x7a: {  	v15 =	vld [tilespmem:s25+$0xFFFFFFF0]  }
0x7b: {  	v16 =	vld [tilespmem:s25+$0xFFFFFFE0]  }
0x7c: {  	v17 =	vld [tilespmem:s25+$0xFFFFFFD0]  }
0x7d: {  	s18 =	sadd.s32 $0xFFFFFFFB, s17;
	v18 =	vld [tilespmem:s25+$0xFFFFFF50]  }
0x7e: {  	vm1 =	vmmov vm0;
	s19 =	sadd.s32 $0xFFFFFFFC, s17;
	p3 =	sge.u32 s18, s5;
	v19 =	vld [tilespmem:s25+$0xFFFFFF60]  }
0x7f: {  	vm2 =	vmmov vm0;
	s18 =	sadd.s32 $0xFFFFFFFD, s17;
	vm1 =	vmneg @p3 vm1;
	p3 =	sge.u32 s19, s5;
	v20 =	vld [tilespmem:s25+$0xFFFFFF70]  }
0x80: {  	vm3 =	vmmov vm0;
	s19 =	sadd.s32 $0xFFFFFFFE, s17;
	vm2 =	vmneg @p3 vm2;
	p3 =	sge.u32 s18, s5;
	v21 =	vld [tilespmem:s25+$0xFFFFFF80]  }
0x81: {  	vm4 =	vmmov vm0;
	s18 =	sadd.s32 $0xFFFFFFFF, s17;
	vm3 =	vmneg @p3 vm3;
	p3 =	sge.u32 s19, s5;
	v22 =	vld [tilespmem:s25+$0xFFFFFF90]  }
0x82: {  	vm5 =	vmmov vm0;
	vm4 =	vmneg @p3 vm4;
	p3 =	sge.u32 s18, s5;
	v23 =	vld [tilespmem:s25+$0xFFFFFFA0]  }
0x83: {  	vm6 =	vmmov vm0;
	vm5 =	vmneg @p3 vm5;
	p3 =	sge.u32 s17, s5;
	v24 =	vld [tilespmem:s25+$0xFFFFFFB0]  }
0x84: {  	vm6 =	vmneg @p3 vm6;
	v25 =	vld [tilespmem:s25+$0xFFFFFFC0]  }
0x85: {  	[tilespmem:v18+s4+$0x0] =	vst.idx.add.s32.msk vm1, v1  }
0x86: {  	[tilespmem:v19+s4+$0x0] =	vst.idx.add.s32.msk vm2, v1  }
0x87: {  	[tilespmem:v20+s4+$0x0] =	vst.idx.add.s32.msk vm3, v1  }
0x88: {  	[tilespmem:v21+s4+$0x0] =	vst.idx.add.s32.msk vm4, v1  }
0x89: {  	[tilespmem:v22+s4+$0x0] =	vst.idx.add.s32.msk vm5, v1  }
0x8a: {  	[tilespmem:v23+s4+$0x0] =	vst.idx.add.s32.msk vm6, v1  }
0x8b: {  	[tilespmem:v24+s4+$0x0] =	vst.idx.add.s32.msk $0xffff, v1  }
0x8c: {  	[tilespmem:v25+s4+$0x0] =	vst.idx.add.s32.msk $0xffff, v1  }
0x8d: {  	[tilespmem:v17+s4+$0x0] =	vst.idx.add.s32.msk $0xffff, v1  }
0x8e: {  	[tilespmem:v16+s4+$0x0] =	vst.idx.add.s32.msk $0xffff, v1  }
0x8f: {  	[tilespmem:v15+s4+$0x0] =	vst.idx.add.s32.msk $0xffff, v1  }
0x90: {  	[tilespmem:v14+s4+$0x0] =	vst.idx.add.s32.msk $0xffff, v1  }
0x91: {  	[tilespmem:v13+s4+$0x0] =	vst.idx.add.s32.msk $0xffff, v1  }
0x92: {  	[tilespmem:v12+s4+$0x0] =	vst.idx.add.s32.msk $0xffff, v1  }
0x93: {  	[tilespmem:v11+s4+$0x0] =	vst.idx.add.s32.msk $0xffff, v1  }
0x94: {  	[tilespmem:v10+s4+$0x0] =	vst.idx.add.s32.msk $0xffff, v1  }
0x95: {  	[tilespmem:v9+s4+$0x0] =	vst.idx.add.s32.msk $0xffff, v1  }
.Ltmp1:
0x96: {  	[tilespmem:v8+s4+$0x0] =	vst.idx.add.s32.msk $0xffff, v1;
	(pc) =	sbr.rel @p2 .LBB2_4-.Ltmp1, $4  }
0x97: {  	[tilespmem:v7+s4+$0x0] =	vst.idx.add.s32.msk $0xffff, v1  }
0x98: {  	[tilespmem:v6+s4+$0x0] =	vst.idx.add.s32.msk $0xffff, v1  }
0x99: {  	[tilespmem:v5+s4+$0x0] =	vst.idx.add.s32.msk $0xffff, v1  }
0x9a: {  	[tilespmem:v4+s4+$0x0] =	vst.idx.add.s32.msk $0xffff, v1  }
0x9b: {  	_ =	sdelay $0x3  }
0x9c: {  	[tilespmem:v3+s4+$0x0] =	vst.idx.add.s32.msk $0xffff, v1  }
0x9d: {  	_ =	swait.ge [sflag:s6], $0x2E00  }
0x9e: {  	[sflag:s6] =	ssyncset.done $0x0  }
0x9f: {  	s25 =	simm.s32 $0xF2B0;
	s17 =	rddreg [dreg:$0x7];
	[sflag:s6] =	ssyncadd.s32 $0xFFFFD200  }
0xa0: {  	[tilespmem:s31], [sflag:$0x1] =	stream.strided.gather [hbm4b:s17+s29], $0x2E00, s30, s29, $0x38;
	[tilespmem:$0x1F300] =	vst v63  }
0xa1: {  	v3 =	vld [tilespmem:s25+$0xB0]  }
0xa2: {  	v4 =	vld [tilespmem:s25+$0xA0]  }
0xa3: {  	v5 =	vld [tilespmem:s25+$0x90]  }
0xa4: {  	v6 =	vld [tilespmem:s25+$0x80]  }
0xa5: {  	s19 =	simm.s32 $0x0;
	v7 =	vld [tilespmem:s25+$0x70]  }
0xa6: {  	s17 =	sand.u32 $0x3FF0, s19;
	v8 =	vld [tilespmem:s25+$0x60]  }
0xa7: {  	v9 =	vld [tilespmem:s17+$0xF300]  }
0xa8: {  	v10 =	vld [tilespmem:s25+$0x40]  }
0xa9: {  	v11 =	vld [tilespmem:s25+$0x30]  }
0xaa: {  	v12 =	vld [tilespmem:s25+$0x20]  }
0xab: {  	v13 =	vld [tilespmem:s25+$0x10]  }
0xac: {  	v14 =	vld [tilespmem:s25+$0x0]  }
0xad: {  	v15 =	vld [tilespmem:s25+$0xFFFFFFF0]  }
0xae: {  	v16 =	vld [tilespmem:s25+$0xFFFFFFE0]  }
0xaf: {  	v17 =	vld [tilespmem:s17+$0xF280]  }
0xb0: {  	v18 =	vld [tilespmem:s25+$0xFFFFFF50]  }
0xb1: {  	v19 =	vld [tilespmem:s25+$0xFFFFFF60]  }
0xb2: {  	v20 =	vld [tilespmem:s25+$0xFFFFFF70]  }
0xb3: {  	v21 =	vld [tilespmem:s25+$0xFFFFFF80]  }
0xb4: {  	v22 =	vld [tilespmem:s25+$0xFFFFFF90]  }
0xb5: {  	v23 =	vld [tilespmem:s25+$0xFFFFFFA0]  }
0xb6: {  	v24 =	vld [tilespmem:s25+$0xFFFFFFB0]  }
0xb7: {  	v25 =	vld [tilespmem:s25+$0xFFFFFFC0]  }
0xb8: {  	[tilespmem:v18+s4+$0x0] =	vst.idx.add.s32.msk $0xffff, v1  }
0xb9: {  	[tilespmem:v19+s4+$0x0] =	vst.idx.add.s32.msk $0xffff, v1  }
0xba: {  	[tilespmem:v20+s4+$0x0] =	vst.idx.add.s32.msk $0xffff, v1  }
0xbb: {  	[tilespmem:v21+s4+$0x0] =	vst.idx.add.s32.msk $0xffff, v1  }
0xbc: {  	[tilespmem:v22+s4+$0x0] =	vst.idx.add.s32.msk $0xffff, v1  }
0xbd: {  	[tilespmem:v23+s4+$0x0] =	vst.idx.add.s32.msk $0xffff, v1  }
0xbe: {  	[tilespmem:v24+s4+$0x0] =	vst.idx.add.s32.msk $0xffff, v1  }
0xbf: {  	[tilespmem:v25+s4+$0x0] =	vst.idx.add.s32.msk $0xffff, v1  }
0xc0: {  	[tilespmem:v17+s4+$0x0] =	vst.idx.add.s32.msk $0xffff, v1  }
0xc1: {  	[tilespmem:v16+s4+$0x0] =	vst.idx.add.s32.msk $0xffff, v1  }
0xc2: {  	[tilespmem:v15+s4+$0x0] =	vst.idx.add.s32.msk $0xffff, v1  }
0xc3: {  	[tilespmem:v14+s4+$0x0] =	vst.idx.add.s32.msk $0xffff, v1  }
0xc4: {  	[tilespmem:v13+s4+$0x0] =	vst.idx.add.s32.msk $0xffff, v1  }
0xc5: {  	[tilespmem:v12+s4+$0x0] =	vst.idx.add.s32.msk $0xffff, v1  }
0xc6: {  	[tilespmem:v11+s4+$0x0] =	vst.idx.add.s32.msk $0xffff, v1  }
0xc7: {  	[tilespmem:v10+s4+$0x0] =	vst.idx.add.s32.msk $0xffff, v1  }
0xc8: {  	[tilespmem:v9+s4+$0x0] =	vst.idx.add.s32.msk $0xffff, v1  }
0xc9: {  	[tilespmem:v8+s4+$0x0] =	vst.idx.add.s32.msk $0xffff, v1  }
0xca: {  	[tilespmem:v7+s4+$0x0] =	vst.idx.add.s32.msk $0xffff, v1  }
0xcb: {  	[tilespmem:v6+s4+$0x0] =	vst.idx.add.s32.msk $0xffff, v1  }
0xcc: {  	[tilespmem:v5+s4+$0x0] =	vst.idx.add.s32.msk $0xffff, v1  }
0xcd: {  	s28 =	simm.s32 $0x170;
	[tilespmem:v4+s4+$0x0] =	vst.idx.add.s32.msk $0xffff, v1  }
.LBB2_6:
0xce: {  	p2 =	sne.s32 s28, $0x2C90  }
0xcf: {  	[tilespmem:v3+s4+$0x0] =	vst.idx.add.s32.msk $0xffff, v1;
	s25 =	sadd.s32 $0x170, s25;
	s17 =	smov.u32 s28;
	s28 =	sadd.s32 $0x170, s28  }
0xd0: {  	v3 =	vld [tilespmem:s25+$0xB0]  }
0xd1: {  	v4 =	vld [tilespmem:s25+$0xA0]  }
0xd2: {  	v5 =	vld [tilespmem:s25+$0x90]  }
0xd3: {  	v6 =	vld [tilespmem:s25+$0x80]  }
0xd4: {  	v7 =	vld [tilespmem:s25+$0x70]  }
0xd5: {  	s17 =	sand.u32 $0x3FF0, s17;
	v8 =	vld [tilespmem:s25+$0x60]  }
0xd6: {  	v9 =	vld [tilespmem:s17+$0xF300]  }
0xd7: {  	v10 =	vld [tilespmem:s25+$0x40]  }
0xd8: {  	v11 =	vld [tilespmem:s25+$0x30]  }
0xd9: {  	v12 =	vld [tilespmem:s25+$0x20]  }
0xda: {  	v13 =	vld [tilespmem:s25+$0x10]  }
0xdb: {  	v14 =	vld [tilespmem:s25+$0x0]  }
0xdc: {  	v15 =	vld [tilespmem:s25+$0xFFFFFFF0]  }
0xdd: {  	v16 =	vld [tilespmem:s25+$0xFFFFFFE0]  }
0xde: {  	v17 =	vld [tilespmem:s17+$0xF280]  }
0xdf: {  	v18 =	vld [tilespmem:s25+$0xFFFFFF50]  }
0xe0: {  	v19 =	vld [tilespmem:s25+$0xFFFFFF60]  }
0xe1: {  	v20 =	vld [tilespmem:s25+$0xFFFFFF70]  }
0xe2: {  	v21 =	vld [tilespmem:s25+$0xFFFFFF80]  }
0xe3: {  	v22 =	vld [tilespmem:s25+$0xFFFFFF90]  }
0xe4: {  	v23 =	vld [tilespmem:s25+$0xFFFFFFA0]  }
0xe5: {  	v24 =	vld [tilespmem:s25+$0xFFFFFFB0]  }
0xe6: {  	v25 =	vld [tilespmem:s25+$0xFFFFFFC0]  }
0xe7: {  	[tilespmem:v18+s4+$0x0] =	vst.idx.add.s32.msk $0xffff, v1  }
0xe8: {  	[tilespmem:v19+s4+$0x0] =	vst.idx.add.s32.msk $0xffff, v1  }
0xe9: {  	[tilespmem:v20+s4+$0x0] =	vst.idx.add.s32.msk $0xffff, v1  }
0xea: {  	[tilespmem:v21+s4+$0x0] =	vst.idx.add.s32.msk $0xffff, v1  }
0xeb: {  	[tilespmem:v22+s4+$0x0] =	vst.idx.add.s32.msk $0xffff, v1  }
0xec: {  	[tilespmem:v23+s4+$0x0] =	vst.idx.add.s32.msk $0xffff, v1  }
0xed: {  	[tilespmem:v24+s4+$0x0] =	vst.idx.add.s32.msk $0xffff, v1  }
0xee: {  	[tilespmem:v25+s4+$0x0] =	vst.idx.add.s32.msk $0xffff, v1  }
0xef: {  	[tilespmem:v17+s4+$0x0] =	vst.idx.add.s32.msk $0xffff, v1  }
0xf0: {  	[tilespmem:v16+s4+$0x0] =	vst.idx.add.s32.msk $0xffff, v1  }
0xf1: {  	[tilespmem:v15+s4+$0x0] =	vst.idx.add.s32.msk $0xffff, v1  }
0xf2: {  	[tilespmem:v14+s4+$0x0] =	vst.idx.add.s32.msk $0xffff, v1  }
0xf3: {  	[tilespmem:v13+s4+$0x0] =	vst.idx.add.s32.msk $0xffff, v1  }
0xf4: {  	[tilespmem:v12+s4+$0x0] =	vst.idx.add.s32.msk $0xffff, v1  }
0xf5: {  	[tilespmem:v11+s4+$0x0] =	vst.idx.add.s32.msk $0xffff, v1  }
0xf6: {  	[tilespmem:v10+s4+$0x0] =	vst.idx.add.s32.msk $0xffff, v1  }
0xf7: {  	[tilespmem:v9+s4+$0x0] =	vst.idx.add.s32.msk $0xffff, v1  }
.Ltmp2:
0xf8: {  	[tilespmem:v8+s4+$0x0] =	vst.idx.add.s32.msk $0xffff, v1;
	(pc) =	sbr.rel @p2 .LBB2_6-.Ltmp2, $4  }
0xf9: {  	[tilespmem:v7+s4+$0x0] =	vst.idx.add.s32.msk $0xffff, v1  }
0xfa: {  	[tilespmem:v6+s4+$0x0] =	vst.idx.add.s32.msk $0xffff, v1  }
0xfb: {  	[tilespmem:v5+s4+$0x0] =	vst.idx.add.s32.msk $0xffff, v1  }
0xfc: {  	[tilespmem:v4+s4+$0x0] =	vst.idx.add.s32.msk $0xffff, v1  }
0xfd: {  	_ =	sdelay $0x3  }
0xfe: {  	[tilespmem:v3+s4+$0x0] =	vst.idx.add.s32.msk $0xffff, v1  }
0xff: {  	_ =	swait.ge [sflag:s2], $0x2E00  }
0x100: {  	[sflag:s2] =	ssyncset.done $0x0  }
0x101: {  	s25 =	simm.s32 $0xC4B0;
	s17 =	rddreg [dreg:$0x8];
	[sflag:s2] =	ssyncadd.s32 $0xFFFFD200  }
0x102: {  	[tilespmem:s1], [sflag:$0x2] =	stream.strided.gather [hbm4b:s17+s29], $0x2E00, s30, s29, $0x38;
	[tilespmem:$0x1F300] =	vst v63  }
0x103: {  	v3 =	vld [tilespmem:s25+$0xB0]  }
0x104: {  	v4 =	vld [tilespmem:s25+$0xA0]  }
0x105: {  	v5 =	vld [tilespmem:s25+$0x90]  }
0x106: {  	v6 =	vld [tilespmem:s25+$0x80]  }
0x107: {  	s19 =	simm.s32 $0x0;
	v7 =	vld [tilespmem:s25+$0x70]  }
0x108: {  	s17 =	sand.u32 $0x3FF0, s19;
	v8 =	vld [tilespmem:s25+$0x60]  }
0x109: {  	v9 =	vld [tilespmem:s17+$0xC500]  }
0x10a: {  	v10 =	vld [tilespmem:s25+$0x40]  }
0x10b: {  	v11 =	vld [tilespmem:s25+$0x30]  }
0x10c: {  	v12 =	vld [tilespmem:s25+$0x20]  }
0x10d: {  	v13 =	vld [tilespmem:s25+$0x10]  }
0x10e: {  	v14 =	vld [tilespmem:s25+$0x0]  }
0x10f: {  	v15 =	vld [tilespmem:s25+$0xFFFFFFF0]  }
0x110: {  	v16 =	vld [tilespmem:s25+$0xFFFFFFE0]  }
0x111: {  	v17 =	vld [tilespmem:s17+$0xC480]  }
0x112: {  	v18 =	vld [tilespmem:s25+$0xFFFFFF50]  }
0x113: {  	v19 =	vld [tilespmem:s25+$0xFFFFFF60]  }
0x114: {  	v20 =	vld [tilespmem:s25+$0xFFFFFF70]  }
0x115: {  	v21 =	vld [tilespmem:s25+$0xFFFFFF80]  }
0x116: {  	v22 =	vld [tilespmem:s25+$0xFFFFFF90]  }
0x117: {  	v23 =	vld [tilespmem:s25+$0xFFFFFFA0]  }
0x118: {  	v24 =	vld [tilespmem:s25+$0xFFFFFFB0]  }
0x119: {  	v25 =	vld [tilespmem:s25+$0xFFFFFFC0]  }
0x11a: {  	[tilespmem:v18+s4+$0x0] =	vst.idx.add.s32.msk $0xffff, v1  }
0x11b: {  	[tilespmem:v19+s4+$0x0] =	vst.idx.add.s32.msk $0xffff, v1  }
0x11c: {  	[tilespmem:v20+s4+$0x0] =	vst.idx.add.s32.msk $0xffff, v1  }
0x11d: {  	[tilespmem:v21+s4+$0x0] =	vst.idx.add.s32.msk $0xffff, v1  }
0x11e: {  	[tilespmem:v22+s4+$0x0] =	vst.idx.add.s32.msk $0xffff, v1  }
0x11f: {  	[tilespmem:v23+s4+$0x0] =	vst.idx.add.s32.msk $0xffff, v1  }
0x120: {  	[tilespmem:v24+s4+$0x0] =	vst.idx.add.s32.msk $0xffff, v1  }
0x121: {  	[tilespmem:v25+s4+$0x0] =	vst.idx.add.s32.msk $0xffff, v1  }
0x122: {  	[tilespmem:v17+s4+$0x0] =	vst.idx.add.s32.msk $0xffff, v1  }
0x123: {  	[tilespmem:v16+s4+$0x0] =	vst.idx.add.s32.msk $0xffff, v1  }
0x124: {  	[tilespmem:v15+s4+$0x0] =	vst.idx.add.s32.msk $0xffff, v1  }
0x125: {  	[tilespmem:v14+s4+$0x0] =	vst.idx.add.s32.msk $0xffff, v1  }
0x126: {  	[tilespmem:v13+s4+$0x0] =	vst.idx.add.s32.msk $0xffff, v1  }
0x127: {  	[tilespmem:v12+s4+$0x0] =	vst.idx.add.s32.msk $0xffff, v1  }
0x128: {  	[tilespmem:v11+s4+$0x0] =	vst.idx.add.s32.msk $0xffff, v1  }
0x129: {  	[tilespmem:v10+s4+$0x0] =	vst.idx.add.s32.msk $0xffff, v1  }
0x12a: {  	[tilespmem:v9+s4+$0x0] =	vst.idx.add.s32.msk $0xffff, v1  }
0x12b: {  	[tilespmem:v8+s4+$0x0] =	vst.idx.add.s32.msk $0xffff, v1  }
0x12c: {  	[tilespmem:v7+s4+$0x0] =	vst.idx.add.s32.msk $0xffff, v1  }
0x12d: {  	[tilespmem:v6+s4+$0x0] =	vst.idx.add.s32.msk $0xffff, v1  }
0x12e: {  	[tilespmem:v5+s4+$0x0] =	vst.idx.add.s32.msk $0xffff, v1  }
0x12f: {  	s28 =	simm.s32 $0x170;
	[tilespmem:v4+s4+$0x0] =	vst.idx.add.s32.msk $0xffff, v1  }
.LBB2_8:
0x130: {  	p2 =	sne.s32 s28, $0x2C90  }
0x131: {  	[tilespmem:v3+s4+$0x0] =	vst.idx.add.s32.msk $0xffff, v1;
	s25 =	sadd.s32 $0x170, s25;
	s17 =	smov.u32 s28;
	s28 =	sadd.s32 $0x170, s28  }
0x132: {  	v3 =	vld [tilespmem:s25+$0xB0]  }
0x133: {  	v4 =	vld [tilespmem:s25+$0xA0]  }
0x134: {  	v5 =	vld [tilespmem:s25+$0x90]  }
0x135: {  	v6 =	vld [tilespmem:s25+$0x80]  }
0x136: {  	v7 =	vld [tilespmem:s25+$0x70]  }
0x137: {  	s17 =	sand.u32 $0x3FF0, s17;
	v8 =	vld [tilespmem:s25+$0x60]  }
0x138: {  	v9 =	vld [tilespmem:s17+$0xC500]  }
0x139: {  	v10 =	vld [tilespmem:s25+$0x40]  }
0x13a: {  	v11 =	vld [tilespmem:s25+$0x30]  }
0x13b: {  	v12 =	vld [tilespmem:s25+$0x20]  }
0x13c: {  	v13 =	vld [tilespmem:s25+$0x10]  }
0x13d: {  	v14 =	vld [tilespmem:s25+$0x0]  }
0x13e: {  	v15 =	vld [tilespmem:s25+$0xFFFFFFF0]  }
0x13f: {  	v16 =	vld [tilespmem:s25+$0xFFFFFFE0]  }
0x140: {  	v17 =	vld [tilespmem:s17+$0xC480]  }
0x141: {  	v18 =	vld [tilespmem:s25+$0xFFFFFF50]  }
0x142: {  	v19 =	vld [tilespmem:s25+$0xFFFFFF60]  }
0x143: {  	v20 =	vld [tilespmem:s25+$0xFFFFFF70]  }
0x144: {  	v21 =	vld [tilespmem:s25+$0xFFFFFF80]  }
0x145: {  	v22 =	vld [tilespmem:s25+$0xFFFFFF90]  }
0x146: {  	v23 =	vld [tilespmem:s25+$0xFFFFFFA0]  }
0x147: {  	v24 =	vld [tilespmem:s25+$0xFFFFFFB0]  }
0x148: {  	v25 =	vld [tilespmem:s25+$0xFFFFFFC0]  }
0x149: {  	[tilespmem:v18+s4+$0x0] =	vst.idx.add.s32.msk $0xffff, v1  }
0x14a: {  	[tilespmem:v19+s4+$0x0] =	vst.idx.add.s32.msk $0xffff, v1  }
0x14b: {  	[tilespmem:v20+s4+$0x0] =	vst.idx.add.s32.msk $0xffff, v1  }
0x14c: {  	[tilespmem:v21+s4+$0x0] =	vst.idx.add.s32.msk $0xffff, v1  }
0x14d: {  	[tilespmem:v22+s4+$0x0] =	vst.idx.add.s32.msk $0xffff, v1  }
0x14e: {  	[tilespmem:v23+s4+$0x0] =	vst.idx.add.s32.msk $0xffff, v1  }
0x14f: {  	[tilespmem:v24+s4+$0x0] =	vst.idx.add.s32.msk $0xffff, v1  }
0x150: {  	[tilespmem:v25+s4+$0x0] =	vst.idx.add.s32.msk $0xffff, v1  }
0x151: {  	[tilespmem:v17+s4+$0x0] =	vst.idx.add.s32.msk $0xffff, v1  }
0x152: {  	[tilespmem:v16+s4+$0x0] =	vst.idx.add.s32.msk $0xffff, v1  }
0x153: {  	[tilespmem:v15+s4+$0x0] =	vst.idx.add.s32.msk $0xffff, v1  }
0x154: {  	[tilespmem:v14+s4+$0x0] =	vst.idx.add.s32.msk $0xffff, v1  }
0x155: {  	[tilespmem:v13+s4+$0x0] =	vst.idx.add.s32.msk $0xffff, v1  }
0x156: {  	[tilespmem:v12+s4+$0x0] =	vst.idx.add.s32.msk $0xffff, v1  }
0x157: {  	[tilespmem:v11+s4+$0x0] =	vst.idx.add.s32.msk $0xffff, v1  }
0x158: {  	[tilespmem:v10+s4+$0x0] =	vst.idx.add.s32.msk $0xffff, v1  }
0x159: {  	[tilespmem:v9+s4+$0x0] =	vst.idx.add.s32.msk $0xffff, v1  }
.Ltmp3:
0x15a: {  	[tilespmem:v8+s4+$0x0] =	vst.idx.add.s32.msk $0xffff, v1;
	(pc) =	sbr.rel @p2 .LBB2_8-.Ltmp3, $4  }
0x15b: {  	[tilespmem:v7+s4+$0x0] =	vst.idx.add.s32.msk $0xffff, v1  }
0x15c: {  	[tilespmem:v6+s4+$0x0] =	vst.idx.add.s32.msk $0xffff, v1  }
0x15d: {  	[tilespmem:v5+s4+$0x0] =	vst.idx.add.s32.msk $0xffff, v1  }
0x15e: {  	[tilespmem:v4+s4+$0x0] =	vst.idx.add.s32.msk $0xffff, v1  }
0x15f: {  	_ =	sdelay $0x3  }
0x160: {  	[tilespmem:v3+s4+$0x0] =	vst.idx.add.s32.msk $0xffff, v1  }
0x161: {  	_ =	swait.ge [sflag:s6], $0x2E00  }
0x162: {  	[sflag:s6] =	ssyncset.done $0x0  }
0x163: {  	s25 =	simm.s32 $0xF2B0;
	s17 =	rddreg [dreg:$0x9];
	[sflag:s6] =	ssyncadd.s32 $0xFFFFD200  }
0x164: {  	[tilespmem:s31], [sflag:$0x1] =	stream.strided.gather [hbm4b:s17+s29], $0x2E00, s30, s29, $0x38;
	[tilespmem:$0x1F300] =	vst v63  }
0x165: {  	v3 =	vld [tilespmem:s25+$0xB0]  }
0x166: {  	v4 =	vld [tilespmem:s25+$0xA0]  }
0x167: {  	v5 =	vld [tilespmem:s25+$0x90]  }
0x168: {  	v6 =	vld [tilespmem:s25+$0x80]  }
0x169: {  	s19 =	simm.s32 $0x0;
	v7 =	vld [tilespmem:s25+$0x70]  }
0x16a: {  	s17 =	sand.u32 $0x3FF0, s19;
	v8 =	vld [tilespmem:s25+$0x60]  }
0x16b: {  	v9 =	vld [tilespmem:s17+$0xF300]  }
0x16c: {  	v10 =	vld [tilespmem:s25+$0x40]  }
0x16d: {  	v11 =	vld [tilespmem:s25+$0x30]  }
0x16e: {  	v12 =	vld [tilespmem:s25+$0x20]  }
0x16f: {  	v13 =	vld [tilespmem:s25+$0x10]  }
0x170: {  	v14 =	vld [tilespmem:s25+$0x0]  }
0x171: {  	v15 =	vld [tilespmem:s25+$0xFFFFFFF0]  }
0x172: {  	v16 =	vld [tilespmem:s25+$0xFFFFFFE0]  }
0x173: {  	v17 =	vld [tilespmem:s17+$0xF280]  }
0x174: {  	v18 =	vld [tilespmem:s25+$0xFFFFFF50]  }
0x175: {  	v19 =	vld [tilespmem:s25+$0xFFFFFF60]  }
0x176: {  	v20 =	vld [tilespmem:s25+$0xFFFFFF70]  }
0x177: {  	v21 =	vld [tilespmem:s25+$0xFFFFFF80]  }
0x178: {  	v22 =	vld [tilespmem:s25+$0xFFFFFF90]  }
0x179: {  	v23 =	vld [tilespmem:s25+$0xFFFFFFA0]  }
0x17a: {  	v24 =	vld [tilespmem:s25+$0xFFFFFFB0]  }
0x17b: {  	v25 =	vld [tilespmem:s25+$0xFFFFFFC0]  }
0x17c: {  	[tilespmem:v18+s4+$0x0] =	vst.idx.add.s32.msk $0xffff, v1  }
0x17d: {  	[tilespmem:v19+s4+$0x0] =	vst.idx.add.s32.msk $0xffff, v1  }
0x17e: {  	[tilespmem:v20+s4+$0x0] =	vst.idx.add.s32.msk $0xffff, v1  }
0x17f: {  	[tilespmem:v21+s4+$0x0] =	vst.idx.add.s32.msk $0xffff, v1  }
0x180: {  	[tilespmem:v22+s4+$0x0] =	vst.idx.add.s32.msk $0xffff, v1  }
0x181: {  	[tilespmem:v23+s4+$0x0] =	vst.idx.add.s32.msk $0xffff, v1  }
0x182: {  	[tilespmem:v24+s4+$0x0] =	vst.idx.add.s32.msk $0xffff, v1  }
0x183: {  	[tilespmem:v25+s4+$0x0] =	vst.idx.add.s32.msk $0xffff, v1  }
0x184: {  	[tilespmem:v17+s4+$0x0] =	vst.idx.add.s32.msk $0xffff, v1  }
0x185: {  	[tilespmem:v16+s4+$0x0] =	vst.idx.add.s32.msk $0xffff, v1  }
0x186: {  	[tilespmem:v15+s4+$0x0] =	vst.idx.add.s32.msk $0xffff, v1  }
0x187: {  	[tilespmem:v14+s4+$0x0] =	vst.idx.add.s32.msk $0xffff, v1  }
0x188: {  	[tilespmem:v13+s4+$0x0] =	vst.idx.add.s32.msk $0xffff, v1  }
0x189: {  	[tilespmem:v12+s4+$0x0] =	vst.idx.add.s32.msk $0xffff, v1  }
0x18a: {  	[tilespmem:v11+s4+$0x0] =	vst.idx.add.s32.msk $0xffff, v1  }
0x18b: {  	[tilespmem:v10+s4+$0x0] =	vst.idx.add.s32.msk $0xffff, v1  }
0x18c: {  	[tilespmem:v9+s4+$0x0] =	vst.idx.add.s32.msk $0xffff, v1  }
0x18d: {  	[tilespmem:v8+s4+$0x0] =	vst.idx.add.s32.msk $0xffff, v1  }
0x18e: {  	[tilespmem:v7+s4+$0x0] =	vst.idx.add.s32.msk $0xffff, v1  }
0x18f: {  	[tilespmem:v6+s4+$0x0] =	vst.idx.add.s32.msk $0xffff, v1  }
0x190: {  	[tilespmem:v5+s4+$0x0] =	vst.idx.add.s32.msk $0xffff, v1  }
0x191: {  	s28 =	simm.s32 $0x170;
	[tilespmem:v4+s4+$0x0] =	vst.idx.add.s32.msk $0xffff, v1  }
.LBB2_10:
0x192: {  	p2 =	sne.s32 s28, $0x2C90  }
0x193: {  	[tilespmem:v3+s4+$0x0] =	vst.idx.add.s32.msk $0xffff, v1;
	s25 =	sadd.s32 $0x170, s25;
	s17 =	smov.u32 s28;
	s28 =	sadd.s32 $0x170, s28  }
0x194: {  	v3 =	vld [tilespmem:s25+$0xB0]  }
0x195: {  	v4 =	vld [tilespmem:s25+$0xA0]  }
0x196: {  	v5 =	vld [tilespmem:s25+$0x90]  }
0x197: {  	v6 =	vld [tilespmem:s25+$0x80]  }
0x198: {  	v7 =	vld [tilespmem:s25+$0x70]  }
0x199: {  	s17 =	sand.u32 $0x3FF0, s17;
	v8 =	vld [tilespmem:s25+$0x60]  }
0x19a: {  	v9 =	vld [tilespmem:s17+$0xF300]  }
0x19b: {  	v10 =	vld [tilespmem:s25+$0x40]  }
0x19c: {  	v11 =	vld [tilespmem:s25+$0x30]  }
0x19d: {  	v12 =	vld [tilespmem:s25+$0x20]  }
0x19e: {  	v13 =	vld [tilespmem:s25+$0x10]  }
0x19f: {  	v14 =	vld [tilespmem:s25+$0x0]  }
0x1a0: {  	v15 =	vld [tilespmem:s25+$0xFFFFFFF0]  }
0x1a1: {  	v16 =	vld [tilespmem:s25+$0xFFFFFFE0]  }
0x1a2: {  	v17 =	vld [tilespmem:s17+$0xF280]  }
0x1a3: {  	v18 =	vld [tilespmem:s25+$0xFFFFFF50]  }
0x1a4: {  	v19 =	vld [tilespmem:s25+$0xFFFFFF60]  }
0x1a5: {  	v20 =	vld [tilespmem:s25+$0xFFFFFF70]  }
0x1a6: {  	v21 =	vld [tilespmem:s25+$0xFFFFFF80]  }
0x1a7: {  	v22 =	vld [tilespmem:s25+$0xFFFFFF90]  }
0x1a8: {  	v23 =	vld [tilespmem:s25+$0xFFFFFFA0]  }
0x1a9: {  	v24 =	vld [tilespmem:s25+$0xFFFFFFB0]  }
0x1aa: {  	v25 =	vld [tilespmem:s25+$0xFFFFFFC0]  }
0x1ab: {  	[tilespmem:v18+s4+$0x0] =	vst.idx.add.s32.msk $0xffff, v1  }
0x1ac: {  	[tilespmem:v19+s4+$0x0] =	vst.idx.add.s32.msk $0xffff, v1  }
0x1ad: {  	[tilespmem:v20+s4+$0x0] =	vst.idx.add.s32.msk $0xffff, v1  }
0x1ae: {  	[tilespmem:v21+s4+$0x0] =	vst.idx.add.s32.msk $0xffff, v1  }
0x1af: {  	[tilespmem:v22+s4+$0x0] =	vst.idx.add.s32.msk $0xffff, v1  }
0x1b0: {  	[tilespmem:v23+s4+$0x0] =	vst.idx.add.s32.msk $0xffff, v1  }
0x1b1: {  	[tilespmem:v24+s4+$0x0] =	vst.idx.add.s32.msk $0xffff, v1  }
0x1b2: {  	[tilespmem:v25+s4+$0x0] =	vst.idx.add.s32.msk $0xffff, v1  }
0x1b3: {  	[tilespmem:v17+s4+$0x0] =	vst.idx.add.s32.msk $0xffff, v1  }
0x1b4: {  	[tilespmem:v16+s4+$0x0] =	vst.idx.add.s32.msk $0xffff, v1  }
0x1b5: {  	[tilespmem:v15+s4+$0x0] =	vst.idx.add.s32.msk $0xffff, v1  }
0x1b6: {  	[tilespmem:v14+s4+$0x0] =	vst.idx.add.s32.msk $0xffff, v1  }
0x1b7: {  	[tilespmem:v13+s4+$0x0] =	vst.idx.add.s32.msk $0xffff, v1  }
0x1b8: {  	[tilespmem:v12+s4+$0x0] =	vst.idx.add.s32.msk $0xffff, v1  }
0x1b9: {  	[tilespmem:v11+s4+$0x0] =	vst.idx.add.s32.msk $0xffff, v1  }
0x1ba: {  	[tilespmem:v10+s4+$0x0] =	vst.idx.add.s32.msk $0xffff, v1  }
0x1bb: {  	[tilespmem:v9+s4+$0x0] =	vst.idx.add.s32.msk $0xffff, v1  }
.Ltmp4:
0x1bc: {  	[tilespmem:v8+s4+$0x0] =	vst.idx.add.s32.msk $0xffff, v1;
	(pc) =	sbr.rel @p2 .LBB2_10-.Ltmp4, $4  }
0x1bd: {  	[tilespmem:v7+s4+$0x0] =	vst.idx.add.s32.msk $0xffff, v1  }
0x1be: {  	[tilespmem:v6+s4+$0x0] =	vst.idx.add.s32.msk $0xffff, v1  }
0x1bf: {  	[tilespmem:v5+s4+$0x0] =	vst.idx.add.s32.msk $0xffff, v1  }
0x1c0: {  	[tilespmem:v4+s4+$0x0] =	vst.idx.add.s32.msk $0xffff, v1  }
0x1c1: {  	_ =	sdelay $0x3  }
0x1c2: {  	[tilespmem:v3+s4+$0x0] =	vst.idx.add.s32.msk $0xffff, v1  }
0x1c3: {  	_ =	swait.ge [sflag:s2], $0x2E00  }
0x1c4: {  	[sflag:s2] =	ssyncset.done $0x0  }
0x1c5: {  	s25 =	simm.s32 $0xC4B0;
	s17 =	rddreg [dreg:$0xa];
	[sflag:s2] =	ssyncadd.s32 $0xFFFFD200  }
0x1c6: {  	[tilespmem:s1], [sflag:$0x2] =	stream.strided.gather [hbm4b:s17+s29], $0x2E00, s30, s29, $0x38;
	[tilespmem:$0x1F300] =	vst v63  }
0x1c7: {  	v3 =	vld [tilespmem:s25+$0xB0]  }
0x1c8: {  	v4 =	vld [tilespmem:s25+$0xA0]  }
0x1c9: {  	v5 =	vld [tilespmem:s25+$0x90]  }
0x1ca: {  	v6 =	vld [tilespmem:s25+$0x80]  }
0x1cb: {  	s19 =	simm.s32 $0x0;
	v7 =	vld [tilespmem:s25+$0x70]  }
0x1cc: {  	s17 =	sand.u32 $0x3FF0, s19;
	v8 =	vld [tilespmem:s25+$0x60]  }
0x1cd: {  	v9 =	vld [tilespmem:s17+$0xC500]  }
0x1ce: {  	v10 =	vld [tilespmem:s25+$0x40]  }
0x1cf: {  	v11 =	vld [tilespmem:s25+$0x30]  }
0x1d0: {  	v12 =	vld [tilespmem:s25+$0x20]  }
0x1d1: {  	v13 =	vld [tilespmem:s25+$0x10]  }
0x1d2: {  	v14 =	vld [tilespmem:s25+$0x0]  }
0x1d3: {  	v15 =	vld [tilespmem:s25+$0xFFFFFFF0]  }
0x1d4: {  	v16 =	vld [tilespmem:s25+$0xFFFFFFE0]  }
0x1d5: {  	v17 =	vld [tilespmem:s17+$0xC480]  }
0x1d6: {  	v18 =	vld [tilespmem:s25+$0xFFFFFF50]  }
0x1d7: {  	v19 =	vld [tilespmem:s25+$0xFFFFFF60]  }
0x1d8: {  	v20 =	vld [tilespmem:s25+$0xFFFFFF70]  }
0x1d9: {  	v21 =	vld [tilespmem:s25+$0xFFFFFF80]  }
0x1da: {  	v22 =	vld [tilespmem:s25+$0xFFFFFF90]  }
0x1db: {  	v23 =	vld [tilespmem:s25+$0xFFFFFFA0]  }
0x1dc: {  	v24 =	vld [tilespmem:s25+$0xFFFFFFB0]  }
0x1dd: {  	v25 =	vld [tilespmem:s25+$0xFFFFFFC0]  }
0x1de: {  	[tilespmem:v18+s4+$0x0] =	vst.idx.add.s32.msk $0xffff, v1  }
0x1df: {  	[tilespmem:v19+s4+$0x0] =	vst.idx.add.s32.msk $0xffff, v1  }
0x1e0: {  	[tilespmem:v20+s4+$0x0] =	vst.idx.add.s32.msk $0xffff, v1  }
0x1e1: {  	[tilespmem:v21+s4+$0x0] =	vst.idx.add.s32.msk $0xffff, v1  }
0x1e2: {  	[tilespmem:v22+s4+$0x0] =	vst.idx.add.s32.msk $0xffff, v1  }
0x1e3: {  	[tilespmem:v23+s4+$0x0] =	vst.idx.add.s32.msk $0xffff, v1  }
0x1e4: {  	[tilespmem:v24+s4+$0x0] =	vst.idx.add.s32.msk $0xffff, v1  }
0x1e5: {  	[tilespmem:v25+s4+$0x0] =	vst.idx.add.s32.msk $0xffff, v1  }
0x1e6: {  	[tilespmem:v17+s4+$0x0] =	vst.idx.add.s32.msk $0xffff, v1  }
0x1e7: {  	[tilespmem:v16+s4+$0x0] =	vst.idx.add.s32.msk $0xffff, v1  }
0x1e8: {  	[tilespmem:v15+s4+$0x0] =	vst.idx.add.s32.msk $0xffff, v1  }
0x1e9: {  	[tilespmem:v14+s4+$0x0] =	vst.idx.add.s32.msk $0xffff, v1  }
0x1ea: {  	[tilespmem:v13+s4+$0x0] =	vst.idx.add.s32.msk $0xffff, v1  }
0x1eb: {  	[tilespmem:v12+s4+$0x0] =	vst.idx.add.s32.msk $0xffff, v1  }
0x1ec: {  	[tilespmem:v11+s4+$0x0] =	vst.idx.add.s32.msk $0xffff, v1  }
0x1ed: {  	[tilespmem:v10+s4+$0x0] =	vst.idx.add.s32.msk $0xffff, v1  }
0x1ee: {  	[tilespmem:v9+s4+$0x0] =	vst.idx.add.s32.msk $0xffff, v1  }
0x1ef: {  	[tilespmem:v8+s4+$0x0] =	vst.idx.add.s32.msk $0xffff, v1  }
0x1f0: {  	[tilespmem:v7+s4+$0x0] =	vst.idx.add.s32.msk $0xffff, v1  }
0x1f1: {  	[tilespmem:v6+s4+$0x0] =	vst.idx.add.s32.msk $0xffff, v1  }
0x1f2: {  	[tilespmem:v5+s4+$0x0] =	vst.idx.add.s32.msk $0xffff, v1  }
0x1f3: {  	s28 =	simm.s32 $0x170;
	[tilespmem:v4+s4+$0x0] =	vst.idx.add.s32.msk $0xffff, v1  }
.LBB2_12:
0x1f4: {  	p2 =	sne.s32 s28, $0x2C90  }
0x1f5: {  	[tilespmem:v3+s4+$0x0] =	vst.idx.add.s32.msk $0xffff, v1;
	s25 =	sadd.s32 $0x170, s25;
	s17 =	smov.u32 s28;
	s28 =	sadd.s32 $0x170, s28  }
0x1f6: {  	v3 =	vld [tilespmem:s25+$0xB0]  }
0x1f7: {  	v4 =	vld [tilespmem:s25+$0xA0]  }
0x1f8: {  	v5 =	vld [tilespmem:s25+$0x90]  }
0x1f9: {  	v6 =	vld [tilespmem:s25+$0x80]  }
0x1fa: {  	v7 =	vld [tilespmem:s25+$0x70]  }
0x1fb: {  	s17 =	sand.u32 $0x3FF0, s17;
	v8 =	vld [tilespmem:s25+$0x60]  }
0x1fc: {  	v9 =	vld [tilespmem:s17+$0xC500]  }
0x1fd: {  	v10 =	vld [tilespmem:s25+$0x40]  }
0x1fe: {  	v11 =	vld [tilespmem:s25+$0x30]  }
0x1ff: {  	v12 =	vld [tilespmem:s25+$0x20]  }
0x200: {  	v13 =	vld [tilespmem:s25+$0x10]  }
0x201: {  	v14 =	vld [tilespmem:s25+$0x0]  }
0x202: {  	v15 =	vld [tilespmem:s25+$0xFFFFFFF0]  }
0x203: {  	v16 =	vld [tilespmem:s25+$0xFFFFFFE0]  }
0x204: {  	v17 =	vld [tilespmem:s17+$0xC480]  }
0x205: {  	v18 =	vld [tilespmem:s25+$0xFFFFFF50]  }
0x206: {  	v19 =	vld [tilespmem:s25+$0xFFFFFF60]  }
0x207: {  	v20 =	vld [tilespmem:s25+$0xFFFFFF70]  }
0x208: {  	v21 =	vld [tilespmem:s25+$0xFFFFFF80]  }
0x209: {  	v22 =	vld [tilespmem:s25+$0xFFFFFF90]  }
0x20a: {  	v23 =	vld [tilespmem:s25+$0xFFFFFFA0]  }
0x20b: {  	v24 =	vld [tilespmem:s25+$0xFFFFFFB0]  }
0x20c: {  	v25 =	vld [tilespmem:s25+$0xFFFFFFC0]  }
0x20d: {  	[tilespmem:v18+s4+$0x0] =	vst.idx.add.s32.msk $0xffff, v1  }
0x20e: {  	[tilespmem:v19+s4+$0x0] =	vst.idx.add.s32.msk $0xffff, v1  }
0x20f: {  	[tilespmem:v20+s4+$0x0] =	vst.idx.add.s32.msk $0xffff, v1  }
0x210: {  	[tilespmem:v21+s4+$0x0] =	vst.idx.add.s32.msk $0xffff, v1  }
0x211: {  	[tilespmem:v22+s4+$0x0] =	vst.idx.add.s32.msk $0xffff, v1  }
0x212: {  	[tilespmem:v23+s4+$0x0] =	vst.idx.add.s32.msk $0xffff, v1  }
0x213: {  	[tilespmem:v24+s4+$0x0] =	vst.idx.add.s32.msk $0xffff, v1  }
0x214: {  	[tilespmem:v25+s4+$0x0] =	vst.idx.add.s32.msk $0xffff, v1  }
0x215: {  	[tilespmem:v17+s4+$0x0] =	vst.idx.add.s32.msk $0xffff, v1  }
0x216: {  	[tilespmem:v16+s4+$0x0] =	vst.idx.add.s32.msk $0xffff, v1  }
0x217: {  	[tilespmem:v15+s4+$0x0] =	vst.idx.add.s32.msk $0xffff, v1  }
0x218: {  	[tilespmem:v14+s4+$0x0] =	vst.idx.add.s32.msk $0xffff, v1  }
0x219: {  	[tilespmem:v13+s4+$0x0] =	vst.idx.add.s32.msk $0xffff, v1  }
0x21a: {  	[tilespmem:v12+s4+$0x0] =	vst.idx.add.s32.msk $0xffff, v1  }
0x21b: {  	[tilespmem:v11+s4+$0x0] =	vst.idx.add.s32.msk $0xffff, v1  }
0x21c: {  	[tilespmem:v10+s4+$0x0] =	vst.idx.add.s32.msk $0xffff, v1  }
0x21d: {  	[tilespmem:v9+s4+$0x0] =	vst.idx.add.s32.msk $0xffff, v1  }
.Ltmp5:
0x21e: {  	[tilespmem:v8+s4+$0x0] =	vst.idx.add.s32.msk $0xffff, v1;
	(pc) =	sbr.rel @p2 .LBB2_12-.Ltmp5, $4  }
0x21f: {  	[tilespmem:v7+s4+$0x0] =	vst.idx.add.s32.msk $0xffff, v1  }
0x220: {  	[tilespmem:v6+s4+$0x0] =	vst.idx.add.s32.msk $0xffff, v1  }
0x221: {  	[tilespmem:v5+s4+$0x0] =	vst.idx.add.s32.msk $0xffff, v1  }
0x222: {  	[tilespmem:v4+s4+$0x0] =	vst.idx.add.s32.msk $0xffff, v1  }
0x223: {  	_ =	sdelay $0x3  }
0x224: {  	[tilespmem:v3+s4+$0x0] =	vst.idx.add.s32.msk $0xffff, v1  }
0x225: {  	_ =	swait.ge [sflag:s6], $0x2E00  }
0x226: {  	[sflag:s6] =	ssyncset.done $0x0  }
0x227: {  	s25 =	simm.s32 $0xF2B0;
	s17 =	rddreg [dreg:$0xb];
	[sflag:s6] =	ssyncadd.s32 $0xFFFFD200  }
0x228: {  	[tilespmem:s31], [sflag:$0x1] =	stream.strided.gather [hbm4b:s17+s29], $0x2E00, s30, s29, $0x38;
	[tilespmem:$0x1F300] =	vst v63  }
0x229: {  	v3 =	vld [tilespmem:s25+$0xB0]  }
0x22a: {  	v4 =	vld [tilespmem:s25+$0xA0]  }
0x22b: {  	v5 =	vld [tilespmem:s25+$0x90]  }
0x22c: {  	v6 =	vld [tilespmem:s25+$0x80]  }
0x22d: {  	s19 =	simm.s32 $0x0;
	v7 =	vld [tilespmem:s25+$0x70]  }
0x22e: {  	s17 =	sand.u32 $0x3FF0, s19;
	v8 =	vld [tilespmem:s25+$0x60]  }
0x22f: {  	v9 =	vld [tilespmem:s17+$0xF300]  }
0x230: {  	v10 =	vld [tilespmem:s25+$0x40]  }
0x231: {  	v11 =	vld [tilespmem:s25+$0x30]  }
0x232: {  	v12 =	vld [tilespmem:s25+$0x20]  }
0x233: {  	v13 =	vld [tilespmem:s25+$0x10]  }
0x234: {  	v14 =	vld [tilespmem:s25+$0x0]  }
0x235: {  	v15 =	vld [tilespmem:s25+$0xFFFFFFF0]  }
0x236: {  	v16 =	vld [tilespmem:s25+$0xFFFFFFE0]  }
0x237: {  	v17 =	vld [tilespmem:s17+$0xF280]  }
0x238: {  	v18 =	vld [tilespmem:s25+$0xFFFFFF50]  }
0x239: {  	v19 =	vld [tilespmem:s25+$0xFFFFFF60]  }
0x23a: {  	v20 =	vld [tilespmem:s25+$0xFFFFFF70]  }
0x23b: {  	v21 =	vld [tilespmem:s25+$0xFFFFFF80]  }
0x23c: {  	v22 =	vld [tilespmem:s25+$0xFFFFFF90]  }
0x23d: {  	v23 =	vld [tilespmem:s25+$0xFFFFFFA0]  }
0x23e: {  	v24 =	vld [tilespmem:s25+$0xFFFFFFB0]  }
0x23f: {  	v25 =	vld [tilespmem:s25+$0xFFFFFFC0]  }
0x240: {  	[tilespmem:v18+s4+$0x0] =	vst.idx.add.s32.msk $0xffff, v1  }
0x241: {  	[tilespmem:v19+s4+$0x0] =	vst.idx.add.s32.msk $0xffff, v1  }
0x242: {  	[tilespmem:v20+s4+$0x0] =	vst.idx.add.s32.msk $0xffff, v1  }
0x243: {  	[tilespmem:v21+s4+$0x0] =	vst.idx.add.s32.msk $0xffff, v1  }
0x244: {  	[tilespmem:v22+s4+$0x0] =	vst.idx.add.s32.msk $0xffff, v1  }
0x245: {  	[tilespmem:v23+s4+$0x0] =	vst.idx.add.s32.msk $0xffff, v1  }
0x246: {  	[tilespmem:v24+s4+$0x0] =	vst.idx.add.s32.msk $0xffff, v1  }
0x247: {  	[tilespmem:v25+s4+$0x0] =	vst.idx.add.s32.msk $0xffff, v1  }
0x248: {  	[tilespmem:v17+s4+$0x0] =	vst.idx.add.s32.msk $0xffff, v1  }
0x249: {  	[tilespmem:v16+s4+$0x0] =	vst.idx.add.s32.msk $0xffff, v1  }
0x24a: {  	[tilespmem:v15+s4+$0x0] =	vst.idx.add.s32.msk $0xffff, v1  }
0x24b: {  	[tilespmem:v14+s4+$0x0] =	vst.idx.add.s32.msk $0xffff, v1  }
0x24c: {  	[tilespmem:v13+s4+$0x0] =	vst.idx.add.s32.msk $0xffff, v1  }
0x24d: {  	[tilespmem:v12+s4+$0x0] =	vst.idx.add.s32.msk $0xffff, v1  }
0x24e: {  	[tilespmem:v11+s4+$0x0] =	vst.idx.add.s32.msk $0xffff, v1  }
0x24f: {  	[tilespmem:v10+s4+$0x0] =	vst.idx.add.s32.msk $0xffff, v1  }
0x250: {  	[tilespmem:v9+s4+$0x0] =	vst.idx.add.s32.msk $0xffff, v1  }
0x251: {  	[tilespmem:v8+s4+$0x0] =	vst.idx.add.s32.msk $0xffff, v1  }
0x252: {  	[tilespmem:v7+s4+$0x0] =	vst.idx.add.s32.msk $0xffff, v1  }
0x253: {  	[tilespmem:v6+s4+$0x0] =	vst.idx.add.s32.msk $0xffff, v1  }
0x254: {  	[tilespmem:v5+s4+$0x0] =	vst.idx.add.s32.msk $0xffff, v1  }
0x255: {  	s28 =	simm.s32 $0x170;
	[tilespmem:v4+s4+$0x0] =	vst.idx.add.s32.msk $0xffff, v1  }
.LBB2_14:
0x256: {  	p2 =	sne.s32 s28, $0x2C90  }
0x257: {  	[tilespmem:v3+s4+$0x0] =	vst.idx.add.s32.msk $0xffff, v1;
	s25 =	sadd.s32 $0x170, s25;
	s17 =	smov.u32 s28;
	s28 =	sadd.s32 $0x170, s28  }
0x258: {  	v3 =	vld [tilespmem:s25+$0xB0]  }
0x259: {  	v4 =	vld [tilespmem:s25+$0xA0]  }
0x25a: {  	v5 =	vld [tilespmem:s25+$0x90]  }
0x25b: {  	v6 =	vld [tilespmem:s25+$0x80]  }
0x25c: {  	v7 =	vld [tilespmem:s25+$0x70]  }
0x25d: {  	s17 =	sand.u32 $0x3FF0, s17;
	v8 =	vld [tilespmem:s25+$0x60]  }
0x25e: {  	v9 =	vld [tilespmem:s17+$0xF300]  }
0x25f: {  	v10 =	vld [tilespmem:s25+$0x40]  }
0x260: {  	v11 =	vld [tilespmem:s25+$0x30]  }
0x261: {  	v12 =	vld [tilespmem:s25+$0x20]  }
0x262: {  	v13 =	vld [tilespmem:s25+$0x10]  }
0x263: {  	v14 =	vld [tilespmem:s25+$0x0]  }
0x264: {  	v15 =	vld [tilespmem:s25+$0xFFFFFFF0]  }
0x265: {  	v16 =	vld [tilespmem:s25+$0xFFFFFFE0]  }
0x266: {  	v17 =	vld [tilespmem:s17+$0xF280]  }
0x267: {  	v18 =	vld [tilespmem:s25+$0xFFFFFF50]  }
0x268: {  	v19 =	vld [tilespmem:s25+$0xFFFFFF60]  }
0x269: {  	v20 =	vld [tilespmem:s25+$0xFFFFFF70]  }
0x26a: {  	v21 =	vld [tilespmem:s25+$0xFFFFFF80]  }
0x26b: {  	v22 =	vld [tilespmem:s25+$0xFFFFFF90]  }
0x26c: {  	v23 =	vld [tilespmem:s25+$0xFFFFFFA0]  }
0x26d: {  	v24 =	vld [tilespmem:s25+$0xFFFFFFB0]  }
0x26e: {  	v25 =	vld [tilespmem:s25+$0xFFFFFFC0]  }
0x26f: {  	[tilespmem:v18+s4+$0x0] =	vst.idx.add.s32.msk $0xffff, v1  }
0x270: {  	[tilespmem:v19+s4+$0x0] =	vst.idx.add.s32.msk $0xffff, v1  }
0x271: {  	[tilespmem:v20+s4+$0x0] =	vst.idx.add.s32.msk $0xffff, v1  }
0x272: {  	[tilespmem:v21+s4+$0x0] =	vst.idx.add.s32.msk $0xffff, v1  }
0x273: {  	[tilespmem:v22+s4+$0x0] =	vst.idx.add.s32.msk $0xffff, v1  }
0x274: {  	[tilespmem:v23+s4+$0x0] =	vst.idx.add.s32.msk $0xffff, v1  }
0x275: {  	[tilespmem:v24+s4+$0x0] =	vst.idx.add.s32.msk $0xffff, v1  }
0x276: {  	[tilespmem:v25+s4+$0x0] =	vst.idx.add.s32.msk $0xffff, v1  }
0x277: {  	[tilespmem:v17+s4+$0x0] =	vst.idx.add.s32.msk $0xffff, v1  }
0x278: {  	[tilespmem:v16+s4+$0x0] =	vst.idx.add.s32.msk $0xffff, v1  }
0x279: {  	[tilespmem:v15+s4+$0x0] =	vst.idx.add.s32.msk $0xffff, v1  }
0x27a: {  	[tilespmem:v14+s4+$0x0] =	vst.idx.add.s32.msk $0xffff, v1  }
0x27b: {  	[tilespmem:v13+s4+$0x0] =	vst.idx.add.s32.msk $0xffff, v1  }
0x27c: {  	[tilespmem:v12+s4+$0x0] =	vst.idx.add.s32.msk $0xffff, v1  }
0x27d: {  	[tilespmem:v11+s4+$0x0] =	vst.idx.add.s32.msk $0xffff, v1  }
0x27e: {  	[tilespmem:v10+s4+$0x0] =	vst.idx.add.s32.msk $0xffff, v1  }
0x27f: {  	[tilespmem:v9+s4+$0x0] =	vst.idx.add.s32.msk $0xffff, v1  }
.Ltmp6:
0x280: {  	[tilespmem:v8+s4+$0x0] =	vst.idx.add.s32.msk $0xffff, v1;
	(pc) =	sbr.rel @p2 .LBB2_14-.Ltmp6, $4  }
0x281: {  	[tilespmem:v7+s4+$0x0] =	vst.idx.add.s32.msk $0xffff, v1  }
0x282: {  	[tilespmem:v6+s4+$0x0] =	vst.idx.add.s32.msk $0xffff, v1  }
0x283: {  	[tilespmem:v5+s4+$0x0] =	vst.idx.add.s32.msk $0xffff, v1  }
0x284: {  	[tilespmem:v4+s4+$0x0] =	vst.idx.add.s32.msk $0xffff, v1  }
0x285: {  	_ =	sdelay $0x3  }
0x286: {  	[tilespmem:v3+s4+$0x0] =	vst.idx.add.s32.msk $0xffff, v1  }
0x287: {  	_ =	swait.ge [sflag:s2], $0x2E00  }
0x288: {  	[sflag:s2] =	ssyncset.done $0x0  }
0x289: {  	s25 =	simm.s32 $0xC4B0;
	s17 =	rddreg [dreg:$0xc];
	[sflag:s2] =	ssyncadd.s32 $0xFFFFD200  }
0x28a: {  	[tilespmem:s1], [sflag:$0x2] =	stream.strided.gather [hbm4b:s17+s29], $0x2E00, s30, s29, $0x38;
	[tilespmem:$0x1F300] =	vst v63  }
0x28b: {  	v3 =	vld [tilespmem:s25+$0xB0]  }
0x28c: {  	v4 =	vld [tilespmem:s25+$0xA0]  }
0x28d: {  	v5 =	vld [tilespmem:s25+$0x90]  }
0x28e: {  	v6 =	vld [tilespmem:s25+$0x80]  }
0x28f: {  	s19 =	simm.s32 $0x0;
	v7 =	vld [tilespmem:s25+$0x70]  }
0x290: {  	s17 =	sand.u32 $0x3FF0, s19;
	v8 =	vld [tilespmem:s25+$0x60]  }
0x291: {  	v9 =	vld [tilespmem:s17+$0xC500]  }
0x292: {  	v10 =	vld [tilespmem:s25+$0x40]  }
0x293: {  	v11 =	vld [tilespmem:s25+$0x30]  }
0x294: {  	v12 =	vld [tilespmem:s25+$0x20]  }
0x295: {  	v13 =	vld [tilespmem:s25+$0x10]  }
0x296: {  	v14 =	vld [tilespmem:s25+$0x0]  }
0x297: {  	v15 =	vld [tilespmem:s25+$0xFFFFFFF0]  }
0x298: {  	v16 =	vld [tilespmem:s25+$0xFFFFFFE0]  }
0x299: {  	v17 =	vld [tilespmem:s17+$0xC480]  }
0x29a: {  	v18 =	vld [tilespmem:s25+$0xFFFFFF50]  }
0x29b: {  	v19 =	vld [tilespmem:s25+$0xFFFFFF60]  }
0x29c: {  	v20 =	vld [tilespmem:s25+$0xFFFFFF70]  }
0x29d: {  	v21 =	vld [tilespmem:s25+$0xFFFFFF80]  }
0x29e: {  	v22 =	vld [tilespmem:s25+$0xFFFFFF90]  }
0x29f: {  	v23 =	vld [tilespmem:s25+$0xFFFFFFA0]  }
0x2a0: {  	v24 =	vld [tilespmem:s25+$0xFFFFFFB0]  }
0x2a1: {  	v25 =	vld [tilespmem:s25+$0xFFFFFFC0]  }
0x2a2: {  	[tilespmem:v18+s4+$0x0] =	vst.idx.add.s32.msk $0xffff, v1  }
0x2a3: {  	[tilespmem:v19+s4+$0x0] =	vst.idx.add.s32.msk $0xffff, v1  }
0x2a4: {  	[tilespmem:v20+s4+$0x0] =	vst.idx.add.s32.msk $0xffff, v1  }
0x2a5: {  	[tilespmem:v21+s4+$0x0] =	vst.idx.add.s32.msk $0xffff, v1  }
0x2a6: {  	[tilespmem:v22+s4+$0x0] =	vst.idx.add.s32.msk $0xffff, v1  }
0x2a7: {  	[tilespmem:v23+s4+$0x0] =	vst.idx.add.s32.msk $0xffff, v1  }
0x2a8: {  	[tilespmem:v24+s4+$0x0] =	vst.idx.add.s32.msk $0xffff, v1  }
0x2a9: {  	[tilespmem:v25+s4+$0x0] =	vst.idx.add.s32.msk $0xffff, v1  }
0x2aa: {  	[tilespmem:v17+s4+$0x0] =	vst.idx.add.s32.msk $0xffff, v1  }
0x2ab: {  	[tilespmem:v16+s4+$0x0] =	vst.idx.add.s32.msk $0xffff, v1  }
0x2ac: {  	[tilespmem:v15+s4+$0x0] =	vst.idx.add.s32.msk $0xffff, v1  }
0x2ad: {  	[tilespmem:v14+s4+$0x0] =	vst.idx.add.s32.msk $0xffff, v1  }
0x2ae: {  	[tilespmem:v13+s4+$0x0] =	vst.idx.add.s32.msk $0xffff, v1  }
0x2af: {  	[tilespmem:v12+s4+$0x0] =	vst.idx.add.s32.msk $0xffff, v1  }
0x2b0: {  	[tilespmem:v11+s4+$0x0] =	vst.idx.add.s32.msk $0xffff, v1  }
0x2b1: {  	[tilespmem:v10+s4+$0x0] =	vst.idx.add.s32.msk $0xffff, v1  }
0x2b2: {  	[tilespmem:v9+s4+$0x0] =	vst.idx.add.s32.msk $0xffff, v1  }
0x2b3: {  	[tilespmem:v8+s4+$0x0] =	vst.idx.add.s32.msk $0xffff, v1  }
0x2b4: {  	[tilespmem:v7+s4+$0x0] =	vst.idx.add.s32.msk $0xffff, v1  }
0x2b5: {  	[tilespmem:v6+s4+$0x0] =	vst.idx.add.s32.msk $0xffff, v1  }
0x2b6: {  	[tilespmem:v5+s4+$0x0] =	vst.idx.add.s32.msk $0xffff, v1  }
0x2b7: {  	s28 =	simm.s32 $0x170;
	[tilespmem:v4+s4+$0x0] =	vst.idx.add.s32.msk $0xffff, v1  }
.LBB2_16:
0x2b8: {  	p2 =	sne.s32 s28, $0x2C90  }
0x2b9: {  	[tilespmem:v3+s4+$0x0] =	vst.idx.add.s32.msk $0xffff, v1;
	s25 =	sadd.s32 $0x170, s25;
	s17 =	smov.u32 s28;
	s28 =	sadd.s32 $0x170, s28  }
0x2ba: {  	v3 =	vld [tilespmem:s25+$0xB0]  }
0x2bb: {  	v4 =	vld [tilespmem:s25+$0xA0]  }
0x2bc: {  	v5 =	vld [tilespmem:s25+$0x90]  }
0x2bd: {  	v6 =	vld [tilespmem:s25+$0x80]  }
0x2be: {  	v7 =	vld [tilespmem:s25+$0x70]  }
0x2bf: {  	s17 =	sand.u32 $0x3FF0, s17;
	v8 =	vld [tilespmem:s25+$0x60]  }
0x2c0: {  	v9 =	vld [tilespmem:s17+$0xC500]  }
0x2c1: {  	v10 =	vld [tilespmem:s25+$0x40]  }
0x2c2: {  	v11 =	vld [tilespmem:s25+$0x30]  }
0x2c3: {  	v12 =	vld [tilespmem:s25+$0x20]  }
0x2c4: {  	v13 =	vld [tilespmem:s25+$0x10]  }
0x2c5: {  	v14 =	vld [tilespmem:s25+$0x0]  }
0x2c6: {  	v15 =	vld [tilespmem:s25+$0xFFFFFFF0]  }
0x2c7: {  	v16 =	vld [tilespmem:s25+$0xFFFFFFE0]  }
0x2c8: {  	v17 =	vld [tilespmem:s17+$0xC480]  }
0x2c9: {  	v18 =	vld [tilespmem:s25+$0xFFFFFF50]  }
0x2ca: {  	v19 =	vld [tilespmem:s25+$0xFFFFFF60]  }
0x2cb: {  	v20 =	vld [tilespmem:s25+$0xFFFFFF70]  }
0x2cc: {  	v21 =	vld [tilespmem:s25+$0xFFFFFF80]  }
0x2cd: {  	v22 =	vld [tilespmem:s25+$0xFFFFFF90]  }
0x2ce: {  	v23 =	vld [tilespmem:s25+$0xFFFFFFA0]  }
0x2cf: {  	v24 =	vld [tilespmem:s25+$0xFFFFFFB0]  }
0x2d0: {  	v25 =	vld [tilespmem:s25+$0xFFFFFFC0]  }
0x2d1: {  	[tilespmem:v18+s4+$0x0] =	vst.idx.add.s32.msk $0xffff, v1  }
0x2d2: {  	[tilespmem:v19+s4+$0x0] =	vst.idx.add.s32.msk $0xffff, v1  }
0x2d3: {  	[tilespmem:v20+s4+$0x0] =	vst.idx.add.s32.msk $0xffff, v1  }
0x2d4: {  	[tilespmem:v21+s4+$0x0] =	vst.idx.add.s32.msk $0xffff, v1  }
0x2d5: {  	[tilespmem:v22+s4+$0x0] =	vst.idx.add.s32.msk $0xffff, v1  }
0x2d6: {  	[tilespmem:v23+s4+$0x0] =	vst.idx.add.s32.msk $0xffff, v1  }
0x2d7: {  	[tilespmem:v24+s4+$0x0] =	vst.idx.add.s32.msk $0xffff, v1  }
0x2d8: {  	[tilespmem:v25+s4+$0x0] =	vst.idx.add.s32.msk $0xffff, v1  }
0x2d9: {  	[tilespmem:v17+s4+$0x0] =	vst.idx.add.s32.msk $0xffff, v1  }
0x2da: {  	[tilespmem:v16+s4+$0x0] =	vst.idx.add.s32.msk $0xffff, v1  }
0x2db: {  	[tilespmem:v15+s4+$0x0] =	vst.idx.add.s32.msk $0xffff, v1  }
0x2dc: {  	[tilespmem:v14+s4+$0x0] =	vst.idx.add.s32.msk $0xffff, v1  }
0x2dd: {  	[tilespmem:v13+s4+$0x0] =	vst.idx.add.s32.msk $0xffff, v1  }
0x2de: {  	[tilespmem:v12+s4+$0x0] =	vst.idx.add.s32.msk $0xffff, v1  }
0x2df: {  	[tilespmem:v11+s4+$0x0] =	vst.idx.add.s32.msk $0xffff, v1  }
0x2e0: {  	[tilespmem:v10+s4+$0x0] =	vst.idx.add.s32.msk $0xffff, v1  }
0x2e1: {  	[tilespmem:v9+s4+$0x0] =	vst.idx.add.s32.msk $0xffff, v1  }
.Ltmp7:
0x2e2: {  	[tilespmem:v8+s4+$0x0] =	vst.idx.add.s32.msk $0xffff, v1;
	(pc) =	sbr.rel @p2 .LBB2_16-.Ltmp7, $4  }
0x2e3: {  	[tilespmem:v7+s4+$0x0] =	vst.idx.add.s32.msk $0xffff, v1  }
0x2e4: {  	[tilespmem:v6+s4+$0x0] =	vst.idx.add.s32.msk $0xffff, v1  }
0x2e5: {  	[tilespmem:v5+s4+$0x0] =	vst.idx.add.s32.msk $0xffff, v1  }
0x2e6: {  	[tilespmem:v4+s4+$0x0] =	vst.idx.add.s32.msk $0xffff, v1  }
0x2e7: {  	_ =	sdelay $0x3  }
0x2e8: {  	[tilespmem:v3+s4+$0x0] =	vst.idx.add.s32.msk $0xffff, v1  }
0x2e9: {  	_ =	swait.ge [sflag:s6], $0x2E00  }
0x2ea: {  	[sflag:s6] =	ssyncset.done $0x0  }
0x2eb: {  	s25 =	simm.s32 $0xF2B0;
	s17 =	rddreg [dreg:$0xd];
	[sflag:s6] =	ssyncadd.s32 $0xFFFFD200  }
0x2ec: {  	[tilespmem:s31], [sflag:$0x1] =	stream.strided.gather [hbm4b:s17+s29], $0x1700, s30, s29, $0x38;
	[tilespmem:$0x1F300] =	vst v63  }
0x2ed: {  	v3 =	vld [tilespmem:s25+$0xB0]  }
0x2ee: {  	v4 =	vld [tilespmem:s25+$0xA0]  }
0x2ef: {  	v5 =	vld [tilespmem:s25+$0x90]  }
0x2f0: {  	v6 =	vld [tilespmem:s25+$0x80]  }
0x2f1: {  	s19 =	simm.s32 $0x0;
	v7 =	vld [tilespmem:s25+$0x70]  }
0x2f2: {  	s17 =	sand.u32 $0x3FF0, s19;
	v8 =	vld [tilespmem:s25+$0x60]  }
0x2f3: {  	v9 =	vld [tilespmem:s17+$0xF300]  }
0x2f4: {  	v10 =	vld [tilespmem:s25+$0x40]  }
0x2f5: {  	v11 =	vld [tilespmem:s25+$0x30]  }
0x2f6: {  	v12 =	vld [tilespmem:s25+$0x20]  }
0x2f7: {  	v13 =	vld [tilespmem:s25+$0x10]  }
0x2f8: {  	v14 =	vld [tilespmem:s25+$0x0]  }
0x2f9: {  	v15 =	vld [tilespmem:s25+$0xFFFFFFF0]  }
0x2fa: {  	v16 =	vld [tilespmem:s25+$0xFFFFFFE0]  }
0x2fb: {  	v17 =	vld [tilespmem:s17+$0xF280]  }
0x2fc: {  	v18 =	vld [tilespmem:s25+$0xFFFFFF50]  }
0x2fd: {  	v19 =	vld [tilespmem:s25+$0xFFFFFF60]  }
0x2fe: {  	v20 =	vld [tilespmem:s25+$0xFFFFFF70]  }
0x2ff: {  	v21 =	vld [tilespmem:s25+$0xFFFFFF80]  }
0x300: {  	v22 =	vld [tilespmem:s25+$0xFFFFFF90]  }
0x301: {  	v23 =	vld [tilespmem:s25+$0xFFFFFFA0]  }
0x302: {  	v24 =	vld [tilespmem:s25+$0xFFFFFFB0]  }
0x303: {  	v25 =	vld [tilespmem:s25+$0xFFFFFFC0]  }
0x304: {  	[tilespmem:v18+s4+$0x0] =	vst.idx.add.s32.msk $0xffff, v1  }
0x305: {  	[tilespmem:v19+s4+$0x0] =	vst.idx.add.s32.msk $0xffff, v1  }
0x306: {  	[tilespmem:v20+s4+$0x0] =	vst.idx.add.s32.msk $0xffff, v1  }
0x307: {  	[tilespmem:v21+s4+$0x0] =	vst.idx.add.s32.msk $0xffff, v1  }
0x308: {  	[tilespmem:v22+s4+$0x0] =	vst.idx.add.s32.msk $0xffff, v1  }
0x309: {  	[tilespmem:v23+s4+$0x0] =	vst.idx.add.s32.msk $0xffff, v1  }
0x30a: {  	[tilespmem:v24+s4+$0x0] =	vst.idx.add.s32.msk $0xffff, v1  }
0x30b: {  	[tilespmem:v25+s4+$0x0] =	vst.idx.add.s32.msk $0xffff, v1  }
0x30c: {  	[tilespmem:v17+s4+$0x0] =	vst.idx.add.s32.msk $0xffff, v1  }
0x30d: {  	[tilespmem:v16+s4+$0x0] =	vst.idx.add.s32.msk $0xffff, v1  }
0x30e: {  	[tilespmem:v15+s4+$0x0] =	vst.idx.add.s32.msk $0xffff, v1  }
0x30f: {  	[tilespmem:v14+s4+$0x0] =	vst.idx.add.s32.msk $0xffff, v1  }
0x310: {  	[tilespmem:v13+s4+$0x0] =	vst.idx.add.s32.msk $0xffff, v1  }
0x311: {  	[tilespmem:v12+s4+$0x0] =	vst.idx.add.s32.msk $0xffff, v1  }
0x312: {  	[tilespmem:v11+s4+$0x0] =	vst.idx.add.s32.msk $0xffff, v1  }
0x313: {  	[tilespmem:v10+s4+$0x0] =	vst.idx.add.s32.msk $0xffff, v1  }
0x314: {  	[tilespmem:v9+s4+$0x0] =	vst.idx.add.s32.msk $0xffff, v1  }
0x315: {  	[tilespmem:v8+s4+$0x0] =	vst.idx.add.s32.msk $0xffff, v1  }
0x316: {  	[tilespmem:v7+s4+$0x0] =	vst.idx.add.s32.msk $0xffff, v1  }
0x317: {  	[tilespmem:v6+s4+$0x0] =	vst.idx.add.s32.msk $0xffff, v1  }
0x318: {  	[tilespmem:v5+s4+$0x0] =	vst.idx.add.s32.msk $0xffff, v1  }
0x319: {  	s28 =	simm.s32 $0x170;
	[tilespmem:v4+s4+$0x0] =	vst.idx.add.s32.msk $0xffff, v1  }
.LBB2_18:
0x31a: {  	p2 =	sne.s32 s28, $0x2C90  }
0x31b: {  	[tilespmem:v3+s4+$0x0] =	vst.idx.add.s32.msk $0xffff, v1;
	s25 =	sadd.s32 $0x170, s25;
	s17 =	smov.u32 s28;
	s28 =	sadd.s32 $0x170, s28  }
0x31c: {  	v3 =	vld [tilespmem:s25+$0xB0]  }
0x31d: {  	v4 =	vld [tilespmem:s25+$0xA0]  }
0x31e: {  	v5 =	vld [tilespmem:s25+$0x90]  }
0x31f: {  	v6 =	vld [tilespmem:s25+$0x80]  }
0x320: {  	v7 =	vld [tilespmem:s25+$0x70]  }
0x321: {  	s17 =	sand.u32 $0x3FF0, s17;
	v8 =	vld [tilespmem:s25+$0x60]  }
0x322: {  	v9 =	vld [tilespmem:s17+$0xF300]  }
0x323: {  	v10 =	vld [tilespmem:s25+$0x40]  }
0x324: {  	v11 =	vld [tilespmem:s25+$0x30]  }
0x325: {  	v12 =	vld [tilespmem:s25+$0x20]  }
0x326: {  	v13 =	vld [tilespmem:s25+$0x10]  }
0x327: {  	v14 =	vld [tilespmem:s25+$0x0]  }
0x328: {  	v15 =	vld [tilespmem:s25+$0xFFFFFFF0]  }
0x329: {  	v16 =	vld [tilespmem:s25+$0xFFFFFFE0]  }
0x32a: {  	v17 =	vld [tilespmem:s17+$0xF280]  }
0x32b: {  	v18 =	vld [tilespmem:s25+$0xFFFFFF50]  }
0x32c: {  	v19 =	vld [tilespmem:s25+$0xFFFFFF60]  }
0x32d: {  	v20 =	vld [tilespmem:s25+$0xFFFFFF70]  }
0x32e: {  	v21 =	vld [tilespmem:s25+$0xFFFFFF80]  }
0x32f: {  	v22 =	vld [tilespmem:s25+$0xFFFFFF90]  }
0x330: {  	v23 =	vld [tilespmem:s25+$0xFFFFFFA0]  }
0x331: {  	v24 =	vld [tilespmem:s25+$0xFFFFFFB0]  }
0x332: {  	v25 =	vld [tilespmem:s25+$0xFFFFFFC0]  }
0x333: {  	[tilespmem:v18+s4+$0x0] =	vst.idx.add.s32.msk $0xffff, v1  }
0x334: {  	[tilespmem:v19+s4+$0x0] =	vst.idx.add.s32.msk $0xffff, v1  }
0x335: {  	[tilespmem:v20+s4+$0x0] =	vst.idx.add.s32.msk $0xffff, v1  }
0x336: {  	[tilespmem:v21+s4+$0x0] =	vst.idx.add.s32.msk $0xffff, v1  }
0x337: {  	[tilespmem:v22+s4+$0x0] =	vst.idx.add.s32.msk $0xffff, v1  }
0x338: {  	[tilespmem:v23+s4+$0x0] =	vst.idx.add.s32.msk $0xffff, v1  }
0x339: {  	[tilespmem:v24+s4+$0x0] =	vst.idx.add.s32.msk $0xffff, v1  }
0x33a: {  	[tilespmem:v25+s4+$0x0] =	vst.idx.add.s32.msk $0xffff, v1  }
0x33b: {  	[tilespmem:v17+s4+$0x0] =	vst.idx.add.s32.msk $0xffff, v1  }
0x33c: {  	[tilespmem:v16+s4+$0x0] =	vst.idx.add.s32.msk $0xffff, v1  }
0x33d: {  	[tilespmem:v15+s4+$0x0] =	vst.idx.add.s32.msk $0xffff, v1  }
0x33e: {  	[tilespmem:v14+s4+$0x0] =	vst.idx.add.s32.msk $0xffff, v1  }
0x33f: {  	[tilespmem:v13+s4+$0x0] =	vst.idx.add.s32.msk $0xffff, v1  }
0x340: {  	[tilespmem:v12+s4+$0x0] =	vst.idx.add.s32.msk $0xffff, v1  }
0x341: {  	[tilespmem:v11+s4+$0x0] =	vst.idx.add.s32.msk $0xffff, v1  }
0x342: {  	[tilespmem:v10+s4+$0x0] =	vst.idx.add.s32.msk $0xffff, v1  }
0x343: {  	[tilespmem:v9+s4+$0x0] =	vst.idx.add.s32.msk $0xffff, v1  }
.Ltmp8:
0x344: {  	[tilespmem:v8+s4+$0x0] =	vst.idx.add.s32.msk $0xffff, v1;
	(pc) =	sbr.rel @p2 .LBB2_18-.Ltmp8, $4  }
0x345: {  	[tilespmem:v7+s4+$0x0] =	vst.idx.add.s32.msk $0xffff, v1  }
0x346: {  	[tilespmem:v6+s4+$0x0] =	vst.idx.add.s32.msk $0xffff, v1  }
0x347: {  	[tilespmem:v5+s4+$0x0] =	vst.idx.add.s32.msk $0xffff, v1  }
0x348: {  	[tilespmem:v4+s4+$0x0] =	vst.idx.add.s32.msk $0xffff, v1  }
0x349: {  	_ =	sdelay $0x3  }
0x34a: {  	[tilespmem:v3+s4+$0x0] =	vst.idx.add.s32.msk $0xffff, v1  }
0x34b: {  	_ =	swait.ge [sflag:s2], $0x1700  }
0x34c: {  	[sflag:s2] =	ssyncset.done $0x0  }
0x34d: {  	s25 =	simm.s32 $0xC4B0;
	[sflag:s2] =	ssyncadd.s32 $0xFFFFE900  }
0x34e: {  	v3 =	vld [tilespmem:s25+$0xB0]  }
0x34f: {  	v4 =	vld [tilespmem:s25+$0xA0]  }
0x350: {  	v5 =	vld [tilespmem:s25+$0x90]  }
0x351: {  	v6 =	vld [tilespmem:s25+$0x80]  }
0x352: {  	v7 =	vld [tilespmem:s25+$0x70]  }
0x353: {  	v8 =	vld [tilespmem:s25+$0x60]  }
0x354: {  	v9 =	vld [tilespmem:s25+$0x50]  }
0x355: {  	v10 =	vld [tilespmem:s25+$0x40]  }
0x356: {  	v11 =	vld [tilespmem:s25+$0x30]  }
0x357: {  	v12 =	vld [tilespmem:s25+$0x20]  }
0x358: {  	v13 =	vld [tilespmem:s25+$0x10]  }
0x359: {  	v14 =	vld [tilespmem:s25+$0x0]  }
0x35a: {  	v15 =	vld [tilespmem:s25+$0xFFFFFFF0]  }
0x35b: {  	v16 =	vld [tilespmem:s25+$0xFFFFFFE0]  }
0x35c: {  	v17 =	vld [tilespmem:s25+$0xFFFFFFD0]  }
0x35d: {  	v18 =	vld [tilespmem:s25+$0xFFFFFF50]  }
0x35e: {  	v19 =	vld [tilespmem:s25+$0xFFFFFF60]  }
0x35f: {  	v20 =	vld [tilespmem:s25+$0xFFFFFF70]  }
0x360: {  	v21 =	vld [tilespmem:s25+$0xFFFFFF80]  }
0x361: {  	v22 =	vld [tilespmem:s25+$0xFFFFFF90]  }
0x362: {  	v23 =	vld [tilespmem:s25+$0xFFFFFFA0]  }
0x363: {  	v24 =	vld [tilespmem:s25+$0xFFFFFFB0]  }
0x364: {  	v25 =	vld [tilespmem:s25+$0xFFFFFFC0]  }
0x365: {  	[tilespmem:v18+s4+$0x0] =	vst.idx.add.s32.msk $0xffff, v1  }
0x366: {  	[tilespmem:v19+s4+$0x0] =	vst.idx.add.s32.msk $0xffff, v1  }
0x367: {  	[tilespmem:v20+s4+$0x0] =	vst.idx.add.s32.msk $0xffff, v1  }
0x368: {  	[tilespmem:v21+s4+$0x0] =	vst.idx.add.s32.msk $0xffff, v1  }
0x369: {  	[tilespmem:v22+s4+$0x0] =	vst.idx.add.s32.msk $0xffff, v1  }
0x36a: {  	[tilespmem:v23+s4+$0x0] =	vst.idx.add.s32.msk $0xffff, v1  }
0x36b: {  	[tilespmem:v24+s4+$0x0] =	vst.idx.add.s32.msk $0xffff, v1  }
0x36c: {  	[tilespmem:v25+s4+$0x0] =	vst.idx.add.s32.msk $0xffff, v1  }
0x36d: {  	[tilespmem:v17+s4+$0x0] =	vst.idx.add.s32.msk $0xffff, v1  }
0x36e: {  	[tilespmem:v16+s4+$0x0] =	vst.idx.add.s32.msk $0xffff, v1  }
0x36f: {  	p2 =	sgt.u32 s15, $0x11;
	vm1 =	vmmov vm0;
	[tilespmem:v15+s4+$0x0] =	vst.idx.add.s32.msk $0xffff, v1  }
0x370: {  	vm1 =	vmneg @p2 vm1;
	[tilespmem:v14+s4+$0x0] =	vst.idx.add.s32.msk $0xffff, v1  }
0x371: {  	vm2 =	vmmov vm0;
	p2 =	sgt.u32 s15, $0x12;
	[tilespmem:v13+s4+$0x0] =	vst.idx.add.s32.msk $0xffff, v1  }
0x372: {  	vm3 =	vmmov vm0;
	vm2 =	vmneg @p2 vm2;
	p2 =	sgt.u32 s15, $0x13;
	[tilespmem:v12+s4+$0x0] =	vst.idx.add.s32.msk $0xffff, v1  }
0x373: {  	vm4 =	vmmov vm0;
	vm3 =	vmneg @p2 vm3;
	p2 =	sgt.u32 s15, $0x14;
	[tilespmem:v11+s4+$0x0] =	vst.idx.add.s32.msk $0xffff, v1  }
0x374: {  	vm5 =	vmmov vm0;
	vm4 =	vmneg @p2 vm4;
	p2 =	sgt.u32 s15, $0x15;
	[tilespmem:v10+s4+$0x0] =	vst.idx.add.s32.msk $0xffff, v1  }
0x375: {  	vm5 =	vmneg @p2 vm5;
	[tilespmem:v9+s4+$0x0] =	vst.idx.add.s32.msk $0xffff, v1  }
0x376: {  	p2 =	sgt.u32 s15, $0x16;
	[tilespmem:v8+s4+$0x0] =	vst.idx.add.s32.msk vm1, v1;
	vm1 =	vmmov vm0  }
0x377: {  	vm1 =	vmneg @p2 vm1  }
0x378: {  	[tilespmem:v7+s4+$0x0] =	vst.idx.add.s32.msk vm2, v1  }
0x379: {  	[tilespmem:v6+s4+$0x0] =	vst.idx.add.s32.msk vm3, v1  }
0x37a: {  	[tilespmem:v5+s4+$0x0] =	vst.idx.add.s32.msk vm4, v1  }
0x37b: {  	s28 =	simm.s32 $0x2D;
	[tilespmem:v4+s4+$0x0] =	vst.idx.add.s32.msk vm5, v1  }
.LBB2_20:
0x37c: {  	p2 =	sne.s32 s28, $0x16F  }
0x37d: {  	[tilespmem:v3+s4+$0x0] =	vst.idx.add.s32.msk vm1, v1;
	s25 =	sadd.s32 $0x170, s25;
	s17 =	smov.u32 s28;
	s28 =	sadd.s32 $0x17, s28  }
0x37e: {  	v3 =	vld [tilespmem:s25+$0xB0]  }
0x37f: {  	v4 =	vld [tilespmem:s25+$0xA0]  }
0x380: {  	v5 =	vld [tilespmem:s25+$0x90]  }
0x381: {  	v6 =	vld [tilespmem:s25+$0x80]  }
0x382: {  	v7 =	vld [tilespmem:s25+$0x70]  }
0x383: {  	v8 =	vld [tilespmem:s25+$0x60]  }
0x384: {  	v9 =	vld [tilespmem:s25+$0x50]  }
0x385: {  	v10 =	vld [tilespmem:s25+$0x40]  }
0x386: {  	v11 =	vld [tilespmem:s25+$0x30]  }
0x387: {  	v12 =	vld [tilespmem:s25+$0x20]  }
0x388: {  	v13 =	vld [tilespmem:s25+$0x10]  }
0x389: {  	v14 =	vld [tilespmem:s25+$0x0]  }
0x38a: {  	v15 =	vld [tilespmem:s25+$0xFFFFFFF0]  }
0x38b: {  	v16 =	vld [tilespmem:s25+$0xFFFFFFE0]  }
0x38c: {  	v17 =	vld [tilespmem:s25+$0xFFFFFFD0]  }
0x38d: {  	v18 =	vld [tilespmem:s25+$0xFFFFFF50]  }
0x38e: {  	v19 =	vld [tilespmem:s25+$0xFFFFFF60]  }
0x38f: {  	v20 =	vld [tilespmem:s25+$0xFFFFFF70]  }
0x390: {  	v21 =	vld [tilespmem:s25+$0xFFFFFF80]  }
0x391: {  	v22 =	vld [tilespmem:s25+$0xFFFFFF90]  }
0x392: {  	v23 =	vld [tilespmem:s25+$0xFFFFFFA0]  }
0x393: {  	v24 =	vld [tilespmem:s25+$0xFFFFFFB0]  }
0x394: {  	v25 =	vld [tilespmem:s25+$0xFFFFFFC0]  }
0x395: {  	[tilespmem:v18+s4+$0x0] =	vst.idx.add.s32.msk $0xffff, v1  }
0x396: {  	[tilespmem:v19+s4+$0x0] =	vst.idx.add.s32.msk $0xffff, v1  }
0x397: {  	[tilespmem:v20+s4+$0x0] =	vst.idx.add.s32.msk $0xffff, v1  }
0x398: {  	[tilespmem:v21+s4+$0x0] =	vst.idx.add.s32.msk $0xffff, v1  }
0x399: {  	[tilespmem:v22+s4+$0x0] =	vst.idx.add.s32.msk $0xffff, v1  }
0x39a: {  	[tilespmem:v23+s4+$0x0] =	vst.idx.add.s32.msk $0xffff, v1  }
0x39b: {  	[tilespmem:v24+s4+$0x0] =	vst.idx.add.s32.msk $0xffff, v1  }
0x39c: {  	[tilespmem:v25+s4+$0x0] =	vst.idx.add.s32.msk $0xffff, v1  }
0x39d: {  	[tilespmem:v17+s4+$0x0] =	vst.idx.add.s32.msk $0xffff, v1  }
0x39e: {  	s18 =	sadd.s32 $0xFFFFFFFB, s17;
	[tilespmem:v16+s4+$0x0] =	vst.idx.add.s32.msk $0xffff, v1  }
0x39f: {  	vm2 =	vmmov vm0;
	s19 =	sadd.s32 $0xFFFFFFFC, s17;
	p3 =	slt.u32 s18, s15;
	[tilespmem:v15+s4+$0x0] =	vst.idx.add.s32.msk $0xffff, v1  }
0x3a0: {  	vm3 =	vmmov vm0;
	s18 =	sadd.s32 $0xFFFFFFFD, s17;
	vm2 =	vmneg @p3 vm2;
	p3 =	slt.u32 s19, s15;
	[tilespmem:v14+s4+$0x0] =	vst.idx.add.s32.msk $0xffff, v1  }
0x3a1: {  	vm4 =	vmmov vm0;
	s19 =	sadd.s32 $0xFFFFFFFE, s17;
	vm3 =	vmneg @p3 vm3;
	p3 =	slt.u32 s18, s15;
	[tilespmem:v13+s4+$0x0] =	vst.idx.add.s32.msk $0xffff, v1  }
0x3a2: {  	vm5 =	vmmov vm0;
	s18 =	sadd.s32 $0xFFFFFFFF, s17;
	vm4 =	vmneg @p3 vm4;
	p3 =	slt.u32 s19, s15;
	[tilespmem:v12+s4+$0x0] =	vst.idx.add.s32.msk $0xffff, v1  }
0x3a3: {  	vm6 =	vmmov vm0;
	vm5 =	vmneg @p3 vm5;
	p3 =	slt.u32 s18, s15;
	[tilespmem:v11+s4+$0x0] =	vst.idx.add.s32.msk $0xffff, v1  }
0x3a4: {  	vm1 =	vmmov vm0;
	vm6 =	vmneg @p3 vm6;
	p3 =	slt.u32 s17, s15;
	[tilespmem:v10+s4+$0x0] =	vst.idx.add.s32.msk $0xffff, v1  }
0x3a5: {  	vm1 =	vmneg @p3 vm1;
	[tilespmem:v9+s4+$0x0] =	vst.idx.add.s32.msk $0xffff, v1  }
.Ltmp9:
0x3a6: {  	[tilespmem:v8+s4+$0x0] =	vst.idx.add.s32.msk vm2, v1;
	(pc) =	sbr.rel @p2 .LBB2_20-.Ltmp9, $4  }
0x3a7: {  	[tilespmem:v7+s4+$0x0] =	vst.idx.add.s32.msk vm3, v1  }
0x3a8: {  	[tilespmem:v6+s4+$0x0] =	vst.idx.add.s32.msk vm4, v1  }
0x3a9: {  	[tilespmem:v5+s4+$0x0] =	vst.idx.add.s32.msk vm5, v1  }
0x3aa: {  	[tilespmem:v4+s4+$0x0] =	vst.idx.add.s32.msk vm6, v1  }
0x3ab: {  	_ =	sdelay $0x4  }
0x3ac: {  	[tilespmem:v3+s4+$0x0] =	vst.idx.add.s32.msk vm1, v1;
	s17 =	simm.s32 @!p0 $0x0;
	s18 =	rddreg [dreg:$0xe]  }
0x3ad: {  	[spmem:s18] =	stream.linear.scatter @!p0 [tilespmem:s17], [sflag:$0xB], $0xC400, $0x38;
	[tilespmem:$0x1F300] =	vst v63  }
0x3ae: {  	s17 =	simm.s32 @!p0 $0xB  }
0x3af: {  	_ =	swait.ge @!p0 [sflag:s17], $0xC400  }
0x3b0: {  	[sflag:s17] =	ssyncset.done @!p0 $0x0  }
0x3b1: {  	[sflag:s17] =	ssyncadd.s32 @!p0 $0xFFFF3C00  }
0x3b2: {  	s18 =	simm.s32 $0x12C80;
	[bflag:$0x0] =	sbarrier.arrive $0xFFFF  }
0x3b3: {  	[tilespmem:s18], [sflag:$0x3] =	stream.linear.gather [spmem:s16], $0xC40, $0x38;
	[tilespmem:$0x1F300] =	vst v63  }
0x3b4: {  	s25 =	simm.s32 $0x13900;
	s19 =	rddreg [dreg:$0xf]  }
0x3b5: {  	[tilespmem:s25], [sflag:$0x4] =	stream.linear.gather [spmem:s19], $0xC40, $0x38;
	[tilespmem:$0x1F300] =	vst v63  }
0x3b6: {  	s19 =	rddreg [dreg:$0x10];
	s25 =	simm.s32 $0x14580  }
0x3b7: {  	[tilespmem:s25], [sflag:$0x5] =	stream.linear.gather [spmem:s19], $0xC40, $0x38;
	[tilespmem:$0x1F300] =	vst v63  }
0x3b8: {  	s19 =	simm.s32 $0x15200  }
0x3b9: {  	[tilespmem:s19], [sflag:$0x6] =	stream.linear.gather [spmem:s20], $0xC40, $0x38;
	[tilespmem:$0x1F300] =	vst v63  }
0x3ba: {  	s25 =	simm.s32 $0x15E80  }
0x3bb: {  	[tilespmem:s25], [sflag:$0x7] =	stream.linear.gather [spmem:s21], $0xC40, $0x38;
	[tilespmem:$0x1F300] =	vst v63  }
0x3bc: {  	s18 =	simm.s32 $0x16B00  }
0x3bd: {  	[tilespmem:s18], [sflag:$0x8] =	stream.linear.gather [spmem:s22], $0xC40, $0x38;
	[tilespmem:$0x1F300] =	vst v63  }
0x3be: {  	s19 =	simm.s32 $0x17780  }
0x3bf: {  	[tilespmem:s19], [sflag:$0x9] =	stream.linear.gather [spmem:s23], $0xC40, $0x38;
	[tilespmem:$0x1F300] =	vst v63  }
0x3c0: {  	s25 =	simm.s32 $0x18400  }
0x3c1: {  	[tilespmem:s25], [sflag:$0xA] =	stream.linear.gather [spmem:s26], $0xC40, $0x38;
	[tilespmem:$0x1F300] =	vst v63  }
0x3c2: {  	_ =	swait.ge [sflag:s10], $0xC40  }
0x3c3: {  	[sflag:s10] =	ssyncset.done $0x0  }
0x3c4: {  	[sflag:s10] =	ssyncadd.s32 $0xFFFFF3C0  }
0x3c5: {  	_ =	swait.ge [sflag:s12], $0xC40  }
0x3c6: {  	[sflag:s12] =	ssyncset.done $0x0  }
0x3c7: {  	[sflag:s12] =	ssyncadd.s32 $0xFFFFF3C0  }
0x3c8: {  	_ =	swait.ge [sflag:s11], $0xC40  }
0x3c9: {  	[sflag:s11] =	ssyncset.done $0x0  }
0x3ca: {  	[sflag:s11] =	ssyncadd.s32 $0xFFFFF3C0  }
0x3cb: {  	_ =	swait.ge [sflag:s13], $0xC40  }
0x3cc: {  	[sflag:s13] =	ssyncset.done $0x0  }
0x3cd: {  	[sflag:s13] =	ssyncadd.s32 $0xFFFFF3C0  }
0x3ce: {  	_ =	swait.ge [sflag:s7], $0xC40  }
0x3cf: {  	[sflag:s7] =	ssyncset.done $0x0  }
0x3d0: {  	[sflag:s7] =	ssyncadd.s32 $0xFFFFF3C0  }
0x3d1: {  	_ =	swait.ge [sflag:s14], $0xC40  }
0x3d2: {  	[sflag:s14] =	ssyncset.done $0x0  }
0x3d3: {  	[sflag:s14] =	ssyncadd.s32 $0xFFFFF3C0  }
0x3d4: {  	_ =	swait.ge [sflag:s8], $0xC40  }
0x3d5: {  	[sflag:s8] =	ssyncset.done $0x0  }
0x3d6: {  	[sflag:s8] =	ssyncadd.s32 $0xFFFFF3C0  }
0x3d7: {  	_ =	swait.ge [sflag:s9], $0xC40  }
0x3d8: {  	[sflag:s9] =	ssyncset.done $0x0  }
0x3d9: {  	s17 =	simm.s32 $0x0;
	[sflag:s9] =	ssyncadd.s32 $0xFFFFF3C0  }
0x3da: {  	v3 =	vld [tilespmem:s17+$0x12C90]  }
0x3db: {  	v4 =	vld [tilespmem:s17+$0x13910]  }
0x3dc: {  	v5 =	vld [tilespmem:s17+$0x14590]  }
0x3dd: {  	v6 =	vld [tilespmem:s17+$0x15210]  }
0x3de: {  	v7 =	vld [tilespmem:s17+$0x15E90]  }
0x3df: {  	v8 =	vld [tilespmem:s17+$0x16B10]  }
0x3e0: {  	v9 =	vld [tilespmem:s17+$0x17790]  }
0x3e1: {  	v10 =	vld [tilespmem:s17+$0x18410];
	v3 =	vadd.s32 v3, v4  }
0x3e2: {  	v11 =	vld [tilespmem:s17+$0x12C80];
	v3 =	vadd.s32 v5, v3  }
0x3e3: {  	v3 =	vadd.s32 v6, v3;
	v6 =	vld [tilespmem:s17+$0x13900]  }
0x3e4: {  	v3 =	vadd.s32 v7, v3;
	v7 =	vld [tilespmem:s17+$0x14580]  }
0x3e5: {  	v3 =	vadd.s32 v8, v3;
	v8 =	vld [tilespmem:s17+$0x15200]  }
0x3e6: {  	v4 =	vld [tilespmem:s17+$0x15E80];
	v3 =	vadd.s32 v9, v3  }
0x3e7: {  	v5 =	vld [tilespmem:s17+$0x16B00];
	v3 =	vadd.s32 v10, v3  }
0x3e8: {  	[tilespmem:s17+$0x12010] =	vst v3;
	v3 =	vadd.s32 v11, v6;
	v6 =	vld [tilespmem:s17+$0x17780]  }
0x3e9: {  	s25 =	simm.s32 $0x20;
	v9 =	vadd.s32 v7, v3;
	v7 =	vld [tilespmem:s17+$0x18400]  }
0x3ea: {  	s28 =	simm.s32 $0x100;
	v3 =	vld [tilespmem:s25+$0x12C90];
	v8 =	vadd.s32 v8, v9  }
.LBB2_22:
0x3eb: {  	p2 =	sne.s32 s28, $0x3080;
	v9 =	vld [tilespmem:s25+$0x13910];
	v4 =	vadd.s32 v4, v8  }
0x3ec: {  	v8 =	vld [tilespmem:s25+$0x14590];
	v4 =	vadd.s32 v5, v4  }
0x3ed: {  	v5 =	vld [tilespmem:s25+$0x15210];
	v4 =	vadd.s32 v6, v4  }
0x3ee: {  	v6 =	vld [tilespmem:s25+$0x15E90];
	v4 =	vadd.s32 v7, v4  }
0x3ef: {  	v7 =	vld [tilespmem:s25+$0x16B10];
	[tilespmem:s17+$0x12000] =	vst v4;
	s17 =	smov.u32 s25  }
0x3f0: {  	v3 =	vadd.s32 v3, v9;
	v4 =	vld [tilespmem:s17+$0x17790]  }
0x3f1: {  	v3 =	vadd.s32 v8, v3;
	v8 =	vld [tilespmem:s17+$0x18410]  }
0x3f2: {  	v9 =	vld [tilespmem:s17+$0x12C80];
	v3 =	vadd.s32 v5, v3  }
0x3f3: {  	v10 =	vld [tilespmem:s17+$0x13900];
	v3 =	vadd.s32 v6, v3  }
0x3f4: {  	v11 =	vld [tilespmem:s17+$0x14580];
	v3 =	vadd.s32 v7, v3  }
0x3f5: {  	v12 =	vld [tilespmem:s17+$0x15200];
	v3 =	vadd.s32 v4, v3  }
.Ltmp10:
0x3f6: {  	v4 =	vld [tilespmem:s17+$0x15E80];
	v3 =	vadd.s32 v8, v3;
	(pc) =	sbr.rel @p2 .LBB2_22-.Ltmp10, $4  }
0x3f7: {  	v5 =	vld [tilespmem:s17+$0x16B00];
	[tilespmem:s17+$0x12010] =	vst v3  }
0x3f8: {  	v3 =	vadd.s32 v9, v10;
	v6 =	vld [tilespmem:s17+$0x17780]  }
0x3f9: {  	s25 =	sshra.s32 s28, $0x2;
	v8 =	vadd.s32 v11, v3;
	v7 =	vld [tilespmem:s17+$0x18400]  }
0x3fa: {  	s28 =	sadd.s32 $0x80, s28;
	v3 =	vld [tilespmem:s25+$0x12C90];
	v8 =	vadd.s32 v12, v8  }
0x3fb: {  	v9 =	vld [tilespmem:s25+$0x13910];
	v4 =	vadd.s32 v4, v8  }
0x3fc: {  	v8 =	vld [tilespmem:s25+$0x14590];
	v4 =	vadd.s32 v5, v4  }
0x3fd: {  	v5 =	vld [tilespmem:s25+$0x15210];
	v4 =	vadd.s32 v6, v4  }
0x3fe: {  	v6 =	vld [tilespmem:s25+$0x15E90];
	v4 =	vadd.s32 v7, v4  }
0x3ff: {  	v7 =	vld [tilespmem:s25+$0x16B10];
	[tilespmem:s17+$0x12000] =	vst v4  }
0x400: {  	v4 =	vld [tilespmem:s25+$0x17790]  }
0x401: {  	v3 =	vadd.s32 v3, v9;
	v9 =	vld [tilespmem:s25+$0x18410]  }
0x402: {  	v3 =	vadd.s32 v8, v3;
	v8 =	vld [tilespmem:s25+$0x12C80]  }
0x403: {  	v3 =	vadd.s32 v5, v3;
	v5 =	vld [tilespmem:s25+$0x13900]  }
0x404: {  	v3 =	vadd.s32 v6, v3;
	v6 =	vld [tilespmem:s25+$0x14580]  }
0x405: {  	v3 =	vadd.s32 v7, v3;
	v7 =	vld [tilespmem:s25+$0x15200]  }
0x406: {  	v3 =	vadd.s32 v4, v3;
	v4 =	vld [tilespmem:s25+$0x15E80]  }
0x407: {  	v3 =	vadd.s32 v9, v3;
	v9 =	vld [tilespmem:s25+$0x16B00]  }
0x408: {  	[tilespmem:s25+$0x12010] =	vst v3;
	v3 =	vadd.s32 v8, v5;
	v5 =	vld [tilespmem:s25+$0x17780]  }
0x409: {  	v3 =	vadd.s32 v6, v3;
	v6 =	vld [tilespmem:s25+$0x18400]  }
0x40a: {  	v3 =	vadd.s32 v7, v3  }
0x40b: {  	v3 =	vadd.s32 v4, v3  }
0x40c: {  	v3 =	vadd.s32 v9, v3  }
0x40d: {  	v3 =	vadd.s32 v5, v3  }
0x40e: {  	v3 =	vadd.s32 v6, v3  }
0x40f: {  	[tilespmem:s25+$0x12000] =	vst v3  }
0x410: {  	[bflag:$0x0] =	sbarrier.arrive $0xFFFF  }
0x411: {  	s17 =	simm.s32 @!p1 $0x0;
	s18 =	rddreg [dreg:$0x13]  }
0x412: {  	[spmem:s18] =	stream.linear.scatter @!p1 [tilespmem:s17], [sflag:$0xB], $0xC400, $0x38;
	[tilespmem:$0x1F300] =	vst v63  }
0x413: {  	s17 =	simm.s32 @!p1 $0xB  }
0x414: {  	_ =	swait.ge @!p1 [sflag:s17], $0xC400  }
0x415: {  	[sflag:s17] =	ssyncset.done @!p1 $0x0  }
0x416: {  	[sflag:s17] =	ssyncadd.s32 @!p1 $0xFFFF3C00  }
0x417: {  	s19 =	simm.s32 $0x12C80;
	[bflag:$0x0] =	sbarrier.arrive $0xFFFF  }
0x418: {  	[tilespmem:s19], [sflag:$0x3] =	stream.linear.gather [spmem:s16], $0xC40, $0x38;
	[tilespmem:$0x1F300] =	vst v63  }
0x419: {  	s28 =	simm.s32 $0x13900;
	s25 =	rddreg [dreg:$0xf]  }
0x41a: {  	[tilespmem:s28], [sflag:$0x4] =	stream.linear.gather [spmem:s25], $0xC40, $0x38;
	[tilespmem:$0x1F300] =	vst v63  }
0x41b: {  	s19 =	rddreg [dreg:$0x10];
	s25 =	simm.s32 $0x14580  }
0x41c: {  	[tilespmem:s25], [sflag:$0x5] =	stream.linear.gather [spmem:s19], $0xC40, $0x38;
	[tilespmem:$0x1F300] =	vst v63  }
0x41d: {  	s28 =	simm.s32 $0x15200  }
0x41e: {  	[tilespmem:s28], [sflag:$0x6] =	stream.linear.gather [spmem:s20], $0xC40, $0x38;
	[tilespmem:$0x1F300] =	vst v63  }
0x41f: {  	s18 =	simm.s32 $0x15E80  }
0x420: {  	[tilespmem:s18], [sflag:$0x7] =	stream.linear.gather [spmem:s21], $0xC40, $0x38;
	[tilespmem:$0x1F300] =	vst v63  }
0x421: {  	s19 =	simm.s32 $0x16B00  }
0x422: {  	[tilespmem:s19], [sflag:$0x8] =	stream.linear.gather [spmem:s22], $0xC40, $0x38;
	[tilespmem:$0x1F300] =	vst v63  }
0x423: {  	s25 =	simm.s32 $0x17780  }
0x424: {  	[tilespmem:s25], [sflag:$0x9] =	stream.linear.gather [spmem:s23], $0xC40, $0x38;
	[tilespmem:$0x1F300] =	vst v63  }
0x425: {  	s28 =	simm.s32 $0x18400  }
0x426: {  	[tilespmem:s28], [sflag:$0xA] =	stream.linear.gather [spmem:s26], $0xC40, $0x38;
	[tilespmem:$0x1F300] =	vst v63  }
0x427: {  	_ =	swait.ge [sflag:s10], $0xC40  }
0x428: {  	[sflag:s10] =	ssyncset.done $0x0  }
0x429: {  	[sflag:s10] =	ssyncadd.s32 $0xFFFFF3C0  }
0x42a: {  	_ =	swait.ge [sflag:s12], $0xC40  }
0x42b: {  	[sflag:s12] =	ssyncset.done $0x0  }
0x42c: {  	[sflag:s12] =	ssyncadd.s32 $0xFFFFF3C0  }
0x42d: {  	_ =	swait.ge [sflag:s11], $0xC40  }
0x42e: {  	[sflag:s11] =	ssyncset.done $0x0  }
0x42f: {  	[sflag:s11] =	ssyncadd.s32 $0xFFFFF3C0  }
0x430: {  	_ =	swait.ge [sflag:s13], $0xC40  }
0x431: {  	[sflag:s13] =	ssyncset.done $0x0  }
0x432: {  	[sflag:s13] =	ssyncadd.s32 $0xFFFFF3C0  }
0x433: {  	_ =	swait.ge [sflag:s7], $0xC40  }
0x434: {  	[sflag:s7] =	ssyncset.done $0x0  }
0x435: {  	[sflag:s7] =	ssyncadd.s32 $0xFFFFF3C0  }
0x436: {  	_ =	swait.ge [sflag:s14], $0xC40  }
0x437: {  	[sflag:s14] =	ssyncset.done $0x0  }
0x438: {  	[sflag:s14] =	ssyncadd.s32 $0xFFFFF3C0  }
0x439: {  	_ =	swait.ge [sflag:s8], $0xC40  }
0x43a: {  	[sflag:s8] =	ssyncset.done $0x0  }
0x43b: {  	[sflag:s8] =	ssyncadd.s32 $0xFFFFF3C0  }
0x43c: {  	_ =	swait.ge [sflag:s9], $0xC40  }
0x43d: {  	[sflag:s9] =	ssyncset.done $0x0  }
0x43e: {  	s17 =	simm.s32 $0x0;
	[sflag:s9] =	ssyncadd.s32 $0xFFFFF3C0  }
0x43f: {  	v5 =	vld [tilespmem:s17+$0x18400]  }
0x440: {  	v4 =	vld [tilespmem:s17+$0x18410]  }
0x441: {  	v3 =	vld [tilespmem:s17+$0x17780]  }
0x442: {  	v6 =	vld [tilespmem:s17+$0x16B00]  }
0x443: {  	v7 =	vld [tilespmem:s17+$0x15E80]  }
0x444: {  	v8 =	vld [tilespmem:s17+$0x15200]  }
0x445: {  	v9 =	vld [tilespmem:s17+$0x14580]  }
0x446: {  	v11 =	vld [tilespmem:s17+$0x12C80]  }
0x447: {  	v12 =	vld [tilespmem:s17+$0x13900]  }
0x448: {  	s25 =	simm.s32 $0x80;
	v10 =	vld [tilespmem:s17+$0x12C90]  }
.LBB2_24:
0x449: {  	p2 =	sne.s32 s25, $0x3080;
	v13 =	vld [tilespmem:s17+$0x13910]  }
0x44a: {  	v14 =	vld [tilespmem:s17+$0x14590]  }
0x44b: {  	v15 =	vld [tilespmem:s17+$0x15210]  }
0x44c: {  	v16 =	vld [tilespmem:s17+$0x15E90]  }
0x44d: {  	v11 =	vadd.s32 v11, v12;
	v12 =	vld [tilespmem:s17+$0x16B10]  }
0x44e: {  	v9 =	vadd.s32 v9, v11;
	v10 =	vadd.s32 v10, v13;
	v11 =	vld [tilespmem:s17+$0x17790]  }
0x44f: {  	v8 =	vadd.s32 v8, v9;
	v9 =	vld [tilespmem:s17+$0x12000];
	v10 =	vadd.s32 v14, v10  }
0x450: {  	s18 =	sshra.s32 s25, $0x2;
	v7 =	vadd.s32 v7, v8;
	v8 =	vadd.s32 v15, v10;
	v10 =	vld [tilespmem:s17+$0x12010]  }
0x451: {  	v6 =	vadd.s32 v6, v7;
	v13 =	vld [tilespmem:s18+$0x18400];
	v7 =	vadd.s32 v16, v8  }
0x452: {  	v6 =	vadd.s32 v3, v6;
	v14 =	vld [tilespmem:s18+$0x18410];
	v7 =	vadd.s32 v12, v7  }
0x453: {  	v5 =	vadd.s32 v5, v6;
	v3 =	vld [tilespmem:s18+$0x17780];
	v7 =	vadd.s32 v11, v7  }
0x454: {  	v6 =	vld [tilespmem:s18+$0x16B00];
	v9 =	vadd.s32 v9, v5;
	v4 =	vadd.s32 v4, v7  }
0x455: {  	v7 =	vld [tilespmem:s18+$0x15E80];
	[tilespmem:s17+$0x12000] =	vst v9;
	v10 =	vadd.s32 v10, v4  }
.Ltmp11:
0x456: {  	v8 =	vld [tilespmem:s18+$0x15200];
	[tilespmem:s17+$0x12010] =	vst v10;
	v5 =	vmov v13;
	s17 =	smov.u32 s18;
	(pc) =	sbr.rel @p2 .LBB2_24-.Ltmp11, $4  }
0x457: {  	v9 =	vld [tilespmem:s17+$0x14580];
	v4 =	vmov v14  }
0x458: {  	v11 =	vld [tilespmem:s17+$0x12C80]  }
0x459: {  	v12 =	vld [tilespmem:s17+$0x13900]  }
0x45a: {  	s25 =	sadd.s32 $0x80, s25;
	v10 =	vld [tilespmem:s17+$0x12C90]  }
0x45b: {  	v13 =	vld [tilespmem:s17+$0x13910]  }
0x45c: {  	v14 =	vld [tilespmem:s17+$0x14590]  }
0x45d: {  	v15 =	vld [tilespmem:s17+$0x15210]  }
0x45e: {  	v16 =	vld [tilespmem:s17+$0x15E90]  }
0x45f: {  	v60 =	vld [tilespmem:s17+$0x16B10];
	v11 =	vadd.s32 v11, v12  }
0x460: {  	v61 =	vld [tilespmem:s17+$0x17790];
	v9 =	vadd.s32 v9, v11;
	v10 =	vadd.s32 v10, v13  }
0x461: {  	v62 =	vld [tilespmem:s17+$0x12000];
	v8 =	vadd.s32 v8, v9;
	v10 =	vadd.s32 v14, v10  }
0x462: {  	v63 =	vld [tilespmem:s17+$0x12010];
	v7 =	vadd.s32 v7, v8;
	v8 =	vadd.s32 v15, v10  }
0x463: {  	v6 =	vadd.s32 v6, v7;
	v7 =	vadd.s32 v16, v8  }
0x464: {  	v3 =	vadd.s32 v3, v6;
	v6 =	vadd.s32 v60, v7  }
0x465: {  	v3 =	vadd.s32 v5, v3;
	v5 =	vadd.s32 v61, v6  }
0x466: {  	v3 =	vadd.s32 v62, v3;
	v4 =	vadd.s32 v4, v5  }
0x467: {  	[tilespmem:s17+$0x12000] =	vst v3;
	v3 =	vadd.s32 v63, v4  }
0x468: {  	[tilespmem:s17+$0x12010] =	vst v3  }
0x469: {  	s25 =	simm.s32 $0x12020;
	[bflag:$0x0] =	sbarrier.arrive $0xFFFF  }
0x46a: {  	v4 =	vld [tilespmem:s25+$0xFFFFFFE0]  }
0x46b: {  	v3 =	vld [tilespmem:$0x19080]  }
0x46c: {  	v5 =	vld [tilespmem:s25+$0x0]  }
0x46d: {  	v6 =	vld [tilespmem:s25+$0x10]  }
0x46e: {  	s18 =	sadd.s32 $0x0, s3  }
0x46f: {  	s19 =	sadd.s32 $0x20, s18;
	v7 =	vor.u32 s18, v2;
	v8 =	vld [tilespmem:s25+$0xFFFFFFF0];
	vm1 =	vlt.s32 v4, $0x200  }
0x470: {  	vm2 =	vlt.s32 v7, v3;
	v7 =	vor.u32 s19, v2;
	v4 =	vnsel vm1, $0x200, v4  }
0x471: {  	s19 =	sadd.s32 $0x30, s18;
	vm1 =	vlt.s32 v5, $0x200;
	v4 =	vnsel vm2, $0x0, v4;
	vm2 =	vlt.s32 v7, v3  }
0x472: {  	v5 =	vnsel vm1, $0x200, v5;
	v7 =	vor.u32 s19, v2;
	vm1 =	vlt.s32 v6, $0x200  }
0x473: {  	s17 =	simm.s32 $0x12060;
	s18 =	sadd.s32 $0x10, s18;
	[tilespmem:s25+$0xFFFFFFE0] =	vst v4;
	v5 =	vnsel vm2, $0x0, v5;
	vm2 =	vlt.s32 v7, v3;
	v6 =	vnsel vm1, $0x200, v6  }
0x474: {  	vm1 =	vlt.s32 v8, $0x200;
	v4 =	vld [tilespmem:s17+$0xFFFFFFE0];
	[tilespmem:s25+$0x0] =	vst v5;
	v5 =	vor.u32 s18, v2;
	v7 =	vnsel vm2, $0x0, v6  }
0x475: {  	v8 =	vnsel vm1, $0x200, v8;
	v6 =	vld [tilespmem:s17+$0x0];
	vm2 =	vlt.s32 v5, v3;
	[tilespmem:s25+$0x10] =	vst v7  }
0x476: {  	s28 =	simm.s32 $0x80;
	s18 =	sadd.s32 $0x40, s3;
	v5 =	vld [tilespmem:s17+$0x10];
	v7 =	vnsel vm2, $0x0, v8  }
.LBB2_26:
0x477: {  	p2 =	sne.s32 s28, $0xC00;
	v8 =	vor.u32 s18, v2;
	v9 =	vld [tilespmem:s17+$0xFFFFFFF0];
	s19 =	sadd.s32 $0x10, s18;
	[tilespmem:s25+$0xFFFFFFF0] =	vst v7;
	s25 =	smov.u32 s17  }
0x478: {  	vm1 =	vlt.s32 v8, v3;
	v7 =	vor.u32 s19, v2;
	s19 =	sadd.s32 $0x20, s18;
	s18 =	sadd.s32 $0x30, s18  }
0x479: {  	vm2 =	vlt.s32 v4, $0x200;
	v8 =	vor.u32 s19, v2;
	v10 =	vor.u32 s18, v2  }
0x47a: {  	v4 =	vnsel vm2, $0x200, v4;
	vm2 =	vlt.s32 v8, v3;
	vm3 =	vlt.s32 v6, $0x200  }
.Ltmp12:
0x47b: {  	v4 =	vnsel vm1, $0x0, v4;
	v6 =	vnsel vm3, $0x200, v6;
	vm1 =	vlt.s32 v5, $0x200;
	(pc) =	sbr.rel @p2 .LBB2_26-.Ltmp12, $4  }
0x47c: {  	s17 =	sadd.s32 $0x40, s17;
	[tilespmem:s25+$0xFFFFFFE0] =	vst v4;
	v6 =	vnsel vm2, $0x0, v6;
	vm2 =	vlt.s32 v10, v3;
	v5 =	vnsel vm1, $0x200, v5  }
0x47d: {  	vm1 =	vlt.s32 v7, v3;
	vm3 =	vlt.s32 v9, $0x200;
	v4 =	vld [tilespmem:s17+$0xFFFFFFE0];
	[tilespmem:s25+$0x0] =	vst v6;
	v5 =	vnsel vm2, $0x0, v5  }
0x47e: {  	v7 =	vnsel vm3, $0x200, v9;
	v6 =	vld [tilespmem:s17+$0x0];
	[tilespmem:s25+$0x10] =	vst v5  }
0x47f: {  	s18 =	sadd.s32 s28, s3;
	s28 =	sadd.s32 $0x40, s28;
	v7 =	vnsel vm1, $0x0, v7;
	v5 =	vld [tilespmem:s17+$0x10]  }
0x480: {  	_ = 	snop  }
0x481: {  	v8 =	vor.u32 s18, v2;
	v9 =	vld [tilespmem:s17+$0xFFFFFFF0];
	s19 =	sadd.s32 $0x10, s18  }
0x482: {  	vm1 =	vlt.s32 v8, v3;
	v60 =	vor.u32 s19, v2;
	s19 =	sadd.s32 $0x20, s18;
	vm2 =	vlt.s32 v4, $0x200  }
0x483: {  	s28 =	sadd.s32 $0x30, s18;
	v10 =	vor.u32 s19, v2;
	v4 =	vnsel vm2, $0x200, v4;
	vm2 =	vlt.s32 v6, $0x200  }
0x484: {  	v61 =	vor.u32 s28, v2;
	vm3 =	vlt.s32 v10, v3;
	v6 =	vnsel vm2, $0x200, v6  }
0x485: {  	[tilespmem:s25+$0xFFFFFFF0] =	vst v7;
	v4 =	vnsel vm1, $0x0, v4;
	vm1 =	vlt.s32 v5, $0x200;
	vm2 =	vlt.s32 v61, v3  }
0x486: {  	v6 =	vnsel vm3, $0x0, v6;
	[tilespmem:s17+$0xFFFFFFE0] =	vst v4;
	v62 =	vnsel vm1, $0x200, v5;
	vm1 =	vlt.s32 v9, $0x200  }
0x487: {  	vm3 =	vlt.s32 v60, v3;
	[tilespmem:s17+$0x0] =	vst v6;
	v3 =	vnsel vm2, $0x0, v62;
	v63 =	vnsel vm1, $0x200, v9  }
0x488: {  	[tilespmem:s17+$0x10] =	vst v3;
	v3 =	vnsel vm3, $0x0, v63  }
0x489: {  	s25 =	simm.s32 $0x12000;
	s19 =	rddreg [dreg:$0x11];
	[tilespmem:s17+$0xFFFFFFF0] =	vst v3  }
0x48a: {  	[hbm4b:s19+s4] =	stream.linear.scatter [tilespmem:s25], [sflag:$0xB], $0xC40, $0x38;
	[tilespmem:$0x1F300] =	vst v63  }
0x48b: {  	_ =	swait.ge [sflag:s0], $0xC40  }
0x48c: {  	s24 =	sadd.s32 $0x1, s24;
	s28 =	rddreg [dreg:$0x12]  }
0x48d: {  	p2 =	sne.s32 s24, s28  }
.Ltmp13:
0x48e: {  	_ = 	snop;
	(pc) =	sbr.rel @p2 .LBB2_1-.Ltmp13, $3  }
0x48f: {  	_ =	sdelay $0x1  }
0x490: {  	[sflag:s0] =	ssyncset.done $0x0  }
0x491: {  	[sflag:s0] =	ssyncadd.s32 $0xFFFFF3C0  }
0x492: {  	_ =	sfence.sel $0x180000  }
0x493: {  	[bflag:$0x0] =	sbarrier.arrive $0xFFFF  }
0x494: {  	_ =	strace $0x90000047  }
0x495: {  	s0 =	stileid.u32;
	[bflag:$0x2] =	sbarrier.arrive $0xFFFF  }
0x496: {  	p0 =	sne.s32 s0, $0x0;
	s0 =	rddreg [dreg:$0x4]  }
0x497: {  	s0 =	sadd.s32 @!p0 $0x100000, s0  }
0x498: {  	[sflag:s0] =	ssyncadd.tile.s32 @!p0 $0x1;
	_ =	shalt  }
.Lfunc_end2:
_tile_overlayer_lowered:
.L_overlay_start_2:
0x499: {  	(tag) =	ssettag $0x2  }
0x49a: {  	s0 =	rddreg [dreg:$0x0];
	s2 =	stileid.u32  }
0x49b: {  	s1 =	rddreg [dreg:$0x1];
	p0 =	sne.s32 s2, $0x0  }
0x49c: {  	s3 =	rddreg [dreg:$0x2];
	[bflag:$0x3] =	sbarrier.arrive $0xFFFF;
	s2 =	simm.s32 @!p0 $0x1C0B  }
0x49d: {  	[timem:s3], [sflag:s2] =	dma.local @!p0 [hbm:s0], s1  }
0x49e: {  	s0 =	simm.s32 @!p0 $0xB  }
0x49f: {  	_ =	swait.ge @!p0 [sflag:s0], s1  }
0x4a0: {  	s1 =	ssub.s32 @!p0 $0x0, s1;
	[sflag:s0] =	ssyncset.done @!p0 $0x0  }
0x4a1: {  	[sflag:s0] =	ssyncadd.s32 @!p0 s1  }
0x4a2: {  	[bflag:$0x3] =	sbarrier.arrive $0xFFFF  }
0x4a3: {  	_ =	shalt  }

// kernel: kernel.7.cloned.1.call-start
scs
__scs_entry_jumppad:
0x0: {  	(pc) =	sbr.rel $0x88, $3  }
0x1: {  	(tag) =	ssettag $0x0;
	lr =	simm.s32 $0x1  }
0x2: {  	[smem:$0x3F9D] =	sst lr;
	_ =	strace $0xD0000000  }
0x3: {  	_ = 	snop  }
0x4: {  	_ = 	snop  }
0x5: {  	_ = 	snop  }
0x6: {  	_ = 	snop  }
0x7: {  	_ = 	snop  }
__scs_overlays_trampoline_lowered:
0x8: {  	[smem:$0x3FAC] =	sst s0  }
0x9: {  	[smem:$0x3FAD] =	sst s1  }
0xa: {  	[smem:$0x3FAE] =	sst s2  }
0xb: {  	[smem:$0x3FAF] =	sst s3  }
0xc: {  	[smem:$0x3FB0] =	sst s4  }
0xd: {  	[smem:$0x3FB1] =	sst s5  }
0xe: {  	[smem:$0x3FB2] =	sst s6  }
0xf: {  	[smem:$0x3FB3] =	sst s7  }
0x10: {  	[smem:$0x3FB4] =	sst s8  }
0x11: {  	[smem:$0x3FB5] =	sst s9;
	s0 =	simm.s32 @!p0 $0x0  }
0x12: {  	s1 =	sld [smem:$0x3F9B];
	s0 =	simm.s32 @p0 $0x1  }
0x13: {  	[smem:$0x3FB6] =	sst s0;
	s0 =	simm.s32 @!p1 $0x0  }
0x14: {  	s2 =	sld [smem:$0x3F9A];
	s0 =	simm.s32 @p1 $0x1  }
0x15: {  	[smem:$0x3FB7] =	sst s0;
	s0 =	simm.s32 @!p2 $0x0  }
0x16: {  	s3 =	sld [smem:$0x3FDB];
	s0 =	simm.s32 @p2 $0x1  }
0x17: {  	s4 =	simm.s32 $0x1BF5;
	[smem:$0x3FB9] =	sst s0  }
0x18: {  	s0 =	sld [smem:$0x3F9C];
	_ =	swait.ge [sflag:s4], $0x0  }
0x19: {  	s7 =	sld [smem:$0x3F9D]  }
0x1a: {  	s8 =	sadd.s32 $0xFFFFE003, lr  }
0x1b: {  	s9 =	sadd.s32 $0xFFFFFEF7, lr;
	s5 =	simm.s32 $0xFFFFFFFF;
	p2 =	slt.u32 s8, $0xFFFFF086  }
0x1c: {  	p1 =	slt.u32 s9, $0xF7A;
	s5 =	simm.s32 @!p2 $0x0  }
0x1d: {  	s5 =	simm.s32 @p1 $0x1;
	p0 =	seq.s32 s7, s2  }
0x1e: {  	s7 =	smul.u32 @!p0 $0xF7A, s2;
	p2 =	seq.s32 @!p0 s5, $0x0  }
0x1f: {  	s9 =	smul.u32 $0xF7A, s1;
	s8 =	simm.s32 @!p0 $0x1BF5;
	p2 =	por !p2, p0  }
0x20: {  	[sflag:s8] =	ssyncset.s32 @!p0 $0xFFFFF086;
	s6 =	sadd.s32 @!p0 s3, s7;
	s7 =	simm.s32 @!p0 $0x108  }
0x21: {  	s3 =	sadd.s32 s3, s9;
	s6 =	sadd.s32 @!p0 $0x88, s6;
	s7 =	simm.s32 @p2 $0x1082  }
0x22: {  	[simem:s7], [sflag:s8] =	dma.local @!p0 [hbm:s6], $0xF7A  }
0x23: {  	s9 =	sor.u32 $0xD0000000, s2;
	s6 =	simm.s32 $0x108;
	_ =	swait.ge @!p0 [sflag:s8], $0x0  }
0x24: {  	s3 =	sadd.s32 $0x88, s3;
	s6 =	simm.s32 @!p1 $0x1082;
	[sflag:s4] =	ssyncset.s32 $0xFFFFF086  }
0x25: {  	[simem:s6], [sflag:s4] =	dma.local [hbm:s3], $0xF7A  }
0x26: {  	[smem:$0x3F9D] =	sst s1;
	(tag) =	ssettag s2;
	_ =	strace s9  }
0x27: {  	s1 =	sld [smem:$0x3FAD]  }
0x28: {  	s2 =	sld [smem:$0x3FAE]  }
0x29: {  	s4 =	sld [smem:$0x3FB0]  }
0x2a: {  	p0 =	seq.s32 s5, $0x0;
	s5 =	sld [smem:$0x3FB1]  }
0x2b: {  	s6 =	sld [smem:$0x3FB2]  }
0x2c: {  	s7 =	sld [smem:$0x3FB3]  }
0x2d: {  	s3 =	simm.s32 $0x108;
	s8 =	sld [smem:$0x3FB4]  }
0x2e: {  	s3 =	simm.s32 @!p0 $0x1082;
	s9 =	sld [smem:$0x3FB5]  }
0x2f: {  	lr =	sadd.s32 s0, s3;
	s0 =	sld [smem:$0x3FAC]  }
0x30: {  	s3 =	sld [smem:$0x3FAF]  }
0x31: {  	[smem:$0x3FB8] =	sst s10  }
0x32: {  	s10 =	sld [smem:$0x3FB6];
	_ =	sdelay $0x3  }
0x33: {  	p0 =	seq.s32 s10, $0x1;
	s10 =	sld [smem:$0x3FB8];
	_ =	sdelay $0x3  }
0x34: {  	[smem:$0x3FB8] =	sst s10  }
0x35: {  	s10 =	sld [smem:$0x3FB7];
	_ =	sdelay $0x3  }
0x36: {  	p1 =	seq.s32 s10, $0x1;
	s10 =	sld [smem:$0x3FB8];
	_ =	sdelay $0x3  }
0x37: {  	[smem:$0x3FB8] =	sst s10  }
0x38: {  	s10 =	sld [smem:$0x3FB9]  }
0x39: {  	_ = 	snop;
	(pc) =	sbr.ind lr, $3  }
0x3a: {  	_ = 	snop  }
0x3b: {  	_ = 	snop  }
0x3c: {  	p2 =	seq.s32 s10, $0x1;
	s10 =	sld [smem:$0x3FB8]  }
0x3d: {  	_ =	shalt  }
0x3e: {  	_ =	shalt  }
0x3f: {  	_ =	shalt  }
0x40: {  	_ =	shalt  }
0x41: {  	_ =	shalt  }
0x42: {  	_ =	shalt  }
0x43: {  	_ =	shalt  }
0x44: {  	_ =	shalt  }
0x45: {  	_ =	shalt  }
0x46: {  	_ =	shalt  }
0x47: {  	_ =	shalt  }
0x48: {  	_ =	shalt  }
0x49: {  	_ =	shalt  }
0x4a: {  	_ =	shalt  }
0x4b: {  	_ =	shalt  }
0x4c: {  	_ =	shalt  }
0x4d: {  	_ =	shalt  }
0x4e: {  	_ =	shalt  }
0x4f: {  	_ =	shalt  }
0x50: {  	_ =	shalt  }
0x51: {  	_ =	shalt  }
0x52: {  	_ =	shalt  }
0x53: {  	_ =	shalt  }
0x54: {  	_ =	shalt  }
0x55: {  	_ =	shalt  }
0x56: {  	_ =	shalt  }
0x57: {  	_ =	shalt  }
0x58: {  	_ =	shalt  }
0x59: {  	_ =	shalt  }
0x5a: {  	_ =	shalt  }
0x5b: {  	_ =	shalt  }
0x5c: {  	_ =	shalt  }
0x5d: {  	_ =	shalt  }
0x5e: {  	_ =	shalt  }
0x5f: {  	_ =	shalt  }
0x60: {  	_ =	shalt  }
0x61: {  	_ =	shalt  }
0x62: {  	_ =	shalt  }
0x63: {  	_ =	shalt  }
0x64: {  	_ =	shalt  }
0x65: {  	_ =	shalt  }
0x66: {  	_ =	shalt  }
0x67: {  	_ =	shalt  }
0x68: {  	_ =	shalt  }
0x69: {  	_ =	shalt  }
0x6a: {  	_ =	shalt  }
0x6b: {  	_ =	shalt  }
0x6c: {  	_ =	shalt  }
0x6d: {  	_ =	shalt  }
0x6e: {  	_ =	shalt  }
0x6f: {  	_ =	shalt  }
0x70: {  	_ =	shalt  }
0x71: {  	_ =	shalt  }
0x72: {  	_ =	shalt  }
0x73: {  	_ =	shalt  }
0x74: {  	_ =	shalt  }
0x75: {  	_ =	shalt  }
0x76: {  	_ =	shalt  }
0x77: {  	_ =	shalt  }
0x78: {  	_ =	shalt  }
0x79: {  	_ =	shalt  }
0x7a: {  	_ =	shalt  }
0x7b: {  	_ =	shalt  }
0x7c: {  	_ =	shalt  }
0x7d: {  	_ =	shalt  }
0x7e: {  	_ =	shalt  }
0x7f: {  	_ =	shalt  }
0x80: {  	_ =	shalt  }
0x81: {  	_ =	shalt  }
0x82: {  	_ =	shalt  }
0x83: {  	_ =	shalt  }
0x84: {  	_ =	shalt  }
0x85: {  	_ =	shalt  }
0x86: {  	_ =	shalt  }
0x87: {  	_ =	shalt  }
.Lfunc_end0:
.L_simem_size_0:
called_computation.1_lowered:
.L_overlay_start_0:
0x88: {  	s2 =	sld [smem:$0x3FD9]  }
0x89: {  	s3 =	sld [smem:$0x3FFE];
	_ =	sdelay $0x1  }
0x8a: {  	s1 =	srdreg.scid  }
0x8b: {  	s0 =	sand.u32 $0x1, s1  }
0x8c: {  	s17 =	sshll.u32 s0, $0xA;
	s2 =	sadd.s32 s3, s2  }
0x8d: {  	s2 =	sadd.s32 s2, s17  }
0x8e: {  	[smem:$0x3FC4] =	sst s2  }
0x8f: {  	_ = 	snop  }
0x90: {  	s2 =	sld [smem:$0x3FC7]  }
0x91: {  	s18 =	sld [smem:$0x3FC6]  }
0x92: {  	s4 =	sld [smem:$0x3FD0];
	(tm) =	ssettm $0x1  }
0x93: {  	s5 =	sld [smem:$0x3FFB];
	_ =	sdelay $0x3  }
0x94: {  	_ =	strace s5  }
0x95: {  	s5 =	sld [smem:$0x3FFC];
	_ =	sdelay $0x3  }
0x96: {  	_ =	strace s5  }
0x97: {  	s5 =	sld [smem:$0x3FFD];
	_ =	sdelay $0x3  }
0x98: {  	_ =	strace s5  }
0x99: {  	_ =	strace $0x8FFFFFFF  }
0x9a: {  	s19 =	sld [smem:$0x3FDB];
	_ =	sdelay $0x1  }
0x9b: {  	s6 =	simm.s32 $_scs_section_size  }
0x9c: {  	s7 =	simm.s32 $_size__tile_overlayer_lowered;
	s8 =	simm.s32 $_tile_overlayer_lowered  }
0x9d: {  	s22 =	simm.s32 $0x1BFF;
	s21 =	sshll.u32 s8, $0x1;
	s5 =	sadd.s32 s6, s19  }
0x9e: {  	s9 =	simm.s32 $0x0;
	s20 =	sshll.u32 s7, $0x1;
	s7 =	sadd.s32 s21, s5  }
0x9f: {  	[timem:s9], [sflag:s22] =	dma.local [hbm:s7], s20  }
0xa0: {  	_ =	swait.ge [sflag:s22], s20  }
0xa1: {  	s6 =	ssub.s32 $0x0, s20;
	[sflag:s22] =	ssyncset.done $0x0  }
0xa2: {  	[sflag:s22] =	ssyncadd.s32 s6;
	_ =	sdelay $0x1  }
0xa3: {  	s23 =	simm.s32 $0x1B8B  }
0xa4: {  	_ =	swait.ge [sflag:s23], $0x1  }
0xa5: {  	[sflag:s23] =	ssyncset.done $0x0  }
0xa6: {  	s25 =	simm.s32 $0x1B8E;
	s24 =	sld [smem:$0x3FFE];
	[sflag:s23] =	ssyncadd.s32 $0xFFFFFFFF  }
0xa7: {  	s26 =	simm.s32 $execute0_lowered;
	[smem:$0x3FD2] =	sst s25  }
0xa8: {  	s7 =	sshll.u32 s26, $0x1;
	_ =	strace $0x80000049;
	[dreg:$0x1] =	wrdreg $0xFFFFFFFF  }
0xa9: {  	s28 =	simm.s32 $_size_execute0_lowered;
	s5 =	sadd.s32 s5, s7;
	[dreg:$0x0] =	wrdreg $0x0  }
0xaa: {  	s7 =	sshll.u32 s28, $0x1;
	[dreg:$0x2] =	wrdreg s5  }
0xab: {  	[dreg:$0x3] =	wrdreg s7  }
0xac: {  	[dreg:$0x4] =	wrdreg $0xC0  }
0xad: {  	_ =	task [dreg:s9], $0x5FFFF  }
0xae: {  	[dreg:$0x1] =	wrdreg $0xFFFFFFFF  }
0xaf: {  	[dreg:$0x0] =	wrdreg $0x60  }
0xb0: {  	[dreg:$0x2] =	wrdreg s24  }
0xb1: {  	[dreg:$0x3] =	wrdreg s2  }
0xb2: {  	[dreg:$0x4] =	wrdreg s18  }
0xb3: {  	[dreg:$0x5] =	wrdreg s4  }
0xb4: {  	[dreg:$0x6] =	wrdreg $0x0  }
0xb5: {  	[dreg:$0x7] =	wrdreg $0x10080  }
0xb6: {  	[dreg:$0x8] =	wrdreg $0x9  }
0xb7: {  	_ =	task.clear_ibuf [dreg:s9], $0x9FFFF;
	_ =	strace $0x90000049  }
0xb8: {  	s29 =	simm.s32 $0x9;
	_ =	strace $0x8000004B  }
0xb9: {  	_ =	swait.ge [sflag:s29], $0x1  }
0xba: {  	[sflag:s29] =	ssyncadd.s32 $0xFFFFFFFF  }
0xbb: {  	_ =	strace $0x9000004B  }
0xbc: {  	_ =	sfence  }
0xbd: {  	s30 =	sld [smem:$0x0];
	_ =	sdelay $0x2  }
0xbe: {  	s31 =	sshll.u32 s1, $0xD;
	s1 =	sshrl.u32 s1, $0x2  }
0xbf: {  	s3 =	sand.u32 $0x4000, s31;
	s1 =	sadd.s32 s1, s30  }
0xc0: {  	s0 =	sor.u32 s3, s0;
	s1 =	sshll.u32 s1, $0x11  }
0xc1: {  	s0 =	sor.u32 s1, s0  }
0xc2: {  	s0 =	sadd.s32 $0x8F2B, s0  }
0xc3: {  	[sflag:s0] =	ssyncadd.remote.s32 $0x1  }
0xc4: {  	_ =	sfence.sel $0xFFFF  }
0xc5: {  	[dreg:$0x0] =	wrdreg $0xFFFFFFFF;
	(pc) =	sbr.abs _section_cstart, $3  }
0xc6: {  	[dreg:$0x1] =	wrdreg $0xFFFFFFFF  }
0xc7: {  	_ =	task.clear_ibuf [dreg:s9], $0x2FFFF;
	_ =	strace $0x9FFFFFFF  }
0xc8: {  	(tm) =	ssettm $0x7FFFFFFF  }
0xc9: {  	_ =	shalt  }
tec
execute0_lowered:
.L_overlay_start_1:
0x0: {  	(tag) =	ssettag $0x1  }
0x1: {  	s5 =	rddreg [dreg:$0x0]  }
0x2: {  	s0 =	rddreg [dreg:$0x1]  }
0x3: {  	s8 =	rddreg [dreg:$0x2]  }
0x4: {  	s6 =	rddreg [dreg:$0x3]  }
0x5: {  	s1 =	srdreg.scid;
	s2 =	rddreg [dreg:$0x5]  }
0x6: {  	s4 =	stileid.u32;
	s3 =	simm.s32 $0x0;
	[dreg:$0x7] =	wrdreg s0  }
0x7: {  	[dreg:$0x8] =	wrdreg s8;
	s0 =	sand.u32 $0x1, s1;
	s9 =	sshll.u32 s4, $0x1  }
0x8: {  	s25 =	simm.s32 $0x2088;
	s1 =	rddreg [dreg:$0x4];
	s26 =	sor.u32 s0, s9  }
0x9: {  	[smem:$0x7FF] =	sst s3;
	s24 =	sadd.s32 $0xC3000, s6;
	s9 =	smul.u32 $0x6180, s26  }
0xa: {  	_ =	strace $0x8000004A;
	[dreg:$0x18] =	wrdreg s24;
	s7 =	smul.u32 $0x618, s26  }
0xb: {  	[dreg:$0x19] =	wrdreg s25;
	s10 =	smul.u32 $0x30C00, s26;
	s11 =	sadd.s32 s6, s9  }
0xc: {  	s7 =	sshrl.u32 s7, $0x3;
	s9 =	simm.s32 $0x2178;
	[dreg:$0xb] =	wrdreg s11  }
0xd: {  	s5 =	sadd.s32 s7, s5;
	[dreg:$0x1d] =	wrdreg s9  }
0xe: {  	s7 =	sshrl.u32 s10, $0x3;
	s10 =	simm.s32 $0x27F8;
	s9 =	rddreg [dreg:$0x7]  }
0xf: {  	s11 =	simm.s32 $0x21F0;
	[dreg:$0x1e] =	wrdreg s10  }
0x10: {  	s8 =	sadd.s32 $0x800, s5;
	[dreg:$0x1f] =	wrdreg s11  }
0x11: {  	s5 =	sadd.s32 $0x2080, s5;
	[dreg:$0x9] =	wrdreg s8  }
0x12: {  	s7 =	sadd.s32 s6, s7;
	s6 =	simm.s32 $0x2708;
	[dreg:$0xa] =	wrdreg s5  }
0x13: {  	s12 =	sadd.s32 $0x780, s7;
	[dreg:$0x1a] =	wrdreg s6  }
0x14: {  	s13 =	sadd.s32 $0xF00, s7;
	[dreg:$0xc] =	wrdreg s12  }
0x15: {  	s14 =	sadd.s32 $0x1680, s7;
	[dreg:$0xd] =	wrdreg s13  }
0x16: {  	s15 =	sadd.s32 $0x1E00, s7;
	[dreg:$0xe] =	wrdreg s14  }
0x17: {  	s16 =	sadd.s32 $0x2580, s7;
	[dreg:$0xf] =	wrdreg s15  }
0x18: {  	s17 =	sadd.s32 $0x2D00, s7;
	[dreg:$0x10] =	wrdreg s16  }
0x19: {  	s18 =	sadd.s32 $0x3480, s7;
	[dreg:$0x11] =	wrdreg s17  }
0x1a: {  	s19 =	sadd.s32 $0x3C00, s7;
	[dreg:$0x12] =	wrdreg s18  }
0x1b: {  	s20 =	sadd.s32 $0x4380, s7;
	[dreg:$0x13] =	wrdreg s19  }
0x1c: {  	s21 =	sadd.s32 $0x4B00, s7;
	[dreg:$0x14] =	wrdreg s20  }
0x1d: {  	s22 =	sadd.s32 $0x5280, s7;
	[dreg:$0x15] =	wrdreg s21  }
0x1e: {  	s23 =	sadd.s32 $0x5A00, s7;
	[dreg:$0x16] =	wrdreg s22  }
0x1f: {  	s7 =	simm.s32 $0x2100;
	[dreg:$0x17] =	wrdreg s23  }
0x20: {  	s8 =	simm.s32 $0x2780;
	[dreg:$0x1b] =	wrdreg s7  }
0x21: {  	[dreg:$0x1c] =	wrdreg s8  }
0x22: {  	s22 =	rddreg [dreg:$0x9]  }
0x23: {  	s12 =	simm.s32 $0x2870;
	s10 =	rddreg [dreg:$0xa]  }
0x24: {  	s13 =	simm.s32 $0x2268;
	[smem:$0x7F4] =	sst s12  }
0x25: {  	s14 =	simm.s32 $0x28E8;
	[smem:$0x7F5] =	sst s13  }
0x26: {  	s15 =	simm.s32 $0x22E0;
	[smem:$0x7F6] =	sst s14  }
0x27: {  	s16 =	simm.s32 $0x2960;
	[smem:$0x7F7] =	sst s15  }
0x28: {  	s17 =	simm.s32 $0x2358;
	[smem:$0x7F8] =	sst s16  }
0x29: {  	p0 =	sne.s32 s4, $0x0;
	s18 =	simm.s32 $0x29D8;
	[smem:$0x7F9] =	sst s17  }
0x2a: {  	s4 =	simm.s32 $0x2010;
	s19 =	simm.s32 $0x23D0;
	[smem:$0x7FA] =	sst s18  }
0x2b: {  	s5 =	simm.s32 $0x2690;
	s20 =	simm.s32 $0x2A50;
	[smem:$0x7FB] =	sst s19  }
0x2c: {  	s6 =	sshrl.u32 @!p0 s1, $0x3;
	s21 =	simm.s32 $0x2448;
	[smem:$0x7FC] =	sst s20  }
0x2d: {  	[tilespmem:s4], [sflag:$0x4] =	stream.linear.gather [hbm4b:s22+s3], $0x668, $0x38;
	[tilespmem:$0xA590] =	vst v63  }
0x2e: {  	s7 =	simm.s32 @!p0 $0x1C06;
	s8 =	simm.s32 @!p0 $0x6;
	[smem:$0x7FD] =	sst s21  }
0x2f: {  	[tilespmem:s5], [sflag:$0x5] =	stream.linear.gather [hbm4b:s10+s3], $0x668, $0x38;
	[tilespmem:$0xA590] =	vst v63  }
0x30: {  	[spmem:s6], [sflag:s7] =	dma.local @!p0 [hbm:s9], $0x2010  }
0x31: {  	_ =	swait.ge @!p0 [sflag:s8], $0x2010  }
0x32: {  	[sflag:s8] =	ssyncset.done @!p0 $0x0  }
0x33: {  	s9 =	sshrl.u32 @!p0 s2, $0x3;
	s10 =	rddreg [dreg:$0x8];
	[sflag:s8] =	ssyncadd.s32 @!p0 $0xFFFFDFF0  }
0x34: {  	[spmem:s9], [sflag:s7] =	dma.local @!p0 [hbm:s10], $0x2010  }
0x35: {  	_ =	swait.ge @!p0 [sflag:s8], $0x2010  }
0x36: {  	[sflag:s8] =	ssyncset.done @!p0 $0x0  }
0x37: {  	v0 =	vimm.f32 @!p0 $0.0e+00;
	[sflag:s8] =	ssyncadd.s32 @!p0 $0xFFFFDFF0  }
0x38: {  	[tilespmem:$0xA580] =	vst @!p0 v0  }
0x39: {  	[tilespmem:$0xA570] =	vst @!p0 v0  }
0x3a: {  	[tilespmem:$0xA560] =	vst @!p0 v0  }
0x3b: {  	[tilespmem:$0xA550] =	vst @!p0 v0  }
0x3c: {  	[tilespmem:$0xA540] =	vst @!p0 v0  }
0x3d: {  	[tilespmem:$0xA530] =	vst @!p0 v0  }
0x3e: {  	[tilespmem:$0xA510] =	vst @!p0 v0  }
0x3f: {  	s10 =	simm.s32 @!p0 $0xA510;
	[tilespmem:$0xA520] =	vst @!p0 v0  }
0x40: {  	[spmem:s1] =	stream.linear.scatter @!p0 [tilespmem:s10], [sflag:$0x6], $0x80, $0x38;
	[tilespmem:$0xA590] =	vst v63  }
0x41: {  	_ =	swait.ge @!p0 [sflag:s8], $0x80  }
0x42: {  	[sflag:s8] =	ssyncset.done @!p0 $0x0  }
0x43: {  	[sflag:s8] =	ssyncadd.s32 @!p0 $0xFFFFFF80  }
0x44: {  	[spmem:s2] =	stream.linear.scatter @!p0 [tilespmem:s10], [sflag:$0x6], $0x80, $0x38;
	[tilespmem:$0xA590] =	vst v63  }
0x45: {  	_ =	swait.ge @!p0 [sflag:s8], $0x80  }
0x46: {  	[sflag:s8] =	ssyncset.done @!p0 $0x0  }
0x47: {  	[sflag:s8] =	ssyncadd.s32 @!p0 $0xFFFFFF80  }
0x48: {  	s11 =	simm.s32 $0x4;
	[bflag:$0x0] =	sbarrier.arrive $0xFFFF  }
0x49: {  	_ =	swait.ge [sflag:s11], $0x668  }
0x4a: {  	[sflag:s11] =	ssyncset.done $0x0  }
0x4b: {  	s12 =	simm.s32 $0x5;
	[sflag:s11] =	ssyncadd.s32 $0xFFFFF998  }
0x4c: {  	_ =	swait.ge [sflag:s12], $0x668  }
0x4d: {  	s13 =	simm.s32 $0x78;
	[sflag:s12] =	ssyncset.done $0x0  }
0x4e: {  	s14 =	simm.s32 $0x2D10;
	s15 =	simm.s32 $0x1;
	[sflag:s12] =	ssyncadd.s32 $0xFFFFF998  }
0x4f: {  	[tilespmem:s14], [sflag:$0x1] =	stream.indirect.gather [spmem:s1], $0x80, s4, s13, $0xb8;
	[tilespmem:$0xA590] =	vst v63  }
0x50: {  	_ =	swait.ge [sflag:s15], $0x3C00  }
0x51: {  	[sflag:s15] =	ssyncset.done $0x0  }
0x52: {  	[sflag:s15] =	ssyncadd.s32 $0xFFFFC400  }
0x53: {  	[tilespmem:s14], [sflag:$0x2] =	stream.indirect.gather.add.f32 [spmem:s2], $0x80, s5, s13, $0xb8;
	[tilespmem:$0xA590] =	vst v63  }
0x54: {  	s16 =	simm.s32 $0x6910;
	s17 =	simm.s32 $0x2;
	s18 =	rddreg [dreg:$0x19]  }
0x55: {  	[tilespmem:s16], [sflag:$0x1] =	stream.indirect.gather [spmem:s1], $0x80, s18, s13, $0xb8;
	[tilespmem:$0xA590] =	vst v63  }
0x56: {  	_ =	swait.ge [sflag:s17], $0x3C00  }
0x57: {  	[sflag:s17] =	ssyncset.done $0x0  }
0x58: {  	s23 =	rddreg [dreg:$0xb];
	[sflag:s17] =	ssyncadd.s32 $0xFFFFC400  }
0x59: {  	[hbm4b:s23+s3] =	stream.linear.scatter [tilespmem:s14], [sflag:$0x3], $0x3C00, $0x38;
	[tilespmem:$0xA590] =	vst v63  }
0x5a: {  	_ =	swait.ge [sflag:s15], $0x3C00  }
0x5b: {  	[sflag:s15] =	ssyncset.done $0x0  }
0x5c: {  	s18 =	simm.s32 $0x3;
	s19 =	rddreg [dreg:$0x1a];
	[sflag:s15] =	ssyncadd.s32 $0xFFFFC400  }
0x5d: {  	[tilespmem:s16], [sflag:$0x2] =	stream.indirect.gather.add.f32 [spmem:s2], $0x80, s19, s13, $0xb8;
	[tilespmem:$0xA590] =	vst v63  }
0x5e: {  	_ =	swait.ge [sflag:s18], $0x3C00  }
0x5f: {  	[sflag:s18] =	ssyncset.done $0x0  }
0x60: {  	s24 =	rddreg [dreg:$0x1b];
	[sflag:s18] =	ssyncadd.s32 $0xFFFFC400  }
0x61: {  	[tilespmem:s14], [sflag:$0x1] =	stream.indirect.gather [spmem:s1], $0x80, s24, s13, $0xb8;
	[tilespmem:$0xA590] =	vst v63  }
0x62: {  	_ =	swait.ge [sflag:s17], $0x3C00  }
0x63: {  	[sflag:s17] =	ssyncset.done $0x0  }
0x64: {  	s25 =	rddreg [dreg:$0xc];
	[sflag:s17] =	ssyncadd.s32 $0xFFFFC400  }
0x65: {  	[hbm4b:s25+s3] =	stream.linear.scatter [tilespmem:s16], [sflag:$0x3], $0x3C00, $0x38;
	[tilespmem:$0xA590] =	vst v63  }
0x66: {  	_ =	swait.ge [sflag:s15], $0x3C00  }
0x67: {  	[sflag:s15] =	ssyncset.done $0x0  }
0x68: {  	s20 =	rddreg [dreg:$0x1c];
	[sflag:s15] =	ssyncadd.s32 $0xFFFFC400  }
0x69: {  	[tilespmem:s14], [sflag:$0x2] =	stream.indirect.gather.add.f32 [spmem:s2], $0x80, s20, s13, $0xb8;
	[tilespmem:$0xA590] =	vst v63  }
0x6a: {  	_ =	swait.ge [sflag:s18], $0x3C00  }
0x6b: {  	[sflag:s18] =	ssyncset.done $0x0  }
0x6c: {  	s21 =	rddreg [dreg:$0x1d];
	[sflag:s18] =	ssyncadd.s32 $0xFFFFC400  }
0x6d: {  	[tilespmem:s16], [sflag:$0x1] =	stream.indirect.gather [spmem:s1], $0x80, s21, s13, $0xb8;
	[tilespmem:$0xA590] =	vst v63  }
0x6e: {  	_ =	swait.ge [sflag:s17], $0x3C00  }
0x6f: {  	[sflag:s17] =	ssyncset.done $0x0  }
0x70: {  	s22 =	rddreg [dreg:$0xd];
	[sflag:s17] =	ssyncadd.s32 $0xFFFFC400  }
0x71: {  	[hbm4b:s22+s3] =	stream.linear.scatter [tilespmem:s14], [sflag:$0x3], $0x3C00, $0x38;
	[tilespmem:$0xA590] =	vst v63  }
0x72: {  	_ =	swait.ge [sflag:s15], $0x3C00  }
0x73: {  	[sflag:s15] =	ssyncset.done $0x0  }
0x74: {  	s23 =	rddreg [dreg:$0x1e];
	[sflag:s15] =	ssyncadd.s32 $0xFFFFC400  }
0x75: {  	[tilespmem:s16], [sflag:$0x2] =	stream.indirect.gather.add.f32 [spmem:s2], $0x80, s23, s13, $0xb8;
	[tilespmem:$0xA590] =	vst v63  }
0x76: {  	_ =	swait.ge [sflag:s18], $0x3C00  }
0x77: {  	[sflag:s18] =	ssyncset.done $0x0  }
0x78: {  	s24 =	rddreg [dreg:$0x1f];
	[sflag:s18] =	ssyncadd.s32 $0xFFFFC400  }
0x79: {  	[tilespmem:s14], [sflag:$0x1] =	stream.indirect.gather [spmem:s1], $0x80, s24, s13, $0xb8;
	[tilespmem:$0xA590] =	vst v63  }
0x7a: {  	_ =	swait.ge [sflag:s17], $0x3C00  }
0x7b: {  	[sflag:s17] =	ssyncset.done $0x0  }
0x7c: {  	s25 =	rddreg [dreg:$0xe];
	[sflag:s17] =	ssyncadd.s32 $0xFFFFC400  }
0x7d: {  	[hbm4b:s25+s3] =	stream.linear.scatter [tilespmem:s16], [sflag:$0x3], $0x3C00, $0x38;
	[tilespmem:$0xA590] =	vst v63  }
0x7e: {  	_ =	swait.ge [sflag:s15], $0x3C00  }
0x7f: {  	s20 =	sld [smem:$0x7F4]  }
0x80: {  	[sflag:s15] =	ssyncset.done $0x0  }
0x81: {  	[sflag:s15] =	ssyncadd.s32 $0xFFFFC400  }
0x82: {  	[tilespmem:s14], [sflag:$0x2] =	stream.indirect.gather.add.f32 [spmem:s2], $0x80, s20, s13, $0xb8;
	[tilespmem:$0xA590] =	vst v63  }
0x83: {  	_ =	swait.ge [sflag:s18], $0x3C00  }
0x84: {  	s21 =	sld [smem:$0x7F5]  }
0x85: {  	[sflag:s18] =	ssyncset.done $0x0  }
0x86: {  	[sflag:s18] =	ssyncadd.s32 $0xFFFFC400  }
0x87: {  	[tilespmem:s16], [sflag:$0x1] =	stream.indirect.gather [spmem:s1], $0x80, s21, s13, $0xb8;
	[tilespmem:$0xA590] =	vst v63  }
0x88: {  	_ =	swait.ge [sflag:s17], $0x3C00  }
0x89: {  	[sflag:s17] =	ssyncset.done $0x0  }
0x8a: {  	s22 =	rddreg [dreg:$0xf];
	[sflag:s17] =	ssyncadd.s32 $0xFFFFC400  }
0x8b: {  	[hbm4b:s22+s3] =	stream.linear.scatter [tilespmem:s14], [sflag:$0x3], $0x3C00, $0x38;
	[tilespmem:$0xA590] =	vst v63  }
0x8c: {  	_ =	swait.ge [sflag:s15], $0x3C00  }
0x8d: {  	s23 =	sld [smem:$0x7F6]  }
0x8e: {  	[sflag:s15] =	ssyncset.done $0x0  }
0x8f: {  	[sflag:s15] =	ssyncadd.s32 $0xFFFFC400  }
0x90: {  	[tilespmem:s16], [sflag:$0x2] =	stream.indirect.gather.add.f32 [spmem:s2], $0x80, s23, s13, $0xb8;
	[tilespmem:$0xA590] =	vst v63  }
0x91: {  	_ =	swait.ge [sflag:s18], $0x3C00  }
0x92: {  	s24 =	sld [smem:$0x7F7]  }
0x93: {  	[sflag:s18] =	ssyncset.done $0x0  }
0x94: {  	[sflag:s18] =	ssyncadd.s32 $0xFFFFC400  }
0x95: {  	[tilespmem:s14], [sflag:$0x1] =	stream.indirect.gather [spmem:s1], $0x80, s24, s13, $0xb8;
	[tilespmem:$0xA590] =	vst v63  }
0x96: {  	_ =	swait.ge [sflag:s17], $0x3C00  }
0x97: {  	[sflag:s17] =	ssyncset.done $0x0  }
0x98: {  	s25 =	rddreg [dreg:$0x10];
	[sflag:s17] =	ssyncadd.s32 $0xFFFFC400  }
0x99: {  	[hbm4b:s25+s3] =	stream.linear.scatter [tilespmem:s16], [sflag:$0x3], $0x3C00, $0x38;
	[tilespmem:$0xA590] =	vst v63  }
0x9a: {  	_ =	swait.ge [sflag:s15], $0x3C00  }
0x9b: {  	s20 =	sld [smem:$0x7F8]  }
0x9c: {  	[sflag:s15] =	ssyncset.done $0x0  }
0x9d: {  	[sflag:s15] =	ssyncadd.s32 $0xFFFFC400  }
0x9e: {  	[tilespmem:s14], [sflag:$0x2] =	stream.indirect.gather.add.f32 [spmem:s2], $0x80, s20, s13, $0xb8;
	[tilespmem:$0xA590] =	vst v63  }
0x9f: {  	_ =	swait.ge [sflag:s18], $0x3C00  }
0xa0: {  	s21 =	sld [smem:$0x7F9]  }
0xa1: {  	[sflag:s18] =	ssyncset.done $0x0  }
0xa2: {  	[sflag:s18] =	ssyncadd.s32 $0xFFFFC400  }
0xa3: {  	[tilespmem:s16], [sflag:$0x1] =	stream.indirect.gather [spmem:s1], $0x80, s21, s13, $0xb8;
	[tilespmem:$0xA590] =	vst v63  }
0xa4: {  	_ =	swait.ge [sflag:s17], $0x3C00  }
0xa5: {  	[sflag:s17] =	ssyncset.done $0x0  }
0xa6: {  	s22 =	rddreg [dreg:$0x11];
	[sflag:s17] =	ssyncadd.s32 $0xFFFFC400  }
0xa7: {  	[hbm4b:s22+s3] =	stream.linear.scatter [tilespmem:s14], [sflag:$0x3], $0x3C00, $0x38;
	[tilespmem:$0xA590] =	vst v63  }
0xa8: {  	_ =	swait.ge [sflag:s15], $0x3C00  }
0xa9: {  	s23 =	sld [smem:$0x7FA]  }
0xaa: {  	[sflag:s15] =	ssyncset.done $0x0  }
0xab: {  	[sflag:s15] =	ssyncadd.s32 $0xFFFFC400  }
0xac: {  	[tilespmem:s16], [sflag:$0x2] =	stream.indirect.gather.add.f32 [spmem:s2], $0x80, s23, s13, $0xb8;
	[tilespmem:$0xA590] =	vst v63  }
0xad: {  	_ =	swait.ge [sflag:s18], $0x3C00  }
0xae: {  	s24 =	sld [smem:$0x7FB]  }
0xaf: {  	[sflag:s18] =	ssyncset.done $0x0  }
0xb0: {  	[sflag:s18] =	ssyncadd.s32 $0xFFFFC400  }
0xb1: {  	[tilespmem:s14], [sflag:$0x1] =	stream.indirect.gather [spmem:s1], $0x80, s24, s13, $0xb8;
	[tilespmem:$0xA590] =	vst v63  }
0xb2: {  	_ =	swait.ge [sflag:s17], $0x3C00  }
0xb3: {  	[sflag:s17] =	ssyncset.done $0x0  }
0xb4: {  	s25 =	rddreg [dreg:$0x12];
	[sflag:s17] =	ssyncadd.s32 $0xFFFFC400  }
0xb5: {  	[hbm4b:s25+s3] =	stream.linear.scatter [tilespmem:s16], [sflag:$0x3], $0x3C00, $0x38;
	[tilespmem:$0xA590] =	vst v63  }
0xb6: {  	_ =	swait.ge [sflag:s15], $0x3C00  }
0xb7: {  	s20 =	sld [smem:$0x7FC]  }
0xb8: {  	[sflag:s15] =	ssyncset.done $0x0  }
0xb9: {  	[sflag:s15] =	ssyncadd.s32 $0xFFFFC400  }
0xba: {  	[tilespmem:s14], [sflag:$0x2] =	stream.indirect.gather.add.f32 [spmem:s2], $0x80, s20, s13, $0xb8;
	[tilespmem:$0xA590] =	vst v63  }
0xbb: {  	_ =	swait.ge [sflag:s18], $0x3C00  }
0xbc: {  	s21 =	sld [smem:$0x7FD]  }
0xbd: {  	[sflag:s18] =	ssyncset.done $0x0  }
0xbe: {  	[sflag:s18] =	ssyncadd.s32 $0xFFFFC400  }
0xbf: {  	[tilespmem:s16], [sflag:$0x1] =	stream.indirect.gather [spmem:s1], $0x80, s21, s13, $0xb8;
	[tilespmem:$0xA590] =	vst v63  }
0xc0: {  	_ =	swait.ge [sflag:s17], $0x3C00  }
0xc1: {  	[sflag:s17] =	ssyncset.done $0x0  }
0xc2: {  	s22 =	rddreg [dreg:$0x13];
	[sflag:s17] =	ssyncadd.s32 $0xFFFFC400  }
0xc3: {  	[hbm4b:s22+s3] =	stream.linear.scatter [tilespmem:s14], [sflag:$0x3], $0x3C00, $0x38;
	[tilespmem:$0xA590] =	vst v63  }
0xc4: {  	_ =	swait.ge [sflag:s15], $0x3C00  }
0xc5: {  	[sflag:s15] =	ssyncset.done $0x0  }
0xc6: {  	s23 =	simm.s32 $0x2AC8;
	[sflag:s15] =	ssyncadd.s32 $0xFFFFC400  }
0xc7: {  	[tilespmem:s16], [sflag:$0x2] =	stream.indirect.gather.add.f32 [spmem:s2], $0x80, s23, s13, $0xb8;
	[tilespmem:$0xA590] =	vst v63  }
0xc8: {  	_ =	swait.ge [sflag:s18], $0x3C00  }
0xc9: {  	[sflag:s18] =	ssyncset.done $0x0  }
0xca: {  	s24 =	simm.s32 $0x24C0;
	[sflag:s18] =	ssyncadd.s32 $0xFFFFC400  }
0xcb: {  	[tilespmem:s14], [sflag:$0x1] =	stream.indirect.gather [spmem:s1], $0x80, s24, s13, $0xb8;
	[tilespmem:$0xA590] =	vst v63  }
0xcc: {  	_ =	swait.ge [sflag:s17], $0x3C00  }
0xcd: {  	[sflag:s17] =	ssyncset.done $0x0  }
0xce: {  	s21 =	rddreg [dreg:$0x14];
	[sflag:s17] =	ssyncadd.s32 $0xFFFFC400  }
0xcf: {  	[hbm4b:s21+s3] =	stream.linear.scatter [tilespmem:s16], [sflag:$0x3], $0x3C00, $0x38;
	[tilespmem:$0xA590] =	vst v63  }
0xd0: {  	_ =	swait.ge [sflag:s15], $0x3C00  }
0xd1: {  	[sflag:s15] =	ssyncset.done $0x0  }
0xd2: {  	s25 =	simm.s32 $0x2B40;
	[sflag:s15] =	ssyncadd.s32 $0xFFFFC400  }
0xd3: {  	[tilespmem:s14], [sflag:$0x2] =	stream.indirect.gather.add.f32 [spmem:s2], $0x80, s25, s13, $0xb8;
	[tilespmem:$0xA590] =	vst v63  }
0xd4: {  	_ =	swait.ge [sflag:s18], $0x3C00  }
0xd5: {  	[sflag:s18] =	ssyncset.done $0x0  }
0xd6: {  	s22 =	simm.s32 $0x2538;
	[sflag:s18] =	ssyncadd.s32 $0xFFFFC400  }
0xd7: {  	[tilespmem:s16], [sflag:$0x1] =	stream.indirect.gather [spmem:s1], $0x80, s22, s13, $0xb8;
	[tilespmem:$0xA590] =	vst v63  }
0xd8: {  	_ =	swait.ge [sflag:s17], $0x3C00  }
0xd9: {  	[sflag:s17] =	ssyncset.done $0x0  }
0xda: {  	s23 =	rddreg [dreg:$0x15];
	[sflag:s17] =	ssyncadd.s32 $0xFFFFC400  }
0xdb: {  	[hbm4b:s23+s3] =	stream.linear.scatter [tilespmem:s14], [sflag:$0x3], $0x3C00, $0x38;
	[tilespmem:$0xA590] =	vst v63  }
0xdc: {  	_ =	swait.ge [sflag:s15], $0x3C00  }
0xdd: {  	[sflag:s15] =	ssyncset.done $0x0  }
0xde: {  	s23 =	simm.s32 $0x2BB8;
	[sflag:s15] =	ssyncadd.s32 $0xFFFFC400  }
0xdf: {  	[tilespmem:s16], [sflag:$0x2] =	stream.indirect.gather.add.f32 [spmem:s2], $0x80, s23, s13, $0xb8;
	[tilespmem:$0xA590] =	vst v63  }
0xe0: {  	_ =	swait.ge [sflag:s18], $0x3C00  }
0xe1: {  	[sflag:s18] =	ssyncset.done $0x0  }
0xe2: {  	s24 =	simm.s32 $0x25B0;
	[sflag:s18] =	ssyncadd.s32 $0xFFFFC400  }
0xe3: {  	[tilespmem:s14], [sflag:$0x1] =	stream.indirect.gather [spmem:s1], $0x80, s24, s13, $0xb8;
	[tilespmem:$0xA590] =	vst v63  }
0xe4: {  	_ =	swait.ge [sflag:s17], $0x3C00  }
0xe5: {  	[sflag:s17] =	ssyncset.done $0x0  }
0xe6: {  	s25 =	rddreg [dreg:$0x16];
	[sflag:s17] =	ssyncadd.s32 $0xFFFFC400  }
0xe7: {  	[hbm4b:s25+s3] =	stream.linear.scatter [tilespmem:s16], [sflag:$0x3], $0x3C00, $0x38;
	[tilespmem:$0xA590] =	vst v63  }
0xe8: {  	_ =	swait.ge [sflag:s15], $0x3C00  }
0xe9: {  	[sflag:s15] =	ssyncset.done $0x0  }
0xea: {  	s25 =	simm.s32 $0x2C30;
	[sflag:s15] =	ssyncadd.s32 $0xFFFFC400  }
0xeb: {  	[tilespmem:s14], [sflag:$0x2] =	stream.indirect.gather.add.f32 [spmem:s2], $0x80, s25, s13, $0xb8;
	[tilespmem:$0xA590] =	vst v63  }
0xec: {  	_ =	swait.ge [sflag:s17], $0x3C00  }
0xed: {  	[sflag:s17] =	ssyncset.done $0x0  }
0xee: {  	s28 =	rddreg [dreg:$0x17];
	[sflag:s17] =	ssyncadd.s32 $0xFFFFC400  }
0xef: {  	[hbm4b:s28+s3] =	stream.linear.scatter [tilespmem:s14], [sflag:$0x3], $0x3C00, $0x38;
	[tilespmem:$0xA590] =	vst v63  }
0xf0: {  	s0 =	ssub.s32 $0x2, s0;
	_ =	swait.ge [sflag:s18], $0x3C00  }
0xf1: {  	s31 =	sshrl.u32 s0, $0x1;
	[sflag:s18] =	ssyncset.done $0x0  }
0xf2: {  	p1 =	sne.s32 s26, $0x1F;
	s0 =	ssub.s32 s0, s31;
	[sflag:s18] =	ssyncadd.s32 $0xFFFFC400  }
0xf3: {  	s26 =	simm.s32 @!p1 $0x2D10;
	s0 =	smax.u32 s0, $0x1;
	_ =	swait.ge [sflag:s18], $0x3C00  }
0xf4: {  	s29 =	simm.s32 @!p1 $0x50;
	s31 =	sadd.s32 $0xFFFFFFFF, s0;
	[sflag:s18] =	ssyncset.done $0x0  }
0xf5: {  	s30 =	simm.s32 @!p1 $0x2628;
	p2 =	sne.s32 s31, $0x0;
	[sflag:s18] =	ssyncadd.s32 $0xFFFFC400  }
0xf6: {  	[tilespmem:s26], [sflag:$0x6] =	stream.indirect.gather @!p1 [spmem:s1], $0x80, s30, s29, $0xb8;
	[tilespmem:$0xA590] =	vst v63  }
.Ltmp0:
0xf7: {  	s28 =	simm.s32 @!p1 $0x6;
	(pc) =	sbr.rel @!p2 .LBB2_2-.Ltmp0, $4  }
0xf8: {  	_ =	swait.ge @!p1 [sflag:s28], $0x2800  }
0xf9: {  	[sflag:s28] =	ssyncset.done @!p1 $0x0  }
0xfa: {  	s0 =	simm.s32 @!p1 $0x2CA8;
	[sflag:s28] =	ssyncadd.s32 @!p1 $0xFFFFD800  }
0xfb: {  	[tilespmem:s26], [sflag:$0x6] =	stream.indirect.gather.add.f32 @!p1 [spmem:s2], $0x80, s0, s29, $0xb8;
	[tilespmem:$0xA590] =	vst v63  }
.LBB2_1:
0xfc: {  	_ =	swait.ge @!p1 [sflag:s28], $0x2800  }
0xfd: {  	[sflag:s28] =	ssyncset.done @!p1 $0x0  }
0xfe: {  	s20 =	simm.s32 @!p1 $0x0;
	s19 =	rddreg [dreg:$0x18];
	[sflag:s28] =	ssyncadd.s32 @!p1 $0xFFFFD800  }
0xff: {  	[hbm4b:s19+s20] =	stream.linear.scatter @!p1 [tilespmem:s26], [sflag:$0x6], $0x2800, $0x38;
	[tilespmem:$0xA590] =	vst v63  }
0x100: {  	_ =	swait.ge @!p1 [sflag:s28], $0x2800  }
0x101: {  	s19 =	rddreg [dreg:$0x9];
	[sflag:s28] =	ssyncset.done @!p1 $0x0  }
0x102: {  	s20 =	rddreg [dreg:$0x7];
	[sflag:s28] =	ssyncadd.s32 @!p1 $0xFFFFD800  }
0x103: {  	[tilespmem:s4], [sflag:$0x4] =	stream.linear.gather [hbm4b:s19+s3], $0x668, $0x38;
	[tilespmem:$0xA590] =	vst v63  }
0x104: {  	s21 =	rddreg [dreg:$0xa]  }
0x105: {  	[tilespmem:s5], [sflag:$0x5] =	stream.linear.gather [hbm4b:s21+s3], $0x668, $0x38;
	[tilespmem:$0xA590] =	vst v63  }
0x106: {  	[spmem:s6], [sflag:s7] =	dma.local @!p0 [hbm:s20], $0x2010  }
0x107: {  	_ =	swait.ge @!p0 [sflag:s8], $0x2010  }
0x108: {  	[sflag:s8] =	ssyncset.done @!p0 $0x0  }
0x109: {  	s19 =	rddreg [dreg:$0x8];
	[sflag:s8] =	ssyncadd.s32 @!p0 $0xFFFFDFF0  }
0x10a: {  	[spmem:s9], [sflag:s7] =	dma.local @!p0 [hbm:s19], $0x2010  }
0x10b: {  	_ =	swait.ge @!p0 [sflag:s8], $0x2010  }
0x10c: {  	[sflag:s8] =	ssyncset.done @!p0 $0x0  }
0x10d: {  	[sflag:s8] =	ssyncadd.s32 @!p0 $0xFFFFDFF0  }
0x10e: {  	[tilespmem:$0xA580] =	vst @!p0 v0  }
0x10f: {  	[tilespmem:$0xA570] =	vst @!p0 v0  }
0x110: {  	[tilespmem:$0xA560] =	vst @!p0 v0  }
0x111: {  	[tilespmem:$0xA550] =	vst @!p0 v0  }
0x112: {  	[tilespmem:$0xA540] =	vst @!p0 v0  }
0x113: {  	[tilespmem:$0xA530] =	vst @!p0 v0  }
0x114: {  	[tilespmem:$0xA510] =	vst @!p0 v0  }
0x115: {  	[tilespmem:$0xA520] =	vst @!p0 v0  }
0x116: {  	[spmem:s1] =	stream.linear.scatter @!p0 [tilespmem:s10], [sflag:$0x6], $0x80, $0x38;
	[tilespmem:$0xA590] =	vst v63  }
0x117: {  	_ =	swait.ge @!p0 [sflag:s8], $0x80  }
0x118: {  	[sflag:s8] =	ssyncset.done @!p0 $0x0  }
0x119: {  	[sflag:s8] =	ssyncadd.s32 @!p0 $0xFFFFFF80  }
0x11a: {  	[spmem:s2] =	stream.linear.scatter @!p0 [tilespmem:s10], [sflag:$0x6], $0x80, $0x38;
	[tilespmem:$0xA590] =	vst v63  }
0x11b: {  	_ =	swait.ge @!p0 [sflag:s8], $0x80  }
0x11c: {  	[sflag:s8] =	ssyncset.done @!p0 $0x0  }
0x11d: {  	[sflag:s8] =	ssyncadd.s32 @!p0 $0xFFFFFF80  }
0x11e: {  	[bflag:$0x0] =	sbarrier.arrive $0xFFFF  }
0x11f: {  	_ =	swait.ge [sflag:s11], $0x668  }
0x120: {  	[sflag:s11] =	ssyncset.done $0x0  }
0x121: {  	[sflag:s11] =	ssyncadd.s32 $0xFFFFF998  }
0x122: {  	_ =	swait.ge [sflag:s12], $0x668  }
0x123: {  	[sflag:s12] =	ssyncset.done $0x0  }
0x124: {  	[sflag:s12] =	ssyncadd.s32 $0xFFFFF998  }
0x125: {  	[tilespmem:s14], [sflag:$0x1] =	stream.indirect.gather [spmem:s1], $0x80, s4, s13, $0xb8;
	[tilespmem:$0xA590] =	vst v63  }
0x126: {  	_ =	swait.ge [sflag:s15], $0x3C00  }
0x127: {  	[sflag:s15] =	ssyncset.done $0x0  }
0x128: {  	[sflag:s15] =	ssyncadd.s32 $0xFFFFC400  }
0x129: {  	[tilespmem:s14], [sflag:$0x2] =	stream.indirect.gather.add.f32 [spmem:s2], $0x80, s5, s13, $0xb8;
	[tilespmem:$0xA590] =	vst v63  }
0x12a: {  	s21 =	rddreg [dreg:$0x19]  }
0x12b: {  	[tilespmem:s16], [sflag:$0x1] =	stream.indirect.gather [spmem:s1], $0x80, s21, s13, $0xb8;
	[tilespmem:$0xA590] =	vst v63  }
0x12c: {  	_ =	swait.ge [sflag:s17], $0x3C00  }
0x12d: {  	[sflag:s17] =	ssyncset.done $0x0  }
0x12e: {  	s20 =	rddreg [dreg:$0xb];
	[sflag:s17] =	ssyncadd.s32 $0xFFFFC400  }
0x12f: {  	[hbm4b:s20+s3] =	stream.linear.scatter [tilespmem:s14], [sflag:$0x3], $0x3C00, $0x38;
	[tilespmem:$0xA590] =	vst v63  }
0x130: {  	_ =	swait.ge [sflag:s15], $0x3C00  }
0x131: {  	[sflag:s15] =	ssyncset.done $0x0  }
0x132: {  	s21 =	rddreg [dreg:$0x1a];
	[sflag:s15] =	ssyncadd.s32 $0xFFFFC400  }
0x133: {  	[tilespmem:s16], [sflag:$0x2] =	stream.indirect.gather.add.f32 [spmem:s2], $0x80, s21, s13, $0xb8;
	[tilespmem:$0xA590] =	vst v63  }
0x134: {  	_ =	swait.ge [sflag:s18], $0x3C00  }
0x135: {  	[sflag:s18] =	ssyncset.done $0x0  }
0x136: {  	s20 =	rddreg [dreg:$0x1b];
	[sflag:s18] =	ssyncadd.s32 $0xFFFFC400  }
0x137: {  	[tilespmem:s14], [sflag:$0x1] =	stream.indirect.gather [spmem:s1], $0x80, s20, s13, $0xb8;
	[tilespmem:$0xA590] =	vst v63  }
0x138: {  	_ =	swait.ge [sflag:s17], $0x3C00  }
0x139: {  	[sflag:s17] =	ssyncset.done $0x0  }
0x13a: {  	s21 =	rddreg [dreg:$0xc];
	[sflag:s17] =	ssyncadd.s32 $0xFFFFC400  }
0x13b: {  	[hbm4b:s21+s3] =	stream.linear.scatter [tilespmem:s16], [sflag:$0x3], $0x3C00, $0x38;
	[tilespmem:$0xA590] =	vst v63  }
0x13c: {  	_ =	swait.ge [sflag:s15], $0x3C00  }
0x13d: {  	[sflag:s15] =	ssyncset.done $0x0  }
0x13e: {  	s20 =	rddreg [dreg:$0x1c];
	[sflag:s15] =	ssyncadd.s32 $0xFFFFC400  }
0x13f: {  	[tilespmem:s14], [sflag:$0x2] =	stream.indirect.gather.add.f32 [spmem:s2], $0x80, s20, s13, $0xb8;
	[tilespmem:$0xA590] =	vst v63  }
0x140: {  	_ =	swait.ge [sflag:s18], $0x3C00  }
0x141: {  	[sflag:s18] =	ssyncset.done $0x0  }
0x142: {  	s21 =	rddreg [dreg:$0x1d];
	[sflag:s18] =	ssyncadd.s32 $0xFFFFC400  }
0x143: {  	[tilespmem:s16], [sflag:$0x1] =	stream.indirect.gather [spmem:s1], $0x80, s21, s13, $0xb8;
	[tilespmem:$0xA590] =	vst v63  }
0x144: {  	_ =	swait.ge [sflag:s17], $0x3C00  }
0x145: {  	[sflag:s17] =	ssyncset.done $0x0  }
0x146: {  	s20 =	rddreg [dreg:$0xd];
	[sflag:s17] =	ssyncadd.s32 $0xFFFFC400  }
0x147: {  	[hbm4b:s20+s3] =	stream.linear.scatter [tilespmem:s14], [sflag:$0x3], $0x3C00, $0x38;
	[tilespmem:$0xA590] =	vst v63  }
0x148: {  	_ =	swait.ge [sflag:s15], $0x3C00  }
0x149: {  	[sflag:s15] =	ssyncset.done $0x0  }
0x14a: {  	s21 =	rddreg [dreg:$0x1e];
	[sflag:s15] =	ssyncadd.s32 $0xFFFFC400  }
0x14b: {  	[tilespmem:s16], [sflag:$0x2] =	stream.indirect.gather.add.f32 [spmem:s2], $0x80, s21, s13, $0xb8;
	[tilespmem:$0xA590] =	vst v63  }
0x14c: {  	_ =	swait.ge [sflag:s18], $0x3C00  }
0x14d: {  	[sflag:s18] =	ssyncset.done $0x0  }
0x14e: {  	s20 =	rddreg [dreg:$0x1f];
	[sflag:s18] =	ssyncadd.s32 $0xFFFFC400  }
0x14f: {  	[tilespmem:s14], [sflag:$0x1] =	stream.indirect.gather [spmem:s1], $0x80, s20, s13, $0xb8;
	[tilespmem:$0xA590] =	vst v63  }
0x150: {  	_ =	swait.ge [sflag:s17], $0x3C00  }
0x151: {  	[sflag:s17] =	ssyncset.done $0x0  }
0x152: {  	s21 =	rddreg [dreg:$0xe];
	[sflag:s17] =	ssyncadd.s32 $0xFFFFC400  }
0x153: {  	[hbm4b:s21+s3] =	stream.linear.scatter [tilespmem:s16], [sflag:$0x3], $0x3C00, $0x38;
	[tilespmem:$0xA590] =	vst v63  }
0x154: {  	_ =	swait.ge [sflag:s15], $0x3C00  }
0x155: {  	s20 =	sld [smem:$0x7F4]  }
0x156: {  	[sflag:s15] =	ssyncset.done $0x0  }
0x157: {  	[sflag:s15] =	ssyncadd.s32 $0xFFFFC400  }
0x158: {  	[tilespmem:s14], [sflag:$0x2] =	stream.indirect.gather.add.f32 [spmem:s2], $0x80, s20, s13, $0xb8;
	[tilespmem:$0xA590] =	vst v63  }
0x159: {  	_ =	swait.ge [sflag:s18], $0x3C00  }
0x15a: {  	s21 =	sld [smem:$0x7F5]  }
0x15b: {  	[sflag:s18] =	ssyncset.done $0x0  }
0x15c: {  	[sflag:s18] =	ssyncadd.s32 $0xFFFFC400  }
0x15d: {  	[tilespmem:s16], [sflag:$0x1] =	stream.indirect.gather [spmem:s1], $0x80, s21, s13, $0xb8;
	[tilespmem:$0xA590] =	vst v63  }
0x15e: {  	_ =	swait.ge [sflag:s17], $0x3C00  }
0x15f: {  	[sflag:s17] =	ssyncset.done $0x0  }
0x160: {  	s20 =	rddreg [dreg:$0xf];
	[sflag:s17] =	ssyncadd.s32 $0xFFFFC400  }
0x161: {  	[hbm4b:s20+s3] =	stream.linear.scatter [tilespmem:s14], [sflag:$0x3], $0x3C00, $0x38;
	[tilespmem:$0xA590] =	vst v63  }
0x162: {  	_ =	swait.ge [sflag:s15], $0x3C00  }
0x163: {  	s21 =	sld [smem:$0x7F6]  }
0x164: {  	[sflag:s15] =	ssyncset.done $0x0  }
0x165: {  	[sflag:s15] =	ssyncadd.s32 $0xFFFFC400  }
0x166: {  	[tilespmem:s16], [sflag:$0x2] =	stream.indirect.gather.add.f32 [spmem:s2], $0x80, s21, s13, $0xb8;
	[tilespmem:$0xA590] =	vst v63  }
0x167: {  	_ =	swait.ge [sflag:s18], $0x3C00  }
0x168: {  	s20 =	sld [smem:$0x7F7]  }
0x169: {  	[sflag:s18] =	ssyncset.done $0x0  }
0x16a: {  	[sflag:s18] =	ssyncadd.s32 $0xFFFFC400  }
0x16b: {  	[tilespmem:s14], [sflag:$0x1] =	stream.indirect.gather [spmem:s1], $0x80, s20, s13, $0xb8;
	[tilespmem:$0xA590] =	vst v63  }
0x16c: {  	_ =	swait.ge [sflag:s17], $0x3C00  }
0x16d: {  	[sflag:s17] =	ssyncset.done $0x0  }
0x16e: {  	s21 =	rddreg [dreg:$0x10];
	[sflag:s17] =	ssyncadd.s32 $0xFFFFC400  }
0x16f: {  	[hbm4b:s21+s3] =	stream.linear.scatter [tilespmem:s16], [sflag:$0x3], $0x3C00, $0x38;
	[tilespmem:$0xA590] =	vst v63  }
0x170: {  	_ =	swait.ge [sflag:s15], $0x3C00  }
0x171: {  	s20 =	sld [smem:$0x7F8]  }
0x172: {  	[sflag:s15] =	ssyncset.done $0x0  }
0x173: {  	[sflag:s15] =	ssyncadd.s32 $0xFFFFC400  }
0x174: {  	[tilespmem:s14], [sflag:$0x2] =	stream.indirect.gather.add.f32 [spmem:s2], $0x80, s20, s13, $0xb8;
	[tilespmem:$0xA590] =	vst v63  }
0x175: {  	_ =	swait.ge [sflag:s18], $0x3C00  }
0x176: {  	s21 =	sld [smem:$0x7F9]  }
0x177: {  	[sflag:s18] =	ssyncset.done $0x0  }
0x178: {  	[sflag:s18] =	ssyncadd.s32 $0xFFFFC400  }
0x179: {  	[tilespmem:s16], [sflag:$0x1] =	stream.indirect.gather [spmem:s1], $0x80, s21, s13, $0xb8;
	[tilespmem:$0xA590] =	vst v63  }
0x17a: {  	_ =	swait.ge [sflag:s17], $0x3C00  }
0x17b: {  	[sflag:s17] =	ssyncset.done $0x0  }
0x17c: {  	s20 =	rddreg [dreg:$0x11];
	[sflag:s17] =	ssyncadd.s32 $0xFFFFC400  }
0x17d: {  	[hbm4b:s20+s3] =	stream.linear.scatter [tilespmem:s14], [sflag:$0x3], $0x3C00, $0x38;
	[tilespmem:$0xA590] =	vst v63  }
0x17e: {  	_ =	swait.ge [sflag:s15], $0x3C00  }
0x17f: {  	s21 =	sld [smem:$0x7FA]  }
0x180: {  	[sflag:s15] =	ssyncset.done $0x0  }
0x181: {  	[sflag:s15] =	ssyncadd.s32 $0xFFFFC400  }
0x182: {  	[tilespmem:s16], [sflag:$0x2] =	stream.indirect.gather.add.f32 [spmem:s2], $0x80, s21, s13, $0xb8;
	[tilespmem:$0xA590] =	vst v63  }
0x183: {  	_ =	swait.ge [sflag:s18], $0x3C00  }
0x184: {  	s20 =	sld [smem:$0x7FB]  }
0x185: {  	[sflag:s18] =	ssyncset.done $0x0  }
0x186: {  	[sflag:s18] =	ssyncadd.s32 $0xFFFFC400  }
0x187: {  	[tilespmem:s14], [sflag:$0x1] =	stream.indirect.gather [spmem:s1], $0x80, s20, s13, $0xb8;
	[tilespmem:$0xA590] =	vst v63  }
0x188: {  	_ =	swait.ge [sflag:s17], $0x3C00  }
0x189: {  	[sflag:s17] =	ssyncset.done $0x0  }
0x18a: {  	s21 =	rddreg [dreg:$0x12];
	[sflag:s17] =	ssyncadd.s32 $0xFFFFC400  }
0x18b: {  	[hbm4b:s21+s3] =	stream.linear.scatter [tilespmem:s16], [sflag:$0x3], $0x3C00, $0x38;
	[tilespmem:$0xA590] =	vst v63  }
0x18c: {  	_ =	swait.ge [sflag:s15], $0x3C00  }
0x18d: {  	s20 =	sld [smem:$0x7FC]  }
0x18e: {  	[sflag:s15] =	ssyncset.done $0x0  }
0x18f: {  	[sflag:s15] =	ssyncadd.s32 $0xFFFFC400  }
0x190: {  	[tilespmem:s14], [sflag:$0x2] =	stream.indirect.gather.add.f32 [spmem:s2], $0x80, s20, s13, $0xb8;
	[tilespmem:$0xA590] =	vst v63  }
0x191: {  	_ =	swait.ge [sflag:s18], $0x3C00  }
0x192: {  	s21 =	sld [smem:$0x7FD]  }
0x193: {  	[sflag:s18] =	ssyncset.done $0x0  }
0x194: {  	[sflag:s18] =	ssyncadd.s32 $0xFFFFC400  }
0x195: {  	[tilespmem:s16], [sflag:$0x1] =	stream.indirect.gather [spmem:s1], $0x80, s21, s13, $0xb8;
	[tilespmem:$0xA590] =	vst v63  }
0x196: {  	_ =	swait.ge [sflag:s17], $0x3C00  }
0x197: {  	[sflag:s17] =	ssyncset.done $0x0  }
0x198: {  	s20 =	rddreg [dreg:$0x13];
	[sflag:s17] =	ssyncadd.s32 $0xFFFFC400  }
0x199: {  	[hbm4b:s20+s3] =	stream.linear.scatter [tilespmem:s14], [sflag:$0x3], $0x3C00, $0x38;
	[tilespmem:$0xA590] =	vst v63  }
0x19a: {  	_ =	swait.ge [sflag:s15], $0x3C00  }
0x19b: {  	[sflag:s15] =	ssyncset.done $0x0  }
0x19c: {  	s21 =	simm.s32 $0x2AC8;
	[sflag:s15] =	ssyncadd.s32 $0xFFFFC400  }
0x19d: {  	[tilespmem:s16], [sflag:$0x2] =	stream.indirect.gather.add.f32 [spmem:s2], $0x80, s21, s13, $0xb8;
	[tilespmem:$0xA590] =	vst v63  }
0x19e: {  	_ =	swait.ge [sflag:s18], $0x3C00  }
0x19f: {  	[sflag:s18] =	ssyncset.done $0x0  }
0x1a0: {  	s20 =	simm.s32 $0x24C0;
	[sflag:s18] =	ssyncadd.s32 $0xFFFFC400  }
0x1a1: {  	[tilespmem:s14], [sflag:$0x1] =	stream.indirect.gather [spmem:s1], $0x80, s20, s13, $0xb8;
	[tilespmem:$0xA590] =	vst v63  }
0x1a2: {  	_ =	swait.ge [sflag:s17], $0x3C00  }
0x1a3: {  	[sflag:s17] =	ssyncset.done $0x0  }
0x1a4: {  	s21 =	rddreg [dreg:$0x14];
	[sflag:s17] =	ssyncadd.s32 $0xFFFFC400  }
0x1a5: {  	[hbm4b:s21+s3] =	stream.linear.scatter [tilespmem:s16], [sflag:$0x3], $0x3C00, $0x38;
	[tilespmem:$0xA590] =	vst v63  }
0x1a6: {  	_ =	swait.ge [sflag:s15], $0x3C00  }
0x1a7: {  	[sflag:s15] =	ssyncset.done $0x0  }
0x1a8: {  	s20 =	simm.s32 $0x2B40;
	[sflag:s15] =	ssyncadd.s32 $0xFFFFC400  }
0x1a9: {  	[tilespmem:s14], [sflag:$0x2] =	stream.indirect.gather.add.f32 [spmem:s2], $0x80, s20, s13, $0xb8;
	[tilespmem:$0xA590] =	vst v63  }
0x1aa: {  	_ =	swait.ge [sflag:s18], $0x3C00  }
0x1ab: {  	[sflag:s18] =	ssyncset.done $0x0  }
0x1ac: {  	[sflag:s18] =	ssyncadd.s32 $0xFFFFC400  }
0x1ad: {  	[tilespmem:s16], [sflag:$0x1] =	stream.indirect.gather [spmem:s1], $0x80, s22, s13, $0xb8;
	[tilespmem:$0xA590] =	vst v63  }
0x1ae: {  	_ =	swait.ge [sflag:s17], $0x3C00  }
0x1af: {  	[sflag:s17] =	ssyncset.done $0x0  }
0x1b0: {  	s21 =	rddreg [dreg:$0x15];
	[sflag:s17] =	ssyncadd.s32 $0xFFFFC400  }
0x1b1: {  	[hbm4b:s21+s3] =	stream.linear.scatter [tilespmem:s14], [sflag:$0x3], $0x3C00, $0x38;
	[tilespmem:$0xA590] =	vst v63  }
0x1b2: {  	_ =	swait.ge [sflag:s15], $0x3C00  }
0x1b3: {  	[sflag:s15] =	ssyncset.done $0x0  }
0x1b4: {  	[sflag:s15] =	ssyncadd.s32 $0xFFFFC400  }
0x1b5: {  	[tilespmem:s16], [sflag:$0x2] =	stream.indirect.gather.add.f32 [spmem:s2], $0x80, s23, s13, $0xb8;
	[tilespmem:$0xA590] =	vst v63  }
0x1b6: {  	_ =	swait.ge [sflag:s18], $0x3C00  }
0x1b7: {  	[sflag:s18] =	ssyncset.done $0x0  }
0x1b8: {  	[sflag:s18] =	ssyncadd.s32 $0xFFFFC400  }
0x1b9: {  	[tilespmem:s14], [sflag:$0x1] =	stream.indirect.gather [spmem:s1], $0x80, s24, s13, $0xb8;
	[tilespmem:$0xA590] =	vst v63  }
0x1ba: {  	_ =	swait.ge [sflag:s17], $0x3C00  }
0x1bb: {  	[sflag:s17] =	ssyncset.done $0x0  }
0x1bc: {  	s20 =	rddreg [dreg:$0x16];
	[sflag:s17] =	ssyncadd.s32 $0xFFFFC400  }
0x1bd: {  	[hbm4b:s20+s3] =	stream.linear.scatter [tilespmem:s16], [sflag:$0x3], $0x3C00, $0x38;
	[tilespmem:$0xA590] =	vst v63  }
0x1be: {  	_ =	swait.ge [sflag:s15], $0x3C00  }
0x1bf: {  	[sflag:s15] =	ssyncset.done $0x0  }
0x1c0: {  	[sflag:s15] =	ssyncadd.s32 $0xFFFFC400  }
0x1c1: {  	[tilespmem:s14], [sflag:$0x2] =	stream.indirect.gather.add.f32 [spmem:s2], $0x80, s25, s13, $0xb8;
	[tilespmem:$0xA590] =	vst v63  }
0x1c2: {  	_ =	swait.ge [sflag:s17], $0x3C00  }
0x1c3: {  	[sflag:s17] =	ssyncset.done $0x0  }
0x1c4: {  	s21 =	rddreg [dreg:$0x17];
	[sflag:s17] =	ssyncadd.s32 $0xFFFFC400  }
0x1c5: {  	[hbm4b:s21+s3] =	stream.linear.scatter [tilespmem:s14], [sflag:$0x3], $0x3C00, $0x38;
	[tilespmem:$0xA590] =	vst v63  }
0x1c6: {  	_ =	swait.ge [sflag:s18], $0x3C00  }
0x1c7: {  	[sflag:s18] =	ssyncset.done $0x0  }
0x1c8: {  	[sflag:s18] =	ssyncadd.s32 $0xFFFFC400  }
0x1c9: {  	_ =	swait.ge [sflag:s18], $0x3C00  }
0x1ca: {  	s31 =	sadd.s32 $0xFFFFFFFF, s31;
	[sflag:s18] =	ssyncset.done $0x0  }
0x1cb: {  	p2 =	sne.s32 s31, $0x0;
	[sflag:s18] =	ssyncadd.s32 $0xFFFFC400  }
0x1cc: {  	[tilespmem:s26], [sflag:$0x6] =	stream.indirect.gather @!p1 [spmem:s1], $0x80, s30, s29, $0xb8;
	[tilespmem:$0xA590] =	vst v63  }
.Ltmp1:
0x1cd: {  	_ = 	snop;
	(pc) =	sbr.rel @p2 .LBB2_1-.Ltmp1, $4  }
0x1ce: {  	_ =	swait.ge @!p1 [sflag:s28], $0x2800  }
0x1cf: {  	[sflag:s28] =	ssyncset.done @!p1 $0x0  }
0x1d0: {  	[sflag:s28] =	ssyncadd.s32 @!p1 $0xFFFFD800  }
0x1d1: {  	[tilespmem:s26], [sflag:$0x6] =	stream.indirect.gather.add.f32 @!p1 [spmem:s2], $0x80, s0, s29, $0xb8;
	[tilespmem:$0xA590] =	vst v63  }
.LBB2_2:
0x1d2: {  	_ =	swait.ge @!p1 [sflag:s28], $0x2800  }
0x1d3: {  	[sflag:s28] =	ssyncset.done @!p1 $0x0  }
0x1d4: {  	s1 =	simm.s32 @!p1 $0x0;
	s0 =	rddreg [dreg:$0x18];
	[sflag:s28] =	ssyncadd.s32 @!p1 $0xFFFFD800  }
0x1d5: {  	[hbm4b:s0+s1] =	stream.linear.scatter @!p1 [tilespmem:s26], [sflag:$0x6], $0x2800, $0x38;
	[tilespmem:$0xA590] =	vst v63  }
0x1d6: {  	_ =	swait.ge @!p1 [sflag:s28], $0x2800  }
0x1d7: {  	[sflag:s28] =	ssyncset.done @!p1 $0x0  }
0x1d8: {  	[sflag:s28] =	ssyncadd.s32 @!p1 $0xFFFFD800  }
0x1d9: {  	_ =	sfence.sel $0x180000  }
0x1da: {  	[bflag:$0x0] =	sbarrier.arrive $0xFFFF  }
0x1db: {  	_ =	strace $0x9000004A  }
0x1dc: {  	[bflag:$0x2] =	sbarrier.arrive $0xFFFF  }
0x1dd: {  	s0 =	rddreg [dreg:$0x6]  }
0x1de: {  	s0 =	sadd.s32 @!p0 $0x100000, s0  }
0x1df: {  	[sflag:s0] =	ssyncadd.tile.s32 @!p0 $0x1;
	_ =	shalt  }
.Lfunc_end2:
_tile_overlayer_lowered:
.L_overlay_start_2:
0x1e0: {  	(tag) =	ssettag $0x2  }
0x1e1: {  	s0 =	rddreg [dreg:$0x0];
	s2 =	stileid.u32  }
0x1e2: {  	s1 =	rddreg [dreg:$0x1];
	p0 =	sne.s32 s2, $0x0  }
0x1e3: {  	s3 =	rddreg [dreg:$0x2];
	[bflag:$0x3] =	sbarrier.arrive $0xFFFF;
	s2 =	simm.s32 @!p0 $0x1C06  }
0x1e4: {  	[timem:s3], [sflag:s2] =	dma.local @!p0 [hbm:s0], s1  }
0x1e5: {  	s0 =	simm.s32 @!p0 $0x6  }
0x1e6: {  	_ =	swait.ge @!p0 [sflag:s0], s1  }
0x1e7: {  	s1 =	ssub.s32 @!p0 $0x0, s1;
	[sflag:s0] =	ssyncset.done @!p0 $0x0  }
0x1e8: {  	[sflag:s0] =	ssyncadd.s32 @!p0 s1  }
0x1e9: {  	[bflag:$0x3] =	sbarrier.arrive $0xFFFF  }
0x1ea: {  	_ =	shalt  }

</sc_bundles>
